<compile_context>
chip_gen: v7x
topology: tpu7x:2x2x1
jax: 0.10.2.dev20260603
libtpu: 0.0.44.dev20260713+nightly
codegen_flags: <defaults>
</compile_context>

<pallas_src>
import functools
import jax
import jax.numpy as jnp
from jax import lax
from jax.experimental import pallas as pl
from jax.experimental.pallas import tpu as pltpu
from jax.experimental.pallas import tpu_sc as plsc

_CAT = (0, 5, 10, 15)
_K = 101
_B, _T, _F = 1024, 20, 32
_R = (_B * _T) // 128
_BS = 256
_G = _B // _BS

_N = _B * _T
_SC_CHUNK = 2 * _N // 16
_ROWS_PER_TILE = _B // 16


def _sc_bcast_kern(xq_hbm, o2_hbm, o3_hbm,
                   xin, table, rb16, tbl2, pbuf, shared, sem):
    zero16 = jnp.zeros((16,), jnp.float32)
    one16 = jnp.ones((16,), jnp.float32)
    iota16 = lax.iota(jnp.int32, 16)
    c = lax.axis_index("c")
    s = lax.axis_index("s")

    for j in range(8):
        table[pl.ds(16 * j, 16)] = zero16

    pltpu.sync_copy(xq_hbm.at[pl.ds(s * _SC_CHUNK, _SC_CHUNK)], xin)

    def scat(j, carry):
        v = xin[pl.ds(16 * j, 16)]
        i = v.astype(jnp.int32) + 1
        i = jnp.where(i < 0, i + _K, i)
        i = jnp.clip(i, 0, 127)
        plsc.store_scatter(table, [i], one16)
        return carry

    lax.fori_loop(0, _SC_CHUNK // 16, scat, 0)

    pltpu.sync_copy(table, shared.at[s])
    plsc.subcore_barrier()
    pltpu.sync_copy(shared, rb16)

    base = jnp.where(c == 0, 0, 8)

    def red(j, carry):
        sl = pl.ds(16 * j, 16)
        acc = rb16[base, sl]
        for r in range(1, 8):
            acc = acc + rb16[base + r, sl]
        tbl2[sl] = acc
        return carry

    lax.fori_loop(0, 8, red, 0)

    idxs = []
    for m in range(7):
        idx = jnp.minimum(16 * m + iota16, 127)
        v = jnp.minimum(plsc.load_gather(tbl2, [idx]), 1.0)
        valid = (16 * m + iota16) < _K
        idxs.append((idx, v, valid))

    def fill(t, carry):
        tv = jnp.full((16,), t, jnp.int32)
        for idx, v, valid in idxs:
            plsc.store_scatter(pbuf, [tv, idx], v, mask=valid)
        return carry

    lax.fori_loop(0, _T, fill, 0)

    for half in range(2):
        o = o2_hbm if half == 0 else o3_hbm

        @pl.when(c == half)
        def _(o=o):
            copies = [
                pltpu.make_async_copy(
                    pbuf, o.at[_ROWS_PER_TILE * s + r], sem)
                for r in range(_ROWS_PER_TILE)
            ]
            for cp in copies:
                cp.start()
            for cp in copies:
                cp.wait()


def _sc_bcast(xq):
    mesh = plsc.VectorSubcoreMesh(core_axis_name="c", subcore_axis_name="s")
    kern = functools.partial(
        pl.kernel,
        out_type=[jax.ShapeDtypeStruct((_B, _T, _K), jnp.float32)] * 2,
        mesh=mesh,
        compiler_params=pltpu.CompilerParams(needs_layout_passes=False),
        scratch_types=[
            pltpu.VMEM((_SC_CHUNK,), jnp.float32),
            pltpu.VMEM((128,), jnp.float32),
            pltpu.VMEM((16, 128), jnp.float32),
            pltpu.VMEM((128,), jnp.float32),
            pltpu.VMEM((_T, _K), jnp.float32),
            pltpu.VMEM_SHARED((16, 128), jnp.float32),
            pltpu.SemaphoreType.DMA,
        ],
    )(_sc_bcast_kern)
    return kern(xq)


def _tc_kern(xs_ref, o0, o1, mask_ref):
    step = pl.program_id(0)

    @pl.when(step == 0)
    def _masks():
        li = jax.lax.broadcasted_iota(jnp.int32, (1, 128), 1)
        for f in range(2):
            v = xs_ref[f * _R:(f + 1) * _R, :]
            i = v.astype(jnp.int32) + 1
            i = jnp.where(i < 0, i + _K, i)
            i = jnp.clip(i, 0, 127)
            sh = jnp.left_shift(jnp.int32(1), i & 31)
            w = i >> 5
            wvecs = []
            for word in range(4):
                a = jnp.where(w == word, sh, 0)
                n = _R
                while n > 8:
                    h = (n + 1) // 2
                    a = a[0:n - h] | a[h:n]
                    n = h
                acc = a[0:1]
                for r in range(1, n):
                    acc = acc | a[r:r + 1]
                for lsh in (1, 2, 4, 8, 16, 32, 64):
                    acc = acc | pltpu.roll(acc, lsh, 1)
                wvecs.append(acc)
            wv = jnp.where(li < 32, wvecs[0],
                           jnp.where(li < 64, wvecs[1],
                                     jnp.where(li < 96, wvecs[2], wvecs[3])))
            bit = (jnp.right_shift(wv, li & 31)) & 1
            mask_ref[f:f + 1, :] = bit.astype(jnp.float32)

    for f, o in enumerate((o0, o1)):
        m = mask_ref[f:f + 1, 0:_K]
        o[...] = jnp.broadcast_to(m.reshape(1, 1, _K), (_BS, _T, _K))


def kernel(x, W, b):
    xs = jnp.concatenate(
        [x[:, :, c].reshape(_R, 128) for c in _CAT[:2]], axis=0)
    xq = jnp.concatenate([x[:, :, c].reshape(-1) for c in _CAT[2:]])
    c01 = pl.pallas_call(
        _tc_kern,
        grid=(_G,),
        in_specs=[pl.BlockSpec((2 * _R, 128), lambda i: (0, 0))],
        out_specs=[pl.BlockSpec((_BS, _T, _K), lambda i: (i, 0, 0))] * 2,
        out_shape=[jax.ShapeDtypeStruct((_B, _T, _K), jnp.float32)] * 2,
        scratch_shapes=[pltpu.VMEM((8, 128), jnp.float32)],
    )(xs)
    c23 = _sc_bcast(xq)
    return (x, x, c01[0], c01[1], c23[0], c23[1])

# --- scband reference (transcript-rebuilt; emitter-appended) ---
"""Pipeline reference for scband-baseline-model-13374528159964 (READ-ONLY COPY).

The authoritative reference and input builder live on the scoring server;
editing this copy changes nothing except your own understanding.
"""

import jax, jax.numpy as jnp
import numpy as np

# Global referenced by the original torch module's forward
categorical_features_indices = [0, 5, 10, 15]
# len(self.ids[i]) for each categorical field (from init_kwargs ids dict)
ids_lengths = [100, 100, 100, 100]

B, T, F = 1024, 20, 32
HIDDEN = 128


def setup_inputs(seed: int = 0) -> dict:
    key = jax.random.key(seed)
    kx, kW = jax.random.split(key)
    x = jax.random.normal(kx, (B, T, F), dtype=jnp.float32)
    # Parameters of self.linear (declared in __init__, unused in forward)
    W = jax.random.normal(kW, (HIDDEN, F), dtype=jnp.float32) * 0.05
    b = jnp.zeros((HIDDEN,), dtype=jnp.float32)
    return {"x": x, "W": W, "b": b}


def reference(x, W, b):
    # Faithful translation of:
    #   to_append = zeros(B, T, K); to_append[:, :, x[:, :, ind].long() + 1] = 1
    # Torch advanced-index assignment with a (B,T) index tensor on the last dim
    # sets column j to 1 (for EVERY (b,t) slice) whenever j appears anywhere in
    # the index tensor. Equivalent dense result computed via a scatter-set mask
    # over the last dim, broadcast over (B,T) -- avoids the O((B*T)^2) naive scatter.
    Bx, Tx, Fx = x.shape
    c = []
    for i, ind in enumerate(categorical_features_indices):
        K = ids_lengths[i] + 1
        idx = (x[:, :, ind].astype(jnp.int32) + 1).ravel()
        idx = jnp.where(idx < 0, idx + K, idx)  # torch negative-index wraparound
        col = jnp.zeros((K,), dtype=x.dtype).at[idx].set(1.0)
        to_append = jnp.broadcast_to(col, (Bx, Tx, K))
        c.append(to_append)
    return (x, x, c[0], c[1], c[2], c[3])

if __name__ == "__main__":
    import jax
    _d = setup_inputs()
    print(jax.jit(kernel)(*tuple(_d.values())))

</pallas_src>

<mosaic_0001>
#map = affine_map<(d0, d1) -> (0)>
#map1 = affine_map<(d0, d1) -> (0, 0, 0)>
module attributes {stable_mosaic.version = 14 : i64} {
  func.func @_sc_bcast_kern(%arg0: i32, %arg1: i32, %arg2: memref<40960xf32, #tpu.memory_space<hbm>>, %arg3: memref<1024x20x101xf32, #tpu.memory_space<hbm>>, %arg4: memref<1024x20x101xf32, #tpu.memory_space<hbm>>, %arg5: memref<2560xf32, #tpu.memory_space<vmem>>, %arg6: memref<128xf32, #tpu.memory_space<vmem>>, %arg7: memref<16x128xf32, #tpu.memory_space<vmem>>, %arg8: memref<128xf32, #tpu.memory_space<vmem>>, %arg9: memref<20x101xf32, #tpu.memory_space<vmem>>, %arg10: memref<16x128xf32, #tpu.memory_space<vmem_shared>>, %arg11: memref<!tpu.dma_semaphore, #tpu.memory_space<semaphore_mem>>) attributes {dimension_semantics = [#tpu.dimension_semantics<core_parallel>, #tpu.dimension_semantics<subcore_parallel>], iteration_bounds = array<i64: 2, 16>, scalar_prefetch = 0 : i64, scratch_operands = 7 : i64, tpu.core_type = #tpu.core_type<sc_vector_subcore>, window_params = [{transform_indices = #map}, {transform_indices = #map1}, {transform_indices = #map1}]} {
    %broadcast_in_dim3A = arith.constant 0.000000e+00 : f32
    %broadcast_in_dim3A_0 = vector.broadcast %broadcast_in_dim3A : f32 to vector<16xf32>
    %broadcast_in_dim3A_1 = arith.constant 1.000000e+00 : f32
    %broadcast_in_dim3A_2 = vector.broadcast %broadcast_in_dim3A_1 : f32 to vector<16xf32>
    %iota3A = tpu.iota {dimensions = array<i32: 0>} : vector<16xi32>
    %swap3A = arith.constant 0 : index
    %swap3A_3 = tpu.vector_load %arg6[%swap3A] {strides = array<i32>} : memref<128xf32, #tpu.memory_space<vmem>>, vector<16xf32>,
    tpu.vector_store %arg6[%swap3A], %broadcast_in_dim3A_0 {strides = array<i32>} : memref<128xf32, #tpu.memory_space<vmem>>, vector<16xf32>,
    %swap3A_4 = arith.constant 16 : index
    %swap3A_5 = tpu.vector_load %arg6[%swap3A_4] {strides = array<i32>} : memref<128xf32, #tpu.memory_space<vmem>>, vector<16xf32>,
    tpu.vector_store %arg6[%swap3A_4], %broadcast_in_dim3A_0 {strides = array<i32>} : memref<128xf32, #tpu.memory_space<vmem>>, vector<16xf32>,
    %swap3A_6 = arith.constant 32 : index
    %swap3A_7 = tpu.vector_load %arg6[%swap3A_6] {strides = array<i32>} : memref<128xf32, #tpu.memory_space<vmem>>, vector<16xf32>,
    tpu.vector_store %arg6[%swap3A_6], %broadcast_in_dim3A_0 {strides = array<i32>} : memref<128xf32, #tpu.memory_space<vmem>>, vector<16xf32>,
    %swap3A_8 = arith.constant 48 : index
    %swap3A_9 = tpu.vector_load %arg6[%swap3A_8] {strides = array<i32>} : memref<128xf32, #tpu.memory_space<vmem>>, vector<16xf32>,
    tpu.vector_store %arg6[%swap3A_8], %broadcast_in_dim3A_0 {strides = array<i32>} : memref<128xf32, #tpu.memory_space<vmem>>, vector<16xf32>,
    %swap3A_10 = arith.constant 64 : index
    %swap3A_11 = tpu.vector_load %arg6[%swap3A_10] {strides = array<i32>} : memref<128xf32, #tpu.memory_space<vmem>>, vector<16xf32>,
    tpu.vector_store %arg6[%swap3A_10], %broadcast_in_dim3A_0 {strides = array<i32>} : memref<128xf32, #tpu.memory_space<vmem>>, vector<16xf32>,
    %swap3A_12 = arith.constant 80 : index
    %swap3A_13 = tpu.vector_load %arg6[%swap3A_12] {strides = array<i32>} : memref<128xf32, #tpu.memory_space<vmem>>, vector<16xf32>,
    tpu.vector_store %arg6[%swap3A_12], %broadcast_in_dim3A_0 {strides = array<i32>} : memref<128xf32, #tpu.memory_space<vmem>>, vector<16xf32>,
    %swap3A_14 = arith.constant 96 : index
    %swap3A_15 = tpu.vector_load %arg6[%swap3A_14] {strides = array<i32>} : memref<128xf32, #tpu.memory_space<vmem>>, vector<16xf32>,
    tpu.vector_store %arg6[%swap3A_14], %broadcast_in_dim3A_0 {strides = array<i32>} : memref<128xf32, #tpu.memory_space<vmem>>, vector<16xf32>,
    %swap3A_16 = arith.constant 112 : index
    %swap3A_17 = tpu.vector_load %arg6[%swap3A_16] {strides = array<i32>} : memref<128xf32, #tpu.memory_space<vmem>>, vector<16xf32>,
    tpu.vector_store %arg6[%swap3A_16], %broadcast_in_dim3A_0 {strides = array<i32>} : memref<128xf32, #tpu.memory_space<vmem>>, vector<16xf32>,
    %mul3A = arith.constant 2560 : i32
    %mul3A_18 = arith.muli %arg1, %mul3A : i32
    "tpu.region"() ({
      %run_scoped3A = tpu.sem_alloc : memref<!tpu.dma_semaphore, #tpu.memory_space<semaphore_mem>>
      %dma_start3A = tpu.memref_slice %arg2[%mul3A_18] : memref<40960xf32, #tpu.memory_space<hbm>> -> memref<2560xf32, #tpu.memory_space<hbm>>
      %dma_start3A_154 = tpu.memref_slice %arg2[%mul3A_18] : memref<40960xf32, #tpu.memory_space<hbm>> -> memref<2560xf32, #tpu.memory_space<hbm>>
      tpu.enqueue_dma source(%dma_start3A_154 : memref<2560xf32, #tpu.memory_space<hbm>>) target(%arg5 : memref<2560xf32, #tpu.memory_space<vmem>>) target_semaphore(%run_scoped3A : memref<!tpu.dma_semaphore, #tpu.memory_space<semaphore_mem>>)
      %dma_wait3A = tpu.memref_slice %arg2[%mul3A_18] : memref<40960xf32, #tpu.memory_space<hbm>> -> memref<2560xf32, #tpu.memory_space<hbm>>
      %dma_wait3A_155 = tpu.memref_slice %arg2[%mul3A_18] : memref<40960xf32, #tpu.memory_space<hbm>> -> memref<2560xf32, #tpu.memory_space<hbm>>
      tpu.wait_dma2 semaphore(%run_scoped3A : memref<!tpu.dma_semaphore, #tpu.memory_space<semaphore_mem>>) src(%dma_wait3A_155 : memref<2560xf32, #tpu.memory_space<hbm>>) dst(%arg5 : memref<2560xf32, #tpu.memory_space<vmem>>)
      tpu.yield
    }) : () -> ()
    %scan3A = arith.constant 0 : i32
    %scan3A_19 = arith.constant 0 : i32
    %scan3A_20 = arith.constant 160 : i32
    %scan3A_21 = arith.addi %scan3A_19, %scan3A_20 : i32
    %scan3A_22 = arith.constant 1 : i32
    scf.for %scan3A_154 = %scan3A_19 to %scan3A_21 step %scan3A_22  : i32 {
      %mul3A_155 = arith.constant 16 : i32
      %mul3A_156 = arith.muli %mul3A_155, %scan3A_154 : i32
      %get3A = arith.index_cast %mul3A_156 : i32 to index
      %get3A_157 = tpu.vector_load %arg5[%get3A] {strides = array<i32>} : memref<2560xf32, #tpu.memory_space<vmem>>, vector<16xf32>,
      %convert_element_type3A_158 = arith.fptosi %get3A_157 : vector<16xf32> to vector<16xi32>
      %add3A_159 = arith.constant 1 : i32
      %add3A_160 = vector.broadcast %add3A_159 : i32 to vector<16xi32>
      %add3A_161 = arith.addi %convert_element_type3A_158, %add3A_160 : vector<16xi32>
      %lt3A_162 = arith.constant 0 : i32
      %lt3A_163 = vector.broadcast %lt3A_162 : i32 to vector<16xi32>
      %lt3A_164 = arith.cmpi slt, %add3A_161, %lt3A_163 : vector<16xi32>
      %add3A_165 = arith.constant 101 : i32
      %add3A_166 = vector.broadcast %add3A_165 : i32 to vector<16xi32>
      %add3A_167 = arith.addi %add3A_161, %add3A_166 : vector<16xi32>
      %select_n3A_168 = arith.select %lt3A_164, %add3A_167, %add3A_161 : vector<16xi1>, vector<16xi32>
      %jit3A_169 = arith.constant 0 : i32
      %jit3A_170 = arith.constant 127 : i32
      %max3A = vector.broadcast %jit3A_169 : i32 to vector<16xi32>
      %max3A_171 = arith.maxsi %max3A, %select_n3A_168 : vector<16xi32>
      %min3A_172 = vector.broadcast %jit3A_170 : i32 to vector<16xi32>
      %min3A_173 = arith.minsi %min3A_172, %max3A_171 : vector<16xi32>
      tpu.vector_store_idx %arg6[%min3A_173], %broadcast_in_dim3A_2 : memref<128xf32, #tpu.memory_space<vmem>>[vector<16xi32>], vector<16xf32>,
    }
    %scan3A_23 = arith.constant 160 : i32
    "tpu.region"() ({
      %run_scoped3A = tpu.sem_alloc : memref<!tpu.dma_semaphore, #tpu.memory_space<semaphore_mem>>
      %dma_start3A = arith.constant 0 : i32
      %dma_start3A_154 = tpu.memref_slice %arg10[%arg1, %dma_start3A] : memref<16x128xf32, #tpu.memory_space<vmem_shared>> -> memref<1x128xf32, #tpu.memory_space<vmem_shared>>
      %dma_start3A_155 = tpu.memref_squeeze %dma_start3A_154 : memref<1x128xf32, #tpu.memory_space<vmem_shared>> -> memref<128xf32, #tpu.memory_space<vmem_shared>>
      %dma_start3A_156 = arith.constant 0 : i32
      %dma_start3A_157 = tpu.memref_slice %arg10[%arg1, %dma_start3A_156] : memref<16x128xf32, #tpu.memory_space<vmem_shared>> -> memref<1x128xf32, #tpu.memory_space<vmem_shared>>
      %dma_start3A_158 = tpu.memref_squeeze %dma_start3A_157 : memref<1x128xf32, #tpu.memory_space<vmem_shared>> -> memref<128xf32, #tpu.memory_space<vmem_shared>>
      tpu.enqueue_dma source(%arg6 : memref<128xf32, #tpu.memory_space<vmem>>) target(%dma_start3A_158 : memref<128xf32, #tpu.memory_space<vmem_shared>>) target_semaphore(%run_scoped3A : memref<!tpu.dma_semaphore, #tpu.memory_space<semaphore_mem>>)
      %dma_wait3A = arith.constant 0 : i32
      %dma_wait3A_159 = tpu.memref_slice %arg10[%arg1, %dma_wait3A] : memref<16x128xf32, #tpu.memory_space<vmem_shared>> -> memref<1x128xf32, #tpu.memory_space<vmem_shared>>
      %dma_wait3A_160 = tpu.memref_squeeze %dma_wait3A_159 : memref<1x128xf32, #tpu.memory_space<vmem_shared>> -> memref<128xf32, #tpu.memory_space<vmem_shared>>
      %dma_wait3A_161 = arith.constant 0 : i32
      %dma_wait3A_162 = tpu.memref_slice %arg10[%arg1, %dma_wait3A_161] : memref<16x128xf32, #tpu.memory_space<vmem_shared>> -> memref<1x128xf32, #tpu.memory_space<vmem_shared>>
      %dma_wait3A_163 = tpu.memref_squeeze %dma_wait3A_162 : memref<1x128xf32, #tpu.memory_space<vmem_shared>> -> memref<128xf32, #tpu.memory_space<vmem_shared>>
      tpu.wait_dma2 semaphore(%run_scoped3A : memref<!tpu.dma_semaphore, #tpu.memory_space<semaphore_mem>>) src(%arg6 : memref<128xf32, #tpu.memory_space<vmem>>) dst(%dma_wait3A_163 : memref<128xf32, #tpu.memory_space<vmem_shared>>)
      tpu.yield
    }) : () -> ()
    %barrier3A = arith.constant 0 : index
    tpu.barrier barrier_id(%barrier3A)
    "tpu.region"() ({
      %run_scoped3A = tpu.sem_alloc : memref<!tpu.dma_semaphore, #tpu.memory_space<semaphore_mem>>
      tpu.enqueue_dma source(%arg10 : memref<16x128xf32, #tpu.memory_space<vmem_shared>>) target(%arg7 : memref<16x128xf32, #tpu.memory_space<vmem>>) target_semaphore(%run_scoped3A : memref<!tpu.dma_semaphore, #tpu.memory_space<semaphore_mem>>)
      tpu.wait_dma2 semaphore(%run_scoped3A : memref<!tpu.dma_semaphore, #tpu.memory_space<semaphore_mem>>) src(%arg10 : memref<16x128xf32, #tpu.memory_space<vmem_shared>>) dst(%arg7 : memref<16x128xf32, #tpu.memory_space<vmem>>)
      tpu.yield
    }) : () -> ()
    %eq3A = arith.constant 0 : i32
    %eq3A_24 = arith.cmpi eq, %arg0, %eq3A : i32
    %jit3A = arith.constant 0 : i32
    %jit3A_25 = arith.constant 8 : i32
    %select_n3A = arith.select %eq3A_24, %jit3A, %jit3A_25 : i32
    %scan3A_26 = arith.constant 0 : i32
    %scan3A_27 = arith.constant 0 : i32
    %scan3A_28 = arith.constant 8 : i32
    %scan3A_29 = arith.addi %scan3A_27, %scan3A_28 : i32
    %scan3A_30 = arith.constant 1 : i32
    scf.for %scan3A_154 = %scan3A_27 to %scan3A_29 step %scan3A_30  : i32 {
      %mul3A_155 = arith.constant 16 : i32
      %mul3A_156 = arith.muli %mul3A_155, %scan3A_154 : i32
      %get3A = arith.index_cast %select_n3A : i32 to index
      %get3A_157 = arith.index_cast %mul3A_156 : i32 to index
      %get3A_158 = tpu.vector_load %arg7[%get3A, %get3A_157] {strides = array<i32>} : memref<16x128xf32, #tpu.memory_space<vmem>>, vector<16xf32>,
      %add3A_159 = arith.constant 1 : i32
      %add3A_160 = arith.addi %select_n3A, %add3A_159 : i32
      %get3A_161 = arith.index_cast %add3A_160 : i32 to index
      %get3A_162 = arith.index_cast %mul3A_156 : i32 to index
      %get3A_163 = tpu.vector_load %arg7[%get3A_161, %get3A_162] {strides = array<i32>} : memref<16x128xf32, #tpu.memory_space<vmem>>, vector<16xf32>,
      %add3A_164 = arith.addf %get3A_158, %get3A_163 : vector<16xf32>
      %add3A_165 = arith.constant 2 : i32
      %add3A_166 = arith.addi %select_n3A, %add3A_165 : i32
      %get3A_167 = arith.index_cast %add3A_166 : i32 to index
      %get3A_168 = arith.index_cast %mul3A_156 : i32 to index
      %get3A_169 = tpu.vector_load %arg7[%get3A_167, %get3A_168] {strides = array<i32>} : memref<16x128xf32, #tpu.memory_space<vmem>>, vector<16xf32>,
      %add3A_170 = arith.addf %add3A_164, %get3A_169 : vector<16xf32>
      %add3A_171 = arith.constant 3 : i32
      %add3A_172 = arith.addi %select_n3A, %add3A_171 : i32
      %get3A_173 = arith.index_cast %add3A_172 : i32 to index
      %get3A_174 = arith.index_cast %mul3A_156 : i32 to index
      %get3A_175 = tpu.vector_load %arg7[%get3A_173, %get3A_174] {strides = array<i32>} : memref<16x128xf32, #tpu.memory_space<vmem>>, vector<16xf32>,
      %add3A_176 = arith.addf %add3A_170, %get3A_175 : vector<16xf32>
      %add3A_177 = arith.constant 4 : i32
      %add3A_178 = arith.addi %select_n3A, %add3A_177 : i32
      %get3A_179 = arith.index_cast %add3A_178 : i32 to index
      %get3A_180 = arith.index_cast %mul3A_156 : i32 to index
      %get3A_181 = tpu.vector_load %arg7[%get3A_179, %get3A_180] {strides = array<i32>} : memref<16x128xf32, #tpu.memory_space<vmem>>, vector<16xf32>,
      %add3A_182 = arith.addf %add3A_176, %get3A_181 : vector<16xf32>
      %add3A_183 = arith.constant 5 : i32
      %add3A_184 = arith.addi %select_n3A, %add3A_183 : i32
      %get3A_185 = arith.index_cast %add3A_184 : i32 to index
      %get3A_186 = arith.index_cast %mul3A_156 : i32 to index
      %get3A_187 = tpu.vector_load %arg7[%get3A_185, %get3A_186] {strides = array<i32>} : memref<16x128xf32, #tpu.memory_space<vmem>>, vector<16xf32>,
      %add3A_188 = arith.addf %add3A_182, %get3A_187 : vector<16xf32>
      %add3A_189 = arith.constant 6 : i32
      %add3A_190 = arith.addi %select_n3A, %add3A_189 : i32
      %get3A_191 = arith.index_cast %add3A_190 : i32 to index
      %get3A_192 = arith.index_cast %mul3A_156 : i32 to index
      %get3A_193 = tpu.vector_load %arg7[%get3A_191, %get3A_192] {strides = array<i32>} : memref<16x128xf32, #tpu.memory_space<vmem>>, vector<16xf32>,
      %add3A_194 = arith.addf %add3A_188, %get3A_193 : vector<16xf32>
      %add3A_195 = arith.constant 7 : i32
      %add3A_196 = arith.addi %select_n3A, %add3A_195 : i32
      %get3A_197 = arith.index_cast %add3A_196 : i32 to index
      %get3A_198 = arith.index_cast %mul3A_156 : i32 to index
      %get3A_199 = tpu.vector_load %arg7[%get3A_197, %get3A_198] {strides = array<i32>} : memref<16x128xf32, #tpu.memory_space<vmem>>, vector<16xf32>,
      %add3A_200 = arith.addf %add3A_194, %get3A_199 : vector<16xf32>
      %swap3A_201 = arith.index_cast %mul3A_156 : i32 to index
      %swap3A_202 = tpu.vector_load %arg8[%swap3A_201] {strides = array<i32>} : memref<128xf32, #tpu.memory_space<vmem>>, vector<16xf32>,
      tpu.vector_store %arg8[%swap3A_201], %add3A_200 {strides = array<i32>} : memref<128xf32, #tpu.memory_space<vmem>>, vector<16xf32>,
    }
    %scan3A_31 = arith.constant 8 : i32
    %add3A = arith.constant 0 : i32
    %add3A_32 = vector.broadcast %add3A : i32 to vector<16xi32>
    %add3A_33 = arith.addi %add3A_32, %iota3A : vector<16xi32>
    %min3A = arith.constant 127 : i32
    %min3A_34 = vector.broadcast %min3A : i32 to vector<16xi32>
    %min3A_35 = arith.minsi %add3A_33, %min3A_34 : vector<16xi32>
    %gather3A = tpu.vector_load_idx %arg8[%min3A_35] : memref<128xf32, #tpu.memory_space<vmem>>[vector<16xi32>], vector<16xf32>,
    %min3A_36 = arith.constant 1.000000e+00 : f32
    %min3A_37 = vector.broadcast %min3A_36 : f32 to vector<16xf32>
    %min3A_38 = arith.minimumf %gather3A, %min3A_37 : vector<16xf32>
    %add3A_39 = arith.constant 0 : i32
    %add3A_40 = vector.broadcast %add3A_39 : i32 to vector<16xi32>
    %add3A_41 = arith.addi %add3A_40, %iota3A : vector<16xi32>
    %lt3A = arith.constant 101 : i32
    %lt3A_42 = vector.broadcast %lt3A : i32 to vector<16xi32>
    %lt3A_43 = arith.cmpi slt, %add3A_41, %lt3A_42 : vector<16xi32>
    %add3A_44 = arith.constant 16 : i32
    %add3A_45 = vector.broadcast %add3A_44 : i32 to vector<16xi32>
    %add3A_46 = arith.addi %add3A_45, %iota3A : vector<16xi32>
    %min3A_47 = arith.constant 127 : i32
    %min3A_48 = vector.broadcast %min3A_47 : i32 to vector<16xi32>
    %min3A_49 = arith.minsi %add3A_46, %min3A_48 : vector<16xi32>
    %gather3A_50 = tpu.vector_load_idx %arg8[%min3A_49] : memref<128xf32, #tpu.memory_space<vmem>>[vector<16xi32>], vector<16xf32>,
    %min3A_51 = arith.constant 1.000000e+00 : f32
    %min3A_52 = vector.broadcast %min3A_51 : f32 to vector<16xf32>
    %min3A_53 = arith.minimumf %gather3A_50, %min3A_52 : vector<16xf32>
    %add3A_54 = arith.constant 16 : i32
    %add3A_55 = vector.broadcast %add3A_54 : i32 to vector<16xi32>
    %add3A_56 = arith.addi %add3A_55, %iota3A : vector<16xi32>
    %lt3A_57 = arith.constant 101 : i32
    %lt3A_58 = vector.broadcast %lt3A_57 : i32 to vector<16xi32>
    %lt3A_59 = arith.cmpi slt, %add3A_56, %lt3A_58 : vector<16xi32>
    %add3A_60 = arith.constant 32 : i32
    %add3A_61 = vector.broadcast %add3A_60 : i32 to vector<16xi32>
    %add3A_62 = arith.addi %add3A_61, %iota3A : vector<16xi32>
    %min3A_63 = arith.constant 127 : i32
    %min3A_64 = vector.broadcast %min3A_63 : i32 to vector<16xi32>
    %min3A_65 = arith.minsi %add3A_62, %min3A_64 : vector<16xi32>
    %gather3A_66 = tpu.vector_load_idx %arg8[%min3A_65] : memref<128xf32, #tpu.memory_space<vmem>>[vector<16xi32>], vector<16xf32>,
    %min3A_67 = arith.constant 1.000000e+00 : f32
    %min3A_68 = vector.broadcast %min3A_67 : f32 to vector<16xf32>
    %min3A_69 = arith.minimumf %gather3A_66, %min3A_68 : vector<16xf32>
    %add3A_70 = arith.constant 32 : i32
    %add3A_71 = vector.broadcast %add3A_70 : i32 to vector<16xi32>
    %add3A_72 = arith.addi %add3A_71, %iota3A : vector<16xi32>
    %lt3A_73 = arith.constant 101 : i32
    %lt3A_74 = vector.broadcast %lt3A_73 : i32 to vector<16xi32>
    %lt3A_75 = arith.cmpi slt, %add3A_72, %lt3A_74 : vector<16xi32>
    %add3A_76 = arith.constant 48 : i32
    %add3A_77 = vector.broadcast %add3A_76 : i32 to vector<16xi32>
    %add3A_78 = arith.addi %add3A_77, %iota3A : vector<16xi32>
    %min3A_79 = arith.constant 127 : i32
    %min3A_80 = vector.broadcast %min3A_79 : i32 to vector<16xi32>
    %min3A_81 = arith.minsi %add3A_78, %min3A_80 : vector<16xi32>
    %gather3A_82 = tpu.vector_load_idx %arg8[%min3A_81] : memref<128xf32, #tpu.memory_space<vmem>>[vector<16xi32>], vector<16xf32>,
    %min3A_83 = arith.constant 1.000000e+00 : f32
    %min3A_84 = vector.broadcast %min3A_83 : f32 to vector<16xf32>
    %min3A_85 = arith.minimumf %gather3A_82, %min3A_84 : vector<16xf32>
    %add3A_86 = arith.constant 48 : i32
    %add3A_87 = vector.broadcast %add3A_86 : i32 to vector<16xi32>
    %add3A_88 = arith.addi %add3A_87, %iota3A : vector<16xi32>
    %lt3A_89 = arith.constant 101 : i32
    %lt3A_90 = vector.broadcast %lt3A_89 : i32 to vector<16xi32>
    %lt3A_91 = arith.cmpi slt, %add3A_88, %lt3A_90 : vector<16xi32>
    %add3A_92 = arith.constant 64 : i32
    %add3A_93 = vector.broadcast %add3A_92 : i32 to vector<16xi32>
    %add3A_94 = arith.addi %add3A_93, %iota3A : vector<16xi32>
    %min3A_95 = arith.constant 127 : i32
    %min3A_96 = vector.broadcast %min3A_95 : i32 to vector<16xi32>
    %min3A_97 = arith.minsi %add3A_94, %min3A_96 : vector<16xi32>
    %gather3A_98 = tpu.vector_load_idx %arg8[%min3A_97] : memref<128xf32, #tpu.memory_space<vmem>>[vector<16xi32>], vector<16xf32>,
    %min3A_99 = arith.constant 1.000000e+00 : f32
    %min3A_100 = vector.broadcast %min3A_99 : f32 to vector<16xf32>
    %min3A_101 = arith.minimumf %gather3A_98, %min3A_100 : vector<16xf32>
    %add3A_102 = arith.constant 64 : i32
    %add3A_103 = vector.broadcast %add3A_102 : i32 to vector<16xi32>
    %add3A_104 = arith.addi %add3A_103, %iota3A : vector<16xi32>
    %lt3A_105 = arith.constant 101 : i32
    %lt3A_106 = vector.broadcast %lt3A_105 : i32 to vector<16xi32>
    %lt3A_107 = arith.cmpi slt, %add3A_104, %lt3A_106 : vector<16xi32>
    %add3A_108 = arith.constant 80 : i32
    %add3A_109 = vector.broadcast %add3A_108 : i32 to vector<16xi32>
    %add3A_110 = arith.addi %add3A_109, %iota3A : vector<16xi32>
    %min3A_111 = arith.constant 127 : i32
    %min3A_112 = vector.broadcast %min3A_111 : i32 to vector<16xi32>
    %min3A_113 = arith.minsi %add3A_110, %min3A_112 : vector<16xi32>
    %gather3A_114 = tpu.vector_load_idx %arg8[%min3A_113] : memref<128xf32, #tpu.memory_space<vmem>>[vector<16xi32>], vector<16xf32>,
    %min3A_115 = arith.constant 1.000000e+00 : f32
    %min3A_116 = vector.broadcast %min3A_115 : f32 to vector<16xf32>
    %min3A_117 = arith.minimumf %gather3A_114, %min3A_116 : vector<16xf32>
    %add3A_118 = arith.constant 80 : i32
    %add3A_119 = vector.broadcast %add3A_118 : i32 to vector<16xi32>
    %add3A_120 = arith.addi %add3A_119, %iota3A : vector<16xi32>
    %lt3A_121 = arith.constant 101 : i32
    %lt3A_122 = vector.broadcast %lt3A_121 : i32 to vector<16xi32>
    %lt3A_123 = arith.cmpi slt, %add3A_120, %lt3A_122 : vector<16xi32>
    %add3A_124 = arith.constant 96 : i32
    %add3A_125 = vector.broadcast %add3A_124 : i32 to vector<16xi32>
    %add3A_126 = arith.addi %add3A_125, %iota3A : vector<16xi32>
    %min3A_127 = arith.constant 127 : i32
    %min3A_128 = vector.broadcast %min3A_127 : i32 to vector<16xi32>
    %min3A_129 = arith.minsi %add3A_126, %min3A_128 : vector<16xi32>
    %gather3A_130 = tpu.vector_load_idx %arg8[%min3A_129] : memref<128xf32, #tpu.memory_space<vmem>>[vector<16xi32>], vector<16xf32>,
    %min3A_131 = arith.constant 1.000000e+00 : f32
    %min3A_132 = vector.broadcast %min3A_131 : f32 to vector<16xf32>
    %min3A_133 = arith.minimumf %gather3A_130, %min3A_132 : vector<16xf32>
    %add3A_134 = arith.constant 96 : i32
    %add3A_135 = vector.broadcast %add3A_134 : i32 to vector<16xi32>
    %add3A_136 = arith.addi %add3A_135, %iota3A : vector<16xi32>
    %lt3A_137 = arith.constant 101 : i32
    %lt3A_138 = vector.broadcast %lt3A_137 : i32 to vector<16xi32>
    %lt3A_139 = arith.cmpi slt, %add3A_136, %lt3A_138 : vector<16xi32>
    %scan3A_140 = arith.constant 0 : i32
    %scan3A_141 = arith.constant 0 : i32
    %scan3A_142 = arith.constant 20 : i32
    %scan3A_143 = arith.addi %scan3A_141, %scan3A_142 : i32
    %scan3A_144 = arith.constant 1 : i32
    scf.for %scan3A_154 = %scan3A_141 to %scan3A_143 step %scan3A_144  : i32 {
      %broadcast_in_dim3A_155 = vector.broadcast %scan3A_154 : i32 to vector<16xi32>
      tpu.vector_store_idx %arg9[%broadcast_in_dim3A_155, %min3A_35], %min3A_38 masked %lt3A_43 : memref<20x101xf32, #tpu.memory_space<vmem>>[vector<16xi32>, vector<16xi32>], vector<16xf32>, vector<16xi1>
      tpu.vector_store_idx %arg9[%broadcast_in_dim3A_155, %min3A_49], %min3A_53 masked %lt3A_59 : memref<20x101xf32, #tpu.memory_space<vmem>>[vector<16xi32>, vector<16xi32>], vector<16xf32>, vector<16xi1>
      tpu.vector_store_idx %arg9[%broadcast_in_dim3A_155, %min3A_65], %min3A_69 masked %lt3A_75 : memref<20x101xf32, #tpu.memory_space<vmem>>[vector<16xi32>, vector<16xi32>], vector<16xf32>, vector<16xi1>
      tpu.vector_store_idx %arg9[%broadcast_in_dim3A_155, %min3A_81], %min3A_85 masked %lt3A_91 : memref<20x101xf32, #tpu.memory_space<vmem>>[vector<16xi32>, vector<16xi32>], vector<16xf32>, vector<16xi1>
      tpu.vector_store_idx %arg9[%broadcast_in_dim3A_155, %min3A_97], %min3A_101 masked %lt3A_107 : memref<20x101xf32, #tpu.memory_space<vmem>>[vector<16xi32>, vector<16xi32>], vector<16xf32>, vector<16xi1>
      tpu.vector_store_idx %arg9[%broadcast_in_dim3A_155, %min3A_113], %min3A_117 masked %lt3A_123 : memref<20x101xf32, #tpu.memory_space<vmem>>[vector<16xi32>, vector<16xi32>], vector<16xf32>, vector<16xi1>
      tpu.vector_store_idx %arg9[%broadcast_in_dim3A_155, %min3A_129], %min3A_133 masked %lt3A_139 : memref<20x101xf32, #tpu.memory_space<vmem>>[vector<16xi32>, vector<16xi32>], vector<16xf32>, vector<16xi1>
    }
    %scan3A_145 = arith.constant 20 : i32
    %eq3A_146 = arith.constant 0 : i32
    %eq3A_147 = arith.cmpi eq, %arg0, %eq3A_146 : i32
    %convert_element_type3A = arith.extui %eq3A_147 : i1 to i32
    %cond3A = arith.constant 0 : i32
    %cond3A_148 = arith.cmpi ne, %convert_element_type3A, %cond3A : i32
    scf.if %cond3A_148 {
      %mul3A_154 = arith.constant 64 : i32
      %mul3A_155 = arith.muli %mul3A_154, %arg1 : i32
      %add3A_156 = arith.constant 0 : i32
      %add3A_157 = arith.addi %mul3A_155, %add3A_156 : i32
      %mul3A_158 = arith.constant 64 : i32
      %mul3A_159 = arith.muli %mul3A_158, %arg1 : i32
      %add3A_160 = arith.constant 1 : i32
      %add3A_161 = arith.addi %mul3A_159, %add3A_160 : i32
      %mul3A_162 = arith.constant 64 : i32
      %mul3A_163 = arith.muli %mul3A_162, %arg1 : i32
      %add3A_164 = arith.constant 2 : i32
      %add3A_165 = arith.addi %mul3A_163, %add3A_164 : i32
      %mul3A_166 = arith.constant 64 : i32
      %mul3A_167 = arith.muli %mul3A_166, %arg1 : i32
      %add3A_168 = arith.constant 3 : i32
      %add3A_169 = arith.addi %mul3A_167, %add3A_168 : i32
      %mul3A_170 = arith.constant 64 : i32
      %mul3A_171 = arith.muli %mul3A_170, %arg1 : i32
      %add3A_172 = arith.constant 4 : i32
      %add3A_173 = arith.addi %mul3A_171, %add3A_172 : i32
      %mul3A_174 = arith.constant 64 : i32
      %mul3A_175 = arith.muli %mul3A_174, %arg1 : i32
      %add3A_176 = arith.constant 5 : i32
      %add3A_177 = arith.addi %mul3A_175, %add3A_176 : i32
      %mul3A_178 = arith.constant 64 : i32
      %mul3A_179 = arith.muli %mul3A_178, %arg1 : i32
      %add3A_180 = arith.constant 6 : i32
      %add3A_181 = arith.addi %mul3A_179, %add3A_180 : i32
      %mul3A_182 = arith.constant 64 : i32
      %mul3A_183 = arith.muli %mul3A_182, %arg1 : i32
      %add3A_184 = arith.constant 7 : i32
      %add3A_185 = arith.addi %mul3A_183, %add3A_184 : i32
      %mul3A_186 = arith.constant 64 : i32
      %mul3A_187 = arith.muli %mul3A_186, %arg1 : i32
      %add3A_188 = arith.constant 8 : i32
      %add3A_189 = arith.addi %mul3A_187, %add3A_188 : i32
      %mul3A_190 = arith.constant 64 : i32
      %mul3A_191 = arith.muli %mul3A_190, %arg1 : i32
      %add3A_192 = arith.constant 9 : i32
      %add3A_193 = arith.addi %mul3A_191, %add3A_192 : i32
      %mul3A_194 = arith.constant 64 : i32
      %mul3A_195 = arith.muli %mul3A_194, %arg1 : i32
      %add3A_196 = arith.constant 10 : i32
      %add3A_197 = arith.addi %mul3A_195, %add3A_196 : i32
      %mul3A_198 = arith.constant 64 : i32
      %mul3A_199 = arith.muli %mul3A_198, %arg1 : i32
      %add3A_200 = arith.constant 11 : i32
      %add3A_201 = arith.addi %mul3A_199, %add3A_200 : i32
      %mul3A_202 = arith.constant 64 : i32
      %mul3A_203 = arith.muli %mul3A_202, %arg1 : i32
      %add3A_204 = arith.constant 12 : i32
      %add3A_205 = arith.addi %mul3A_203, %add3A_204 : i32
      %mul3A_206 = arith.constant 64 : i32
      %mul3A_207 = arith.muli %mul3A_206, %arg1 : i32
      %add3A_208 = arith.constant 13 : i32
      %add3A_209 = arith.addi %mul3A_207, %add3A_208 : i32
      %mul3A_210 = arith.constant 64 : i32
      %mul3A_211 = arith.muli %mul3A_210, %arg1 : i32
      %add3A_212 = arith.constant 14 : i32
      %add3A_213 = arith.addi %mul3A_211, %add3A_212 : i32
      %mul3A_214 = arith.constant 64 : i32
      %mul3A_215 = arith.muli %mul3A_214, %arg1 : i32
      %add3A_216 = arith.constant 15 : i32
      %add3A_217 = arith.addi %mul3A_215, %add3A_216 : i32
      %mul3A_218 = arith.constant 64 : i32
      %mul3A_219 = arith.muli %mul3A_218, %arg1 : i32
      %add3A_220 = arith.constant 16 : i32
      %add3A_221 = arith.addi %mul3A_219, %add3A_220 : i32
      %mul3A_222 = arith.constant 64 : i32
      %mul3A_223 = arith.muli %mul3A_222, %arg1 : i32
      %add3A_224 = arith.constant 17 : i32
      %add3A_225 = arith.addi %mul3A_223, %add3A_224 : i32
      %mul3A_226 = arith.constant 64 : i32
      %mul3A_227 = arith.muli %mul3A_226, %arg1 : i32
      %add3A_228 = arith.constant 18 : i32
      %add3A_229 = arith.addi %mul3A_227, %add3A_228 : i32
      %mul3A_230 = arith.constant 64 : i32
      %mul3A_231 = arith.muli %mul3A_230, %arg1 : i32
      %add3A_232 = arith.constant 19 : i32
      %add3A_233 = arith.addi %mul3A_231, %add3A_232 : i32
      %mul3A_234 = arith.constant 64 : i32
      %mul3A_235 = arith.muli %mul3A_234, %arg1 : i32
      %add3A_236 = arith.constant 20 : i32
      %add3A_237 = arith.addi %mul3A_235, %add3A_236 : i32
      %mul3A_238 = arith.constant 64 : i32
      %mul3A_239 = arith.muli %mul3A_238, %arg1 : i32
      %add3A_240 = arith.constant 21 : i32
      %add3A_241 = arith.addi %mul3A_239, %add3A_240 : i32
      %mul3A_242 = arith.constant 64 : i32
      %mul3A_243 = arith.muli %mul3A_242, %arg1 : i32
      %add3A_244 = arith.constant 22 : i32
      %add3A_245 = arith.addi %mul3A_243, %add3A_244 : i32
      %mul3A_246 = arith.constant 64 : i32
      %mul3A_247 = arith.muli %mul3A_246, %arg1 : i32
      %add3A_248 = arith.constant 23 : i32
      %add3A_249 = arith.addi %mul3A_247, %add3A_248 : i32
      %mul3A_250 = arith.constant 64 : i32
      %mul3A_251 = arith.muli %mul3A_250, %arg1 : i32
      %add3A_252 = arith.constant 24 : i32
      %add3A_253 = arith.addi %mul3A_251, %add3A_252 : i32
      %mul3A_254 = arith.constant 64 : i32
      %mul3A_255 = arith.muli %mul3A_254, %arg1 : i32
      %add3A_256 = arith.constant 25 : i32
      %add3A_257 = arith.addi %mul3A_255, %add3A_256 : i32
      %mul3A_258 = arith.constant 64 : i32
      %mul3A_259 = arith.muli %mul3A_258, %arg1 : i32
      %add3A_260 = arith.constant 26 : i32
      %add3A_261 = arith.addi %mul3A_259, %add3A_260 : i32
      %mul3A_262 = arith.constant 64 : i32
      %mul3A_263 = arith.muli %mul3A_262, %arg1 : i32
      %add3A_264 = arith.constant 27 : i32
      %add3A_265 = arith.addi %mul3A_263, %add3A_264 : i32
      %mul3A_266 = arith.constant 64 : i32
      %mul3A_267 = arith.muli %mul3A_266, %arg1 : i32
      %add3A_268 = arith.constant 28 : i32
      %add3A_269 = arith.addi %mul3A_267, %add3A_268 : i32
      %mul3A_270 = arith.constant 64 : i32
      %mul3A_271 = arith.muli %mul3A_270, %arg1 : i32
      %add3A_272 = arith.constant 29 : i32
      %add3A_273 = arith.addi %mul3A_271, %add3A_272 : i32
      %mul3A_274 = arith.constant 64 : i32
      %mul3A_275 = arith.muli %mul3A_274, %arg1 : i32
      %add3A_276 = arith.constant 30 : i32
      %add3A_277 = arith.addi %mul3A_275, %add3A_276 : i32
      %mul3A_278 = arith.constant 64 : i32
      %mul3A_279 = arith.muli %mul3A_278, %arg1 : i32
      %add3A_280 = arith.constant 31 : i32
      %add3A_281 = arith.addi %mul3A_279, %add3A_280 : i32
      %mul3A_282 = arith.constant 64 : i32
      %mul3A_283 = arith.muli %mul3A_282, %arg1 : i32
      %add3A_284 = arith.constant 32 : i32
      %add3A_285 = arith.addi %mul3A_283, %add3A_284 : i32
      %mul3A_286 = arith.constant 64 : i32
      %mul3A_287 = arith.muli %mul3A_286, %arg1 : i32
      %add3A_288 = arith.constant 33 : i32
      %add3A_289 = arith.addi %mul3A_287, %add3A_288 : i32
      %mul3A_290 = arith.constant 64 : i32
      %mul3A_291 = arith.muli %mul3A_290, %arg1 : i32
      %add3A_292 = arith.constant 34 : i32
      %add3A_293 = arith.addi %mul3A_291, %add3A_292 : i32
      %mul3A_294 = arith.constant 64 : i32
      %mul3A_295 = arith.muli %mul3A_294, %arg1 : i32
      %add3A_296 = arith.constant 35 : i32
      %add3A_297 = arith.addi %mul3A_295, %add3A_296 : i32
      %mul3A_298 = arith.constant 64 : i32
      %mul3A_299 = arith.muli %mul3A_298, %arg1 : i32
      %add3A_300 = arith.constant 36 : i32
      %add3A_301 = arith.addi %mul3A_299, %add3A_300 : i32
      %mul3A_302 = arith.constant 64 : i32
      %mul3A_303 = arith.muli %mul3A_302, %arg1 : i32
      %add3A_304 = arith.constant 37 : i32
      %add3A_305 = arith.addi %mul3A_303, %add3A_304 : i32
      %mul3A_306 = arith.constant 64 : i32
      %mul3A_307 = arith.muli %mul3A_306, %arg1 : i32
      %add3A_308 = arith.constant 38 : i32
      %add3A_309 = arith.addi %mul3A_307, %add3A_308 : i32
      %mul3A_310 = arith.constant 64 : i32
      %mul3A_311 = arith.muli %mul3A_310, %arg1 : i32
      %add3A_312 = arith.constant 39 : i32
      %add3A_313 = arith.addi %mul3A_311, %add3A_312 : i32
      %mul3A_314 = arith.constant 64 : i32
      %mul3A_315 = arith.muli %mul3A_314, %arg1 : i32
      %add3A_316 = arith.constant 40 : i32
      %add3A_317 = arith.addi %mul3A_315, %add3A_316 : i32
      %mul3A_318 = arith.constant 64 : i32
      %mul3A_319 = arith.muli %mul3A_318, %arg1 : i32
      %add3A_320 = arith.constant 41 : i32
      %add3A_321 = arith.addi %mul3A_319, %add3A_320 : i32
      %mul3A_322 = arith.constant 64 : i32
      %mul3A_323 = arith.muli %mul3A_322, %arg1 : i32
      %add3A_324 = arith.constant 42 : i32
      %add3A_325 = arith.addi %mul3A_323, %add3A_324 : i32
      %mul3A_326 = arith.constant 64 : i32
      %mul3A_327 = arith.muli %mul3A_326, %arg1 : i32
      %add3A_328 = arith.constant 43 : i32
      %add3A_329 = arith.addi %mul3A_327, %add3A_328 : i32
      %mul3A_330 = arith.constant 64 : i32
      %mul3A_331 = arith.muli %mul3A_330, %arg1 : i32
      %add3A_332 = arith.constant 44 : i32
      %add3A_333 = arith.addi %mul3A_331, %add3A_332 : i32
      %mul3A_334 = arith.constant 64 : i32
      %mul3A_335 = arith.muli %mul3A_334, %arg1 : i32
      %add3A_336 = arith.constant 45 : i32
      %add3A_337 = arith.addi %mul3A_335, %add3A_336 : i32
      %mul3A_338 = arith.constant 64 : i32
      %mul3A_339 = arith.muli %mul3A_338, %arg1 : i32
      %add3A_340 = arith.constant 46 : i32
      %add3A_341 = arith.addi %mul3A_339, %add3A_340 : i32
      %mul3A_342 = arith.constant 64 : i32
      %mul3A_343 = arith.muli %mul3A_342, %arg1 : i32
      %add3A_344 = arith.constant 47 : i32
      %add3A_345 = arith.addi %mul3A_343, %add3A_344 : i32
      %mul3A_346 = arith.constant 64 : i32
      %mul3A_347 = arith.muli %mul3A_346, %arg1 : i32
      %add3A_348 = arith.constant 48 : i32
      %add3A_349 = arith.addi %mul3A_347, %add3A_348 : i32
      %mul3A_350 = arith.constant 64 : i32
      %mul3A_351 = arith.muli %mul3A_350, %arg1 : i32
      %add3A_352 = arith.constant 49 : i32
      %add3A_353 = arith.addi %mul3A_351, %add3A_352 : i32
      %mul3A_354 = arith.constant 64 : i32
      %mul3A_355 = arith.muli %mul3A_354, %arg1 : i32
      %add3A_356 = arith.constant 50 : i32
      %add3A_357 = arith.addi %mul3A_355, %add3A_356 : i32
      %mul3A_358 = arith.constant 64 : i32
      %mul3A_359 = arith.muli %mul3A_358, %arg1 : i32
      %add3A_360 = arith.constant 51 : i32
      %add3A_361 = arith.addi %mul3A_359, %add3A_360 : i32
      %mul3A_362 = arith.constant 64 : i32
      %mul3A_363 = arith.muli %mul3A_362, %arg1 : i32
      %add3A_364 = arith.constant 52 : i32
      %add3A_365 = arith.addi %mul3A_363, %add3A_364 : i32
      %mul3A_366 = arith.constant 64 : i32
      %mul3A_367 = arith.muli %mul3A_366, %arg1 : i32
      %add3A_368 = arith.constant 53 : i32
      %add3A_369 = arith.addi %mul3A_367, %add3A_368 : i32
      %mul3A_370 = arith.constant 64 : i32
      %mul3A_371 = arith.muli %mul3A_370, %arg1 : i32
      %add3A_372 = arith.constant 54 : i32
      %add3A_373 = arith.addi %mul3A_371, %add3A_372 : i32
      %mul3A_374 = arith.constant 64 : i32
      %mul3A_375 = arith.muli %mul3A_374, %arg1 : i32
      %add3A_376 = arith.constant 55 : i32
      %add3A_377 = arith.addi %mul3A_375, %add3A_376 : i32
      %mul3A_378 = arith.constant 64 : i32
      %mul3A_379 = arith.muli %mul3A_378, %arg1 : i32
      %add3A_380 = arith.constant 56 : i32
      %add3A_381 = arith.addi %mul3A_379, %add3A_380 : i32
      %mul3A_382 = arith.constant 64 : i32
      %mul3A_383 = arith.muli %mul3A_382, %arg1 : i32
      %add3A_384 = arith.constant 57 : i32
      %add3A_385 = arith.addi %mul3A_383, %add3A_384 : i32
      %mul3A_386 = arith.constant 64 : i32
      %mul3A_387 = arith.muli %mul3A_386, %arg1 : i32
      %add3A_388 = arith.constant 58 : i32
      %add3A_389 = arith.addi %mul3A_387, %add3A_388 : i32
      %mul3A_390 = arith.constant 64 : i32
      %mul3A_391 = arith.muli %mul3A_390, %arg1 : i32
      %add3A_392 = arith.constant 59 : i32
      %add3A_393 = arith.addi %mul3A_391, %add3A_392 : i32
      %mul3A_394 = arith.constant 64 : i32
      %mul3A_395 = arith.muli %mul3A_394, %arg1 : i32
      %add3A_396 = arith.constant 60 : i32
      %add3A_397 = arith.addi %mul3A_395, %add3A_396 : i32
      %mul3A_398 = arith.constant 64 : i32
      %mul3A_399 = arith.muli %mul3A_398, %arg1 : i32
      %add3A_400 = arith.constant 61 : i32
      %add3A_401 = arith.addi %mul3A_399, %add3A_400 : i32
      %mul3A_402 = arith.constant 64 : i32
      %mul3A_403 = arith.muli %mul3A_402, %arg1 : i32
      %add3A_404 = arith.constant 62 : i32
      %add3A_405 = arith.addi %mul3A_403, %add3A_404 : i32
      %mul3A_406 = arith.constant 64 : i32
      %mul3A_407 = arith.muli %mul3A_406, %arg1 : i32
      %add3A_408 = arith.constant 63 : i32
      %add3A_409 = arith.addi %mul3A_407, %add3A_408 : i32
      %dma_start3A = arith.constant 0 : i32
      %dma_start3A_410 = arith.constant 0 : i32
      %dma_start3A_411 = tpu.memref_slice %arg3[%add3A_157, %dma_start3A, %dma_start3A_410] : memref<1024x20x101xf32, #tpu.memory_space<hbm>> -> memref<1x20x101xf32, #tpu.memory_space<hbm>>
      %dma_start3A_412 = tpu.memref_squeeze %dma_start3A_411 : memref<1x20x101xf32, #tpu.memory_space<hbm>> -> memref<20x101xf32, #tpu.memory_space<hbm>>
      %dma_start3A_413 = arith.constant 0 : i32
      %dma_start3A_414 = arith.constant 0 : i32
      %dma_start3A_415 = tpu.memref_slice %arg3[%add3A_157, %dma_start3A_413, %dma_start3A_414] : memref<1024x20x101xf32, #tpu.memory_space<hbm>> -> memref<1x20x101xf32, #tpu.memory_space<hbm>>
      %dma_start3A_416 = tpu.memref_squeeze %dma_start3A_415 : memref<1x20x101xf32, #tpu.memory_space<hbm>> -> memref<20x101xf32, #tpu.memory_space<hbm>>
      tpu.enqueue_dma source(%arg9 : memref<20x101xf32, #tpu.memory_space<vmem>>) target(%dma_start3A_416 : memref<20x101xf32, #tpu.memory_space<hbm>>) target_semaphore(%arg11 : memref<!tpu.dma_semaphore, #tpu.memory_space<semaphore_mem>>)
      %dma_start3A_417 = arith.constant 0 : i32
      %dma_start3A_418 = arith.constant 0 : i32
      %dma_start3A_419 = tpu.memref_slice %arg3[%add3A_161, %dma_start3A_417, %dma_start3A_418] : memref<1024x20x101xf32, #tpu.memory_space<hbm>> -> memref<1x20x101xf32, #tpu.memory_space<hbm>>
      %dma_start3A_420 = tpu.memref_squeeze %dma_start3A_419 : memref<1x20x101xf32, #tpu.memory_space<hbm>> -> memref<20x101xf32, #tpu.memory_space<hbm>>
      %dma_start3A_421 = arith.constant 0 : i32
      %dma_start3A_422 = arith.constant 0 : i32
      %dma_start3A_423 = tpu.memref_slice %arg3[%add3A_161, %dma_start3A_421, %dma_start3A_422] : memref<1024x20x101xf32, #tpu.memory_space<hbm>> -> memref<1x20x101xf32, #tpu.memory_space<hbm>>
      %dma_start3A_424 = tpu.memref_squeeze %dma_start3A_423 : memref<1x20x101xf32, #tpu.memory_space<hbm>> -> memref<20x101xf32, #tpu.memory_space<hbm>>
      tpu.enqueue_dma source(%arg9 : memref<20x101xf32, #tpu.memory_space<vmem>>) target(%dma_start3A_424 : memref<20x101xf32, #tpu.memory_space<hbm>>) target_semaphore(%arg11 : memref<!tpu.dma_semaphore, #tpu.memory_space<semaphore_mem>>)
      %dma_start3A_425 = arith.constant 0 : i32
      %dma_start3A_426 = arith.constant 0 : i32
      %dma_start3A_427 = tpu.memref_slice %arg3[%add3A_165, %dma_start3A_425, %dma_start3A_426] : memref<1024x20x101xf32, #tpu.memory_space<hbm>> -> memref<1x20x101xf32, #tpu.memory_space<hbm>>
      %dma_start3A_428 = tpu.memref_squeeze %dma_start3A_427 : memref<1x20x101xf32, #tpu.memory_space<hbm>> -> memref<20x101xf32, #tpu.memory_space<hbm>>
      %dma_start3A_429 = arith.constant 0 : i32
      %dma_start3A_430 = arith.constant 0 : i32
      %dma_start3A_431 = tpu.memref_slice %arg3[%add3A_165, %dma_start3A_429, %dma_start3A_430] : memref<1024x20x101xf32, #tpu.memory_space<hbm>> -> memref<1x20x101xf32, #tpu.memory_space<hbm>>
      %dma_start3A_432 = tpu.memref_squeeze %dma_start3A_431 : memref<1x20x101xf32, #tpu.memory_space<hbm>> -> memref<20x101xf32, #tpu.memory_space<hbm>>
      tpu.enqueue_dma source(%arg9 : memref<20x101xf32, #tpu.memory_space<vmem>>) target(%dma_start3A_432 : memref<20x101xf32, #tpu.memory_space<hbm>>) target_semaphore(%arg11 : memref<!tpu.dma_semaphore, #tpu.memory_space<semaphore_mem>>)
      %dma_start3A_433 = arith.constant 0 : i32
      %dma_start3A_434 = arith.constant 0 : i32
      %dma_start3A_435 = tpu.memref_slice %arg3[%add3A_169, %dma_start3A_433, %dma_start3A_434] : memref<1024x20x101xf32, #tpu.memory_space<hbm>> -> memref<1x20x101xf32, #tpu.memory_space<hbm>>
      %dma_start3A_436 = tpu.memref_squeeze %dma_start3A_435 : memref<1x20x101xf32, #tpu.memory_space<hbm>> -> memref<20x101xf32, #tpu.memory_space<hbm>>
      %dma_start3A_437 = arith.constant 0 : i32
      %dma_start3A_438 = arith.constant 0 : i32
      %dma_start3A_439 = tpu.memref_slice %arg3[%add3A_169, %dma_start3A_437, %dma_start3A_438] : memref<1024x20x101xf32, #tpu.memory_space<hbm>> -> memref<1x20x101xf32, #tpu.memory_space<hbm>>
      %dma_start3A_440 = tpu.memref_squeeze %dma_start3A_439 : memref<1x20x101xf32, #tpu.memory_space<hbm>> -> memref<20x101xf32, #tpu.memory_space<hbm>>
      tpu.enqueue_dma source(%arg9 : memref<20x101xf32, #tpu.memory_space<vmem>>) target(%dma_start3A_440 : memref<20x101xf32, #tpu.memory_space<hbm>>) target_semaphore(%arg11 : memref<!tpu.dma_semaphore, #tpu.memory_space<semaphore_mem>>)
      %dma_start3A_441 = arith.constant 0 : i32
      %dma_start3A_442 = arith.constant 0 : i32
      %dma_start3A_443 = tpu.memref_slice %arg3[%add3A_173, %dma_start3A_441, %dma_start3A_442] : memref<1024x20x101xf32, #tpu.memory_space<hbm>> -> memref<1x20x101xf32, #tpu.memory_space<hbm>>
      %dma_start3A_444 = tpu.memref_squeeze %dma_start3A_443 : memref<1x20x101xf32, #tpu.memory_space<hbm>> -> memref<20x101xf32, #tpu.memory_space<hbm>>
      %dma_start3A_445 = arith.constant 0 : i32
      %dma_start3A_446 = arith.constant 0 : i32
      %dma_start3A_447 = tpu.memref_slice %arg3[%add3A_173, %dma_start3A_445, %dma_start3A_446] : memref<1024x20x101xf32, #tpu.memory_space<hbm>> -> memref<1x20x101xf32, #tpu.memory_space<hbm>>
      %dma_start3A_448 = tpu.memref_squeeze %dma_start3A_447 : memref<1x20x101xf32, #tpu.memory_space<hbm>> -> memref<20x101xf32, #tpu.memory_space<hbm>>
      tpu.enqueue_dma source(%arg9 : memref<20x101xf32, #tpu.memory_space<vmem>>) target(%dma_start3A_448 : memref<20x101xf32, #tpu.memory_space<hbm>>) target_semaphore(%arg11 : memref<!tpu.dma_semaphore, #tpu.memory_space<semaphore_mem>>)
      %dma_start3A_449 = arith.constant 0 : i32
      %dma_start3A_450 = arith.constant 0 : i32
      %dma_start3A_451 = tpu.memref_slice %arg3[%add3A_177, %dma_start3A_449, %dma_start3A_450] : memref<1024x20x101xf32, #tpu.memory_space<hbm>> -> memref<1x20x101xf32, #tpu.memory_space<hbm>>
      %dma_start3A_452 = tpu.memref_squeeze %dma_start3A_451 : memref<1x20x101xf32, #tpu.memory_space<hbm>> -> memref<20x101xf32, #tpu.memory_space<hbm>>
      %dma_start3A_453 = arith.constant 0 : i32
      %dma_start3A_454 = arith.constant 0 : i32
      %dma_start3A_455 = tpu.memref_slice %arg3[%add3A_177, %dma_start3A_453, %dma_start3A_454] : memref<1024x20x101xf32, #tpu.memory_space<hbm>> -> memref<1x20x101xf32, #tpu.memory_space<hbm>>
      %dma_start3A_456 = tpu.memref_squeeze %dma_start3A_455 : memref<1x20x101xf32, #tpu.memory_space<hbm>> -> memref<20x101xf32, #tpu.memory_space<hbm>>
      tpu.enqueue_dma source(%arg9 : memref<20x101xf32, #tpu.memory_space<vmem>>) target(%dma_start3A_456 : memref<20x101xf32, #tpu.memory_space<hbm>>) target_semaphore(%arg11 : memref<!tpu.dma_semaphore, #tpu.memory_space<semaphore_mem>>)
      %dma_start3A_457 = arith.constant 0 : i32
      %dma_start3A_458 = arith.constant 0 : i32
      %dma_start3A_459 = tpu.memref_slice %arg3[%add3A_181, %dma_start3A_457, %dma_start3A_458] : memref<1024x20x101xf32, #tpu.memory_space<hbm>> -> memref<1x20x101xf32, #tpu.memory_space<hbm>>
      %dma_start3A_460 = tpu.memref_squeeze %dma_start3A_459 : memref<1x20x101xf32, #tpu.memory_space<hbm>> -> memref<20x101xf32, #tpu.memory_space<hbm>>
      %dma_start3A_461 = arith.constant 0 : i32
      %dma_start3A_462 = arith.constant 0 : i32
      %dma_start3A_463 = tpu.memref_slice %arg3[%add3A_181, %dma_start3A_461, %dma_start3A_462] : memref<1024x20x101xf32, #tpu.memory_space<hbm>> -> memref<1x20x101xf32, #tpu.memory_space<hbm>>
      %dma_start3A_464 = tpu.memref_squeeze %dma_start3A_463 : memref<1x20x101xf32, #tpu.memory_space<hbm>> -> memref<20x101xf32, #tpu.memory_space<hbm>>
      tpu.enqueue_dma source(%arg9 : memref<20x101xf32, #tpu.memory_space<vmem>>) target(%dma_start3A_464 : memref<20x101xf32, #tpu.memory_space<hbm>>) target_semaphore(%arg11 : memref<!tpu.dma_semaphore, #tpu.memory_space<semaphore_mem>>)
      %dma_start3A_465 = arith.constant 0 : i32
      %dma_start3A_466 = arith.constant 0 : i32
      %dma_start3A_467 = tpu.memref_slice %arg3[%add3A_185, %dma_start3A_465, %dma_start3A_466] : memref<1024x20x101xf32, #tpu.memory_space<hbm>> -> memref<1x20x101xf32, #tpu.memory_space<hbm>>
      %dma_start3A_468 = tpu.memref_squeeze %dma_start3A_467 : memref<1x20x101xf32, #tpu.memory_space<hbm>> -> memref<20x101xf32, #tpu.memory_space<hbm>>
      %dma_start3A_469 = arith.constant 0 : i32
      %dma_start3A_470 = arith.constant 0 : i32
      %dma_start3A_471 = tpu.memref_slice %arg3[%add3A_185, %dma_start3A_469, %dma_start3A_470] : memref<1024x20x101xf32, #tpu.memory_space<hbm>> -> memref<1x20x101xf32, #tpu.memory_space<hbm>>
      %dma_start3A_472 = tpu.memref_squeeze %dma_start3A_471 : memref<1x20x101xf32, #tpu.memory_space<hbm>> -> memref<20x101xf32, #tpu.memory_space<hbm>>
      tpu.enqueue_dma source(%arg9 : memref<20x101xf32, #tpu.memory_space<vmem>>) target(%dma_start3A_472 : memref<20x101xf32, #tpu.memory_space<hbm>>) target_semaphore(%arg11 : memref<!tpu.dma_semaphore, #tpu.memory_space<semaphore_mem>>)
      %dma_start3A_473 = arith.constant 0 : i32
      %dma_start3A_474 = arith.constant 0 : i32
      %dma_start3A_475 = tpu.memref_slice %arg3[%add3A_189, %dma_start3A_473, %dma_start3A_474] : memref<1024x20x101xf32, #tpu.memory_space<hbm>> -> memref<1x20x101xf32, #tpu.memory_space<hbm>>
      %dma_start3A_476 = tpu.memref_squeeze %dma_start3A_475 : memref<1x20x101xf32, #tpu.memory_space<hbm>> -> memref<20x101xf32, #tpu.memory_space<hbm>>
      %dma_start3A_477 = arith.constant 0 : i32
      %dma_start3A_478 = arith.constant 0 : i32
      %dma_start3A_479 = tpu.memref_slice %arg3[%add3A_189, %dma_start3A_477, %dma_start3A_478] : memref<1024x20x101xf32, #tpu.memory_space<hbm>> -> memref<1x20x101xf32, #tpu.memory_space<hbm>>
      %dma_start3A_480 = tpu.memref_squeeze %dma_start3A_479 : memref<1x20x101xf32, #tpu.memory_space<hbm>> -> memref<20x101xf32, #tpu.memory_space<hbm>>
      tpu.enqueue_dma source(%arg9 : memref<20x101xf32, #tpu.memory_space<vmem>>) target(%dma_start3A_480 : memref<20x101xf32, #tpu.memory_space<hbm>>) target_semaphore(%arg11 : memref<!tpu.dma_semaphore, #tpu.memory_space<semaphore_mem>>)
      %dma_start3A_481 = arith.constant 0 : i32
      %dma_start3A_482 = arith.constant 0 : i32
      %dma_start3A_483 = tpu.memref_slice %arg3[%add3A_193, %dma_start3A_481, %dma_start3A_482] : memref<1024x20x101xf32, #tpu.memory_space<hbm>> -> memref<1x20x101xf32, #tpu.memory_space<hbm>>
      %dma_start3A_484 = tpu.memref_squeeze %dma_start3A_483 : memref<1x20x101xf32, #tpu.memory_space<hbm>> -> memref<20x101xf32, #tpu.memory_space<hbm>>
      %dma_start3A_485 = arith.constant 0 : i32
      %dma_start3A_486 = arith.constant 0 : i32
      %dma_start3A_487 = tpu.memref_slice %arg3[%add3A_193, %dma_start3A_485, %dma_start3A_486] : memref<1024x20x101xf32, #tpu.memory_space<hbm>> -> memref<1x20x101xf32, #tpu.memory_space<hbm>>
      %dma_start3A_488 = tpu.memref_squeeze %dma_start3A_487 : memref<1x20x101xf32, #tpu.memory_space<hbm>> -> memref<20x101xf32, #tpu.memory_space<hbm>>
      tpu.enqueue_dma source(%arg9 : memref<20x101xf32, #tpu.memory_space<vmem>>) target(%dma_start3A_488 : memref<20x101xf32, #tpu.memory_space<hbm>>) target_semaphore(%arg11 : memref<!tpu.dma_semaphore, #tpu.memory_space<semaphore_mem>>)
      %dma_start3A_489 = arith.constant 0 : i32
      %dma_start3A_490 = arith.constant 0 : i32
      %dma_start3A_491 = tpu.memref_slice %arg3[%add3A_197, %dma_start3A_489, %dma_start3A_490] : memref<1024x20x101xf32, #tpu.memory_space<hbm>> -> memref<1x20x101xf32, #tpu.memory_space<hbm>>
      %dma_start3A_492 = tpu.memref_squeeze %dma_start3A_491 : memref<1x20x101xf32, #tpu.memory_space<hbm>> -> memref<20x101xf32, #tpu.memory_space<hbm>>
      %dma_start3A_493 = arith.constant 0 : i32
      %dma_start3A_494 = arith.constant 0 : i32
      %dma_start3A_495 = tpu.memref_slice %arg3[%add3A_197, %dma_start3A_493, %dma_start3A_494] : memref<1024x20x101xf32, #tpu.memory_space<hbm>> -> memref<1x20x101xf32, #tpu.memory_space<hbm>>
      %dma_start3A_496 = tpu.memref_squeeze %dma_start3A_495 : memref<1x20x101xf32, #tpu.memory_space<hbm>> -> memref<20x101xf32, #tpu.memory_space<hbm>>
      tpu.enqueue_dma source(%arg9 : memref<20x101xf32, #tpu.memory_space<vmem>>) target(%dma_start3A_496 : memref<20x101xf32, #tpu.memory_space<hbm>>) target_semaphore(%arg11 : memref<!tpu.dma_semaphore, #tpu.memory_space<semaphore_mem>>)
      %dma_start3A_497 = arith.constant 0 : i32
      %dma_start3A_498 = arith.constant 0 : i32
      %dma_start3A_499 = tpu.memref_slice %arg3[%add3A_201, %dma_start3A_497, %dma_start3A_498] : memref<1024x20x101xf32, #tpu.memory_space<hbm>> -> memref<1x20x101xf32, #tpu.memory_space<hbm>>
      %dma_start3A_500 = tpu.memref_squeeze %dma_start3A_499 : memref<1x20x101xf32, #tpu.memory_space<hbm>> -> memref<20x101xf32, #tpu.memory_space<hbm>>
      %dma_start3A_501 = arith.constant 0 : i32
      %dma_start3A_502 = arith.constant 0 : i32
      %dma_start3A_503 = tpu.memref_slice %arg3[%add3A_201, %dma_start3A_501, %dma_start3A_502] : memref<1024x20x101xf32, #tpu.memory_space<hbm>> -> memref<1x20x101xf32, #tpu.memory_space<hbm>>
      %dma_start3A_504 = tpu.memref_squeeze %dma_start3A_503 : memref<1x20x101xf32, #tpu.memory_space<hbm>> -> memref<20x101xf32, #tpu.memory_space<hbm>>
      tpu.enqueue_dma source(%arg9 : memref<20x101xf32, #tpu.memory_space<vmem>>) target(%dma_start3A_504 : memref<20x101xf32, #tpu.memory_space<hbm>>) target_semaphore(%arg11 : memref<!tpu.dma_semaphore, #tpu.memory_space<semaphore_mem>>)
      %dma_start3A_505 = arith.constant 0 : i32
      %dma_start3A_506 = arith.constant 0 : i32
      %dma_start3A_507 = tpu.memref_slice %arg3[%add3A_205, %dma_start3A_505, %dma_start3A_506] : memref<1024x20x101xf32, #tpu.memory_space<hbm>> -> memref<1x20x101xf32, #tpu.memory_space<hbm>>
      %dma_start3A_508 = tpu.memref_squeeze %dma_start3A_507 : memref<1x20x101xf32, #tpu.memory_space<hbm>> -> memref<20x101xf32, #tpu.memory_space<hbm>>
      %dma_start3A_509 = arith.constant 0 : i32
      %dma_start3A_510 = arith.constant 0 : i32
      %dma_start3A_511 = tpu.memref_slice %arg3[%add3A_205, %dma_start3A_509, %dma_start3A_510] : memref<1024x20x101xf32, #tpu.memory_space<hbm>> -> memref<1x20x101xf32, #tpu.memory_space<hbm>>
      %dma_start3A_512 = tpu.memref_squeeze %dma_start3A_511 : memref<1x20x101xf32, #tpu.memory_space<hbm>> -> memref<20x101xf32, #tpu.memory_space<hbm>>
      tpu.enqueue_dma source(%arg9 : memref<20x101xf32, #tpu.memory_space<vmem>>) target(%dma_start3A_512 : memref<20x101xf32, #tpu.memory_space<hbm>>) target_semaphore(%arg11 : memref<!tpu.dma_semaphore, #tpu.memory_space<semaphore_mem>>)
      %dma_start3A_513 = arith.constant 0 : i32
      %dma_start3A_514 = arith.constant 0 : i32
      %dma_start3A_515 = tpu.memref_slice %arg3[%add3A_209, %dma_start3A_513, %dma_start3A_514] : memref<1024x20x101xf32, #tpu.memory_space<hbm>> -> memref<1x20x101xf32, #tpu.memory_space<hbm>>
      %dma_start3A_516 = tpu.memref_squeeze %dma_start3A_515 : memref<1x20x101xf32, #tpu.memory_space<hbm>> -> memref<20x101xf32, #tpu.memory_space<hbm>>
      %dma_start3A_517 = arith.constant 0 : i32
      %dma_start3A_518 = arith.constant 0 : i32
      %dma_start3A_519 = tpu.memref_slice %arg3[%add3A_209, %dma_start3A_517, %dma_start3A_518] : memref<1024x20x101xf32, #tpu.memory_space<hbm>> -> memref<1x20x101xf32, #tpu.memory_space<hbm>>
      %dma_start3A_520 = tpu.memref_squeeze %dma_start3A_519 : memref<1x20x101xf32, #tpu.memory_space<hbm>> -> memref<20x101xf32, #tpu.memory_space<hbm>>
      tpu.enqueue_dma source(%arg9 : memref<20x101xf32, #tpu.memory_space<vmem>>) target(%dma_start3A_520 : memref<20x101xf32, #tpu.memory_space<hbm>>) target_semaphore(%arg11 : memref<!tpu.dma_semaphore, #tpu.memory_space<semaphore_mem>>)
      %dma_start3A_521 = arith.constant 0 : i32
      %dma_start3A_522 = arith.constant 0 : i32
      %dma_start3A_523 = tpu.memref_slice %arg3[%add3A_213, %dma_start3A_521, %dma_start3A_522] : memref<1024x20x101xf32, #tpu.memory_space<hbm>> -> memref<1x20x101xf32, #tpu.memory_space<hbm>>
      %dma_start3A_524 = tpu.memref_squeeze %dma_start3A_523 : memref<1x20x101xf32, #tpu.memory_space<hbm>> -> memref<20x101xf32, #tpu.memory_space<hbm>>
      %dma_start3A_525 = arith.constant 0 : i32
      %dma_start3A_526 = arith.constant 0 : i32
      %dma_start3A_527 = tpu.memref_slice %arg3[%add3A_213, %dma_start3A_525, %dma_start3A_526] : memref<1024x20x101xf32, #tpu.memory_space<hbm>> -> memref<1x20x101xf32, #tpu.memory_space<hbm>>
      %dma_start3A_528 = tpu.memref_squeeze %dma_start3A_527 : memref<1x20x101xf32, #tpu.memory_space<hbm>> -> memref<20x101xf32, #tpu.memory_space<hbm>>
      tpu.enqueue_dma source(%arg9 : memref<20x101xf32, #tpu.memory_space<vmem>>) target(%dma_start3A_528 : memref<20x101xf32, #tpu.memory_space<hbm>>) target_semaphore(%arg11 : memref<!tpu.dma_semaphore, #tpu.memory_space<semaphore_mem>>)
      %dma_start3A_529 = arith.constant 0 : i32
      %dma_start3A_530 = arith.constant 0 : i32
      %dma_start3A_531 = tpu.memref_slice %arg3[%add3A_217, %dma_start3A_529, %dma_start3A_530] : memref<1024x20x101xf32, #tpu.memory_space<hbm>> -> memref<1x20x101xf32, #tpu.memory_space<hbm>>
      %dma_start3A_532 = tpu.memref_squeeze %dma_start3A_531 : memref<1x20x101xf32, #tpu.memory_space<hbm>> -> memref<20x101xf32, #tpu.memory_space<hbm>>
      %dma_start3A_533 = arith.constant 0 : i32
      %dma_start3A_534 = arith.constant 0 : i32
      %dma_start3A_535 = tpu.memref_slice %arg3[%add3A_217, %dma_start3A_533, %dma_start3A_534] : memref<1024x20x101xf32, #tpu.memory_space<hbm>> -> memref<1x20x101xf32, #tpu.memory_space<hbm>>
      %dma_start3A_536 = tpu.memref_squeeze %dma_start3A_535 : memref<1x20x101xf32, #tpu.memory_space<hbm>> -> memref<20x101xf32, #tpu.memory_space<hbm>>
      tpu.enqueue_dma source(%arg9 : memref<20x101xf32, #tpu.memory_space<vmem>>) target(%dma_start3A_536 : memref<20x101xf32, #tpu.memory_space<hbm>>) target_semaphore(%arg11 : memref<!tpu.dma_semaphore, #tpu.memory_space<semaphore_mem>>)
      %dma_start3A_537 = arith.constant 0 : i32
      %dma_start3A_538 = arith.constant 0 : i32
      %dma_start3A_539 = tpu.memref_slice %arg3[%add3A_221, %dma_start3A_537, %dma_start3A_538] : memref<1024x20x101xf32, #tpu.memory_space<hbm>> -> memref<1x20x101xf32, #tpu.memory_space<hbm>>
      %dma_start3A_540 = tpu.memref_squeeze %dma_start3A_539 : memref<1x20x101xf32, #tpu.memory_space<hbm>> -> memref<20x101xf32, #tpu.memory_space<hbm>>
      %dma_start3A_541 = arith.constant 0 : i32
      %dma_start3A_542 = arith.constant 0 : i32
      %dma_start3A_543 = tpu.memref_slice %arg3[%add3A_221, %dma_start3A_541, %dma_start3A_542] : memref<1024x20x101xf32, #tpu.memory_space<hbm>> -> memref<1x20x101xf32, #tpu.memory_space<hbm>>
      %dma_start3A_544 = tpu.memref_squeeze %dma_start3A_543 : memref<1x20x101xf32, #tpu.memory_space<hbm>> -> memref<20x101xf32, #tpu.memory_space<hbm>>
      tpu.enqueue_dma source(%arg9 : memref<20x101xf32, #tpu.memory_space<vmem>>) target(%dma_start3A_544 : memref<20x101xf32, #tpu.memory_space<hbm>>) target_semaphore(%arg11 : memref<!tpu.dma_semaphore, #tpu.memory_space<semaphore_mem>>)
      %dma_start3A_545 = arith.constant 0 : i32
      %dma_start3A_546 = arith.constant 0 : i32
      %dma_start3A_547 = tpu.memref_slice %arg3[%add3A_225, %dma_start3A_545, %dma_start3A_546] : memref<1024x20x101xf32, #tpu.memory_space<hbm>> -> memref<1x20x101xf32, #tpu.memory_space<hbm>>
      %dma_start3A_548 = tpu.memref_squeeze %dma_start3A_547 : memref<1x20x101xf32, #tpu.memory_space<hbm>> -> memref<20x101xf32, #tpu.memory_space<hbm>>
      %dma_start3A_549 = arith.constant 0 : i32
      %dma_start3A_550 = arith.constant 0 : i32
      %dma_start3A_551 = tpu.memref_slice %arg3[%add3A_225, %dma_start3A_549, %dma_start3A_550] : memref<1024x20x101xf32, #tpu.memory_space<hbm>> -> memref<1x20x101xf32, #tpu.memory_space<hbm>>
      %dma_start3A_552 = tpu.memref_squeeze %dma_start3A_551 : memref<1x20x101xf32, #tpu.memory_space<hbm>> -> memref<20x101xf32, #tpu.memory_space<hbm>>
      tpu.enqueue_dma source(%arg9 : memref<20x101xf32, #tpu.memory_space<vmem>>) target(%dma_start3A_552 : memref<20x101xf32, #tpu.memory_space<hbm>>) target_semaphore(%arg11 : memref<!tpu.dma_semaphore, #tpu.memory_space<semaphore_mem>>)
      %dma_start3A_553 = arith.constant 0 : i32
      %dma_start3A_554 = arith.constant 0 : i32
      %dma_start3A_555 = tpu.memref_slice %arg3[%add3A_229, %dma_start3A_553, %dma_start3A_554] : memref<1024x20x101xf32, #tpu.memory_space<hbm>> -> memref<1x20x101xf32, #tpu.memory_space<hbm>>
      %dma_start3A_556 = tpu.memref_squeeze %dma_start3A_555 : memref<1x20x101xf32, #tpu.memory_space<hbm>> -> memref<20x101xf32, #tpu.memory_space<hbm>>
      %dma_start3A_557 = arith.constant 0 : i32
      %dma_start3A_558 = arith.constant 0 : i32
      %dma_start3A_559 = tpu.memref_slice %arg3[%add3A_229, %dma_start3A_557, %dma_start3A_558] : memref<1024x20x101xf32, #tpu.memory_space<hbm>> -> memref<1x20x101xf32, #tpu.memory_space<hbm>>
      %dma_start3A_560 = tpu.memref_squeeze %dma_start3A_559 : memref<1x20x101xf32, #tpu.memory_space<hbm>> -> memref<20x101xf32, #tpu.memory_space<hbm>>
      tpu.enqueue_dma source(%arg9 : memref<20x101xf32, #tpu.memory_space<vmem>>) target(%dma_start3A_560 : memref<20x101xf32, #tpu.memory_space<hbm>>) target_semaphore(%arg11 : memref<!tpu.dma_semaphore, #tpu.memory_space<semaphore_mem>>)
      %dma_start3A_561 = arith.constant 0 : i32
      %dma_start3A_562 = arith.constant 0 : i32
      %dma_start3A_563 = tpu.memref_slice %arg3[%add3A_233, %dma_start3A_561, %dma_start3A_562] : memref<1024x20x101xf32, #tpu.memory_space<hbm>> -> memref<1x20x101xf32, #tpu.memory_space<hbm>>
      %dma_start3A_564 = tpu.memref_squeeze %dma_start3A_563 : memref<1x20x101xf32, #tpu.memory_space<hbm>> -> memref<20x101xf32, #tpu.memory_space<hbm>>
      %dma_start3A_565 = arith.constant 0 : i32
      %dma_start3A_566 = arith.constant 0 : i32
      %dma_start3A_567 = tpu.memref_slice %arg3[%add3A_233, %dma_start3A_565, %dma_start3A_566] : memref<1024x20x101xf32, #tpu.memory_space<hbm>> -> memref<1x20x101xf32, #tpu.memory_space<hbm>>
      %dma_start3A_568 = tpu.memref_squeeze %dma_start3A_567 : memref<1x20x101xf32, #tpu.memory_space<hbm>> -> memref<20x101xf32, #tpu.memory_space<hbm>>
      tpu.enqueue_dma source(%arg9 : memref<20x101xf32, #tpu.memory_space<vmem>>) target(%dma_start3A_568 : memref<20x101xf32, #tpu.memory_space<hbm>>) target_semaphore(%arg11 : memref<!tpu.dma_semaphore, #tpu.memory_space<semaphore_mem>>)
      %dma_start3A_569 = arith.constant 0 : i32
      %dma_start3A_570 = arith.constant 0 : i32
      %dma_start3A_571 = tpu.memref_slice %arg3[%add3A_237, %dma_start3A_569, %dma_start3A_570] : memref<1024x20x101xf32, #tpu.memory_space<hbm>> -> memref<1x20x101xf32, #tpu.memory_space<hbm>>
      %dma_start3A_572 = tpu.memref_squeeze %dma_start3A_571 : memref<1x20x101xf32, #tpu.memory_space<hbm>> -> memref<20x101xf32, #tpu.memory_space<hbm>>
      %dma_start3A_573 = arith.constant 0 : i32
      %dma_start3A_574 = arith.constant 0 : i32
      %dma_start3A_575 = tpu.memref_slice %arg3[%add3A_237, %dma_start3A_573, %dma_start3A_574] : memref<1024x20x101xf32, #tpu.memory_space<hbm>> -> memref<1x20x101xf32, #tpu.memory_space<hbm>>
      %dma_start3A_576 = tpu.memref_squeeze %dma_start3A_575 : memref<1x20x101xf32, #tpu.memory_space<hbm>> -> memref<20x101xf32, #tpu.memory_space<hbm>>
      tpu.enqueue_dma source(%arg9 : memref<20x101xf32, #tpu.memory_space<vmem>>) target(%dma_start3A_576 : memref<20x101xf32, #tpu.memory_space<hbm>>) target_semaphore(%arg11 : memref<!tpu.dma_semaphore, #tpu.memory_space<semaphore_mem>>)
      %dma_start3A_577 = arith.constant 0 : i32
      %dma_start3A_578 = arith.constant 0 : i32
      %dma_start3A_579 = tpu.memref_slice %arg3[%add3A_241, %dma_start3A_577, %dma_start3A_578] : memref<1024x20x101xf32, #tpu.memory_space<hbm>> -> memref<1x20x101xf32, #tpu.memory_space<hbm>>
      %dma_start3A_580 = tpu.memref_squeeze %dma_start3A_579 : memref<1x20x101xf32, #tpu.memory_space<hbm>> -> memref<20x101xf32, #tpu.memory_space<hbm>>
      %dma_start3A_581 = arith.constant 0 : i32
      %dma_start3A_582 = arith.constant 0 : i32
      %dma_start3A_583 = tpu.memref_slice %arg3[%add3A_241, %dma_start3A_581, %dma_start3A_582] : memref<1024x20x101xf32, #tpu.memory_space<hbm>> -> memref<1x20x101xf32, #tpu.memory_space<hbm>>
      %dma_start3A_584 = tpu.memref_squeeze %dma_start3A_583 : memref<1x20x101xf32, #tpu.memory_space<hbm>> -> memref<20x101xf32, #tpu.memory_space<hbm>>
      tpu.enqueue_dma source(%arg9 : memref<20x101xf32, #tpu.memory_space<vmem>>) target(%dma_start3A_584 : memref<20x101xf32, #tpu.memory_space<hbm>>) target_semaphore(%arg11 : memref<!tpu.dma_semaphore, #tpu.memory_space<semaphore_mem>>)
      %dma_start3A_585 = arith.constant 0 : i32
      %dma_start3A_586 = arith.constant 0 : i32
      %dma_start3A_587 = tpu.memref_slice %arg3[%add3A_245, %dma_start3A_585, %dma_start3A_586] : memref<1024x20x101xf32, #tpu.memory_space<hbm>> -> memref<1x20x101xf32, #tpu.memory_space<hbm>>
      %dma_start3A_588 = tpu.memref_squeeze %dma_start3A_587 : memref<1x20x101xf32, #tpu.memory_space<hbm>> -> memref<20x101xf32, #tpu.memory_space<hbm>>
      %dma_start3A_589 = arith.constant 0 : i32
      %dma_start3A_590 = arith.constant 0 : i32
      %dma_start3A_591 = tpu.memref_slice %arg3[%add3A_245, %dma_start3A_589, %dma_start3A_590] : memref<1024x20x101xf32, #tpu.memory_space<hbm>> -> memref<1x20x101xf32, #tpu.memory_space<hbm>>
      %dma_start3A_592 = tpu.memref_squeeze %dma_start3A_591 : memref<1x20x101xf32, #tpu.memory_space<hbm>> -> memref<20x101xf32, #tpu.memory_space<hbm>>
      tpu.enqueue_dma source(%arg9 : memref<20x101xf32, #tpu.memory_space<vmem>>) target(%dma_start3A_592 : memref<20x101xf32, #tpu.memory_space<hbm>>) target_semaphore(%arg11 : memref<!tpu.dma_semaphore, #tpu.memory_space<semaphore_mem>>)
      %dma_start3A_593 = arith.constant 0 : i32
      %dma_start3A_594 = arith.constant 0 : i32
      %dma_start3A_595 = tpu.memref_slice %arg3[%add3A_249, %dma_start3A_593, %dma_start3A_594] : memref<1024x20x101xf32, #tpu.memory_space<hbm>> -> memref<1x20x101xf32, #tpu.memory_space<hbm>>
      %dma_start3A_596 = tpu.memref_squeeze %dma_start3A_595 : memref<1x20x101xf32, #tpu.memory_space<hbm>> -> memref<20x101xf32, #tpu.memory_space<hbm>>
      %dma_start3A_597 = arith.constant 0 : i32
      %dma_start3A_598 = arith.constant 0 : i32
      %dma_start3A_599 = tpu.memref_slice %arg3[%add3A_249, %dma_start3A_597, %dma_start3A_598] : memref<1024x20x101xf32, #tpu.memory_space<hbm>> -> memref<1x20x101xf32, #tpu.memory_space<hbm>>
      %dma_start3A_600 = tpu.memref_squeeze %dma_start3A_599 : memref<1x20x101xf32, #tpu.memory_space<hbm>> -> memref<20x101xf32, #tpu.memory_space<hbm>>
      tpu.enqueue_dma source(%arg9 : memref<20x101xf32, #tpu.memory_space<vmem>>) target(%dma_start3A_600 : memref<20x101xf32, #tpu.memory_space<hbm>>) target_semaphore(%arg11 : memref<!tpu.dma_semaphore, #tpu.memory_space<semaphore_mem>>)
      %dma_start3A_601 = arith.constant 0 : i32
      %dma_start3A_602 = arith.constant 0 : i32
      %dma_start3A_603 = tpu.memref_slice %arg3[%add3A_253, %dma_start3A_601, %dma_start3A_602] : memref<1024x20x101xf32, #tpu.memory_space<hbm>> -> memref<1x20x101xf32, #tpu.memory_space<hbm>>
      %dma_start3A_604 = tpu.memref_squeeze %dma_start3A_603 : memref<1x20x101xf32, #tpu.memory_space<hbm>> -> memref<20x101xf32, #tpu.memory_space<hbm>>
      %dma_start3A_605 = arith.constant 0 : i32
      %dma_start3A_606 = arith.constant 0 : i32
      %dma_start3A_607 = tpu.memref_slice %arg3[%add3A_253, %dma_start3A_605, %dma_start3A_606] : memref<1024x20x101xf32, #tpu.memory_space<hbm>> -> memref<1x20x101xf32, #tpu.memory_space<hbm>>
      %dma_start3A_608 = tpu.memref_squeeze %dma_start3A_607 : memref<1x20x101xf32, #tpu.memory_space<hbm>> -> memref<20x101xf32, #tpu.memory_space<hbm>>
      tpu.enqueue_dma source(%arg9 : memref<20x101xf32, #tpu.memory_space<vmem>>) target(%dma_start3A_608 : memref<20x101xf32, #tpu.memory_space<hbm>>) target_semaphore(%arg11 : memref<!tpu.dma_semaphore, #tpu.memory_space<semaphore_mem>>)
      %dma_start3A_609 = arith.constant 0 : i32
      %dma_start3A_610 = arith.constant 0 : i32
      %dma_start3A_611 = tpu.memref_slice %arg3[%add3A_257, %dma_start3A_609, %dma_start3A_610] : memref<1024x20x101xf32, #tpu.memory_space<hbm>> -> memref<1x20x101xf32, #tpu.memory_space<hbm>>
      %dma_start3A_612 = tpu.memref_squeeze %dma_start3A_611 : memref<1x20x101xf32, #tpu.memory_space<hbm>> -> memref<20x101xf32, #tpu.memory_space<hbm>>
      %dma_start3A_613 = arith.constant 0 : i32
      %dma_start3A_614 = arith.constant 0 : i32
      %dma_start3A_615 = tpu.memref_slice %arg3[%add3A_257, %dma_start3A_613, %dma_start3A_614] : memref<1024x20x101xf32, #tpu.memory_space<hbm>> -> memref<1x20x101xf32, #tpu.memory_space<hbm>>
      %dma_start3A_616 = tpu.memref_squeeze %dma_start3A_615 : memref<1x20x101xf32, #tpu.memory_space<hbm>> -> memref<20x101xf32, #tpu.memory_space<hbm>>
      tpu.enqueue_dma source(%arg9 : memref<20x101xf32, #tpu.memory_space<vmem>>) target(%dma_start3A_616 : memref<20x101xf32, #tpu.memory_space<hbm>>) target_semaphore(%arg11 : memref<!tpu.dma_semaphore, #tpu.memory_space<semaphore_mem>>)
      %dma_start3A_617 = arith.constant 0 : i32
      %dma_start3A_618 = arith.constant 0 : i32
      %dma_start3A_619 = tpu.memref_slice %arg3[%add3A_261, %dma_start3A_617, %dma_start3A_618] : memref<1024x20x101xf32, #tpu.memory_space<hbm>> -> memref<1x20x101xf32, #tpu.memory_space<hbm>>
      %dma_start3A_620 = tpu.memref_squeeze %dma_start3A_619 : memref<1x20x101xf32, #tpu.memory_space<hbm>> -> memref<20x101xf32, #tpu.memory_space<hbm>>
      %dma_start3A_621 = arith.constant 0 : i32
      %dma_start3A_622 = arith.constant 0 : i32
      %dma_start3A_623 = tpu.memref_slice %arg3[%add3A_261, %dma_start3A_621, %dma_start3A_622] : memref<1024x20x101xf32, #tpu.memory_space<hbm>> -> memref<1x20x101xf32, #tpu.memory_space<hbm>>
      %dma_start3A_624 = tpu.memref_squeeze %dma_start3A_623 : memref<1x20x101xf32, #tpu.memory_space<hbm>> -> memref<20x101xf32, #tpu.memory_space<hbm>>
      tpu.enqueue_dma source(%arg9 : memref<20x101xf32, #tpu.memory_space<vmem>>) target(%dma_start3A_624 : memref<20x101xf32, #tpu.memory_space<hbm>>) target_semaphore(%arg11 : memref<!tpu.dma_semaphore, #tpu.memory_space<semaphore_mem>>)
      %dma_start3A_625 = arith.constant 0 : i32
      %dma_start3A_626 = arith.constant 0 : i32
      %dma_start3A_627 = tpu.memref_slice %arg3[%add3A_265, %dma_start3A_625, %dma_start3A_626] : memref<1024x20x101xf32, #tpu.memory_space<hbm>> -> memref<1x20x101xf32, #tpu.memory_space<hbm>>
      %dma_start3A_628 = tpu.memref_squeeze %dma_start3A_627 : memref<1x20x101xf32, #tpu.memory_space<hbm>> -> memref<20x101xf32, #tpu.memory_space<hbm>>
      %dma_start3A_629 = arith.constant 0 : i32
      %dma_start3A_630 = arith.constant 0 : i32
      %dma_start3A_631 = tpu.memref_slice %arg3[%add3A_265, %dma_start3A_629, %dma_start3A_630] : memref<1024x20x101xf32, #tpu.memory_space<hbm>> -> memref<1x20x101xf32, #tpu.memory_space<hbm>>
      %dma_start3A_632 = tpu.memref_squeeze %dma_start3A_631 : memref<1x20x101xf32, #tpu.memory_space<hbm>> -> memref<20x101xf32, #tpu.memory_space<hbm>>
      tpu.enqueue_dma source(%arg9 : memref<20x101xf32, #tpu.memory_space<vmem>>) target(%dma_start3A_632 : memref<20x101xf32, #tpu.memory_space<hbm>>) target_semaphore(%arg11 : memref<!tpu.dma_semaphore, #tpu.memory_space<semaphore_mem>>)
      %dma_start3A_633 = arith.constant 0 : i32
      %dma_start3A_634 = arith.constant 0 : i32
      %dma_start3A_635 = tpu.memref_slice %arg3[%add3A_269, %dma_start3A_633, %dma_start3A_634] : memref<1024x20x101xf32, #tpu.memory_space<hbm>> -> memref<1x20x101xf32, #tpu.memory_space<hbm>>
      %dma_start3A_636 = tpu.memref_squeeze %dma_start3A_635 : memref<1x20x101xf32, #tpu.memory_space<hbm>> -> memref<20x101xf32, #tpu.memory_space<hbm>>
      %dma_start3A_637 = arith.constant 0 : i32
      %dma_start3A_638 = arith.constant 0 : i32
      %dma_start3A_639 = tpu.memref_slice %arg3[%add3A_269, %dma_start3A_637, %dma_start3A_638] : memref<1024x20x101xf32, #tpu.memory_space<hbm>> -> memref<1x20x101xf32, #tpu.memory_space<hbm>>
      %dma_start3A_640 = tpu.memref_squeeze %dma_start3A_639 : memref<1x20x101xf32, #tpu.memory_space<hbm>> -> memref<20x101xf32, #tpu.memory_space<hbm>>
      tpu.enqueue_dma source(%arg9 : memref<20x101xf32, #tpu.memory_space<vmem>>) target(%dma_start3A_640 : memref<20x101xf32, #tpu.memory_space<hbm>>) target_semaphore(%arg11 : memref<!tpu.dma_semaphore, #tpu.memory_space<semaphore_mem>>)
      %dma_start3A_641 = arith.constant 0 : i32
      %dma_start3A_642 = arith.constant 0 : i32
      %dma_start3A_643 = tpu.memref_slice %arg3[%add3A_273, %dma_start3A_641, %dma_start3A_642] : memref<1024x20x101xf32, #tpu.memory_space<hbm>> -> memref<1x20x101xf32, #tpu.memory_space<hbm>>
      %dma_start3A_644 = tpu.memref_squeeze %dma_start3A_643 : memref<1x20x101xf32, #tpu.memory_space<hbm>> -> memref<20x101xf32, #tpu.memory_space<hbm>>
      %dma_start3A_645 = arith.constant 0 : i32
      %dma_start3A_646 = arith.constant 0 : i32
      %dma_start3A_647 = tpu.memref_slice %arg3[%add3A_273, %dma_start3A_645, %dma_start3A_646] : memref<1024x20x101xf32, #tpu.memory_space<hbm>> -> memref<1x20x101xf32, #tpu.memory_space<hbm>>
      %dma_start3A_648 = tpu.memref_squeeze %dma_start3A_647 : memref<1x20x101xf32, #tpu.memory_space<hbm>> -> memref<20x101xf32, #tpu.memory_space<hbm>>
      tpu.enqueue_dma source(%arg9 : memref<20x101xf32, #tpu.memory_space<vmem>>) target(%dma_start3A_648 : memref<20x101xf32, #tpu.memory_space<hbm>>) target_semaphore(%arg11 : memref<!tpu.dma_semaphore, #tpu.memory_space<semaphore_mem>>)
      %dma_start3A_649 = arith.constant 0 : i32
      %dma_start3A_650 = arith.constant 0 : i32
      %dma_start3A_651 = tpu.memref_slice %arg3[%add3A_277, %dma_start3A_649, %dma_start3A_650] : memref<1024x20x101xf32, #tpu.memory_space<hbm>> -> memref<1x20x101xf32, #tpu.memory_space<hbm>>
      %dma_start3A_652 = tpu.memref_squeeze %dma_start3A_651 : memref<1x20x101xf32, #tpu.memory_space<hbm>> -> memref<20x101xf32, #tpu.memory_space<hbm>>
      %dma_start3A_653 = arith.constant 0 : i32
      %dma_start3A_654 = arith.constant 0 : i32
      %dma_start3A_655 = tpu.memref_slice %arg3[%add3A_277, %dma_start3A_653, %dma_start3A_654] : memref<1024x20x101xf32, #tpu.memory_space<hbm>> -> memref<1x20x101xf32, #tpu.memory_space<hbm>>
      %dma_start3A_656 = tpu.memref_squeeze %dma_start3A_655 : memref<1x20x101xf32, #tpu.memory_space<hbm>> -> memref<20x101xf32, #tpu.memory_space<hbm>>
      tpu.enqueue_dma source(%arg9 : memref<20x101xf32, #tpu.memory_space<vmem>>) target(%dma_start3A_656 : memref<20x101xf32, #tpu.memory_space<hbm>>) target_semaphore(%arg11 : memref<!tpu.dma_semaphore, #tpu.memory_space<semaphore_mem>>)
      %dma_start3A_657 = arith.constant 0 : i32
      %dma_start3A_658 = arith.constant 0 : i32
      %dma_start3A_659 = tpu.memref_slice %arg3[%add3A_281, %dma_start3A_657, %dma_start3A_658] : memref<1024x20x101xf32, #tpu.memory_space<hbm>> -> memref<1x20x101xf32, #tpu.memory_space<hbm>>
      %dma_start3A_660 = tpu.memref_squeeze %dma_start3A_659 : memref<1x20x101xf32, #tpu.memory_space<hbm>> -> memref<20x101xf32, #tpu.memory_space<hbm>>
      %dma_start3A_661 = arith.constant 0 : i32
      %dma_start3A_662 = arith.constant 0 : i32
      %dma_start3A_663 = tpu.memref_slice %arg3[%add3A_281, %dma_start3A_661, %dma_start3A_662] : memref<1024x20x101xf32, #tpu.memory_space<hbm>> -> memref<1x20x101xf32, #tpu.memory_space<hbm>>
      %dma_start3A_664 = tpu.memref_squeeze %dma_start3A_663 : memref<1x20x101xf32, #tpu.memory_space<hbm>> -> memref<20x101xf32, #tpu.memory_space<hbm>>
      tpu.enqueue_dma source(%arg9 : memref<20x101xf32, #tpu.memory_space<vmem>>) target(%dma_start3A_664 : memref<20x101xf32, #tpu.memory_space<hbm>>) target_semaphore(%arg11 : memref<!tpu.dma_semaphore, #tpu.memory_space<semaphore_mem>>)
      %dma_start3A_665 = arith.constant 0 : i32
      %dma_start3A_666 = arith.constant 0 : i32
      %dma_start3A_667 = tpu.memref_slice %arg3[%add3A_285, %dma_start3A_665, %dma_start3A_666] : memref<1024x20x101xf32, #tpu.memory_space<hbm>> -> memref<1x20x101xf32, #tpu.memory_space<hbm>>
      %dma_start3A_668 = tpu.memref_squeeze %dma_start3A_667 : memref<1x20x101xf32, #tpu.memory_space<hbm>> -> memref<20x101xf32, #tpu.memory_space<hbm>>
      %dma_start3A_669 = arith.constant 0 : i32
      %dma_start3A_670 = arith.constant 0 : i32
      %dma_start3A_671 = tpu.memref_slice %arg3[%add3A_285, %dma_start3A_669, %dma_start3A_670] : memref<1024x20x101xf32, #tpu.memory_space<hbm>> -> memref<1x20x101xf32, #tpu.memory_space<hbm>>
      %dma_start3A_672 = tpu.memref_squeeze %dma_start3A_671 : memref<1x20x101xf32, #tpu.memory_space<hbm>> -> memref<20x101xf32, #tpu.memory_space<hbm>>
      tpu.enqueue_dma source(%arg9 : memref<20x101xf32, #tpu.memory_space<vmem>>) target(%dma_start3A_672 : memref<20x101xf32, #tpu.memory_space<hbm>>) target_semaphore(%arg11 : memref<!tpu.dma_semaphore, #tpu.memory_space<semaphore_mem>>)
      %dma_start3A_673 = arith.constant 0 : i32
      %dma_start3A_674 = arith.constant 0 : i32
      %dma_start3A_675 = tpu.memref_slice %arg3[%add3A_289, %dma_start3A_673, %dma_start3A_674] : memref<1024x20x101xf32, #tpu.memory_space<hbm>> -> memref<1x20x101xf32, #tpu.memory_space<hbm>>
      %dma_start3A_676 = tpu.memref_squeeze %dma_start3A_675 : memref<1x20x101xf32, #tpu.memory_space<hbm>> -> memref<20x101xf32, #tpu.memory_space<hbm>>
      %dma_start3A_677 = arith.constant 0 : i32
      %dma_start3A_678 = arith.constant 0 : i32
      %dma_start3A_679 = tpu.memref_slice %arg3[%add3A_289, %dma_start3A_677, %dma_start3A_678] : memref<1024x20x101xf32, #tpu.memory_space<hbm>> -> memref<1x20x101xf32, #tpu.memory_space<hbm>>
      %dma_start3A_680 = tpu.memref_squeeze %dma_start3A_679 : memref<1x20x101xf32, #tpu.memory_space<hbm>> -> memref<20x101xf32, #tpu.memory_space<hbm>>
      tpu.enqueue_dma source(%arg9 : memref<20x101xf32, #tpu.memory_space<vmem>>) target(%dma_start3A_680 : memref<20x101xf32, #tpu.memory_space<hbm>>) target_semaphore(%arg11 : memref<!tpu.dma_semaphore, #tpu.memory_space<semaphore_mem>>)
      %dma_start3A_681 = arith.constant 0 : i32
      %dma_start3A_682 = arith.constant 0 : i32
      %dma_start3A_683 = tpu.memref_slice %arg3[%add3A_293, %dma_start3A_681, %dma_start3A_682] : memref<1024x20x101xf32, #tpu.memory_space<hbm>> -> memref<1x20x101xf32, #tpu.memory_space<hbm>>
      %dma_start3A_684 = tpu.memref_squeeze %dma_start3A_683 : memref<1x20x101xf32, #tpu.memory_space<hbm>> -> memref<20x101xf32, #tpu.memory_space<hbm>>
      %dma_start3A_685 = arith.constant 0 : i32
      %dma_start3A_686 = arith.constant 0 : i32
      %dma_start3A_687 = tpu.memref_slice %arg3[%add3A_293, %dma_start3A_685, %dma_start3A_686] : memref<1024x20x101xf32, #tpu.memory_space<hbm>> -> memref<1x20x101xf32, #tpu.memory_space<hbm>>
      %dma_start3A_688 = tpu.memref_squeeze %dma_start3A_687 : memref<1x20x101xf32, #tpu.memory_space<hbm>> -> memref<20x101xf32, #tpu.memory_space<hbm>>
      tpu.enqueue_dma source(%arg9 : memref<20x101xf32, #tpu.memory_space<vmem>>) target(%dma_start3A_688 : memref<20x101xf32, #tpu.memory_space<hbm>>) target_semaphore(%arg11 : memref<!tpu.dma_semaphore, #tpu.memory_space<semaphore_mem>>)
      %dma_start3A_689 = arith.constant 0 : i32
      %dma_start3A_690 = arith.constant 0 : i32
      %dma_start3A_691 = tpu.memref_slice %arg3[%add3A_297, %dma_start3A_689, %dma_start3A_690] : memref<1024x20x101xf32, #tpu.memory_space<hbm>> -> memref<1x20x101xf32, #tpu.memory_space<hbm>>
      %dma_start3A_692 = tpu.memref_squeeze %dma_start3A_691 : memref<1x20x101xf32, #tpu.memory_space<hbm>> -> memref<20x101xf32, #tpu.memory_space<hbm>>
      %dma_start3A_693 = arith.constant 0 : i32
      %dma_start3A_694 = arith.constant 0 : i32
      %dma_start3A_695 = tpu.memref_slice %arg3[%add3A_297, %dma_start3A_693, %dma_start3A_694] : memref<1024x20x101xf32, #tpu.memory_space<hbm>> -> memref<1x20x101xf32, #tpu.memory_space<hbm>>
      %dma_start3A_696 = tpu.memref_squeeze %dma_start3A_695 : memref<1x20x101xf32, #tpu.memory_space<hbm>> -> memref<20x101xf32, #tpu.memory_space<hbm>>
      tpu.enqueue_dma source(%arg9 : memref<20x101xf32, #tpu.memory_space<vmem>>) target(%dma_start3A_696 : memref<20x101xf32, #tpu.memory_space<hbm>>) target_semaphore(%arg11 : memref<!tpu.dma_semaphore, #tpu.memory_space<semaphore_mem>>)
      %dma_start3A_697 = arith.constant 0 : i32
      %dma_start3A_698 = arith.constant 0 : i32
      %dma_start3A_699 = tpu.memref_slice %arg3[%add3A_301, %dma_start3A_697, %dma_start3A_698] : memref<1024x20x101xf32, #tpu.memory_space<hbm>> -> memref<1x20x101xf32, #tpu.memory_space<hbm>>
      %dma_start3A_700 = tpu.memref_squeeze %dma_start3A_699 : memref<1x20x101xf32, #tpu.memory_space<hbm>> -> memref<20x101xf32, #tpu.memory_space<hbm>>
      %dma_start3A_701 = arith.constant 0 : i32
      %dma_start3A_702 = arith.constant 0 : i32
      %dma_start3A_703 = tpu.memref_slice %arg3[%add3A_301, %dma_start3A_701, %dma_start3A_702] : memref<1024x20x101xf32, #tpu.memory_space<hbm>> -> memref<1x20x101xf32, #tpu.memory_space<hbm>>
      %dma_start3A_704 = tpu.memref_squeeze %dma_start3A_703 : memref<1x20x101xf32, #tpu.memory_space<hbm>> -> memref<20x101xf32, #tpu.memory_space<hbm>>
      tpu.enqueue_dma source(%arg9 : memref<20x101xf32, #tpu.memory_space<vmem>>) target(%dma_start3A_704 : memref<20x101xf32, #tpu.memory_space<hbm>>) target_semaphore(%arg11 : memref<!tpu.dma_semaphore, #tpu.memory_space<semaphore_mem>>)
      %dma_start3A_705 = arith.constant 0 : i32
      %dma_start3A_706 = arith.constant 0 : i32
      %dma_start3A_707 = tpu.memref_slice %arg3[%add3A_305, %dma_start3A_705, %dma_start3A_706] : memref<1024x20x101xf32, #tpu.memory_space<hbm>> -> memref<1x20x101xf32, #tpu.memory_space<hbm>>
      %dma_start3A_708 = tpu.memref_squeeze %dma_start3A_707 : memref<1x20x101xf32, #tpu.memory_space<hbm>> -> memref<20x101xf32, #tpu.memory_space<hbm>>
      %dma_start3A_709 = arith.constant 0 : i32
      %dma_start3A_710 = arith.constant 0 : i32
      %dma_start3A_711 = tpu.memref_slice %arg3[%add3A_305, %dma_start3A_709, %dma_start3A_710] : memref<1024x20x101xf32, #tpu.memory_space<hbm>> -> memref<1x20x101xf32, #tpu.memory_space<hbm>>
      %dma_start3A_712 = tpu.memref_squeeze %dma_start3A_711 : memref<1x20x101xf32, #tpu.memory_space<hbm>> -> memref<20x101xf32, #tpu.memory_space<hbm>>
      tpu.enqueue_dma source(%arg9 : memref<20x101xf32, #tpu.memory_space<vmem>>) target(%dma_start3A_712 : memref<20x101xf32, #tpu.memory_space<hbm>>) target_semaphore(%arg11 : memref<!tpu.dma_semaphore, #tpu.memory_space<semaphore_mem>>)
      %dma_start3A_713 = arith.constant 0 : i32
      %dma_start3A_714 = arith.constant 0 : i32
      %dma_start3A_715 = tpu.memref_slice %arg3[%add3A_309, %dma_start3A_713, %dma_start3A_714] : memref<1024x20x101xf32, #tpu.memory_space<hbm>> -> memref<1x20x101xf32, #tpu.memory_space<hbm>>
      %dma_start3A_716 = tpu.memref_squeeze %dma_start3A_715 : memref<1x20x101xf32, #tpu.memory_space<hbm>> -> memref<20x101xf32, #tpu.memory_space<hbm>>
      %dma_start3A_717 = arith.constant 0 : i32
      %dma_start3A_718 = arith.constant 0 : i32
      %dma_start3A_719 = tpu.memref_slice %arg3[%add3A_309, %dma_start3A_717, %dma_start3A_718] : memref<1024x20x101xf32, #tpu.memory_space<hbm>> -> memref<1x20x101xf32, #tpu.memory_space<hbm>>
      %dma_start3A_720 = tpu.memref_squeeze %dma_start3A_719 : memref<1x20x101xf32, #tpu.memory_space<hbm>> -> memref<20x101xf32, #tpu.memory_space<hbm>>
      tpu.enqueue_dma source(%arg9 : memref<20x101xf32, #tpu.memory_space<vmem>>) target(%dma_start3A_720 : memref<20x101xf32, #tpu.memory_space<hbm>>) target_semaphore(%arg11 : memref<!tpu.dma_semaphore, #tpu.memory_space<semaphore_mem>>)
      %dma_start3A_721 = arith.constant 0 : i32
      %dma_start3A_722 = arith.constant 0 : i32
      %dma_start3A_723 = tpu.memref_slice %arg3[%add3A_313, %dma_start3A_721, %dma_start3A_722] : memref<1024x20x101xf32, #tpu.memory_space<hbm>> -> memref<1x20x101xf32, #tpu.memory_space<hbm>>
      %dma_start3A_724 = tpu.memref_squeeze %dma_start3A_723 : memref<1x20x101xf32, #tpu.memory_space<hbm>> -> memref<20x101xf32, #tpu.memory_space<hbm>>
      %dma_start3A_725 = arith.constant 0 : i32
      %dma_start3A_726 = arith.constant 0 : i32
      %dma_start3A_727 = tpu.memref_slice %arg3[%add3A_313, %dma_start3A_725, %dma_start3A_726] : memref<1024x20x101xf32, #tpu.memory_space<hbm>> -> memref<1x20x101xf32, #tpu.memory_space<hbm>>
      %dma_start3A_728 = tpu.memref_squeeze %dma_start3A_727 : memref<1x20x101xf32, #tpu.memory_space<hbm>> -> memref<20x101xf32, #tpu.memory_space<hbm>>
      tpu.enqueue_dma source(%arg9 : memref<20x101xf32, #tpu.memory_space<vmem>>) target(%dma_start3A_728 : memref<20x101xf32, #tpu.memory_space<hbm>>) target_semaphore(%arg11 : memref<!tpu.dma_semaphore, #tpu.memory_space<semaphore_mem>>)
      %dma_start3A_729 = arith.constant 0 : i32
      %dma_start3A_730 = arith.constant 0 : i32
      %dma_start3A_731 = tpu.memref_slice %arg3[%add3A_317, %dma_start3A_729, %dma_start3A_730] : memref<1024x20x101xf32, #tpu.memory_space<hbm>> -> memref<1x20x101xf32, #tpu.memory_space<hbm>>
      %dma_start3A_732 = tpu.memref_squeeze %dma_start3A_731 : memref<1x20x101xf32, #tpu.memory_space<hbm>> -> memref<20x101xf32, #tpu.memory_space<hbm>>
      %dma_start3A_733 = arith.constant 0 : i32
      %dma_start3A_734 = arith.constant 0 : i32
      %dma_start3A_735 = tpu.memref_slice %arg3[%add3A_317, %dma_start3A_733, %dma_start3A_734] : memref<1024x20x101xf32, #tpu.memory_space<hbm>> -> memref<1x20x101xf32, #tpu.memory_space<hbm>>
      %dma_start3A_736 = tpu.memref_squeeze %dma_start3A_735 : memref<1x20x101xf32, #tpu.memory_space<hbm>> -> memref<20x101xf32, #tpu.memory_space<hbm>>
      tpu.enqueue_dma source(%arg9 : memref<20x101xf32, #tpu.memory_space<vmem>>) target(%dma_start3A_736 : memref<20x101xf32, #tpu.memory_space<hbm>>) target_semaphore(%arg11 : memref<!tpu.dma_semaphore, #tpu.memory_space<semaphore_mem>>)
      %dma_start3A_737 = arith.constant 0 : i32
      %dma_start3A_738 = arith.constant 0 : i32
      %dma_start3A_739 = tpu.memref_slice %arg3[%add3A_321, %dma_start3A_737, %dma_start3A_738] : memref<1024x20x101xf32, #tpu.memory_space<hbm>> -> memref<1x20x101xf32, #tpu.memory_space<hbm>>
      %dma_start3A_740 = tpu.memref_squeeze %dma_start3A_739 : memref<1x20x101xf32, #tpu.memory_space<hbm>> -> memref<20x101xf32, #tpu.memory_space<hbm>>
      %dma_start3A_741 = arith.constant 0 : i32
      %dma_start3A_742 = arith.constant 0 : i32
      %dma_start3A_743 = tpu.memref_slice %arg3[%add3A_321, %dma_start3A_741, %dma_start3A_742] : memref<1024x20x101xf32, #tpu.memory_space<hbm>> -> memref<1x20x101xf32, #tpu.memory_space<hbm>>
      %dma_start3A_744 = tpu.memref_squeeze %dma_start3A_743 : memref<1x20x101xf32, #tpu.memory_space<hbm>> -> memref<20x101xf32, #tpu.memory_space<hbm>>
      tpu.enqueue_dma source(%arg9 : memref<20x101xf32, #tpu.memory_space<vmem>>) target(%dma_start3A_744 : memref<20x101xf32, #tpu.memory_space<hbm>>) target_semaphore(%arg11 : memref<!tpu.dma_semaphore, #tpu.memory_space<semaphore_mem>>)
      %dma_start3A_745 = arith.constant 0 : i32
      %dma_start3A_746 = arith.constant 0 : i32
      %dma_start3A_747 = tpu.memref_slice %arg3[%add3A_325, %dma_start3A_745, %dma_start3A_746] : memref<1024x20x101xf32, #tpu.memory_space<hbm>> -> memref<1x20x101xf32, #tpu.memory_space<hbm>>
      %dma_start3A_748 = tpu.memref_squeeze %dma_start3A_747 : memref<1x20x101xf32, #tpu.memory_space<hbm>> -> memref<20x101xf32, #tpu.memory_space<hbm>>
      %dma_start3A_749 = arith.constant 0 : i32
      %dma_start3A_750 = arith.constant 0 : i32
      %dma_start3A_751 = tpu.memref_slice %arg3[%add3A_325, %dma_start3A_749, %dma_start3A_750] : memref<1024x20x101xf32, #tpu.memory_space<hbm>> -> memref<1x20x101xf32, #tpu.memory_space<hbm>>
      %dma_start3A_752 = tpu.memref_squeeze %dma_start3A_751 : memref<1x20x101xf32, #tpu.memory_space<hbm>> -> memref<20x101xf32, #tpu.memory_space<hbm>>
      tpu.enqueue_dma source(%arg9 : memref<20x101xf32, #tpu.memory_space<vmem>>) target(%dma_start3A_752 : memref<20x101xf32, #tpu.memory_space<hbm>>) target_semaphore(%arg11 : memref<!tpu.dma_semaphore, #tpu.memory_space<semaphore_mem>>)
      %dma_start3A_753 = arith.constant 0 : i32
      %dma_start3A_754 = arith.constant 0 : i32
      %dma_start3A_755 = tpu.memref_slice %arg3[%add3A_329, %dma_start3A_753, %dma_start3A_754] : memref<1024x20x101xf32, #tpu.memory_space<hbm>> -> memref<1x20x101xf32, #tpu.memory_space<hbm>>
      %dma_start3A_756 = tpu.memref_squeeze %dma_start3A_755 : memref<1x20x101xf32, #tpu.memory_space<hbm>> -> memref<20x101xf32, #tpu.memory_space<hbm>>
      %dma_start3A_757 = arith.constant 0 : i32
      %dma_start3A_758 = arith.constant 0 : i32
      %dma_start3A_759 = tpu.memref_slice %arg3[%add3A_329, %dma_start3A_757, %dma_start3A_758] : memref<1024x20x101xf32, #tpu.memory_space<hbm>> -> memref<1x20x101xf32, #tpu.memory_space<hbm>>
      %dma_start3A_760 = tpu.memref_squeeze %dma_start3A_759 : memref<1x20x101xf32, #tpu.memory_space<hbm>> -> memref<20x101xf32, #tpu.memory_space<hbm>>
      tpu.enqueue_dma source(%arg9 : memref<20x101xf32, #tpu.memory_space<vmem>>) target(%dma_start3A_760 : memref<20x101xf32, #tpu.memory_space<hbm>>) target_semaphore(%arg11 : memref<!tpu.dma_semaphore, #tpu.memory_space<semaphore_mem>>)
      %dma_start3A_761 = arith.constant 0 : i32
      %dma_start3A_762 = arith.constant 0 : i32
      %dma_start3A_763 = tpu.memref_slice %arg3[%add3A_333, %dma_start3A_761, %dma_start3A_762] : memref<1024x20x101xf32, #tpu.memory_space<hbm>> -> memref<1x20x101xf32, #tpu.memory_space<hbm>>
      %dma_start3A_764 = tpu.memref_squeeze %dma_start3A_763 : memref<1x20x101xf32, #tpu.memory_space<hbm>> -> memref<20x101xf32, #tpu.memory_space<hbm>>
      %dma_start3A_765 = arith.constant 0 : i32
      %dma_start3A_766 = arith.constant 0 : i32
      %dma_start3A_767 = tpu.memref_slice %arg3[%add3A_333, %dma_start3A_765, %dma_start3A_766] : memref<1024x20x101xf32, #tpu.memory_space<hbm>> -> memref<1x20x101xf32, #tpu.memory_space<hbm>>
      %dma_start3A_768 = tpu.memref_squeeze %dma_start3A_767 : memref<1x20x101xf32, #tpu.memory_space<hbm>> -> memref<20x101xf32, #tpu.memory_space<hbm>>
      tpu.enqueue_dma source(%arg9 : memref<20x101xf32, #tpu.memory_space<vmem>>) target(%dma_start3A_768 : memref<20x101xf32, #tpu.memory_space<hbm>>) target_semaphore(%arg11 : memref<!tpu.dma_semaphore, #tpu.memory_space<semaphore_mem>>)
      %dma_start3A_769 = arith.constant 0 : i32
      %dma_start3A_770 = arith.constant 0 : i32
      %dma_start3A_771 = tpu.memref_slice %arg3[%add3A_337, %dma_start3A_769, %dma_start3A_770] : memref<1024x20x101xf32, #tpu.memory_space<hbm>> -> memref<1x20x101xf32, #tpu.memory_space<hbm>>
      %dma_start3A_772 = tpu.memref_squeeze %dma_start3A_771 : memref<1x20x101xf32, #tpu.memory_space<hbm>> -> memref<20x101xf32, #tpu.memory_space<hbm>>
      %dma_start3A_773 = arith.constant 0 : i32
      %dma_start3A_774 = arith.constant 0 : i32
      %dma_start3A_775 = tpu.memref_slice %arg3[%add3A_337, %dma_start3A_773, %dma_start3A_774] : memref<1024x20x101xf32, #tpu.memory_space<hbm>> -> memref<1x20x101xf32, #tpu.memory_space<hbm>>
      %dma_start3A_776 = tpu.memref_squeeze %dma_start3A_775 : memref<1x20x101xf32, #tpu.memory_space<hbm>> -> memref<20x101xf32, #tpu.memory_space<hbm>>
      tpu.enqueue_dma source(%arg9 : memref<20x101xf32, #tpu.memory_space<vmem>>) target(%dma_start3A_776 : memref<20x101xf32, #tpu.memory_space<hbm>>) target_semaphore(%arg11 : memref<!tpu.dma_semaphore, #tpu.memory_space<semaphore_mem>>)
      %dma_start3A_777 = arith.constant 0 : i32
      %dma_start3A_778 = arith.constant 0 : i32
      %dma_start3A_779 = tpu.memref_slice %arg3[%add3A_341, %dma_start3A_777, %dma_start3A_778] : memref<1024x20x101xf32, #tpu.memory_space<hbm>> -> memref<1x20x101xf32, #tpu.memory_space<hbm>>
      %dma_start3A_780 = tpu.memref_squeeze %dma_start3A_779 : memref<1x20x101xf32, #tpu.memory_space<hbm>> -> memref<20x101xf32, #tpu.memory_space<hbm>>
      %dma_start3A_781 = arith.constant 0 : i32
      %dma_start3A_782 = arith.constant 0 : i32
      %dma_start3A_783 = tpu.memref_slice %arg3[%add3A_341, %dma_start3A_781, %dma_start3A_782] : memref<1024x20x101xf32, #tpu.memory_space<hbm>> -> memref<1x20x101xf32, #tpu.memory_space<hbm>>
      %dma_start3A_784 = tpu.memref_squeeze %dma_start3A_783 : memref<1x20x101xf32, #tpu.memory_space<hbm>> -> memref<20x101xf32, #tpu.memory_space<hbm>>
      tpu.enqueue_dma source(%arg9 : memref<20x101xf32, #tpu.memory_space<vmem>>) target(%dma_start3A_784 : memref<20x101xf32, #tpu.memory_space<hbm>>) target_semaphore(%arg11 : memref<!tpu.dma_semaphore, #tpu.memory_space<semaphore_mem>>)
      %dma_start3A_785 = arith.constant 0 : i32
      %dma_start3A_786 = arith.constant 0 : i32
      %dma_start3A_787 = tpu.memref_slice %arg3[%add3A_345, %dma_start3A_785, %dma_start3A_786] : memref<1024x20x101xf32, #tpu.memory_space<hbm>> -> memref<1x20x101xf32, #tpu.memory_space<hbm>>
      %dma_start3A_788 = tpu.memref_squeeze %dma_start3A_787 : memref<1x20x101xf32, #tpu.memory_space<hbm>> -> memref<20x101xf32, #tpu.memory_space<hbm>>
      %dma_start3A_789 = arith.constant 0 : i32
      %dma_start3A_790 = arith.constant 0 : i32
      %dma_start3A_791 = tpu.memref_slice %arg3[%add3A_345, %dma_start3A_789, %dma_start3A_790] : memref<1024x20x101xf32, #tpu.memory_space<hbm>> -> memref<1x20x101xf32, #tpu.memory_space<hbm>>
      %dma_start3A_792 = tpu.memref_squeeze %dma_start3A_791 : memref<1x20x101xf32, #tpu.memory_space<hbm>> -> memref<20x101xf32, #tpu.memory_space<hbm>>
      tpu.enqueue_dma source(%arg9 : memref<20x101xf32, #tpu.memory_space<vmem>>) target(%dma_start3A_792 : memref<20x101xf32, #tpu.memory_space<hbm>>) target_semaphore(%arg11 : memref<!tpu.dma_semaphore, #tpu.memory_space<semaphore_mem>>)
      %dma_start3A_793 = arith.constant 0 : i32
      %dma_start3A_794 = arith.constant 0 : i32
      %dma_start3A_795 = tpu.memref_slice %arg3[%add3A_349, %dma_start3A_793, %dma_start3A_794] : memref<1024x20x101xf32, #tpu.memory_space<hbm>> -> memref<1x20x101xf32, #tpu.memory_space<hbm>>
      %dma_start3A_796 = tpu.memref_squeeze %dma_start3A_795 : memref<1x20x101xf32, #tpu.memory_space<hbm>> -> memref<20x101xf32, #tpu.memory_space<hbm>>
      %dma_start3A_797 = arith.constant 0 : i32
      %dma_start3A_798 = arith.constant 0 : i32
      %dma_start3A_799 = tpu.memref_slice %arg3[%add3A_349, %dma_start3A_797, %dma_start3A_798] : memref<1024x20x101xf32, #tpu.memory_space<hbm>> -> memref<1x20x101xf32, #tpu.memory_space<hbm>>
      %dma_start3A_800 = tpu.memref_squeeze %dma_start3A_799 : memref<1x20x101xf32, #tpu.memory_space<hbm>> -> memref<20x101xf32, #tpu.memory_space<hbm>>
      tpu.enqueue_dma source(%arg9 : memref<20x101xf32, #tpu.memory_space<vmem>>) target(%dma_start3A_800 : memref<20x101xf32, #tpu.memory_space<hbm>>) target_semaphore(%arg11 : memref<!tpu.dma_semaphore, #tpu.memory_space<semaphore_mem>>)
      %dma_start3A_801 = arith.constant 0 : i32
      %dma_start3A_802 = arith.constant 0 : i32
      %dma_start3A_803 = tpu.memref_slice %arg3[%add3A_353, %dma_start3A_801, %dma_start3A_802] : memref<1024x20x101xf32, #tpu.memory_space<hbm>> -> memref<1x20x101xf32, #tpu.memory_space<hbm>>
      %dma_start3A_804 = tpu.memref_squeeze %dma_start3A_803 : memref<1x20x101xf32, #tpu.memory_space<hbm>> -> memref<20x101xf32, #tpu.memory_space<hbm>>
      %dma_start3A_805 = arith.constant 0 : i32
      %dma_start3A_806 = arith.constant 0 : i32
      %dma_start3A_807 = tpu.memref_slice %arg3[%add3A_353, %dma_start3A_805, %dma_start3A_806] : memref<1024x20x101xf32, #tpu.memory_space<hbm>> -> memref<1x20x101xf32, #tpu.memory_space<hbm>>
      %dma_start3A_808 = tpu.memref_squeeze %dma_start3A_807 : memref<1x20x101xf32, #tpu.memory_space<hbm>> -> memref<20x101xf32, #tpu.memory_space<hbm>>
      tpu.enqueue_dma source(%arg9 : memref<20x101xf32, #tpu.memory_space<vmem>>) target(%dma_start3A_808 : memref<20x101xf32, #tpu.memory_space<hbm>>) target_semaphore(%arg11 : memref<!tpu.dma_semaphore, #tpu.memory_space<semaphore_mem>>)
      %dma_start3A_809 = arith.constant 0 : i32
      %dma_start3A_810 = arith.constant 0 : i32
      %dma_start3A_811 = tpu.memref_slice %arg3[%add3A_357, %dma_start3A_809, %dma_start3A_810] : memref<1024x20x101xf32, #tpu.memory_space<hbm>> -> memref<1x20x101xf32, #tpu.memory_space<hbm>>
      %dma_start3A_812 = tpu.memref_squeeze %dma_start3A_811 : memref<1x20x101xf32, #tpu.memory_space<hbm>> -> memref<20x101xf32, #tpu.memory_space<hbm>>
      %dma_start3A_813 = arith.constant 0 : i32
      %dma_start3A_814 = arith.constant 0 : i32
      %dma_start3A_815 = tpu.memref_slice %arg3[%add3A_357, %dma_start3A_813, %dma_start3A_814] : memref<1024x20x101xf32, #tpu.memory_space<hbm>> -> memref<1x20x101xf32, #tpu.memory_space<hbm>>
      %dma_start3A_816 = tpu.memref_squeeze %dma_start3A_815 : memref<1x20x101xf32, #tpu.memory_space<hbm>> -> memref<20x101xf32, #tpu.memory_space<hbm>>
      tpu.enqueue_dma source(%arg9 : memref<20x101xf32, #tpu.memory_space<vmem>>) target(%dma_start3A_816 : memref<20x101xf32, #tpu.memory_space<hbm>>) target_semaphore(%arg11 : memref<!tpu.dma_semaphore, #tpu.memory_space<semaphore_mem>>)
      %dma_start3A_817 = arith.constant 0 : i32
      %dma_start3A_818 = arith.constant 0 : i32
      %dma_start3A_819 = tpu.memref_slice %arg3[%add3A_361, %dma_start3A_817, %dma_start3A_818] : memref<1024x20x101xf32, #tpu.memory_space<hbm>> -> memref<1x20x101xf32, #tpu.memory_space<hbm>>
      %dma_start3A_820 = tpu.memref_squeeze %dma_start3A_819 : memref<1x20x101xf32, #tpu.memory_space<hbm>> -> memref<20x101xf32, #tpu.memory_space<hbm>>
      %dma_start3A_821 = arith.constant 0 : i32
      %dma_start3A_822 = arith.constant 0 : i32
      %dma_start3A_823 = tpu.memref_slice %arg3[%add3A_361, %dma_start3A_821, %dma_start3A_822] : memref<1024x20x101xf32, #tpu.memory_space<hbm>> -> memref<1x20x101xf32, #tpu.memory_space<hbm>>
      %dma_start3A_824 = tpu.memref_squeeze %dma_start3A_823 : memref<1x20x101xf32, #tpu.memory_space<hbm>> -> memref<20x101xf32, #tpu.memory_space<hbm>>
      tpu.enqueue_dma source(%arg9 : memref<20x101xf32, #tpu.memory_space<vmem>>) target(%dma_start3A_824 : memref<20x101xf32, #tpu.memory_space<hbm>>) target_semaphore(%arg11 : memref<!tpu.dma_semaphore, #tpu.memory_space<semaphore_mem>>)
      %dma_start3A_825 = arith.constant 0 : i32
      %dma_start3A_826 = arith.constant 0 : i32
      %dma_start3A_827 = tpu.memref_slice %arg3[%add3A_365, %dma_start3A_825, %dma_start3A_826] : memref<1024x20x101xf32, #tpu.memory_space<hbm>> -> memref<1x20x101xf32, #tpu.memory_space<hbm>>
      %dma_start3A_828 = tpu.memref_squeeze %dma_start3A_827 : memref<1x20x101xf32, #tpu.memory_space<hbm>> -> memref<20x101xf32, #tpu.memory_space<hbm>>
      %dma_start3A_829 = arith.constant 0 : i32
      %dma_start3A_830 = arith.constant 0 : i32
      %dma_start3A_831 = tpu.memref_slice %arg3[%add3A_365, %dma_start3A_829, %dma_start3A_830] : memref<1024x20x101xf32, #tpu.memory_space<hbm>> -> memref<1x20x101xf32, #tpu.memory_space<hbm>>
      %dma_start3A_832 = tpu.memref_squeeze %dma_start3A_831 : memref<1x20x101xf32, #tpu.memory_space<hbm>> -> memref<20x101xf32, #tpu.memory_space<hbm>>
      tpu.enqueue_dma source(%arg9 : memref<20x101xf32, #tpu.memory_space<vmem>>) target(%dma_start3A_832 : memref<20x101xf32, #tpu.memory_space<hbm>>) target_semaphore(%arg11 : memref<!tpu.dma_semaphore, #tpu.memory_space<semaphore_mem>>)
      %dma_start3A_833 = arith.constant 0 : i32
      %dma_start3A_834 = arith.constant 0 : i32
      %dma_start3A_835 = tpu.memref_slice %arg3[%add3A_369, %dma_start3A_833, %dma_start3A_834] : memref<1024x20x101xf32, #tpu.memory_space<hbm>> -> memref<1x20x101xf32, #tpu.memory_space<hbm>>
      %dma_start3A_836 = tpu.memref_squeeze %dma_start3A_835 : memref<1x20x101xf32, #tpu.memory_space<hbm>> -> memref<20x101xf32, #tpu.memory_space<hbm>>
      %dma_start3A_837 = arith.constant 0 : i32
      %dma_start3A_838 = arith.constant 0 : i32
      %dma_start3A_839 = tpu.memref_slice %arg3[%add3A_369, %dma_start3A_837, %dma_start3A_838] : memref<1024x20x101xf32, #tpu.memory_space<hbm>> -> memref<1x20x101xf32, #tpu.memory_space<hbm>>
      %dma_start3A_840 = tpu.memref_squeeze %dma_start3A_839 : memref<1x20x101xf32, #tpu.memory_space<hbm>> -> memref<20x101xf32, #tpu.memory_space<hbm>>
      tpu.enqueue_dma source(%arg9 : memref<20x101xf32, #tpu.memory_space<vmem>>) target(%dma_start3A_840 : memref<20x101xf32, #tpu.memory_space<hbm>>) target_semaphore(%arg11 : memref<!tpu.dma_semaphore, #tpu.memory_space<semaphore_mem>>)
      %dma_start3A_841 = arith.constant 0 : i32
      %dma_start3A_842 = arith.constant 0 : i32
      %dma_start3A_843 = tpu.memref_slice %arg3[%add3A_373, %dma_start3A_841, %dma_start3A_842] : memref<1024x20x101xf32, #tpu.memory_space<hbm>> -> memref<1x20x101xf32, #tpu.memory_space<hbm>>
      %dma_start3A_844 = tpu.memref_squeeze %dma_start3A_843 : memref<1x20x101xf32, #tpu.memory_space<hbm>> -> memref<20x101xf32, #tpu.memory_space<hbm>>
      %dma_start3A_845 = arith.constant 0 : i32
      %dma_start3A_846 = arith.constant 0 : i32
      %dma_start3A_847 = tpu.memref_slice %arg3[%add3A_373, %dma_start3A_845, %dma_start3A_846] : memref<1024x20x101xf32, #tpu.memory_space<hbm>> -> memref<1x20x101xf32, #tpu.memory_space<hbm>>
      %dma_start3A_848 = tpu.memref_squeeze %dma_start3A_847 : memref<1x20x101xf32, #tpu.memory_space<hbm>> -> memref<20x101xf32, #tpu.memory_space<hbm>>
      tpu.enqueue_dma source(%arg9 : memref<20x101xf32, #tpu.memory_space<vmem>>) target(%dma_start3A_848 : memref<20x101xf32, #tpu.memory_space<hbm>>) target_semaphore(%arg11 : memref<!tpu.dma_semaphore, #tpu.memory_space<semaphore_mem>>)
      %dma_start3A_849 = arith.constant 0 : i32
      %dma_start3A_850 = arith.constant 0 : i32
      %dma_start3A_851 = tpu.memref_slice %arg3[%add3A_377, %dma_start3A_849, %dma_start3A_850] : memref<1024x20x101xf32, #tpu.memory_space<hbm>> -> memref<1x20x101xf32, #tpu.memory_space<hbm>>
      %dma_start3A_852 = tpu.memref_squeeze %dma_start3A_851 : memref<1x20x101xf32, #tpu.memory_space<hbm>> -> memref<20x101xf32, #tpu.memory_space<hbm>>
      %dma_start3A_853 = arith.constant 0 : i32
      %dma_start3A_854 = arith.constant 0 : i32
      %dma_start3A_855 = tpu.memref_slice %arg3[%add3A_377, %dma_start3A_853, %dma_start3A_854] : memref<1024x20x101xf32, #tpu.memory_space<hbm>> -> memref<1x20x101xf32, #tpu.memory_space<hbm>>
      %dma_start3A_856 = tpu.memref_squeeze %dma_start3A_855 : memref<1x20x101xf32, #tpu.memory_space<hbm>> -> memref<20x101xf32, #tpu.memory_space<hbm>>
      tpu.enqueue_dma source(%arg9 : memref<20x101xf32, #tpu.memory_space<vmem>>) target(%dma_start3A_856 : memref<20x101xf32, #tpu.memory_space<hbm>>) target_semaphore(%arg11 : memref<!tpu.dma_semaphore, #tpu.memory_space<semaphore_mem>>)
      %dma_start3A_857 = arith.constant 0 : i32
      %dma_start3A_858 = arith.constant 0 : i32
      %dma_start3A_859 = tpu.memref_slice %arg3[%add3A_381, %dma_start3A_857, %dma_start3A_858] : memref<1024x20x101xf32, #tpu.memory_space<hbm>> -> memref<1x20x101xf32, #tpu.memory_space<hbm>>
      %dma_start3A_860 = tpu.memref_squeeze %dma_start3A_859 : memref<1x20x101xf32, #tpu.memory_space<hbm>> -> memref<20x101xf32, #tpu.memory_space<hbm>>
      %dma_start3A_861 = arith.constant 0 : i32
      %dma_start3A_862 = arith.constant 0 : i32
      %dma_start3A_863 = tpu.memref_slice %arg3[%add3A_381, %dma_start3A_861, %dma_start3A_862] : memref<1024x20x101xf32, #tpu.memory_space<hbm>> -> memref<1x20x101xf32, #tpu.memory_space<hbm>>
      %dma_start3A_864 = tpu.memref_squeeze %dma_start3A_863 : memref<1x20x101xf32, #tpu.memory_space<hbm>> -> memref<20x101xf32, #tpu.memory_space<hbm>>
      tpu.enqueue_dma source(%arg9 : memref<20x101xf32, #tpu.memory_space<vmem>>) target(%dma_start3A_864 : memref<20x101xf32, #tpu.memory_space<hbm>>) target_semaphore(%arg11 : memref<!tpu.dma_semaphore, #tpu.memory_space<semaphore_mem>>)
      %dma_start3A_865 = arith.constant 0 : i32
      %dma_start3A_866 = arith.constant 0 : i32
      %dma_start3A_867 = tpu.memref_slice %arg3[%add3A_385, %dma_start3A_865, %dma_start3A_866] : memref<1024x20x101xf32, #tpu.memory_space<hbm>> -> memref<1x20x101xf32, #tpu.memory_space<hbm>>
      %dma_start3A_868 = tpu.memref_squeeze %dma_start3A_867 : memref<1x20x101xf32, #tpu.memory_space<hbm>> -> memref<20x101xf32, #tpu.memory_space<hbm>>
      %dma_start3A_869 = arith.constant 0 : i32
      %dma_start3A_870 = arith.constant 0 : i32
      %dma_start3A_871 = tpu.memref_slice %arg3[%add3A_385, %dma_start3A_869, %dma_start3A_870] : memref<1024x20x101xf32, #tpu.memory_space<hbm>> -> memref<1x20x101xf32, #tpu.memory_space<hbm>>
      %dma_start3A_872 = tpu.memref_squeeze %dma_start3A_871 : memref<1x20x101xf32, #tpu.memory_space<hbm>> -> memref<20x101xf32, #tpu.memory_space<hbm>>
      tpu.enqueue_dma source(%arg9 : memref<20x101xf32, #tpu.memory_space<vmem>>) target(%dma_start3A_872 : memref<20x101xf32, #tpu.memory_space<hbm>>) target_semaphore(%arg11 : memref<!tpu.dma_semaphore, #tpu.memory_space<semaphore_mem>>)
      %dma_start3A_873 = arith.constant 0 : i32
      %dma_start3A_874 = arith.constant 0 : i32
      %dma_start3A_875 = tpu.memref_slice %arg3[%add3A_389, %dma_start3A_873, %dma_start3A_874] : memref<1024x20x101xf32, #tpu.memory_space<hbm>> -> memref<1x20x101xf32, #tpu.memory_space<hbm>>
      %dma_start3A_876 = tpu.memref_squeeze %dma_start3A_875 : memref<1x20x101xf32, #tpu.memory_space<hbm>> -> memref<20x101xf32, #tpu.memory_space<hbm>>
      %dma_start3A_877 = arith.constant 0 : i32
      %dma_start3A_878 = arith.constant 0 : i32
      %dma_start3A_879 = tpu.memref_slice %arg3[%add3A_389, %dma_start3A_877, %dma_start3A_878] : memref<1024x20x101xf32, #tpu.memory_space<hbm>> -> memref<1x20x101xf32, #tpu.memory_space<hbm>>
      %dma_start3A_880 = tpu.memref_squeeze %dma_start3A_879 : memref<1x20x101xf32, #tpu.memory_space<hbm>> -> memref<20x101xf32, #tpu.memory_space<hbm>>
      tpu.enqueue_dma source(%arg9 : memref<20x101xf32, #tpu.memory_space<vmem>>) target(%dma_start3A_880 : memref<20x101xf32, #tpu.memory_space<hbm>>) target_semaphore(%arg11 : memref<!tpu.dma_semaphore, #tpu.memory_space<semaphore_mem>>)
      %dma_start3A_881 = arith.constant 0 : i32
      %dma_start3A_882 = arith.constant 0 : i32
      %dma_start3A_883 = tpu.memref_slice %arg3[%add3A_393, %dma_start3A_881, %dma_start3A_882] : memref<1024x20x101xf32, #tpu.memory_space<hbm>> -> memref<1x20x101xf32, #tpu.memory_space<hbm>>
      %dma_start3A_884 = tpu.memref_squeeze %dma_start3A_883 : memref<1x20x101xf32, #tpu.memory_space<hbm>> -> memref<20x101xf32, #tpu.memory_space<hbm>>
      %dma_start3A_885 = arith.constant 0 : i32
      %dma_start3A_886 = arith.constant 0 : i32
      %dma_start3A_887 = tpu.memref_slice %arg3[%add3A_393, %dma_start3A_885, %dma_start3A_886] : memref<1024x20x101xf32, #tpu.memory_space<hbm>> -> memref<1x20x101xf32, #tpu.memory_space<hbm>>
      %dma_start3A_888 = tpu.memref_squeeze %dma_start3A_887 : memref<1x20x101xf32, #tpu.memory_space<hbm>> -> memref<20x101xf32, #tpu.memory_space<hbm>>
      tpu.enqueue_dma source(%arg9 : memref<20x101xf32, #tpu.memory_space<vmem>>) target(%dma_start3A_888 : memref<20x101xf32, #tpu.memory_space<hbm>>) target_semaphore(%arg11 : memref<!tpu.dma_semaphore, #tpu.memory_space<semaphore_mem>>)
      %dma_start3A_889 = arith.constant 0 : i32
      %dma_start3A_890 = arith.constant 0 : i32
      %dma_start3A_891 = tpu.memref_slice %arg3[%add3A_397, %dma_start3A_889, %dma_start3A_890] : memref<1024x20x101xf32, #tpu.memory_space<hbm>> -> memref<1x20x101xf32, #tpu.memory_space<hbm>>
      %dma_start3A_892 = tpu.memref_squeeze %dma_start3A_891 : memref<1x20x101xf32, #tpu.memory_space<hbm>> -> memref<20x101xf32, #tpu.memory_space<hbm>>
      %dma_start3A_893 = arith.constant 0 : i32
      %dma_start3A_894 = arith.constant 0 : i32
      %dma_start3A_895 = tpu.memref_slice %arg3[%add3A_397, %dma_start3A_893, %dma_start3A_894] : memref<1024x20x101xf32, #tpu.memory_space<hbm>> -> memref<1x20x101xf32, #tpu.memory_space<hbm>>
      %dma_start3A_896 = tpu.memref_squeeze %dma_start3A_895 : memref<1x20x101xf32, #tpu.memory_space<hbm>> -> memref<20x101xf32, #tpu.memory_space<hbm>>
      tpu.enqueue_dma source(%arg9 : memref<20x101xf32, #tpu.memory_space<vmem>>) target(%dma_start3A_896 : memref<20x101xf32, #tpu.memory_space<hbm>>) target_semaphore(%arg11 : memref<!tpu.dma_semaphore, #tpu.memory_space<semaphore_mem>>)
      %dma_start3A_897 = arith.constant 0 : i32
      %dma_start3A_898 = arith.constant 0 : i32
      %dma_start3A_899 = tpu.memref_slice %arg3[%add3A_401, %dma_start3A_897, %dma_start3A_898] : memref<1024x20x101xf32, #tpu.memory_space<hbm>> -> memref<1x20x101xf32, #tpu.memory_space<hbm>>
      %dma_start3A_900 = tpu.memref_squeeze %dma_start3A_899 : memref<1x20x101xf32, #tpu.memory_space<hbm>> -> memref<20x101xf32, #tpu.memory_space<hbm>>
      %dma_start3A_901 = arith.constant 0 : i32
      %dma_start3A_902 = arith.constant 0 : i32
      %dma_start3A_903 = tpu.memref_slice %arg3[%add3A_401, %dma_start3A_901, %dma_start3A_902] : memref<1024x20x101xf32, #tpu.memory_space<hbm>> -> memref<1x20x101xf32, #tpu.memory_space<hbm>>
      %dma_start3A_904 = tpu.memref_squeeze %dma_start3A_903 : memref<1x20x101xf32, #tpu.memory_space<hbm>> -> memref<20x101xf32, #tpu.memory_space<hbm>>
      tpu.enqueue_dma source(%arg9 : memref<20x101xf32, #tpu.memory_space<vmem>>) target(%dma_start3A_904 : memref<20x101xf32, #tpu.memory_space<hbm>>) target_semaphore(%arg11 : memref<!tpu.dma_semaphore, #tpu.memory_space<semaphore_mem>>)
      %dma_start3A_905 = arith.constant 0 : i32
      %dma_start3A_906 = arith.constant 0 : i32
      %dma_start3A_907 = tpu.memref_slice %arg3[%add3A_405, %dma_start3A_905, %dma_start3A_906] : memref<1024x20x101xf32, #tpu.memory_space<hbm>> -> memref<1x20x101xf32, #tpu.memory_space<hbm>>
      %dma_start3A_908 = tpu.memref_squeeze %dma_start3A_907 : memref<1x20x101xf32, #tpu.memory_space<hbm>> -> memref<20x101xf32, #tpu.memory_space<hbm>>
      %dma_start3A_909 = arith.constant 0 : i32
      %dma_start3A_910 = arith.constant 0 : i32
      %dma_start3A_911 = tpu.memref_slice %arg3[%add3A_405, %dma_start3A_909, %dma_start3A_910] : memref<1024x20x101xf32, #tpu.memory_space<hbm>> -> memref<1x20x101xf32, #tpu.memory_space<hbm>>
      %dma_start3A_912 = tpu.memref_squeeze %dma_start3A_911 : memref<1x20x101xf32, #tpu.memory_space<hbm>> -> memref<20x101xf32, #tpu.memory_space<hbm>>
      tpu.enqueue_dma source(%arg9 : memref<20x101xf32, #tpu.memory_space<vmem>>) target(%dma_start3A_912 : memref<20x101xf32, #tpu.memory_space<hbm>>) target_semaphore(%arg11 : memref<!tpu.dma_semaphore, #tpu.memory_space<semaphore_mem>>)
      %dma_start3A_913 = arith.constant 0 : i32
      %dma_start3A_914 = arith.constant 0 : i32
      %dma_start3A_915 = tpu.memref_slice %arg3[%add3A_409, %dma_start3A_913, %dma_start3A_914] : memref<1024x20x101xf32, #tpu.memory_space<hbm>> -> memref<1x20x101xf32, #tpu.memory_space<hbm>>
      %dma_start3A_916 = tpu.memref_squeeze %dma_start3A_915 : memref<1x20x101xf32, #tpu.memory_space<hbm>> -> memref<20x101xf32, #tpu.memory_space<hbm>>
      %dma_start3A_917 = arith.constant 0 : i32
      %dma_start3A_918 = arith.constant 0 : i32
      %dma_start3A_919 = tpu.memref_slice %arg3[%add3A_409, %dma_start3A_917, %dma_start3A_918] : memref<1024x20x101xf32, #tpu.memory_space<hbm>> -> memref<1x20x101xf32, #tpu.memory_space<hbm>>
      %dma_start3A_920 = tpu.memref_squeeze %dma_start3A_919 : memref<1x20x101xf32, #tpu.memory_space<hbm>> -> memref<20x101xf32, #tpu.memory_space<hbm>>
      tpu.enqueue_dma source(%arg9 : memref<20x101xf32, #tpu.memory_space<vmem>>) target(%dma_start3A_920 : memref<20x101xf32, #tpu.memory_space<hbm>>) target_semaphore(%arg11 : memref<!tpu.dma_semaphore, #tpu.memory_space<semaphore_mem>>)
      %dma_wait3A = arith.constant 0 : i32
      %dma_wait3A_921 = arith.constant 0 : i32
      %dma_wait3A_922 = tpu.memref_slice %arg3[%add3A_157, %dma_wait3A, %dma_wait3A_921] : memref<1024x20x101xf32, #tpu.memory_space<hbm>> -> memref<1x20x101xf32, #tpu.memory_space<hbm>>
      %dma_wait3A_923 = tpu.memref_squeeze %dma_wait3A_922 : memref<1x20x101xf32, #tpu.memory_space<hbm>> -> memref<20x101xf32, #tpu.memory_space<hbm>>
      %dma_wait3A_924 = arith.constant 0 : i32
      %dma_wait3A_925 = arith.constant 0 : i32
      %dma_wait3A_926 = tpu.memref_slice %arg3[%add3A_157, %dma_wait3A_924, %dma_wait3A_925] : memref<1024x20x101xf32, #tpu.memory_space<hbm>> -> memref<1x20x101xf32, #tpu.memory_space<hbm>>
      %dma_wait3A_927 = tpu.memref_squeeze %dma_wait3A_926 : memref<1x20x101xf32, #tpu.memory_space<hbm>> -> memref<20x101xf32, #tpu.memory_space<hbm>>
      tpu.wait_dma2 semaphore(%arg11 : memref<!tpu.dma_semaphore, #tpu.memory_space<semaphore_mem>>) src(%arg9 : memref<20x101xf32, #tpu.memory_space<vmem>>) dst(%dma_wait3A_927 : memref<20x101xf32, #tpu.memory_space<hbm>>)
      %dma_wait3A_928 = arith.constant 0 : i32
      %dma_wait3A_929 = arith.constant 0 : i32
      %dma_wait3A_930 = tpu.memref_slice %arg3[%add3A_161, %dma_wait3A_928, %dma_wait3A_929] : memref<1024x20x101xf32, #tpu.memory_space<hbm>> -> memref<1x20x101xf32, #tpu.memory_space<hbm>>
      %dma_wait3A_931 = tpu.memref_squeeze %dma_wait3A_930 : memref<1x20x101xf32, #tpu.memory_space<hbm>> -> memref<20x101xf32, #tpu.memory_space<hbm>>
      %dma_wait3A_932 = arith.constant 0 : i32
      %dma_wait3A_933 = arith.constant 0 : i32
      %dma_wait3A_934 = tpu.memref_slice %arg3[%add3A_161, %dma_wait3A_932, %dma_wait3A_933] : memref<1024x20x101xf32, #tpu.memory_space<hbm>> -> memref<1x20x101xf32, #tpu.memory_space<hbm>>
      %dma_wait3A_935 = tpu.memref_squeeze %dma_wait3A_934 : memref<1x20x101xf32, #tpu.memory_space<hbm>> -> memref<20x101xf32, #tpu.memory_space<hbm>>
      tpu.wait_dma2 semaphore(%arg11 : memref<!tpu.dma_semaphore, #tpu.memory_space<semaphore_mem>>) src(%arg9 : memref<20x101xf32, #tpu.memory_space<vmem>>) dst(%dma_wait3A_935 : memref<20x101xf32, #tpu.memory_space<hbm>>)
      %dma_wait3A_936 = arith.constant 0 : i32
      %dma_wait3A_937 = arith.constant 0 : i32
      %dma_wait3A_938 = tpu.memref_slice %arg3[%add3A_165, %dma_wait3A_936, %dma_wait3A_937] : memref<1024x20x101xf32, #tpu.memory_space<hbm>> -> memref<1x20x101xf32, #tpu.memory_space<hbm>>
      %dma_wait3A_939 = tpu.memref_squeeze %dma_wait3A_938 : memref<1x20x101xf32, #tpu.memory_space<hbm>> -> memref<20x101xf32, #tpu.memory_space<hbm>>
      %dma_wait3A_940 = arith.constant 0 : i32
      %dma_wait3A_941 = arith.constant 0 : i32
      %dma_wait3A_942 = tpu.memref_slice %arg3[%add3A_165, %dma_wait3A_940, %dma_wait3A_941] : memref<1024x20x101xf32, #tpu.memory_space<hbm>> -> memref<1x20x101xf32, #tpu.memory_space<hbm>>
      %dma_wait3A_943 = tpu.memref_squeeze %dma_wait3A_942 : memref<1x20x101xf32, #tpu.memory_space<hbm>> -> memref<20x101xf32, #tpu.memory_space<hbm>>
      tpu.wait_dma2 semaphore(%arg11 : memref<!tpu.dma_semaphore, #tpu.memory_space<semaphore_mem>>) src(%arg9 : memref<20x101xf32, #tpu.memory_space<vmem>>) dst(%dma_wait3A_943 : memref<20x101xf32, #tpu.memory_space<hbm>>)
      %dma_wait3A_944 = arith.constant 0 : i32
      %dma_wait3A_945 = arith.constant 0 : i32
      %dma_wait3A_946 = tpu.memref_slice %arg3[%add3A_169, %dma_wait3A_944, %dma_wait3A_945] : memref<1024x20x101xf32, #tpu.memory_space<hbm>> -> memref<1x20x101xf32, #tpu.memory_space<hbm>>
      %dma_wait3A_947 = tpu.memref_squeeze %dma_wait3A_946 : memref<1x20x101xf32, #tpu.memory_space<hbm>> -> memref<20x101xf32, #tpu.memory_space<hbm>>
      %dma_wait3A_948 = arith.constant 0 : i32
      %dma_wait3A_949 = arith.constant 0 : i32
      %dma_wait3A_950 = tpu.memref_slice %arg3[%add3A_169, %dma_wait3A_948, %dma_wait3A_949] : memref<1024x20x101xf32, #tpu.memory_space<hbm>> -> memref<1x20x101xf32, #tpu.memory_space<hbm>>
      %dma_wait3A_951 = tpu.memref_squeeze %dma_wait3A_950 : memref<1x20x101xf32, #tpu.memory_space<hbm>> -> memref<20x101xf32, #tpu.memory_space<hbm>>
      tpu.wait_dma2 semaphore(%arg11 : memref<!tpu.dma_semaphore, #tpu.memory_space<semaphore_mem>>) src(%arg9 : memref<20x101xf32, #tpu.memory_space<vmem>>) dst(%dma_wait3A_951 : memref<20x101xf32, #tpu.memory_space<hbm>>)
      %dma_wait3A_952 = arith.constant 0 : i32
      %dma_wait3A_953 = arith.constant 0 : i32
      %dma_wait3A_954 = tpu.memref_slice %arg3[%add3A_173, %dma_wait3A_952, %dma_wait3A_953] : memref<1024x20x101xf32, #tpu.memory_space<hbm>> -> memref<1x20x101xf32, #tpu.memory_space<hbm>>
      %dma_wait3A_955 = tpu.memref_squeeze %dma_wait3A_954 : memref<1x20x101xf32, #tpu.memory_space<hbm>> -> memref<20x101xf32, #tpu.memory_space<hbm>>
      %dma_wait3A_956 = arith.constant 0 : i32
      %dma_wait3A_957 = arith.constant 0 : i32
      %dma_wait3A_958 = tpu.memref_slice %arg3[%add3A_173, %dma_wait3A_956, %dma_wait3A_957] : memref<1024x20x101xf32, #tpu.memory_space<hbm>> -> memref<1x20x101xf32, #tpu.memory_space<hbm>>
      %dma_wait3A_959 = tpu.memref_squeeze %dma_wait3A_958 : memref<1x20x101xf32, #tpu.memory_space<hbm>> -> memref<20x101xf32, #tpu.memory_space<hbm>>
      tpu.wait_dma2 semaphore(%arg11 : memref<!tpu.dma_semaphore, #tpu.memory_space<semaphore_mem>>) src(%arg9 : memref<20x101xf32, #tpu.memory_space<vmem>>) dst(%dma_wait3A_959 : memref<20x101xf32, #tpu.memory_space<hbm>>)
      %dma_wait3A_960 = arith.constant 0 : i32
      %dma_wait3A_961 = arith.constant 0 : i32
      %dma_wait3A_962 = tpu.memref_slice %arg3[%add3A_177, %dma_wait3A_960, %dma_wait3A_961] : memref<1024x20x101xf32, #tpu.memory_space<hbm>> -> memref<1x20x101xf32, #tpu.memory_space<hbm>>
      %dma_wait3A_963 = tpu.memref_squeeze %dma_wait3A_962 : memref<1x20x101xf32, #tpu.memory_space<hbm>> -> memref<20x101xf32, #tpu.memory_space<hbm>>
      %dma_wait3A_964 = arith.constant 0 : i32
      %dma_wait3A_965 = arith.constant 0 : i32
      %dma_wait3A_966 = tpu.memref_slice %arg3[%add3A_177, %dma_wait3A_964, %dma_wait3A_965] : memref<1024x20x101xf32, #tpu.memory_space<hbm>> -> memref<1x20x101xf32, #tpu.memory_space<hbm>>
      %dma_wait3A_967 = tpu.memref_squeeze %dma_wait3A_966 : memref<1x20x101xf32, #tpu.memory_space<hbm>> -> memref<20x101xf32, #tpu.memory_space<hbm>>
      tpu.wait_dma2 semaphore(%arg11 : memref<!tpu.dma_semaphore, #tpu.memory_space<semaphore_mem>>) src(%arg9 : memref<20x101xf32, #tpu.memory_space<vmem>>) dst(%dma_wait3A_967 : memref<20x101xf32, #tpu.memory_space<hbm>>)
      %dma_wait3A_968 = arith.constant 0 : i32
      %dma_wait3A_969 = arith.constant 0 : i32
      %dma_wait3A_970 = tpu.memref_slice %arg3[%add3A_181, %dma_wait3A_968, %dma_wait3A_969] : memref<1024x20x101xf32, #tpu.memory_space<hbm>> -> memref<1x20x101xf32, #tpu.memory_space<hbm>>
      %dma_wait3A_971 = tpu.memref_squeeze %dma_wait3A_970 : memref<1x20x101xf32, #tpu.memory_space<hbm>> -> memref<20x101xf32, #tpu.memory_space<hbm>>
      %dma_wait3A_972 = arith.constant 0 : i32
      %dma_wait3A_973 = arith.constant 0 : i32
      %dma_wait3A_974 = tpu.memref_slice %arg3[%add3A_181, %dma_wait3A_972, %dma_wait3A_973] : memref<1024x20x101xf32, #tpu.memory_space<hbm>> -> memref<1x20x101xf32, #tpu.memory_space<hbm>>
      %dma_wait3A_975 = tpu.memref_squeeze %dma_wait3A_974 : memref<1x20x101xf32, #tpu.memory_space<hbm>> -> memref<20x101xf32, #tpu.memory_space<hbm>>
      tpu.wait_dma2 semaphore(%arg11 : memref<!tpu.dma_semaphore, #tpu.memory_space<semaphore_mem>>) src(%arg9 : memref<20x101xf32, #tpu.memory_space<vmem>>) dst(%dma_wait3A_975 : memref<20x101xf32, #tpu.memory_space<hbm>>)
      %dma_wait3A_976 = arith.constant 0 : i32
      %dma_wait3A_977 = arith.constant 0 : i32
      %dma_wait3A_978 = tpu.memref_slice %arg3[%add3A_185, %dma_wait3A_976, %dma_wait3A_977] : memref<1024x20x101xf32, #tpu.memory_space<hbm>> -> memref<1x20x101xf32, #tpu.memory_space<hbm>>
      %dma_wait3A_979 = tpu.memref_squeeze %dma_wait3A_978 : memref<1x20x101xf32, #tpu.memory_space<hbm>> -> memref<20x101xf32, #tpu.memory_space<hbm>>
      %dma_wait3A_980 = arith.constant 0 : i32
      %dma_wait3A_981 = arith.constant 0 : i32
      %dma_wait3A_982 = tpu.memref_slice %arg3[%add3A_185, %dma_wait3A_980, %dma_wait3A_981] : memref<1024x20x101xf32, #tpu.memory_space<hbm>> -> memref<1x20x101xf32, #tpu.memory_space<hbm>>
      %dma_wait3A_983 = tpu.memref_squeeze %dma_wait3A_982 : memref<1x20x101xf32, #tpu.memory_space<hbm>> -> memref<20x101xf32, #tpu.memory_space<hbm>>
      tpu.wait_dma2 semaphore(%arg11 : memref<!tpu.dma_semaphore, #tpu.memory_space<semaphore_mem>>) src(%arg9 : memref<20x101xf32, #tpu.memory_space<vmem>>) dst(%dma_wait3A_983 : memref<20x101xf32, #tpu.memory_space<hbm>>)
      %dma_wait3A_984 = arith.constant 0 : i32
      %dma_wait3A_985 = arith.constant 0 : i32
      %dma_wait3A_986 = tpu.memref_slice %arg3[%add3A_189, %dma_wait3A_984, %dma_wait3A_985] : memref<1024x20x101xf32, #tpu.memory_space<hbm>> -> memref<1x20x101xf32, #tpu.memory_space<hbm>>
      %dma_wait3A_987 = tpu.memref_squeeze %dma_wait3A_986 : memref<1x20x101xf32, #tpu.memory_space<hbm>> -> memref<20x101xf32, #tpu.memory_space<hbm>>
      %dma_wait3A_988 = arith.constant 0 : i32
      %dma_wait3A_989 = arith.constant 0 : i32
      %dma_wait3A_990 = tpu.memref_slice %arg3[%add3A_189, %dma_wait3A_988, %dma_wait3A_989] : memref<1024x20x101xf32, #tpu.memory_space<hbm>> -> memref<1x20x101xf32, #tpu.memory_space<hbm>>
      %dma_wait3A_991 = tpu.memref_squeeze %dma_wait3A_990 : memref<1x20x101xf32, #tpu.memory_space<hbm>> -> memref<20x101xf32, #tpu.memory_space<hbm>>
      tpu.wait_dma2 semaphore(%arg11 : memref<!tpu.dma_semaphore, #tpu.memory_space<semaphore_mem>>) src(%arg9 : memref<20x101xf32, #tpu.memory_space<vmem>>) dst(%dma_wait3A_991 : memref<20x101xf32, #tpu.memory_space<hbm>>)
      %dma_wait3A_992 = arith.constant 0 : i32
      %dma_wait3A_993 = arith.constant 0 : i32
      %dma_wait3A_994 = tpu.memref_slice %arg3[%add3A_193, %dma_wait3A_992, %dma_wait3A_993] : memref<1024x20x101xf32, #tpu.memory_space<hbm>> -> memref<1x20x101xf32, #tpu.memory_space<hbm>>
      %dma_wait3A_995 = tpu.memref_squeeze %dma_wait3A_994 : memref<1x20x101xf32, #tpu.memory_space<hbm>> -> memref<20x101xf32, #tpu.memory_space<hbm>>
      %dma_wait3A_996 = arith.constant 0 : i32
      %dma_wait3A_997 = arith.constant 0 : i32
      %dma_wait3A_998 = tpu.memref_slice %arg3[%add3A_193, %dma_wait3A_996, %dma_wait3A_997] : memref<1024x20x101xf32, #tpu.memory_space<hbm>> -> memref<1x20x101xf32, #tpu.memory_space<hbm>>
      %dma_wait3A_999 = tpu.memref_squeeze %dma_wait3A_998 : memref<1x20x101xf32, #tpu.memory_space<hbm>> -> memref<20x101xf32, #tpu.memory_space<hbm>>
      tpu.wait_dma2 semaphore(%arg11 : memref<!tpu.dma_semaphore, #tpu.memory_space<semaphore_mem>>) src(%arg9 : memref<20x101xf32, #tpu.memory_space<vmem>>) dst(%dma_wait3A_999 : memref<20x101xf32, #tpu.memory_space<hbm>>)
      %dma_wait3A_1000 = arith.constant 0 : i32
      %dma_wait3A_1001 = arith.constant 0 : i32
      %dma_wait3A_1002 = tpu.memref_slice %arg3[%add3A_197, %dma_wait3A_1000, %dma_wait3A_1001] : memref<1024x20x101xf32, #tpu.memory_space<hbm>> -> memref<1x20x101xf32, #tpu.memory_space<hbm>>
      %dma_wait3A_1003 = tpu.memref_squeeze %dma_wait3A_1002 : memref<1x20x101xf32, #tpu.memory_space<hbm>> -> memref<20x101xf32, #tpu.memory_space<hbm>>
      %dma_wait3A_1004 = arith.constant 0 : i32
      %dma_wait3A_1005 = arith.constant 0 : i32
      %dma_wait3A_1006 = tpu.memref_slice %arg3[%add3A_197, %dma_wait3A_1004, %dma_wait3A_1005] : memref<1024x20x101xf32, #tpu.memory_space<hbm>> -> memref<1x20x101xf32, #tpu.memory_space<hbm>>
      %dma_wait3A_1007 = tpu.memref_squeeze %dma_wait3A_1006 : memref<1x20x101xf32, #tpu.memory_space<hbm>> -> memref<20x101xf32, #tpu.memory_space<hbm>>
      tpu.wait_dma2 semaphore(%arg11 : memref<!tpu.dma_semaphore, #tpu.memory_space<semaphore_mem>>) src(%arg9 : memref<20x101xf32, #tpu.memory_space<vmem>>) dst(%dma_wait3A_1007 : memref<20x101xf32, #tpu.memory_space<hbm>>)
      %dma_wait3A_1008 = arith.constant 0 : i32
      %dma_wait3A_1009 = arith.constant 0 : i32
      %dma_wait3A_1010 = tpu.memref_slice %arg3[%add3A_201, %dma_wait3A_1008, %dma_wait3A_1009] : memref<1024x20x101xf32, #tpu.memory_space<hbm>> -> memref<1x20x101xf32, #tpu.memory_space<hbm>>
      %dma_wait3A_1011 = tpu.memref_squeeze %dma_wait3A_1010 : memref<1x20x101xf32, #tpu.memory_space<hbm>> -> memref<20x101xf32, #tpu.memory_space<hbm>>
      %dma_wait3A_1012 = arith.constant 0 : i32
      %dma_wait3A_1013 = arith.constant 0 : i32
      %dma_wait3A_1014 = tpu.memref_slice %arg3[%add3A_201, %dma_wait3A_1012, %dma_wait3A_1013] : memref<1024x20x101xf32, #tpu.memory_space<hbm>> -> memref<1x20x101xf32, #tpu.memory_space<hbm>>
      %dma_wait3A_1015 = tpu.memref_squeeze %dma_wait3A_1014 : memref<1x20x101xf32, #tpu.memory_space<hbm>> -> memref<20x101xf32, #tpu.memory_space<hbm>>
      tpu.wait_dma2 semaphore(%arg11 : memref<!tpu.dma_semaphore, #tpu.memory_space<semaphore_mem>>) src(%arg9 : memref<20x101xf32, #tpu.memory_space<vmem>>) dst(%dma_wait3A_1015 : memref<20x101xf32, #tpu.memory_space<hbm>>)
      %dma_wait3A_1016 = arith.constant 0 : i32
      %dma_wait3A_1017 = arith.constant 0 : i32
      %dma_wait3A_1018 = tpu.memref_slice %arg3[%add3A_205, %dma_wait3A_1016, %dma_wait3A_1017] : memref<1024x20x101xf32, #tpu.memory_space<hbm>> -> memref<1x20x101xf32, #tpu.memory_space<hbm>>
      %dma_wait3A_1019 = tpu.memref_squeeze %dma_wait3A_1018 : memref<1x20x101xf32, #tpu.memory_space<hbm>> -> memref<20x101xf32, #tpu.memory_space<hbm>>
      %dma_wait3A_1020 = arith.constant 0 : i32
      %dma_wait3A_1021 = arith.constant 0 : i32
      %dma_wait3A_1022 = tpu.memref_slice %arg3[%add3A_205, %dma_wait3A_1020, %dma_wait3A_1021] : memref<1024x20x101xf32, #tpu.memory_space<hbm>> -> memref<1x20x101xf32, #tpu.memory_space<hbm>>
      %dma_wait3A_1023 = tpu.memref_squeeze %dma_wait3A_1022 : memref<1x20x101xf32, #tpu.memory_space<hbm>> -> memref<20x101xf32, #tpu.memory_space<hbm>>
      tpu.wait_dma2 semaphore(%arg11 : memref<!tpu.dma_semaphore, #tpu.memory_space<semaphore_mem>>) src(%arg9 : memref<20x101xf32, #tpu.memory_space<vmem>>) dst(%dma_wait3A_1023 : memref<20x101xf32, #tpu.memory_space<hbm>>)
      %dma_wait3A_1024 = arith.constant 0 : i32
      %dma_wait3A_1025 = arith.constant 0 : i32
      %dma_wait3A_1026 = tpu.memref_slice %arg3[%add3A_209, %dma_wait3A_1024, %dma_wait3A_1025] : memref<1024x20x101xf32, #tpu.memory_space<hbm>> -> memref<1x20x101xf32, #tpu.memory_space<hbm>>
      %dma_wait3A_1027 = tpu.memref_squeeze %dma_wait3A_1026 : memref<1x20x101xf32, #tpu.memory_space<hbm>> -> memref<20x101xf32, #tpu.memory_space<hbm>>
      %dma_wait3A_1028 = arith.constant 0 : i32
      %dma_wait3A_1029 = arith.constant 0 : i32
      %dma_wait3A_1030 = tpu.memref_slice %arg3[%add3A_209, %dma_wait3A_1028, %dma_wait3A_1029] : memref<1024x20x101xf32, #tpu.memory_space<hbm>> -> memref<1x20x101xf32, #tpu.memory_space<hbm>>
      %dma_wait3A_1031 = tpu.memref_squeeze %dma_wait3A_1030 : memref<1x20x101xf32, #tpu.memory_space<hbm>> -> memref<20x101xf32, #tpu.memory_space<hbm>>
      tpu.wait_dma2 semaphore(%arg11 : memref<!tpu.dma_semaphore, #tpu.memory_space<semaphore_mem>>) src(%arg9 : memref<20x101xf32, #tpu.memory_space<vmem>>) dst(%dma_wait3A_1031 : memref<20x101xf32, #tpu.memory_space<hbm>>)
      %dma_wait3A_1032 = arith.constant 0 : i32
      %dma_wait3A_1033 = arith.constant 0 : i32
      %dma_wait3A_1034 = tpu.memref_slice %arg3[%add3A_213, %dma_wait3A_1032, %dma_wait3A_1033] : memref<1024x20x101xf32, #tpu.memory_space<hbm>> -> memref<1x20x101xf32, #tpu.memory_space<hbm>>
      %dma_wait3A_1035 = tpu.memref_squeeze %dma_wait3A_1034 : memref<1x20x101xf32, #tpu.memory_space<hbm>> -> memref<20x101xf32, #tpu.memory_space<hbm>>
      %dma_wait3A_1036 = arith.constant 0 : i32
      %dma_wait3A_1037 = arith.constant 0 : i32
      %dma_wait3A_1038 = tpu.memref_slice %arg3[%add3A_213, %dma_wait3A_1036, %dma_wait3A_1037] : memref<1024x20x101xf32, #tpu.memory_space<hbm>> -> memref<1x20x101xf32, #tpu.memory_space<hbm>>
      %dma_wait3A_1039 = tpu.memref_squeeze %dma_wait3A_1038 : memref<1x20x101xf32, #tpu.memory_space<hbm>> -> memref<20x101xf32, #tpu.memory_space<hbm>>
      tpu.wait_dma2 semaphore(%arg11 : memref<!tpu.dma_semaphore, #tpu.memory_space<semaphore_mem>>) src(%arg9 : memref<20x101xf32, #tpu.memory_space<vmem>>) dst(%dma_wait3A_1039 : memref<20x101xf32, #tpu.memory_space<hbm>>)
      %dma_wait3A_1040 = arith.constant 0 : i32
      %dma_wait3A_1041 = arith.constant 0 : i32
      %dma_wait3A_1042 = tpu.memref_slice %arg3[%add3A_217, %dma_wait3A_1040, %dma_wait3A_1041] : memref<1024x20x101xf32, #tpu.memory_space<hbm>> -> memref<1x20x101xf32, #tpu.memory_space<hbm>>
      %dma_wait3A_1043 = tpu.memref_squeeze %dma_wait3A_1042 : memref<1x20x101xf32, #tpu.memory_space<hbm>> -> memref<20x101xf32, #tpu.memory_space<hbm>>
      %dma_wait3A_1044 = arith.constant 0 : i32
      %dma_wait3A_1045 = arith.constant 0 : i32
      %dma_wait3A_1046 = tpu.memref_slice %arg3[%add3A_217, %dma_wait3A_1044, %dma_wait3A_1045] : memref<1024x20x101xf32, #tpu.memory_space<hbm>> -> memref<1x20x101xf32, #tpu.memory_space<hbm>>
      %dma_wait3A_1047 = tpu.memref_squeeze %dma_wait3A_1046 : memref<1x20x101xf32, #tpu.memory_space<hbm>> -> memref<20x101xf32, #tpu.memory_space<hbm>>
      tpu.wait_dma2 semaphore(%arg11 : memref<!tpu.dma_semaphore, #tpu.memory_space<semaphore_mem>>) src(%arg9 : memref<20x101xf32, #tpu.memory_space<vmem>>) dst(%dma_wait3A_1047 : memref<20x101xf32, #tpu.memory_space<hbm>>)
      %dma_wait3A_1048 = arith.constant 0 : i32
      %dma_wait3A_1049 = arith.constant 0 : i32
      %dma_wait3A_1050 = tpu.memref_slice %arg3[%add3A_221, %dma_wait3A_1048, %dma_wait3A_1049] : memref<1024x20x101xf32, #tpu.memory_space<hbm>> -> memref<1x20x101xf32, #tpu.memory_space<hbm>>
      %dma_wait3A_1051 = tpu.memref_squeeze %dma_wait3A_1050 : memref<1x20x101xf32, #tpu.memory_space<hbm>> -> memref<20x101xf32, #tpu.memory_space<hbm>>
      %dma_wait3A_1052 = arith.constant 0 : i32
      %dma_wait3A_1053 = arith.constant 0 : i32
      %dma_wait3A_1054 = tpu.memref_slice %arg3[%add3A_221, %dma_wait3A_1052, %dma_wait3A_1053] : memref<1024x20x101xf32, #tpu.memory_space<hbm>> -> memref<1x20x101xf32, #tpu.memory_space<hbm>>
      %dma_wait3A_1055 = tpu.memref_squeeze %dma_wait3A_1054 : memref<1x20x101xf32, #tpu.memory_space<hbm>> -> memref<20x101xf32, #tpu.memory_space<hbm>>
      tpu.wait_dma2 semaphore(%arg11 : memref<!tpu.dma_semaphore, #tpu.memory_space<semaphore_mem>>) src(%arg9 : memref<20x101xf32, #tpu.memory_space<vmem>>) dst(%dma_wait3A_1055 : memref<20x101xf32, #tpu.memory_space<hbm>>)
      %dma_wait3A_1056 = arith.constant 0 : i32
      %dma_wait3A_1057 = arith.constant 0 : i32
      %dma_wait3A_1058 = tpu.memref_slice %arg3[%add3A_225, %dma_wait3A_1056, %dma_wait3A_1057] : memref<1024x20x101xf32, #tpu.memory_space<hbm>> -> memref<1x20x101xf32, #tpu.memory_space<hbm>>
      %dma_wait3A_1059 = tpu.memref_squeeze %dma_wait3A_1058 : memref<1x20x101xf32, #tpu.memory_space<hbm>> -> memref<20x101xf32, #tpu.memory_space<hbm>>
      %dma_wait3A_1060 = arith.constant 0 : i32
      %dma_wait3A_1061 = arith.constant 0 : i32
      %dma_wait3A_1062 = tpu.memref_slice %arg3[%add3A_225, %dma_wait3A_1060, %dma_wait3A_1061] : memref<1024x20x101xf32, #tpu.memory_space<hbm>> -> memref<1x20x101xf32, #tpu.memory_space<hbm>>
      %dma_wait3A_1063 = tpu.memref_squeeze %dma_wait3A_1062 : memref<1x20x101xf32, #tpu.memory_space<hbm>> -> memref<20x101xf32, #tpu.memory_space<hbm>>
      tpu.wait_dma2 semaphore(%arg11 : memref<!tpu.dma_semaphore, #tpu.memory_space<semaphore_mem>>) src(%arg9 : memref<20x101xf32, #tpu.memory_space<vmem>>) dst(%dma_wait3A_1063 : memref<20x101xf32, #tpu.memory_space<hbm>>)
      %dma_wait3A_1064 = arith.constant 0 : i32
      %dma_wait3A_1065 = arith.constant 0 : i32
      %dma_wait3A_1066 = tpu.memref_slice %arg3[%add3A_229, %dma_wait3A_1064, %dma_wait3A_1065] : memref<1024x20x101xf32, #tpu.memory_space<hbm>> -> memref<1x20x101xf32, #tpu.memory_space<hbm>>
      %dma_wait3A_1067 = tpu.memref_squeeze %dma_wait3A_1066 : memref<1x20x101xf32, #tpu.memory_space<hbm>> -> memref<20x101xf32, #tpu.memory_space<hbm>>
      %dma_wait3A_1068 = arith.constant 0 : i32
      %dma_wait3A_1069 = arith.constant 0 : i32
      %dma_wait3A_1070 = tpu.memref_slice %arg3[%add3A_229, %dma_wait3A_1068, %dma_wait3A_1069] : memref<1024x20x101xf32, #tpu.memory_space<hbm>> -> memref<1x20x101xf32, #tpu.memory_space<hbm>>
      %dma_wait3A_1071 = tpu.memref_squeeze %dma_wait3A_1070 : memref<1x20x101xf32, #tpu.memory_space<hbm>> -> memref<20x101xf32, #tpu.memory_space<hbm>>
      tpu.wait_dma2 semaphore(%arg11 : memref<!tpu.dma_semaphore, #tpu.memory_space<semaphore_mem>>) src(%arg9 : memref<20x101xf32, #tpu.memory_space<vmem>>) dst(%dma_wait3A_1071 : memref<20x101xf32, #tpu.memory_space<hbm>>)
      %dma_wait3A_1072 = arith.constant 0 : i32
      %dma_wait3A_1073 = arith.constant 0 : i32
      %dma_wait3A_1074 = tpu.memref_slice %arg3[%add3A_233, %dma_wait3A_1072, %dma_wait3A_1073] : memref<1024x20x101xf32, #tpu.memory_space<hbm>> -> memref<1x20x101xf32, #tpu.memory_space<hbm>>
      %dma_wait3A_1075 = tpu.memref_squeeze %dma_wait3A_1074 : memref<1x20x101xf32, #tpu.memory_space<hbm>> -> memref<20x101xf32, #tpu.memory_space<hbm>>
      %dma_wait3A_1076 = arith.constant 0 : i32
      %dma_wait3A_1077 = arith.constant 0 : i32
      %dma_wait3A_1078 = tpu.memref_slice %arg3[%add3A_233, %dma_wait3A_1076, %dma_wait3A_1077] : memref<1024x20x101xf32, #tpu.memory_space<hbm>> -> memref<1x20x101xf32, #tpu.memory_space<hbm>>
      %dma_wait3A_1079 = tpu.memref_squeeze %dma_wait3A_1078 : memref<1x20x101xf32, #tpu.memory_space<hbm>> -> memref<20x101xf32, #tpu.memory_space<hbm>>
      tpu.wait_dma2 semaphore(%arg11 : memref<!tpu.dma_semaphore, #tpu.memory_space<semaphore_mem>>) src(%arg9 : memref<20x101xf32, #tpu.memory_space<vmem>>) dst(%dma_wait3A_1079 : memref<20x101xf32, #tpu.memory_space<hbm>>)
      %dma_wait3A_1080 = arith.constant 0 : i32
      %dma_wait3A_1081 = arith.constant 0 : i32
      %dma_wait3A_1082 = tpu.memref_slice %arg3[%add3A_237, %dma_wait3A_1080, %dma_wait3A_1081] : memref<1024x20x101xf32, #tpu.memory_space<hbm>> -> memref<1x20x101xf32, #tpu.memory_space<hbm>>
      %dma_wait3A_1083 = tpu.memref_squeeze %dma_wait3A_1082 : memref<1x20x101xf32, #tpu.memory_space<hbm>> -> memref<20x101xf32, #tpu.memory_space<hbm>>
      %dma_wait3A_1084 = arith.constant 0 : i32
      %dma_wait3A_1085 = arith.constant 0 : i32
      %dma_wait3A_1086 = tpu.memref_slice %arg3[%add3A_237, %dma_wait3A_1084, %dma_wait3A_1085] : memref<1024x20x101xf32, #tpu.memory_space<hbm>> -> memref<1x20x101xf32, #tpu.memory_space<hbm>>
      %dma_wait3A_1087 = tpu.memref_squeeze %dma_wait3A_1086 : memref<1x20x101xf32, #tpu.memory_space<hbm>> -> memref<20x101xf32, #tpu.memory_space<hbm>>
      tpu.wait_dma2 semaphore(%arg11 : memref<!tpu.dma_semaphore, #tpu.memory_space<semaphore_mem>>) src(%arg9 : memref<20x101xf32, #tpu.memory_space<vmem>>) dst(%dma_wait3A_1087 : memref<20x101xf32, #tpu.memory_space<hbm>>)
      %dma_wait3A_1088 = arith.constant 0 : i32
      %dma_wait3A_1089 = arith.constant 0 : i32
      %dma_wait3A_1090 = tpu.memref_slice %arg3[%add3A_241, %dma_wait3A_1088, %dma_wait3A_1089] : memref<1024x20x101xf32, #tpu.memory_space<hbm>> -> memref<1x20x101xf32, #tpu.memory_space<hbm>>
      %dma_wait3A_1091 = tpu.memref_squeeze %dma_wait3A_1090 : memref<1x20x101xf32, #tpu.memory_space<hbm>> -> memref<20x101xf32, #tpu.memory_space<hbm>>
      %dma_wait3A_1092 = arith.constant 0 : i32
      %dma_wait3A_1093 = arith.constant 0 : i32
      %dma_wait3A_1094 = tpu.memref_slice %arg3[%add3A_241, %dma_wait3A_1092, %dma_wait3A_1093] : memref<1024x20x101xf32, #tpu.memory_space<hbm>> -> memref<1x20x101xf32, #tpu.memory_space<hbm>>
      %dma_wait3A_1095 = tpu.memref_squeeze %dma_wait3A_1094 : memref<1x20x101xf32, #tpu.memory_space<hbm>> -> memref<20x101xf32, #tpu.memory_space<hbm>>
      tpu.wait_dma2 semaphore(%arg11 : memref<!tpu.dma_semaphore, #tpu.memory_space<semaphore_mem>>) src(%arg9 : memref<20x101xf32, #tpu.memory_space<vmem>>) dst(%dma_wait3A_1095 : memref<20x101xf32, #tpu.memory_space<hbm>>)
      %dma_wait3A_1096 = arith.constant 0 : i32
      %dma_wait3A_1097 = arith.constant 0 : i32
      %dma_wait3A_1098 = tpu.memref_slice %arg3[%add3A_245, %dma_wait3A_1096, %dma_wait3A_1097] : memref<1024x20x101xf32, #tpu.memory_space<hbm>> -> memref<1x20x101xf32, #tpu.memory_space<hbm>>
      %dma_wait3A_1099 = tpu.memref_squeeze %dma_wait3A_1098 : memref<1x20x101xf32, #tpu.memory_space<hbm>> -> memref<20x101xf32, #tpu.memory_space<hbm>>
      %dma_wait3A_1100 = arith.constant 0 : i32
      %dma_wait3A_1101 = arith.constant 0 : i32
      %dma_wait3A_1102 = tpu.memref_slice %arg3[%add3A_245, %dma_wait3A_1100, %dma_wait3A_1101] : memref<1024x20x101xf32, #tpu.memory_space<hbm>> -> memref<1x20x101xf32, #tpu.memory_space<hbm>>
      %dma_wait3A_1103 = tpu.memref_squeeze %dma_wait3A_1102 : memref<1x20x101xf32, #tpu.memory_space<hbm>> -> memref<20x101xf32, #tpu.memory_space<hbm>>
      tpu.wait_dma2 semaphore(%arg11 : memref<!tpu.dma_semaphore, #tpu.memory_space<semaphore_mem>>) src(%arg9 : memref<20x101xf32, #tpu.memory_space<vmem>>) dst(%dma_wait3A_1103 : memref<20x101xf32, #tpu.memory_space<hbm>>)
      %dma_wait3A_1104 = arith.constant 0 : i32
      %dma_wait3A_1105 = arith.constant 0 : i32
      %dma_wait3A_1106 = tpu.memref_slice %arg3[%add3A_249, %dma_wait3A_1104, %dma_wait3A_1105] : memref<1024x20x101xf32, #tpu.memory_space<hbm>> -> memref<1x20x101xf32, #tpu.memory_space<hbm>>
      %dma_wait3A_1107 = tpu.memref_squeeze %dma_wait3A_1106 : memref<1x20x101xf32, #tpu.memory_space<hbm>> -> memref<20x101xf32, #tpu.memory_space<hbm>>
      %dma_wait3A_1108 = arith.constant 0 : i32
      %dma_wait3A_1109 = arith.constant 0 : i32
      %dma_wait3A_1110 = tpu.memref_slice %arg3[%add3A_249, %dma_wait3A_1108, %dma_wait3A_1109] : memref<1024x20x101xf32, #tpu.memory_space<hbm>> -> memref<1x20x101xf32, #tpu.memory_space<hbm>>
      %dma_wait3A_1111 = tpu.memref_squeeze %dma_wait3A_1110 : memref<1x20x101xf32, #tpu.memory_space<hbm>> -> memref<20x101xf32, #tpu.memory_space<hbm>>
      tpu.wait_dma2 semaphore(%arg11 : memref<!tpu.dma_semaphore, #tpu.memory_space<semaphore_mem>>) src(%arg9 : memref<20x101xf32, #tpu.memory_space<vmem>>) dst(%dma_wait3A_1111 : memref<20x101xf32, #tpu.memory_space<hbm>>)
      %dma_wait3A_1112 = arith.constant 0 : i32
      %dma_wait3A_1113 = arith.constant 0 : i32
      %dma_wait3A_1114 = tpu.memref_slice %arg3[%add3A_253, %dma_wait3A_1112, %dma_wait3A_1113] : memref<1024x20x101xf32, #tpu.memory_space<hbm>> -> memref<1x20x101xf32, #tpu.memory_space<hbm>>
      %dma_wait3A_1115 = tpu.memref_squeeze %dma_wait3A_1114 : memref<1x20x101xf32, #tpu.memory_space<hbm>> -> memref<20x101xf32, #tpu.memory_space<hbm>>
      %dma_wait3A_1116 = arith.constant 0 : i32
      %dma_wait3A_1117 = arith.constant 0 : i32
      %dma_wait3A_1118 = tpu.memref_slice %arg3[%add3A_253, %dma_wait3A_1116, %dma_wait3A_1117] : memref<1024x20x101xf32, #tpu.memory_space<hbm>> -> memref<1x20x101xf32, #tpu.memory_space<hbm>>
      %dma_wait3A_1119 = tpu.memref_squeeze %dma_wait3A_1118 : memref<1x20x101xf32, #tpu.memory_space<hbm>> -> memref<20x101xf32, #tpu.memory_space<hbm>>
      tpu.wait_dma2 semaphore(%arg11 : memref<!tpu.dma_semaphore, #tpu.memory_space<semaphore_mem>>) src(%arg9 : memref<20x101xf32, #tpu.memory_space<vmem>>) dst(%dma_wait3A_1119 : memref<20x101xf32, #tpu.memory_space<hbm>>)
      %dma_wait3A_1120 = arith.constant 0 : i32
      %dma_wait3A_1121 = arith.constant 0 : i32
      %dma_wait3A_1122 = tpu.memref_slice %arg3[%add3A_257, %dma_wait3A_1120, %dma_wait3A_1121] : memref<1024x20x101xf32, #tpu.memory_space<hbm>> -> memref<1x20x101xf32, #tpu.memory_space<hbm>>
      %dma_wait3A_1123 = tpu.memref_squeeze %dma_wait3A_1122 : memref<1x20x101xf32, #tpu.memory_space<hbm>> -> memref<20x101xf32, #tpu.memory_space<hbm>>
      %dma_wait3A_1124 = arith.constant 0 : i32
      %dma_wait3A_1125 = arith.constant 0 : i32
      %dma_wait3A_1126 = tpu.memref_slice %arg3[%add3A_257, %dma_wait3A_1124, %dma_wait3A_1125] : memref<1024x20x101xf32, #tpu.memory_space<hbm>> -> memref<1x20x101xf32, #tpu.memory_space<hbm>>
      %dma_wait3A_1127 = tpu.memref_squeeze %dma_wait3A_1126 : memref<1x20x101xf32, #tpu.memory_space<hbm>> -> memref<20x101xf32, #tpu.memory_space<hbm>>
      tpu.wait_dma2 semaphore(%arg11 : memref<!tpu.dma_semaphore, #tpu.memory_space<semaphore_mem>>) src(%arg9 : memref<20x101xf32, #tpu.memory_space<vmem>>) dst(%dma_wait3A_1127 : memref<20x101xf32, #tpu.memory_space<hbm>>)
      %dma_wait3A_1128 = arith.constant 0 : i32
      %dma_wait3A_1129 = arith.constant 0 : i32
      %dma_wait3A_1130 = tpu.memref_slice %arg3[%add3A_261, %dma_wait3A_1128, %dma_wait3A_1129] : memref<1024x20x101xf32, #tpu.memory_space<hbm>> -> memref<1x20x101xf32, #tpu.memory_space<hbm>>
      %dma_wait3A_1131 = tpu.memref_squeeze %dma_wait3A_1130 : memref<1x20x101xf32, #tpu.memory_space<hbm>> -> memref<20x101xf32, #tpu.memory_space<hbm>>
      %dma_wait3A_1132 = arith.constant 0 : i32
      %dma_wait3A_1133 = arith.constant 0 : i32
      %dma_wait3A_1134 = tpu.memref_slice %arg3[%add3A_261, %dma_wait3A_1132, %dma_wait3A_1133] : memref<1024x20x101xf32, #tpu.memory_space<hbm>> -> memref<1x20x101xf32, #tpu.memory_space<hbm>>
      %dma_wait3A_1135 = tpu.memref_squeeze %dma_wait3A_1134 : memref<1x20x101xf32, #tpu.memory_space<hbm>> -> memref<20x101xf32, #tpu.memory_space<hbm>>
      tpu.wait_dma2 semaphore(%arg11 : memref<!tpu.dma_semaphore, #tpu.memory_space<semaphore_mem>>) src(%arg9 : memref<20x101xf32, #tpu.memory_space<vmem>>) dst(%dma_wait3A_1135 : memref<20x101xf32, #tpu.memory_space<hbm>>)
      %dma_wait3A_1136 = arith.constant 0 : i32
      %dma_wait3A_1137 = arith.constant 0 : i32
      %dma_wait3A_1138 = tpu.memref_slice %arg3[%add3A_265, %dma_wait3A_1136, %dma_wait3A_1137] : memref<1024x20x101xf32, #tpu.memory_space<hbm>> -> memref<1x20x101xf32, #tpu.memory_space<hbm>>
      %dma_wait3A_1139 = tpu.memref_squeeze %dma_wait3A_1138 : memref<1x20x101xf32, #tpu.memory_space<hbm>> -> memref<20x101xf32, #tpu.memory_space<hbm>>
      %dma_wait3A_1140 = arith.constant 0 : i32
      %dma_wait3A_1141 = arith.constant 0 : i32
      %dma_wait3A_1142 = tpu.memref_slice %arg3[%add3A_265, %dma_wait3A_1140, %dma_wait3A_1141] : memref<1024x20x101xf32, #tpu.memory_space<hbm>> -> memref<1x20x101xf32, #tpu.memory_space<hbm>>
      %dma_wait3A_1143 = tpu.memref_squeeze %dma_wait3A_1142 : memref<1x20x101xf32, #tpu.memory_space<hbm>> -> memref<20x101xf32, #tpu.memory_space<hbm>>
      tpu.wait_dma2 semaphore(%arg11 : memref<!tpu.dma_semaphore, #tpu.memory_space<semaphore_mem>>) src(%arg9 : memref<20x101xf32, #tpu.memory_space<vmem>>) dst(%dma_wait3A_1143 : memref<20x101xf32, #tpu.memory_space<hbm>>)
      %dma_wait3A_1144 = arith.constant 0 : i32
      %dma_wait3A_1145 = arith.constant 0 : i32
      %dma_wait3A_1146 = tpu.memref_slice %arg3[%add3A_269, %dma_wait3A_1144, %dma_wait3A_1145] : memref<1024x20x101xf32, #tpu.memory_space<hbm>> -> memref<1x20x101xf32, #tpu.memory_space<hbm>>
      %dma_wait3A_1147 = tpu.memref_squeeze %dma_wait3A_1146 : memref<1x20x101xf32, #tpu.memory_space<hbm>> -> memref<20x101xf32, #tpu.memory_space<hbm>>
      %dma_wait3A_1148 = arith.constant 0 : i32
      %dma_wait3A_1149 = arith.constant 0 : i32
      %dma_wait3A_1150 = tpu.memref_slice %arg3[%add3A_269, %dma_wait3A_1148, %dma_wait3A_1149] : memref<1024x20x101xf32, #tpu.memory_space<hbm>> -> memref<1x20x101xf32, #tpu.memory_space<hbm>>
      %dma_wait3A_1151 = tpu.memref_squeeze %dma_wait3A_1150 : memref<1x20x101xf32, #tpu.memory_space<hbm>> -> memref<20x101xf32, #tpu.memory_space<hbm>>
      tpu.wait_dma2 semaphore(%arg11 : memref<!tpu.dma_semaphore, #tpu.memory_space<semaphore_mem>>) src(%arg9 : memref<20x101xf32, #tpu.memory_space<vmem>>) dst(%dma_wait3A_1151 : memref<20x101xf32, #tpu.memory_space<hbm>>)
      %dma_wait3A_1152 = arith.constant 0 : i32
      %dma_wait3A_1153 = arith.constant 0 : i32
      %dma_wait3A_1154 = tpu.memref_slice %arg3[%add3A_273, %dma_wait3A_1152, %dma_wait3A_1153] : memref<1024x20x101xf32, #tpu.memory_space<hbm>> -> memref<1x20x101xf32, #tpu.memory_space<hbm>>
      %dma_wait3A_1155 = tpu.memref_squeeze %dma_wait3A_1154 : memref<1x20x101xf32, #tpu.memory_space<hbm>> -> memref<20x101xf32, #tpu.memory_space<hbm>>
      %dma_wait3A_1156 = arith.constant 0 : i32
      %dma_wait3A_1157 = arith.constant 0 : i32
      %dma_wait3A_1158 = tpu.memref_slice %arg3[%add3A_273, %dma_wait3A_1156, %dma_wait3A_1157] : memref<1024x20x101xf32, #tpu.memory_space<hbm>> -> memref<1x20x101xf32, #tpu.memory_space<hbm>>
      %dma_wait3A_1159 = tpu.memref_squeeze %dma_wait3A_1158 : memref<1x20x101xf32, #tpu.memory_space<hbm>> -> memref<20x101xf32, #tpu.memory_space<hbm>>
      tpu.wait_dma2 semaphore(%arg11 : memref<!tpu.dma_semaphore, #tpu.memory_space<semaphore_mem>>) src(%arg9 : memref<20x101xf32, #tpu.memory_space<vmem>>) dst(%dma_wait3A_1159 : memref<20x101xf32, #tpu.memory_space<hbm>>)
      %dma_wait3A_1160 = arith.constant 0 : i32
      %dma_wait3A_1161 = arith.constant 0 : i32
      %dma_wait3A_1162 = tpu.memref_slice %arg3[%add3A_277, %dma_wait3A_1160, %dma_wait3A_1161] : memref<1024x20x101xf32, #tpu.memory_space<hbm>> -> memref<1x20x101xf32, #tpu.memory_space<hbm>>
      %dma_wait3A_1163 = tpu.memref_squeeze %dma_wait3A_1162 : memref<1x20x101xf32, #tpu.memory_space<hbm>> -> memref<20x101xf32, #tpu.memory_space<hbm>>
      %dma_wait3A_1164 = arith.constant 0 : i32
      %dma_wait3A_1165 = arith.constant 0 : i32
      %dma_wait3A_1166 = tpu.memref_slice %arg3[%add3A_277, %dma_wait3A_1164, %dma_wait3A_1165] : memref<1024x20x101xf32, #tpu.memory_space<hbm>> -> memref<1x20x101xf32, #tpu.memory_space<hbm>>
      %dma_wait3A_1167 = tpu.memref_squeeze %dma_wait3A_1166 : memref<1x20x101xf32, #tpu.memory_space<hbm>> -> memref<20x101xf32, #tpu.memory_space<hbm>>
      tpu.wait_dma2 semaphore(%arg11 : memref<!tpu.dma_semaphore, #tpu.memory_space<semaphore_mem>>) src(%arg9 : memref<20x101xf32, #tpu.memory_space<vmem>>) dst(%dma_wait3A_1167 : memref<20x101xf32, #tpu.memory_space<hbm>>)
      %dma_wait3A_1168 = arith.constant 0 : i32
      %dma_wait3A_1169 = arith.constant 0 : i32
      %dma_wait3A_1170 = tpu.memref_slice %arg3[%add3A_281, %dma_wait3A_1168, %dma_wait3A_1169] : memref<1024x20x101xf32, #tpu.memory_space<hbm>> -> memref<1x20x101xf32, #tpu.memory_space<hbm>>
      %dma_wait3A_1171 = tpu.memref_squeeze %dma_wait3A_1170 : memref<1x20x101xf32, #tpu.memory_space<hbm>> -> memref<20x101xf32, #tpu.memory_space<hbm>>
      %dma_wait3A_1172 = arith.constant 0 : i32
      %dma_wait3A_1173 = arith.constant 0 : i32
      %dma_wait3A_1174 = tpu.memref_slice %arg3[%add3A_281, %dma_wait3A_1172, %dma_wait3A_1173] : memref<1024x20x101xf32, #tpu.memory_space<hbm>> -> memref<1x20x101xf32, #tpu.memory_space<hbm>>
      %dma_wait3A_1175 = tpu.memref_squeeze %dma_wait3A_1174 : memref<1x20x101xf32, #tpu.memory_space<hbm>> -> memref<20x101xf32, #tpu.memory_space<hbm>>
      tpu.wait_dma2 semaphore(%arg11 : memref<!tpu.dma_semaphore, #tpu.memory_space<semaphore_mem>>) src(%arg9 : memref<20x101xf32, #tpu.memory_space<vmem>>) dst(%dma_wait3A_1175 : memref<20x101xf32, #tpu.memory_space<hbm>>)
      %dma_wait3A_1176 = arith.constant 0 : i32
      %dma_wait3A_1177 = arith.constant 0 : i32
      %dma_wait3A_1178 = tpu.memref_slice %arg3[%add3A_285, %dma_wait3A_1176, %dma_wait3A_1177] : memref<1024x20x101xf32, #tpu.memory_space<hbm>> -> memref<1x20x101xf32, #tpu.memory_space<hbm>>
      %dma_wait3A_1179 = tpu.memref_squeeze %dma_wait3A_1178 : memref<1x20x101xf32, #tpu.memory_space<hbm>> -> memref<20x101xf32, #tpu.memory_space<hbm>>
      %dma_wait3A_1180 = arith.constant 0 : i32
      %dma_wait3A_1181 = arith.constant 0 : i32
      %dma_wait3A_1182 = tpu.memref_slice %arg3[%add3A_285, %dma_wait3A_1180, %dma_wait3A_1181] : memref<1024x20x101xf32, #tpu.memory_space<hbm>> -> memref<1x20x101xf32, #tpu.memory_space<hbm>>
      %dma_wait3A_1183 = tpu.memref_squeeze %dma_wait3A_1182 : memref<1x20x101xf32, #tpu.memory_space<hbm>> -> memref<20x101xf32, #tpu.memory_space<hbm>>
      tpu.wait_dma2 semaphore(%arg11 : memref<!tpu.dma_semaphore, #tpu.memory_space<semaphore_mem>>) src(%arg9 : memref<20x101xf32, #tpu.memory_space<vmem>>) dst(%dma_wait3A_1183 : memref<20x101xf32, #tpu.memory_space<hbm>>)
      %dma_wait3A_1184 = arith.constant 0 : i32
      %dma_wait3A_1185 = arith.constant 0 : i32
      %dma_wait3A_1186 = tpu.memref_slice %arg3[%add3A_289, %dma_wait3A_1184, %dma_wait3A_1185] : memref<1024x20x101xf32, #tpu.memory_space<hbm>> -> memref<1x20x101xf32, #tpu.memory_space<hbm>>
      %dma_wait3A_1187 = tpu.memref_squeeze %dma_wait3A_1186 : memref<1x20x101xf32, #tpu.memory_space<hbm>> -> memref<20x101xf32, #tpu.memory_space<hbm>>
      %dma_wait3A_1188 = arith.constant 0 : i32
      %dma_wait3A_1189 = arith.constant 0 : i32
      %dma_wait3A_1190 = tpu.memref_slice %arg3[%add3A_289, %dma_wait3A_1188, %dma_wait3A_1189] : memref<1024x20x101xf32, #tpu.memory_space<hbm>> -> memref<1x20x101xf32, #tpu.memory_space<hbm>>
      %dma_wait3A_1191 = tpu.memref_squeeze %dma_wait3A_1190 : memref<1x20x101xf32, #tpu.memory_space<hbm>> -> memref<20x101xf32, #tpu.memory_space<hbm>>
      tpu.wait_dma2 semaphore(%arg11 : memref<!tpu.dma_semaphore, #tpu.memory_space<semaphore_mem>>) src(%arg9 : memref<20x101xf32, #tpu.memory_space<vmem>>) dst(%dma_wait3A_1191 : memref<20x101xf32, #tpu.memory_space<hbm>>)
      %dma_wait3A_1192 = arith.constant 0 : i32
      %dma_wait3A_1193 = arith.constant 0 : i32
      %dma_wait3A_1194 = tpu.memref_slice %arg3[%add3A_293, %dma_wait3A_1192, %dma_wait3A_1193] : memref<1024x20x101xf32, #tpu.memory_space<hbm>> -> memref<1x20x101xf32, #tpu.memory_space<hbm>>
      %dma_wait3A_1195 = tpu.memref_squeeze %dma_wait3A_1194 : memref<1x20x101xf32, #tpu.memory_space<hbm>> -> memref<20x101xf32, #tpu.memory_space<hbm>>
      %dma_wait3A_1196 = arith.constant 0 : i32
      %dma_wait3A_1197 = arith.constant 0 : i32
      %dma_wait3A_1198 = tpu.memref_slice %arg3[%add3A_293, %dma_wait3A_1196, %dma_wait3A_1197] : memref<1024x20x101xf32, #tpu.memory_space<hbm>> -> memref<1x20x101xf32, #tpu.memory_space<hbm>>
      %dma_wait3A_1199 = tpu.memref_squeeze %dma_wait3A_1198 : memref<1x20x101xf32, #tpu.memory_space<hbm>> -> memref<20x101xf32, #tpu.memory_space<hbm>>
      tpu.wait_dma2 semaphore(%arg11 : memref<!tpu.dma_semaphore, #tpu.memory_space<semaphore_mem>>) src(%arg9 : memref<20x101xf32, #tpu.memory_space<vmem>>) dst(%dma_wait3A_1199 : memref<20x101xf32, #tpu.memory_space<hbm>>)
      %dma_wait3A_1200 = arith.constant 0 : i32
      %dma_wait3A_1201 = arith.constant 0 : i32
      %dma_wait3A_1202 = tpu.memref_slice %arg3[%add3A_297, %dma_wait3A_1200, %dma_wait3A_1201] : memref<1024x20x101xf32, #tpu.memory_space<hbm>> -> memref<1x20x101xf32, #tpu.memory_space<hbm>>
      %dma_wait3A_1203 = tpu.memref_squeeze %dma_wait3A_1202 : memref<1x20x101xf32, #tpu.memory_space<hbm>> -> memref<20x101xf32, #tpu.memory_space<hbm>>
      %dma_wait3A_1204 = arith.constant 0 : i32
      %dma_wait3A_1205 = arith.constant 0 : i32
      %dma_wait3A_1206 = tpu.memref_slice %arg3[%add3A_297, %dma_wait3A_1204, %dma_wait3A_1205] : memref<1024x20x101xf32, #tpu.memory_space<hbm>> -> memref<1x20x101xf32, #tpu.memory_space<hbm>>
      %dma_wait3A_1207 = tpu.memref_squeeze %dma_wait3A_1206 : memref<1x20x101xf32, #tpu.memory_space<hbm>> -> memref<20x101xf32, #tpu.memory_space<hbm>>
      tpu.wait_dma2 semaphore(%arg11 : memref<!tpu.dma_semaphore, #tpu.memory_space<semaphore_mem>>) src(%arg9 : memref<20x101xf32, #tpu.memory_space<vmem>>) dst(%dma_wait3A_1207 : memref<20x101xf32, #tpu.memory_space<hbm>>)
      %dma_wait3A_1208 = arith.constant 0 : i32
      %dma_wait3A_1209 = arith.constant 0 : i32
      %dma_wait3A_1210 = tpu.memref_slice %arg3[%add3A_301, %dma_wait3A_1208, %dma_wait3A_1209] : memref<1024x20x101xf32, #tpu.memory_space<hbm>> -> memref<1x20x101xf32, #tpu.memory_space<hbm>>
      %dma_wait3A_1211 = tpu.memref_squeeze %dma_wait3A_1210 : memref<1x20x101xf32, #tpu.memory_space<hbm>> -> memref<20x101xf32, #tpu.memory_space<hbm>>
      %dma_wait3A_1212 = arith.constant 0 : i32
      %dma_wait3A_1213 = arith.constant 0 : i32
      %dma_wait3A_1214 = tpu.memref_slice %arg3[%add3A_301, %dma_wait3A_1212, %dma_wait3A_1213] : memref<1024x20x101xf32, #tpu.memory_space<hbm>> -> memref<1x20x101xf32, #tpu.memory_space<hbm>>
      %dma_wait3A_1215 = tpu.memref_squeeze %dma_wait3A_1214 : memref<1x20x101xf32, #tpu.memory_space<hbm>> -> memref<20x101xf32, #tpu.memory_space<hbm>>
      tpu.wait_dma2 semaphore(%arg11 : memref<!tpu.dma_semaphore, #tpu.memory_space<semaphore_mem>>) src(%arg9 : memref<20x101xf32, #tpu.memory_space<vmem>>) dst(%dma_wait3A_1215 : memref<20x101xf32, #tpu.memory_space<hbm>>)
      %dma_wait3A_1216 = arith.constant 0 : i32
      %dma_wait3A_1217 = arith.constant 0 : i32
      %dma_wait3A_1218 = tpu.memref_slice %arg3[%add3A_305, %dma_wait3A_1216, %dma_wait3A_1217] : memref<1024x20x101xf32, #tpu.memory_space<hbm>> -> memref<1x20x101xf32, #tpu.memory_space<hbm>>
      %dma_wait3A_1219 = tpu.memref_squeeze %dma_wait3A_1218 : memref<1x20x101xf32, #tpu.memory_space<hbm>> -> memref<20x101xf32, #tpu.memory_space<hbm>>
      %dma_wait3A_1220 = arith.constant 0 : i32
      %dma_wait3A_1221 = arith.constant 0 : i32
      %dma_wait3A_1222 = tpu.memref_slice %arg3[%add3A_305, %dma_wait3A_1220, %dma_wait3A_1221] : memref<1024x20x101xf32, #tpu.memory_space<hbm>> -> memref<1x20x101xf32, #tpu.memory_space<hbm>>
      %dma_wait3A_1223 = tpu.memref_squeeze %dma_wait3A_1222 : memref<1x20x101xf32, #tpu.memory_space<hbm>> -> memref<20x101xf32, #tpu.memory_space<hbm>>
      tpu.wait_dma2 semaphore(%arg11 : memref<!tpu.dma_semaphore, #tpu.memory_space<semaphore_mem>>) src(%arg9 : memref<20x101xf32, #tpu.memory_space<vmem>>) dst(%dma_wait3A_1223 : memref<20x101xf32, #tpu.memory_space<hbm>>)
      %dma_wait3A_1224 = arith.constant 0 : i32
      %dma_wait3A_1225 = arith.constant 0 : i32
      %dma_wait3A_1226 = tpu.memref_slice %arg3[%add3A_309, %dma_wait3A_1224, %dma_wait3A_1225] : memref<1024x20x101xf32, #tpu.memory_space<hbm>> -> memref<1x20x101xf32, #tpu.memory_space<hbm>>
      %dma_wait3A_1227 = tpu.memref_squeeze %dma_wait3A_1226 : memref<1x20x101xf32, #tpu.memory_space<hbm>> -> memref<20x101xf32, #tpu.memory_space<hbm>>
      %dma_wait3A_1228 = arith.constant 0 : i32
      %dma_wait3A_1229 = arith.constant 0 : i32
      %dma_wait3A_1230 = tpu.memref_slice %arg3[%add3A_309, %dma_wait3A_1228, %dma_wait3A_1229] : memref<1024x20x101xf32, #tpu.memory_space<hbm>> -> memref<1x20x101xf32, #tpu.memory_space<hbm>>
      %dma_wait3A_1231 = tpu.memref_squeeze %dma_wait3A_1230 : memref<1x20x101xf32, #tpu.memory_space<hbm>> -> memref<20x101xf32, #tpu.memory_space<hbm>>
      tpu.wait_dma2 semaphore(%arg11 : memref<!tpu.dma_semaphore, #tpu.memory_space<semaphore_mem>>) src(%arg9 : memref<20x101xf32, #tpu.memory_space<vmem>>) dst(%dma_wait3A_1231 : memref<20x101xf32, #tpu.memory_space<hbm>>)
      %dma_wait3A_1232 = arith.constant 0 : i32
      %dma_wait3A_1233 = arith.constant 0 : i32
      %dma_wait3A_1234 = tpu.memref_slice %arg3[%add3A_313, %dma_wait3A_1232, %dma_wait3A_1233] : memref<1024x20x101xf32, #tpu.memory_space<hbm>> -> memref<1x20x101xf32, #tpu.memory_space<hbm>>
      %dma_wait3A_1235 = tpu.memref_squeeze %dma_wait3A_1234 : memref<1x20x101xf32, #tpu.memory_space<hbm>> -> memref<20x101xf32, #tpu.memory_space<hbm>>
      %dma_wait3A_1236 = arith.constant 0 : i32
      %dma_wait3A_1237 = arith.constant 0 : i32
      %dma_wait3A_1238 = tpu.memref_slice %arg3[%add3A_313, %dma_wait3A_1236, %dma_wait3A_1237] : memref<1024x20x101xf32, #tpu.memory_space<hbm>> -> memref<1x20x101xf32, #tpu.memory_space<hbm>>
      %dma_wait3A_1239 = tpu.memref_squeeze %dma_wait3A_1238 : memref<1x20x101xf32, #tpu.memory_space<hbm>> -> memref<20x101xf32, #tpu.memory_space<hbm>>
      tpu.wait_dma2 semaphore(%arg11 : memref<!tpu.dma_semaphore, #tpu.memory_space<semaphore_mem>>) src(%arg9 : memref<20x101xf32, #tpu.memory_space<vmem>>) dst(%dma_wait3A_1239 : memref<20x101xf32, #tpu.memory_space<hbm>>)
      %dma_wait3A_1240 = arith.constant 0 : i32
      %dma_wait3A_1241 = arith.constant 0 : i32
      %dma_wait3A_1242 = tpu.memref_slice %arg3[%add3A_317, %dma_wait3A_1240, %dma_wait3A_1241] : memref<1024x20x101xf32, #tpu.memory_space<hbm>> -> memref<1x20x101xf32, #tpu.memory_space<hbm>>
      %dma_wait3A_1243 = tpu.memref_squeeze %dma_wait3A_1242 : memref<1x20x101xf32, #tpu.memory_space<hbm>> -> memref<20x101xf32, #tpu.memory_space<hbm>>
      %dma_wait3A_1244 = arith.constant 0 : i32
      %dma_wait3A_1245 = arith.constant 0 : i32
      %dma_wait3A_1246 = tpu.memref_slice %arg3[%add3A_317, %dma_wait3A_1244, %dma_wait3A_1245] : memref<1024x20x101xf32, #tpu.memory_space<hbm>> -> memref<1x20x101xf32, #tpu.memory_space<hbm>>
      %dma_wait3A_1247 = tpu.memref_squeeze %dma_wait3A_1246 : memref<1x20x101xf32, #tpu.memory_space<hbm>> -> memref<20x101xf32, #tpu.memory_space<hbm>>
      tpu.wait_dma2 semaphore(%arg11 : memref<!tpu.dma_semaphore, #tpu.memory_space<semaphore_mem>>) src(%arg9 : memref<20x101xf32, #tpu.memory_space<vmem>>) dst(%dma_wait3A_1247 : memref<20x101xf32, #tpu.memory_space<hbm>>)
      %dma_wait3A_1248 = arith.constant 0 : i32
      %dma_wait3A_1249 = arith.constant 0 : i32
      %dma_wait3A_1250 = tpu.memref_slice %arg3[%add3A_321, %dma_wait3A_1248, %dma_wait3A_1249] : memref<1024x20x101xf32, #tpu.memory_space<hbm>> -> memref<1x20x101xf32, #tpu.memory_space<hbm>>
      %dma_wait3A_1251 = tpu.memref_squeeze %dma_wait3A_1250 : memref<1x20x101xf32, #tpu.memory_space<hbm>> -> memref<20x101xf32, #tpu.memory_space<hbm>>
      %dma_wait3A_1252 = arith.constant 0 : i32
      %dma_wait3A_1253 = arith.constant 0 : i32
      %dma_wait3A_1254 = tpu.memref_slice %arg3[%add3A_321, %dma_wait3A_1252, %dma_wait3A_1253] : memref<1024x20x101xf32, #tpu.memory_space<hbm>> -> memref<1x20x101xf32, #tpu.memory_space<hbm>>
      %dma_wait3A_1255 = tpu.memref_squeeze %dma_wait3A_1254 : memref<1x20x101xf32, #tpu.memory_space<hbm>> -> memref<20x101xf32, #tpu.memory_space<hbm>>
      tpu.wait_dma2 semaphore(%arg11 : memref<!tpu.dma_semaphore, #tpu.memory_space<semaphore_mem>>) src(%arg9 : memref<20x101xf32, #tpu.memory_space<vmem>>) dst(%dma_wait3A_1255 : memref<20x101xf32, #tpu.memory_space<hbm>>)
      %dma_wait3A_1256 = arith.constant 0 : i32
      %dma_wait3A_1257 = arith.constant 0 : i32
      %dma_wait3A_1258 = tpu.memref_slice %arg3[%add3A_325, %dma_wait3A_1256, %dma_wait3A_1257] : memref<1024x20x101xf32, #tpu.memory_space<hbm>> -> memref<1x20x101xf32, #tpu.memory_space<hbm>>
      %dma_wait3A_1259 = tpu.memref_squeeze %dma_wait3A_1258 : memref<1x20x101xf32, #tpu.memory_space<hbm>> -> memref<20x101xf32, #tpu.memory_space<hbm>>
      %dma_wait3A_1260 = arith.constant 0 : i32
      %dma_wait3A_1261 = arith.constant 0 : i32
      %dma_wait3A_1262 = tpu.memref_slice %arg3[%add3A_325, %dma_wait3A_1260, %dma_wait3A_1261] : memref<1024x20x101xf32, #tpu.memory_space<hbm>> -> memref<1x20x101xf32, #tpu.memory_space<hbm>>
      %dma_wait3A_1263 = tpu.memref_squeeze %dma_wait3A_1262 : memref<1x20x101xf32, #tpu.memory_space<hbm>> -> memref<20x101xf32, #tpu.memory_space<hbm>>
      tpu.wait_dma2 semaphore(%arg11 : memref<!tpu.dma_semaphore, #tpu.memory_space<semaphore_mem>>) src(%arg9 : memref<20x101xf32, #tpu.memory_space<vmem>>) dst(%dma_wait3A_1263 : memref<20x101xf32, #tpu.memory_space<hbm>>)
      %dma_wait3A_1264 = arith.constant 0 : i32
      %dma_wait3A_1265 = arith.constant 0 : i32
      %dma_wait3A_1266 = tpu.memref_slice %arg3[%add3A_329, %dma_wait3A_1264, %dma_wait3A_1265] : memref<1024x20x101xf32, #tpu.memory_space<hbm>> -> memref<1x20x101xf32, #tpu.memory_space<hbm>>
      %dma_wait3A_1267 = tpu.memref_squeeze %dma_wait3A_1266 : memref<1x20x101xf32, #tpu.memory_space<hbm>> -> memref<20x101xf32, #tpu.memory_space<hbm>>
      %dma_wait3A_1268 = arith.constant 0 : i32
      %dma_wait3A_1269 = arith.constant 0 : i32
      %dma_wait3A_1270 = tpu.memref_slice %arg3[%add3A_329, %dma_wait3A_1268, %dma_wait3A_1269] : memref<1024x20x101xf32, #tpu.memory_space<hbm>> -> memref<1x20x101xf32, #tpu.memory_space<hbm>>
      %dma_wait3A_1271 = tpu.memref_squeeze %dma_wait3A_1270 : memref<1x20x101xf32, #tpu.memory_space<hbm>> -> memref<20x101xf32, #tpu.memory_space<hbm>>
      tpu.wait_dma2 semaphore(%arg11 : memref<!tpu.dma_semaphore, #tpu.memory_space<semaphore_mem>>) src(%arg9 : memref<20x101xf32, #tpu.memory_space<vmem>>) dst(%dma_wait3A_1271 : memref<20x101xf32, #tpu.memory_space<hbm>>)
      %dma_wait3A_1272 = arith.constant 0 : i32
      %dma_wait3A_1273 = arith.constant 0 : i32
      %dma_wait3A_1274 = tpu.memref_slice %arg3[%add3A_333, %dma_wait3A_1272, %dma_wait3A_1273] : memref<1024x20x101xf32, #tpu.memory_space<hbm>> -> memref<1x20x101xf32, #tpu.memory_space<hbm>>
      %dma_wait3A_1275 = tpu.memref_squeeze %dma_wait3A_1274 : memref<1x20x101xf32, #tpu.memory_space<hbm>> -> memref<20x101xf32, #tpu.memory_space<hbm>>
      %dma_wait3A_1276 = arith.constant 0 : i32
      %dma_wait3A_1277 = arith.constant 0 : i32
      %dma_wait3A_1278 = tpu.memref_slice %arg3[%add3A_333, %dma_wait3A_1276, %dma_wait3A_1277] : memref<1024x20x101xf32, #tpu.memory_space<hbm>> -> memref<1x20x101xf32, #tpu.memory_space<hbm>>
      %dma_wait3A_1279 = tpu.memref_squeeze %dma_wait3A_1278 : memref<1x20x101xf32, #tpu.memory_space<hbm>> -> memref<20x101xf32, #tpu.memory_space<hbm>>
      tpu.wait_dma2 semaphore(%arg11 : memref<!tpu.dma_semaphore, #tpu.memory_space<semaphore_mem>>) src(%arg9 : memref<20x101xf32, #tpu.memory_space<vmem>>) dst(%dma_wait3A_1279 : memref<20x101xf32, #tpu.memory_space<hbm>>)
      %dma_wait3A_1280 = arith.constant 0 : i32
      %dma_wait3A_1281 = arith.constant 0 : i32
      %dma_wait3A_1282 = tpu.memref_slice %arg3[%add3A_337, %dma_wait3A_1280, %dma_wait3A_1281] : memref<1024x20x101xf32, #tpu.memory_space<hbm>> -> memref<1x20x101xf32, #tpu.memory_space<hbm>>
      %dma_wait3A_1283 = tpu.memref_squeeze %dma_wait3A_1282 : memref<1x20x101xf32, #tpu.memory_space<hbm>> -> memref<20x101xf32, #tpu.memory_space<hbm>>
      %dma_wait3A_1284 = arith.constant 0 : i32
      %dma_wait3A_1285 = arith.constant 0 : i32
      %dma_wait3A_1286 = tpu.memref_slice %arg3[%add3A_337, %dma_wait3A_1284, %dma_wait3A_1285] : memref<1024x20x101xf32, #tpu.memory_space<hbm>> -> memref<1x20x101xf32, #tpu.memory_space<hbm>>
      %dma_wait3A_1287 = tpu.memref_squeeze %dma_wait3A_1286 : memref<1x20x101xf32, #tpu.memory_space<hbm>> -> memref<20x101xf32, #tpu.memory_space<hbm>>
      tpu.wait_dma2 semaphore(%arg11 : memref<!tpu.dma_semaphore, #tpu.memory_space<semaphore_mem>>) src(%arg9 : memref<20x101xf32, #tpu.memory_space<vmem>>) dst(%dma_wait3A_1287 : memref<20x101xf32, #tpu.memory_space<hbm>>)
      %dma_wait3A_1288 = arith.constant 0 : i32
      %dma_wait3A_1289 = arith.constant 0 : i32
      %dma_wait3A_1290 = tpu.memref_slice %arg3[%add3A_341, %dma_wait3A_1288, %dma_wait3A_1289] : memref<1024x20x101xf32, #tpu.memory_space<hbm>> -> memref<1x20x101xf32, #tpu.memory_space<hbm>>
      %dma_wait3A_1291 = tpu.memref_squeeze %dma_wait3A_1290 : memref<1x20x101xf32, #tpu.memory_space<hbm>> -> memref<20x101xf32, #tpu.memory_space<hbm>>
      %dma_wait3A_1292 = arith.constant 0 : i32
      %dma_wait3A_1293 = arith.constant 0 : i32
      %dma_wait3A_1294 = tpu.memref_slice %arg3[%add3A_341, %dma_wait3A_1292, %dma_wait3A_1293] : memref<1024x20x101xf32, #tpu.memory_space<hbm>> -> memref<1x20x101xf32, #tpu.memory_space<hbm>>
      %dma_wait3A_1295 = tpu.memref_squeeze %dma_wait3A_1294 : memref<1x20x101xf32, #tpu.memory_space<hbm>> -> memref<20x101xf32, #tpu.memory_space<hbm>>
      tpu.wait_dma2 semaphore(%arg11 : memref<!tpu.dma_semaphore, #tpu.memory_space<semaphore_mem>>) src(%arg9 : memref<20x101xf32, #tpu.memory_space<vmem>>) dst(%dma_wait3A_1295 : memref<20x101xf32, #tpu.memory_space<hbm>>)
      %dma_wait3A_1296 = arith.constant 0 : i32
      %dma_wait3A_1297 = arith.constant 0 : i32
      %dma_wait3A_1298 = tpu.memref_slice %arg3[%add3A_345, %dma_wait3A_1296, %dma_wait3A_1297] : memref<1024x20x101xf32, #tpu.memory_space<hbm>> -> memref<1x20x101xf32, #tpu.memory_space<hbm>>
      %dma_wait3A_1299 = tpu.memref_squeeze %dma_wait3A_1298 : memref<1x20x101xf32, #tpu.memory_space<hbm>> -> memref<20x101xf32, #tpu.memory_space<hbm>>
      %dma_wait3A_1300 = arith.constant 0 : i32
      %dma_wait3A_1301 = arith.constant 0 : i32
      %dma_wait3A_1302 = tpu.memref_slice %arg3[%add3A_345, %dma_wait3A_1300, %dma_wait3A_1301] : memref<1024x20x101xf32, #tpu.memory_space<hbm>> -> memref<1x20x101xf32, #tpu.memory_space<hbm>>
      %dma_wait3A_1303 = tpu.memref_squeeze %dma_wait3A_1302 : memref<1x20x101xf32, #tpu.memory_space<hbm>> -> memref<20x101xf32, #tpu.memory_space<hbm>>
      tpu.wait_dma2 semaphore(%arg11 : memref<!tpu.dma_semaphore, #tpu.memory_space<semaphore_mem>>) src(%arg9 : memref<20x101xf32, #tpu.memory_space<vmem>>) dst(%dma_wait3A_1303 : memref<20x101xf32, #tpu.memory_space<hbm>>)
      %dma_wait3A_1304 = arith.constant 0 : i32
      %dma_wait3A_1305 = arith.constant 0 : i32
      %dma_wait3A_1306 = tpu.memref_slice %arg3[%add3A_349, %dma_wait3A_1304, %dma_wait3A_1305] : memref<1024x20x101xf32, #tpu.memory_space<hbm>> -> memref<1x20x101xf32, #tpu.memory_space<hbm>>
      %dma_wait3A_1307 = tpu.memref_squeeze %dma_wait3A_1306 : memref<1x20x101xf32, #tpu.memory_space<hbm>> -> memref<20x101xf32, #tpu.memory_space<hbm>>
      %dma_wait3A_1308 = arith.constant 0 : i32
      %dma_wait3A_1309 = arith.constant 0 : i32
      %dma_wait3A_1310 = tpu.memref_slice %arg3[%add3A_349, %dma_wait3A_1308, %dma_wait3A_1309] : memref<1024x20x101xf32, #tpu.memory_space<hbm>> -> memref<1x20x101xf32, #tpu.memory_space<hbm>>
      %dma_wait3A_1311 = tpu.memref_squeeze %dma_wait3A_1310 : memref<1x20x101xf32, #tpu.memory_space<hbm>> -> memref<20x101xf32, #tpu.memory_space<hbm>>
      tpu.wait_dma2 semaphore(%arg11 : memref<!tpu.dma_semaphore, #tpu.memory_space<semaphore_mem>>) src(%arg9 : memref<20x101xf32, #tpu.memory_space<vmem>>) dst(%dma_wait3A_1311 : memref<20x101xf32, #tpu.memory_space<hbm>>)
      %dma_wait3A_1312 = arith.constant 0 : i32
      %dma_wait3A_1313 = arith.constant 0 : i32
      %dma_wait3A_1314 = tpu.memref_slice %arg3[%add3A_353, %dma_wait3A_1312, %dma_wait3A_1313] : memref<1024x20x101xf32, #tpu.memory_space<hbm>> -> memref<1x20x101xf32, #tpu.memory_space<hbm>>
      %dma_wait3A_1315 = tpu.memref_squeeze %dma_wait3A_1314 : memref<1x20x101xf32, #tpu.memory_space<hbm>> -> memref<20x101xf32, #tpu.memory_space<hbm>>
      %dma_wait3A_1316 = arith.constant 0 : i32
      %dma_wait3A_1317 = arith.constant 0 : i32
      %dma_wait3A_1318 = tpu.memref_slice %arg3[%add3A_353, %dma_wait3A_1316, %dma_wait3A_1317] : memref<1024x20x101xf32, #tpu.memory_space<hbm>> -> memref<1x20x101xf32, #tpu.memory_space<hbm>>
      %dma_wait3A_1319 = tpu.memref_squeeze %dma_wait3A_1318 : memref<1x20x101xf32, #tpu.memory_space<hbm>> -> memref<20x101xf32, #tpu.memory_space<hbm>>
      tpu.wait_dma2 semaphore(%arg11 : memref<!tpu.dma_semaphore, #tpu.memory_space<semaphore_mem>>) src(%arg9 : memref<20x101xf32, #tpu.memory_space<vmem>>) dst(%dma_wait3A_1319 : memref<20x101xf32, #tpu.memory_space<hbm>>)
      %dma_wait3A_1320 = arith.constant 0 : i32
      %dma_wait3A_1321 = arith.constant 0 : i32
      %dma_wait3A_1322 = tpu.memref_slice %arg3[%add3A_357, %dma_wait3A_1320, %dma_wait3A_1321] : memref<1024x20x101xf32, #tpu.memory_space<hbm>> -> memref<1x20x101xf32, #tpu.memory_space<hbm>>
      %dma_wait3A_1323 = tpu.memref_squeeze %dma_wait3A_1322 : memref<1x20x101xf32, #tpu.memory_space<hbm>> -> memref<20x101xf32, #tpu.memory_space<hbm>>
      %dma_wait3A_1324 = arith.constant 0 : i32
      %dma_wait3A_1325 = arith.constant 0 : i32
      %dma_wait3A_1326 = tpu.memref_slice %arg3[%add3A_357, %dma_wait3A_1324, %dma_wait3A_1325] : memref<1024x20x101xf32, #tpu.memory_space<hbm>> -> memref<1x20x101xf32, #tpu.memory_space<hbm>>
      %dma_wait3A_1327 = tpu.memref_squeeze %dma_wait3A_1326 : memref<1x20x101xf32, #tpu.memory_space<hbm>> -> memref<20x101xf32, #tpu.memory_space<hbm>>
      tpu.wait_dma2 semaphore(%arg11 : memref<!tpu.dma_semaphore, #tpu.memory_space<semaphore_mem>>) src(%arg9 : memref<20x101xf32, #tpu.memory_space<vmem>>) dst(%dma_wait3A_1327 : memref<20x101xf32, #tpu.memory_space<hbm>>)
      %dma_wait3A_1328 = arith.constant 0 : i32
      %dma_wait3A_1329 = arith.constant 0 : i32
      %dma_wait3A_1330 = tpu.memref_slice %arg3[%add3A_361, %dma_wait3A_1328, %dma_wait3A_1329] : memref<1024x20x101xf32, #tpu.memory_space<hbm>> -> memref<1x20x101xf32, #tpu.memory_space<hbm>>
      %dma_wait3A_1331 = tpu.memref_squeeze %dma_wait3A_1330 : memref<1x20x101xf32, #tpu.memory_space<hbm>> -> memref<20x101xf32, #tpu.memory_space<hbm>>
      %dma_wait3A_1332 = arith.constant 0 : i32
      %dma_wait3A_1333 = arith.constant 0 : i32
      %dma_wait3A_1334 = tpu.memref_slice %arg3[%add3A_361, %dma_wait3A_1332, %dma_wait3A_1333] : memref<1024x20x101xf32, #tpu.memory_space<hbm>> -> memref<1x20x101xf32, #tpu.memory_space<hbm>>
      %dma_wait3A_1335 = tpu.memref_squeeze %dma_wait3A_1334 : memref<1x20x101xf32, #tpu.memory_space<hbm>> -> memref<20x101xf32, #tpu.memory_space<hbm>>
      tpu.wait_dma2 semaphore(%arg11 : memref<!tpu.dma_semaphore, #tpu.memory_space<semaphore_mem>>) src(%arg9 : memref<20x101xf32, #tpu.memory_space<vmem>>) dst(%dma_wait3A_1335 : memref<20x101xf32, #tpu.memory_space<hbm>>)
      %dma_wait3A_1336 = arith.constant 0 : i32
      %dma_wait3A_1337 = arith.constant 0 : i32
      %dma_wait3A_1338 = tpu.memref_slice %arg3[%add3A_365, %dma_wait3A_1336, %dma_wait3A_1337] : memref<1024x20x101xf32, #tpu.memory_space<hbm>> -> memref<1x20x101xf32, #tpu.memory_space<hbm>>
      %dma_wait3A_1339 = tpu.memref_squeeze %dma_wait3A_1338 : memref<1x20x101xf32, #tpu.memory_space<hbm>> -> memref<20x101xf32, #tpu.memory_space<hbm>>
      %dma_wait3A_1340 = arith.constant 0 : i32
      %dma_wait3A_1341 = arith.constant 0 : i32
      %dma_wait3A_1342 = tpu.memref_slice %arg3[%add3A_365, %dma_wait3A_1340, %dma_wait3A_1341] : memref<1024x20x101xf32, #tpu.memory_space<hbm>> -> memref<1x20x101xf32, #tpu.memory_space<hbm>>
      %dma_wait3A_1343 = tpu.memref_squeeze %dma_wait3A_1342 : memref<1x20x101xf32, #tpu.memory_space<hbm>> -> memref<20x101xf32, #tpu.memory_space<hbm>>
      tpu.wait_dma2 semaphore(%arg11 : memref<!tpu.dma_semaphore, #tpu.memory_space<semaphore_mem>>) src(%arg9 : memref<20x101xf32, #tpu.memory_space<vmem>>) dst(%dma_wait3A_1343 : memref<20x101xf32, #tpu.memory_space<hbm>>)
      %dma_wait3A_1344 = arith.constant 0 : i32
      %dma_wait3A_1345 = arith.constant 0 : i32
      %dma_wait3A_1346 = tpu.memref_slice %arg3[%add3A_369, %dma_wait3A_1344, %dma_wait3A_1345] : memref<1024x20x101xf32, #tpu.memory_space<hbm>> -> memref<1x20x101xf32, #tpu.memory_space<hbm>>
      %dma_wait3A_1347 = tpu.memref_squeeze %dma_wait3A_1346 : memref<1x20x101xf32, #tpu.memory_space<hbm>> -> memref<20x101xf32, #tpu.memory_space<hbm>>
      %dma_wait3A_1348 = arith.constant 0 : i32
      %dma_wait3A_1349 = arith.constant 0 : i32
      %dma_wait3A_1350 = tpu.memref_slice %arg3[%add3A_369, %dma_wait3A_1348, %dma_wait3A_1349] : memref<1024x20x101xf32, #tpu.memory_space<hbm>> -> memref<1x20x101xf32, #tpu.memory_space<hbm>>
      %dma_wait3A_1351 = tpu.memref_squeeze %dma_wait3A_1350 : memref<1x20x101xf32, #tpu.memory_space<hbm>> -> memref<20x101xf32, #tpu.memory_space<hbm>>
      tpu.wait_dma2 semaphore(%arg11 : memref<!tpu.dma_semaphore, #tpu.memory_space<semaphore_mem>>) src(%arg9 : memref<20x101xf32, #tpu.memory_space<vmem>>) dst(%dma_wait3A_1351 : memref<20x101xf32, #tpu.memory_space<hbm>>)
      %dma_wait3A_1352 = arith.constant 0 : i32
      %dma_wait3A_1353 = arith.constant 0 : i32
      %dma_wait3A_1354 = tpu.memref_slice %arg3[%add3A_373, %dma_wait3A_1352, %dma_wait3A_1353] : memref<1024x20x101xf32, #tpu.memory_space<hbm>> -> memref<1x20x101xf32, #tpu.memory_space<hbm>>
      %dma_wait3A_1355 = tpu.memref_squeeze %dma_wait3A_1354 : memref<1x20x101xf32, #tpu.memory_space<hbm>> -> memref<20x101xf32, #tpu.memory_space<hbm>>
      %dma_wait3A_1356 = arith.constant 0 : i32
      %dma_wait3A_1357 = arith.constant 0 : i32
      %dma_wait3A_1358 = tpu.memref_slice %arg3[%add3A_373, %dma_wait3A_1356, %dma_wait3A_1357] : memref<1024x20x101xf32, #tpu.memory_space<hbm>> -> memref<1x20x101xf32, #tpu.memory_space<hbm>>
      %dma_wait3A_1359 = tpu.memref_squeeze %dma_wait3A_1358 : memref<1x20x101xf32, #tpu.memory_space<hbm>> -> memref<20x101xf32, #tpu.memory_space<hbm>>
      tpu.wait_dma2 semaphore(%arg11 : memref<!tpu.dma_semaphore, #tpu.memory_space<semaphore_mem>>) src(%arg9 : memref<20x101xf32, #tpu.memory_space<vmem>>) dst(%dma_wait3A_1359 : memref<20x101xf32, #tpu.memory_space<hbm>>)
      %dma_wait3A_1360 = arith.constant 0 : i32
      %dma_wait3A_1361 = arith.constant 0 : i32
      %dma_wait3A_1362 = tpu.memref_slice %arg3[%add3A_377, %dma_wait3A_1360, %dma_wait3A_1361] : memref<1024x20x101xf32, #tpu.memory_space<hbm>> -> memref<1x20x101xf32, #tpu.memory_space<hbm>>
      %dma_wait3A_1363 = tpu.memref_squeeze %dma_wait3A_1362 : memref<1x20x101xf32, #tpu.memory_space<hbm>> -> memref<20x101xf32, #tpu.memory_space<hbm>>
      %dma_wait3A_1364 = arith.constant 0 : i32
      %dma_wait3A_1365 = arith.constant 0 : i32
      %dma_wait3A_1366 = tpu.memref_slice %arg3[%add3A_377, %dma_wait3A_1364, %dma_wait3A_1365] : memref<1024x20x101xf32, #tpu.memory_space<hbm>> -> memref<1x20x101xf32, #tpu.memory_space<hbm>>
      %dma_wait3A_1367 = tpu.memref_squeeze %dma_wait3A_1366 : memref<1x20x101xf32, #tpu.memory_space<hbm>> -> memref<20x101xf32, #tpu.memory_space<hbm>>
      tpu.wait_dma2 semaphore(%arg11 : memref<!tpu.dma_semaphore, #tpu.memory_space<semaphore_mem>>) src(%arg9 : memref<20x101xf32, #tpu.memory_space<vmem>>) dst(%dma_wait3A_1367 : memref<20x101xf32, #tpu.memory_space<hbm>>)
      %dma_wait3A_1368 = arith.constant 0 : i32
      %dma_wait3A_1369 = arith.constant 0 : i32
      %dma_wait3A_1370 = tpu.memref_slice %arg3[%add3A_381, %dma_wait3A_1368, %dma_wait3A_1369] : memref<1024x20x101xf32, #tpu.memory_space<hbm>> -> memref<1x20x101xf32, #tpu.memory_space<hbm>>
      %dma_wait3A_1371 = tpu.memref_squeeze %dma_wait3A_1370 : memref<1x20x101xf32, #tpu.memory_space<hbm>> -> memref<20x101xf32, #tpu.memory_space<hbm>>
      %dma_wait3A_1372 = arith.constant 0 : i32
      %dma_wait3A_1373 = arith.constant 0 : i32
      %dma_wait3A_1374 = tpu.memref_slice %arg3[%add3A_381, %dma_wait3A_1372, %dma_wait3A_1373] : memref<1024x20x101xf32, #tpu.memory_space<hbm>> -> memref<1x20x101xf32, #tpu.memory_space<hbm>>
      %dma_wait3A_1375 = tpu.memref_squeeze %dma_wait3A_1374 : memref<1x20x101xf32, #tpu.memory_space<hbm>> -> memref<20x101xf32, #tpu.memory_space<hbm>>
      tpu.wait_dma2 semaphore(%arg11 : memref<!tpu.dma_semaphore, #tpu.memory_space<semaphore_mem>>) src(%arg9 : memref<20x101xf32, #tpu.memory_space<vmem>>) dst(%dma_wait3A_1375 : memref<20x101xf32, #tpu.memory_space<hbm>>)
      %dma_wait3A_1376 = arith.constant 0 : i32
      %dma_wait3A_1377 = arith.constant 0 : i32
      %dma_wait3A_1378 = tpu.memref_slice %arg3[%add3A_385, %dma_wait3A_1376, %dma_wait3A_1377] : memref<1024x20x101xf32, #tpu.memory_space<hbm>> -> memref<1x20x101xf32, #tpu.memory_space<hbm>>
      %dma_wait3A_1379 = tpu.memref_squeeze %dma_wait3A_1378 : memref<1x20x101xf32, #tpu.memory_space<hbm>> -> memref<20x101xf32, #tpu.memory_space<hbm>>
      %dma_wait3A_1380 = arith.constant 0 : i32
      %dma_wait3A_1381 = arith.constant 0 : i32
      %dma_wait3A_1382 = tpu.memref_slice %arg3[%add3A_385, %dma_wait3A_1380, %dma_wait3A_1381] : memref<1024x20x101xf32, #tpu.memory_space<hbm>> -> memref<1x20x101xf32, #tpu.memory_space<hbm>>
      %dma_wait3A_1383 = tpu.memref_squeeze %dma_wait3A_1382 : memref<1x20x101xf32, #tpu.memory_space<hbm>> -> memref<20x101xf32, #tpu.memory_space<hbm>>
      tpu.wait_dma2 semaphore(%arg11 : memref<!tpu.dma_semaphore, #tpu.memory_space<semaphore_mem>>) src(%arg9 : memref<20x101xf32, #tpu.memory_space<vmem>>) dst(%dma_wait3A_1383 : memref<20x101xf32, #tpu.memory_space<hbm>>)
      %dma_wait3A_1384 = arith.constant 0 : i32
      %dma_wait3A_1385 = arith.constant 0 : i32
      %dma_wait3A_1386 = tpu.memref_slice %arg3[%add3A_389, %dma_wait3A_1384, %dma_wait3A_1385] : memref<1024x20x101xf32, #tpu.memory_space<hbm>> -> memref<1x20x101xf32, #tpu.memory_space<hbm>>
      %dma_wait3A_1387 = tpu.memref_squeeze %dma_wait3A_1386 : memref<1x20x101xf32, #tpu.memory_space<hbm>> -> memref<20x101xf32, #tpu.memory_space<hbm>>
      %dma_wait3A_1388 = arith.constant 0 : i32
      %dma_wait3A_1389 = arith.constant 0 : i32
      %dma_wait3A_1390 = tpu.memref_slice %arg3[%add3A_389, %dma_wait3A_1388, %dma_wait3A_1389] : memref<1024x20x101xf32, #tpu.memory_space<hbm>> -> memref<1x20x101xf32, #tpu.memory_space<hbm>>
      %dma_wait3A_1391 = tpu.memref_squeeze %dma_wait3A_1390 : memref<1x20x101xf32, #tpu.memory_space<hbm>> -> memref<20x101xf32, #tpu.memory_space<hbm>>
      tpu.wait_dma2 semaphore(%arg11 : memref<!tpu.dma_semaphore, #tpu.memory_space<semaphore_mem>>) src(%arg9 : memref<20x101xf32, #tpu.memory_space<vmem>>) dst(%dma_wait3A_1391 : memref<20x101xf32, #tpu.memory_space<hbm>>)
      %dma_wait3A_1392 = arith.constant 0 : i32
      %dma_wait3A_1393 = arith.constant 0 : i32
      %dma_wait3A_1394 = tpu.memref_slice %arg3[%add3A_393, %dma_wait3A_1392, %dma_wait3A_1393] : memref<1024x20x101xf32, #tpu.memory_space<hbm>> -> memref<1x20x101xf32, #tpu.memory_space<hbm>>
      %dma_wait3A_1395 = tpu.memref_squeeze %dma_wait3A_1394 : memref<1x20x101xf32, #tpu.memory_space<hbm>> -> memref<20x101xf32, #tpu.memory_space<hbm>>
      %dma_wait3A_1396 = arith.constant 0 : i32
      %dma_wait3A_1397 = arith.constant 0 : i32
      %dma_wait3A_1398 = tpu.memref_slice %arg3[%add3A_393, %dma_wait3A_1396, %dma_wait3A_1397] : memref<1024x20x101xf32, #tpu.memory_space<hbm>> -> memref<1x20x101xf32, #tpu.memory_space<hbm>>
      %dma_wait3A_1399 = tpu.memref_squeeze %dma_wait3A_1398 : memref<1x20x101xf32, #tpu.memory_space<hbm>> -> memref<20x101xf32, #tpu.memory_space<hbm>>
      tpu.wait_dma2 semaphore(%arg11 : memref<!tpu.dma_semaphore, #tpu.memory_space<semaphore_mem>>) src(%arg9 : memref<20x101xf32, #tpu.memory_space<vmem>>) dst(%dma_wait3A_1399 : memref<20x101xf32, #tpu.memory_space<hbm>>)
      %dma_wait3A_1400 = arith.constant 0 : i32
      %dma_wait3A_1401 = arith.constant 0 : i32
      %dma_wait3A_1402 = tpu.memref_slice %arg3[%add3A_397, %dma_wait3A_1400, %dma_wait3A_1401] : memref<1024x20x101xf32, #tpu.memory_space<hbm>> -> memref<1x20x101xf32, #tpu.memory_space<hbm>>
      %dma_wait3A_1403 = tpu.memref_squeeze %dma_wait3A_1402 : memref<1x20x101xf32, #tpu.memory_space<hbm>> -> memref<20x101xf32, #tpu.memory_space<hbm>>
      %dma_wait3A_1404 = arith.constant 0 : i32
      %dma_wait3A_1405 = arith.constant 0 : i32
      %dma_wait3A_1406 = tpu.memref_slice %arg3[%add3A_397, %dma_wait3A_1404, %dma_wait3A_1405] : memref<1024x20x101xf32, #tpu.memory_space<hbm>> -> memref<1x20x101xf32, #tpu.memory_space<hbm>>
      %dma_wait3A_1407 = tpu.memref_squeeze %dma_wait3A_1406 : memref<1x20x101xf32, #tpu.memory_space<hbm>> -> memref<20x101xf32, #tpu.memory_space<hbm>>
      tpu.wait_dma2 semaphore(%arg11 : memref<!tpu.dma_semaphore, #tpu.memory_space<semaphore_mem>>) src(%arg9 : memref<20x101xf32, #tpu.memory_space<vmem>>) dst(%dma_wait3A_1407 : memref<20x101xf32, #tpu.memory_space<hbm>>)
      %dma_wait3A_1408 = arith.constant 0 : i32
      %dma_wait3A_1409 = arith.constant 0 : i32
      %dma_wait3A_1410 = tpu.memref_slice %arg3[%add3A_401, %dma_wait3A_1408, %dma_wait3A_1409] : memref<1024x20x101xf32, #tpu.memory_space<hbm>> -> memref<1x20x101xf32, #tpu.memory_space<hbm>>
      %dma_wait3A_1411 = tpu.memref_squeeze %dma_wait3A_1410 : memref<1x20x101xf32, #tpu.memory_space<hbm>> -> memref<20x101xf32, #tpu.memory_space<hbm>>
      %dma_wait3A_1412 = arith.constant 0 : i32
      %dma_wait3A_1413 = arith.constant 0 : i32
      %dma_wait3A_1414 = tpu.memref_slice %arg3[%add3A_401, %dma_wait3A_1412, %dma_wait3A_1413] : memref<1024x20x101xf32, #tpu.memory_space<hbm>> -> memref<1x20x101xf32, #tpu.memory_space<hbm>>
      %dma_wait3A_1415 = tpu.memref_squeeze %dma_wait3A_1414 : memref<1x20x101xf32, #tpu.memory_space<hbm>> -> memref<20x101xf32, #tpu.memory_space<hbm>>
      tpu.wait_dma2 semaphore(%arg11 : memref<!tpu.dma_semaphore, #tpu.memory_space<semaphore_mem>>) src(%arg9 : memref<20x101xf32, #tpu.memory_space<vmem>>) dst(%dma_wait3A_1415 : memref<20x101xf32, #tpu.memory_space<hbm>>)
      %dma_wait3A_1416 = arith.constant 0 : i32
      %dma_wait3A_1417 = arith.constant 0 : i32
      %dma_wait3A_1418 = tpu.memref_slice %arg3[%add3A_405, %dma_wait3A_1416, %dma_wait3A_1417] : memref<1024x20x101xf32, #tpu.memory_space<hbm>> -> memref<1x20x101xf32, #tpu.memory_space<hbm>>
      %dma_wait3A_1419 = tpu.memref_squeeze %dma_wait3A_1418 : memref<1x20x101xf32, #tpu.memory_space<hbm>> -> memref<20x101xf32, #tpu.memory_space<hbm>>
      %dma_wait3A_1420 = arith.constant 0 : i32
      %dma_wait3A_1421 = arith.constant 0 : i32
      %dma_wait3A_1422 = tpu.memref_slice %arg3[%add3A_405, %dma_wait3A_1420, %dma_wait3A_1421] : memref<1024x20x101xf32, #tpu.memory_space<hbm>> -> memref<1x20x101xf32, #tpu.memory_space<hbm>>
      %dma_wait3A_1423 = tpu.memref_squeeze %dma_wait3A_1422 : memref<1x20x101xf32, #tpu.memory_space<hbm>> -> memref<20x101xf32, #tpu.memory_space<hbm>>
      tpu.wait_dma2 semaphore(%arg11 : memref<!tpu.dma_semaphore, #tpu.memory_space<semaphore_mem>>) src(%arg9 : memref<20x101xf32, #tpu.memory_space<vmem>>) dst(%dma_wait3A_1423 : memref<20x101xf32, #tpu.memory_space<hbm>>)
      %dma_wait3A_1424 = arith.constant 0 : i32
      %dma_wait3A_1425 = arith.constant 0 : i32
      %dma_wait3A_1426 = tpu.memref_slice %arg3[%add3A_409, %dma_wait3A_1424, %dma_wait3A_1425] : memref<1024x20x101xf32, #tpu.memory_space<hbm>> -> memref<1x20x101xf32, #tpu.memory_space<hbm>>
      %dma_wait3A_1427 = tpu.memref_squeeze %dma_wait3A_1426 : memref<1x20x101xf32, #tpu.memory_space<hbm>> -> memref<20x101xf32, #tpu.memory_space<hbm>>
      %dma_wait3A_1428 = arith.constant 0 : i32
      %dma_wait3A_1429 = arith.constant 0 : i32
      %dma_wait3A_1430 = tpu.memref_slice %arg3[%add3A_409, %dma_wait3A_1428, %dma_wait3A_1429] : memref<1024x20x101xf32, #tpu.memory_space<hbm>> -> memref<1x20x101xf32, #tpu.memory_space<hbm>>
      %dma_wait3A_1431 = tpu.memref_squeeze %dma_wait3A_1430 : memref<1x20x101xf32, #tpu.memory_space<hbm>> -> memref<20x101xf32, #tpu.memory_space<hbm>>
      tpu.wait_dma2 semaphore(%arg11 : memref<!tpu.dma_semaphore, #tpu.memory_space<semaphore_mem>>) src(%arg9 : memref<20x101xf32, #tpu.memory_space<vmem>>) dst(%dma_wait3A_1431 : memref<20x101xf32, #tpu.memory_space<hbm>>)
    } else {
    }
    %eq3A_149 = arith.constant 1 : i32
    %eq3A_150 = arith.cmpi eq, %arg0, %eq3A_149 : i32
    %convert_element_type3A_151 = arith.extui %eq3A_150 : i1 to i32
    %cond3A_152 = arith.constant 0 : i32
    %cond3A_153 = arith.cmpi ne, %convert_element_type3A_151, %cond3A_152 : i32
    scf.if %cond3A_153 {
      %mul3A_154 = arith.constant 64 : i32
      %mul3A_155 = arith.muli %mul3A_154, %arg1 : i32
      %add3A_156 = arith.constant 0 : i32
      %add3A_157 = arith.addi %mul3A_155, %add3A_156 : i32
      %mul3A_158 = arith.constant 64 : i32
      %mul3A_159 = arith.muli %mul3A_158, %arg1 : i32
      %add3A_160 = arith.constant 1 : i32
      %add3A_161 = arith.addi %mul3A_159, %add3A_160 : i32
      %mul3A_162 = arith.constant 64 : i32
      %mul3A_163 = arith.muli %mul3A_162, %arg1 : i32
      %add3A_164 = arith.constant 2 : i32
      %add3A_165 = arith.addi %mul3A_163, %add3A_164 : i32
      %mul3A_166 = arith.constant 64 : i32
      %mul3A_167 = arith.muli %mul3A_166, %arg1 : i32
      %add3A_168 = arith.constant 3 : i32
      %add3A_169 = arith.addi %mul3A_167, %add3A_168 : i32
      %mul3A_170 = arith.constant 64 : i32
      %mul3A_171 = arith.muli %mul3A_170, %arg1 : i32
      %add3A_172 = arith.constant 4 : i32
      %add3A_173 = arith.addi %mul3A_171, %add3A_172 : i32
      %mul3A_174 = arith.constant 64 : i32
      %mul3A_175 = arith.muli %mul3A_174, %arg1 : i32
      %add3A_176 = arith.constant 5 : i32
      %add3A_177 = arith.addi %mul3A_175, %add3A_176 : i32
      %mul3A_178 = arith.constant 64 : i32
      %mul3A_179 = arith.muli %mul3A_178, %arg1 : i32
      %add3A_180 = arith.constant 6 : i32
      %add3A_181 = arith.addi %mul3A_179, %add3A_180 : i32
      %mul3A_182 = arith.constant 64 : i32
      %mul3A_183 = arith.muli %mul3A_182, %arg1 : i32
      %add3A_184 = arith.constant 7 : i32
      %add3A_185 = arith.addi %mul3A_183, %add3A_184 : i32
      %mul3A_186 = arith.constant 64 : i32
      %mul3A_187 = arith.muli %mul3A_186, %arg1 : i32
      %add3A_188 = arith.constant 8 : i32
      %add3A_189 = arith.addi %mul3A_187, %add3A_188 : i32
      %mul3A_190 = arith.constant 64 : i32
      %mul3A_191 = arith.muli %mul3A_190, %arg1 : i32
      %add3A_192 = arith.constant 9 : i32
      %add3A_193 = arith.addi %mul3A_191, %add3A_192 : i32
      %mul3A_194 = arith.constant 64 : i32
      %mul3A_195 = arith.muli %mul3A_194, %arg1 : i32
      %add3A_196 = arith.constant 10 : i32
      %add3A_197 = arith.addi %mul3A_195, %add3A_196 : i32
      %mul3A_198 = arith.constant 64 : i32
      %mul3A_199 = arith.muli %mul3A_198, %arg1 : i32
      %add3A_200 = arith.constant 11 : i32
      %add3A_201 = arith.addi %mul3A_199, %add3A_200 : i32
      %mul3A_202 = arith.constant 64 : i32
      %mul3A_203 = arith.muli %mul3A_202, %arg1 : i32
      %add3A_204 = arith.constant 12 : i32
      %add3A_205 = arith.addi %mul3A_203, %add3A_204 : i32
      %mul3A_206 = arith.constant 64 : i32
      %mul3A_207 = arith.muli %mul3A_206, %arg1 : i32
      %add3A_208 = arith.constant 13 : i32
      %add3A_209 = arith.addi %mul3A_207, %add3A_208 : i32
      %mul3A_210 = arith.constant 64 : i32
      %mul3A_211 = arith.muli %mul3A_210, %arg1 : i32
      %add3A_212 = arith.constant 14 : i32
      %add3A_213 = arith.addi %mul3A_211, %add3A_212 : i32
      %mul3A_214 = arith.constant 64 : i32
      %mul3A_215 = arith.muli %mul3A_214, %arg1 : i32
      %add3A_216 = arith.constant 15 : i32
      %add3A_217 = arith.addi %mul3A_215, %add3A_216 : i32
      %mul3A_218 = arith.constant 64 : i32
      %mul3A_219 = arith.muli %mul3A_218, %arg1 : i32
      %add3A_220 = arith.constant 16 : i32
      %add3A_221 = arith.addi %mul3A_219, %add3A_220 : i32
      %mul3A_222 = arith.constant 64 : i32
      %mul3A_223 = arith.muli %mul3A_222, %arg1 : i32
      %add3A_224 = arith.constant 17 : i32
      %add3A_225 = arith.addi %mul3A_223, %add3A_224 : i32
      %mul3A_226 = arith.constant 64 : i32
      %mul3A_227 = arith.muli %mul3A_226, %arg1 : i32
      %add3A_228 = arith.constant 18 : i32
      %add3A_229 = arith.addi %mul3A_227, %add3A_228 : i32
      %mul3A_230 = arith.constant 64 : i32
      %mul3A_231 = arith.muli %mul3A_230, %arg1 : i32
      %add3A_232 = arith.constant 19 : i32
      %add3A_233 = arith.addi %mul3A_231, %add3A_232 : i32
      %mul3A_234 = arith.constant 64 : i32
      %mul3A_235 = arith.muli %mul3A_234, %arg1 : i32
      %add3A_236 = arith.constant 20 : i32
      %add3A_237 = arith.addi %mul3A_235, %add3A_236 : i32
      %mul3A_238 = arith.constant 64 : i32
      %mul3A_239 = arith.muli %mul3A_238, %arg1 : i32
      %add3A_240 = arith.constant 21 : i32
      %add3A_241 = arith.addi %mul3A_239, %add3A_240 : i32
      %mul3A_242 = arith.constant 64 : i32
      %mul3A_243 = arith.muli %mul3A_242, %arg1 : i32
      %add3A_244 = arith.constant 22 : i32
      %add3A_245 = arith.addi %mul3A_243, %add3A_244 : i32
      %mul3A_246 = arith.constant 64 : i32
      %mul3A_247 = arith.muli %mul3A_246, %arg1 : i32
      %add3A_248 = arith.constant 23 : i32
      %add3A_249 = arith.addi %mul3A_247, %add3A_248 : i32
      %mul3A_250 = arith.constant 64 : i32
      %mul3A_251 = arith.muli %mul3A_250, %arg1 : i32
      %add3A_252 = arith.constant 24 : i32
      %add3A_253 = arith.addi %mul3A_251, %add3A_252 : i32
      %mul3A_254 = arith.constant 64 : i32
      %mul3A_255 = arith.muli %mul3A_254, %arg1 : i32
      %add3A_256 = arith.constant 25 : i32
      %add3A_257 = arith.addi %mul3A_255, %add3A_256 : i32
      %mul3A_258 = arith.constant 64 : i32
      %mul3A_259 = arith.muli %mul3A_258, %arg1 : i32
      %add3A_260 = arith.constant 26 : i32
      %add3A_261 = arith.addi %mul3A_259, %add3A_260 : i32
      %mul3A_262 = arith.constant 64 : i32
      %mul3A_263 = arith.muli %mul3A_262, %arg1 : i32
      %add3A_264 = arith.constant 27 : i32
      %add3A_265 = arith.addi %mul3A_263, %add3A_264 : i32
      %mul3A_266 = arith.constant 64 : i32
      %mul3A_267 = arith.muli %mul3A_266, %arg1 : i32
      %add3A_268 = arith.constant 28 : i32
      %add3A_269 = arith.addi %mul3A_267, %add3A_268 : i32
      %mul3A_270 = arith.constant 64 : i32
      %mul3A_271 = arith.muli %mul3A_270, %arg1 : i32
      %add3A_272 = arith.constant 29 : i32
      %add3A_273 = arith.addi %mul3A_271, %add3A_272 : i32
      %mul3A_274 = arith.constant 64 : i32
      %mul3A_275 = arith.muli %mul3A_274, %arg1 : i32
      %add3A_276 = arith.constant 30 : i32
      %add3A_277 = arith.addi %mul3A_275, %add3A_276 : i32
      %mul3A_278 = arith.constant 64 : i32
      %mul3A_279 = arith.muli %mul3A_278, %arg1 : i32
      %add3A_280 = arith.constant 31 : i32
      %add3A_281 = arith.addi %mul3A_279, %add3A_280 : i32
      %mul3A_282 = arith.constant 64 : i32
      %mul3A_283 = arith.muli %mul3A_282, %arg1 : i32
      %add3A_284 = arith.constant 32 : i32
      %add3A_285 = arith.addi %mul3A_283, %add3A_284 : i32
      %mul3A_286 = arith.constant 64 : i32
      %mul3A_287 = arith.muli %mul3A_286, %arg1 : i32
      %add3A_288 = arith.constant 33 : i32
      %add3A_289 = arith.addi %mul3A_287, %add3A_288 : i32
      %mul3A_290 = arith.constant 64 : i32
      %mul3A_291 = arith.muli %mul3A_290, %arg1 : i32
      %add3A_292 = arith.constant 34 : i32
      %add3A_293 = arith.addi %mul3A_291, %add3A_292 : i32
      %mul3A_294 = arith.constant 64 : i32
      %mul3A_295 = arith.muli %mul3A_294, %arg1 : i32
      %add3A_296 = arith.constant 35 : i32
      %add3A_297 = arith.addi %mul3A_295, %add3A_296 : i32
      %mul3A_298 = arith.constant 64 : i32
      %mul3A_299 = arith.muli %mul3A_298, %arg1 : i32
      %add3A_300 = arith.constant 36 : i32
      %add3A_301 = arith.addi %mul3A_299, %add3A_300 : i32
      %mul3A_302 = arith.constant 64 : i32
      %mul3A_303 = arith.muli %mul3A_302, %arg1 : i32
      %add3A_304 = arith.constant 37 : i32
      %add3A_305 = arith.addi %mul3A_303, %add3A_304 : i32
      %mul3A_306 = arith.constant 64 : i32
      %mul3A_307 = arith.muli %mul3A_306, %arg1 : i32
      %add3A_308 = arith.constant 38 : i32
      %add3A_309 = arith.addi %mul3A_307, %add3A_308 : i32
      %mul3A_310 = arith.constant 64 : i32
      %mul3A_311 = arith.muli %mul3A_310, %arg1 : i32
      %add3A_312 = arith.constant 39 : i32
      %add3A_313 = arith.addi %mul3A_311, %add3A_312 : i32
      %mul3A_314 = arith.constant 64 : i32
      %mul3A_315 = arith.muli %mul3A_314, %arg1 : i32
      %add3A_316 = arith.constant 40 : i32
      %add3A_317 = arith.addi %mul3A_315, %add3A_316 : i32
      %mul3A_318 = arith.constant 64 : i32
      %mul3A_319 = arith.muli %mul3A_318, %arg1 : i32
      %add3A_320 = arith.constant 41 : i32
      %add3A_321 = arith.addi %mul3A_319, %add3A_320 : i32
      %mul3A_322 = arith.constant 64 : i32
      %mul3A_323 = arith.muli %mul3A_322, %arg1 : i32
      %add3A_324 = arith.constant 42 : i32
      %add3A_325 = arith.addi %mul3A_323, %add3A_324 : i32
      %mul3A_326 = arith.constant 64 : i32
      %mul3A_327 = arith.muli %mul3A_326, %arg1 : i32
      %add3A_328 = arith.constant 43 : i32
      %add3A_329 = arith.addi %mul3A_327, %add3A_328 : i32
      %mul3A_330 = arith.constant 64 : i32
      %mul3A_331 = arith.muli %mul3A_330, %arg1 : i32
      %add3A_332 = arith.constant 44 : i32
      %add3A_333 = arith.addi %mul3A_331, %add3A_332 : i32
      %mul3A_334 = arith.constant 64 : i32
      %mul3A_335 = arith.muli %mul3A_334, %arg1 : i32
      %add3A_336 = arith.constant 45 : i32
      %add3A_337 = arith.addi %mul3A_335, %add3A_336 : i32
      %mul3A_338 = arith.constant 64 : i32
      %mul3A_339 = arith.muli %mul3A_338, %arg1 : i32
      %add3A_340 = arith.constant 46 : i32
      %add3A_341 = arith.addi %mul3A_339, %add3A_340 : i32
      %mul3A_342 = arith.constant 64 : i32
      %mul3A_343 = arith.muli %mul3A_342, %arg1 : i32
      %add3A_344 = arith.constant 47 : i32
      %add3A_345 = arith.addi %mul3A_343, %add3A_344 : i32
      %mul3A_346 = arith.constant 64 : i32
      %mul3A_347 = arith.muli %mul3A_346, %arg1 : i32
      %add3A_348 = arith.constant 48 : i32
      %add3A_349 = arith.addi %mul3A_347, %add3A_348 : i32
      %mul3A_350 = arith.constant 64 : i32
      %mul3A_351 = arith.muli %mul3A_350, %arg1 : i32
      %add3A_352 = arith.constant 49 : i32
      %add3A_353 = arith.addi %mul3A_351, %add3A_352 : i32
      %mul3A_354 = arith.constant 64 : i32
      %mul3A_355 = arith.muli %mul3A_354, %arg1 : i32
      %add3A_356 = arith.constant 50 : i32
      %add3A_357 = arith.addi %mul3A_355, %add3A_356 : i32
      %mul3A_358 = arith.constant 64 : i32
      %mul3A_359 = arith.muli %mul3A_358, %arg1 : i32
      %add3A_360 = arith.constant 51 : i32
      %add3A_361 = arith.addi %mul3A_359, %add3A_360 : i32
      %mul3A_362 = arith.constant 64 : i32
      %mul3A_363 = arith.muli %mul3A_362, %arg1 : i32
      %add3A_364 = arith.constant 52 : i32
      %add3A_365 = arith.addi %mul3A_363, %add3A_364 : i32
      %mul3A_366 = arith.constant 64 : i32
      %mul3A_367 = arith.muli %mul3A_366, %arg1 : i32
      %add3A_368 = arith.constant 53 : i32
      %add3A_369 = arith.addi %mul3A_367, %add3A_368 : i32
      %mul3A_370 = arith.constant 64 : i32
      %mul3A_371 = arith.muli %mul3A_370, %arg1 : i32
      %add3A_372 = arith.constant 54 : i32
      %add3A_373 = arith.addi %mul3A_371, %add3A_372 : i32
      %mul3A_374 = arith.constant 64 : i32
      %mul3A_375 = arith.muli %mul3A_374, %arg1 : i32
      %add3A_376 = arith.constant 55 : i32
      %add3A_377 = arith.addi %mul3A_375, %add3A_376 : i32
      %mul3A_378 = arith.constant 64 : i32
      %mul3A_379 = arith.muli %mul3A_378, %arg1 : i32
      %add3A_380 = arith.constant 56 : i32
      %add3A_381 = arith.addi %mul3A_379, %add3A_380 : i32
      %mul3A_382 = arith.constant 64 : i32
      %mul3A_383 = arith.muli %mul3A_382, %arg1 : i32
      %add3A_384 = arith.constant 57 : i32
      %add3A_385 = arith.addi %mul3A_383, %add3A_384 : i32
      %mul3A_386 = arith.constant 64 : i32
      %mul3A_387 = arith.muli %mul3A_386, %arg1 : i32
      %add3A_388 = arith.constant 58 : i32
      %add3A_389 = arith.addi %mul3A_387, %add3A_388 : i32
      %mul3A_390 = arith.constant 64 : i32
      %mul3A_391 = arith.muli %mul3A_390, %arg1 : i32
      %add3A_392 = arith.constant 59 : i32
      %add3A_393 = arith.addi %mul3A_391, %add3A_392 : i32
      %mul3A_394 = arith.constant 64 : i32
      %mul3A_395 = arith.muli %mul3A_394, %arg1 : i32
      %add3A_396 = arith.constant 60 : i32
      %add3A_397 = arith.addi %mul3A_395, %add3A_396 : i32
      %mul3A_398 = arith.constant 64 : i32
      %mul3A_399 = arith.muli %mul3A_398, %arg1 : i32
      %add3A_400 = arith.constant 61 : i32
      %add3A_401 = arith.addi %mul3A_399, %add3A_400 : i32
      %mul3A_402 = arith.constant 64 : i32
      %mul3A_403 = arith.muli %mul3A_402, %arg1 : i32
      %add3A_404 = arith.constant 62 : i32
      %add3A_405 = arith.addi %mul3A_403, %add3A_404 : i32
      %mul3A_406 = arith.constant 64 : i32
      %mul3A_407 = arith.muli %mul3A_406, %arg1 : i32
      %add3A_408 = arith.constant 63 : i32
      %add3A_409 = arith.addi %mul3A_407, %add3A_408 : i32
      %dma_start3A = arith.constant 0 : i32
      %dma_start3A_410 = arith.constant 0 : i32
      %dma_start3A_411 = tpu.memref_slice %arg4[%add3A_157, %dma_start3A, %dma_start3A_410] : memref<1024x20x101xf32, #tpu.memory_space<hbm>> -> memref<1x20x101xf32, #tpu.memory_space<hbm>>
      %dma_start3A_412 = tpu.memref_squeeze %dma_start3A_411 : memref<1x20x101xf32, #tpu.memory_space<hbm>> -> memref<20x101xf32, #tpu.memory_space<hbm>>
      %dma_start3A_413 = arith.constant 0 : i32
      %dma_start3A_414 = arith.constant 0 : i32
      %dma_start3A_415 = tpu.memref_slice %arg4[%add3A_157, %dma_start3A_413, %dma_start3A_414] : memref<1024x20x101xf32, #tpu.memory_space<hbm>> -> memref<1x20x101xf32, #tpu.memory_space<hbm>>
      %dma_start3A_416 = tpu.memref_squeeze %dma_start3A_415 : memref<1x20x101xf32, #tpu.memory_space<hbm>> -> memref<20x101xf32, #tpu.memory_space<hbm>>
      tpu.enqueue_dma source(%arg9 : memref<20x101xf32, #tpu.memory_space<vmem>>) target(%dma_start3A_416 : memref<20x101xf32, #tpu.memory_space<hbm>>) target_semaphore(%arg11 : memref<!tpu.dma_semaphore, #tpu.memory_space<semaphore_mem>>)
      %dma_start3A_417 = arith.constant 0 : i32
      %dma_start3A_418 = arith.constant 0 : i32
      %dma_start3A_419 = tpu.memref_slice %arg4[%add3A_161, %dma_start3A_417, %dma_start3A_418] : memref<1024x20x101xf32, #tpu.memory_space<hbm>> -> memref<1x20x101xf32, #tpu.memory_space<hbm>>
      %dma_start3A_420 = tpu.memref_squeeze %dma_start3A_419 : memref<1x20x101xf32, #tpu.memory_space<hbm>> -> memref<20x101xf32, #tpu.memory_space<hbm>>
      %dma_start3A_421 = arith.constant 0 : i32
      %dma_start3A_422 = arith.constant 0 : i32
      %dma_start3A_423 = tpu.memref_slice %arg4[%add3A_161, %dma_start3A_421, %dma_start3A_422] : memref<1024x20x101xf32, #tpu.memory_space<hbm>> -> memref<1x20x101xf32, #tpu.memory_space<hbm>>
      %dma_start3A_424 = tpu.memref_squeeze %dma_start3A_423 : memref<1x20x101xf32, #tpu.memory_space<hbm>> -> memref<20x101xf32, #tpu.memory_space<hbm>>
      tpu.enqueue_dma source(%arg9 : memref<20x101xf32, #tpu.memory_space<vmem>>) target(%dma_start3A_424 : memref<20x101xf32, #tpu.memory_space<hbm>>) target_semaphore(%arg11 : memref<!tpu.dma_semaphore, #tpu.memory_space<semaphore_mem>>)
      %dma_start3A_425 = arith.constant 0 : i32
      %dma_start3A_426 = arith.constant 0 : i32
      %dma_start3A_427 = tpu.memref_slice %arg4[%add3A_165, %dma_start3A_425, %dma_start3A_426] : memref<1024x20x101xf32, #tpu.memory_space<hbm>> -> memref<1x20x101xf32, #tpu.memory_space<hbm>>
      %dma_start3A_428 = tpu.memref_squeeze %dma_start3A_427 : memref<1x20x101xf32, #tpu.memory_space<hbm>> -> memref<20x101xf32, #tpu.memory_space<hbm>>
      %dma_start3A_429 = arith.constant 0 : i32
      %dma_start3A_430 = arith.constant 0 : i32
      %dma_start3A_431 = tpu.memref_slice %arg4[%add3A_165, %dma_start3A_429, %dma_start3A_430] : memref<1024x20x101xf32, #tpu.memory_space<hbm>> -> memref<1x20x101xf32, #tpu.memory_space<hbm>>
      %dma_start3A_432 = tpu.memref_squeeze %dma_start3A_431 : memref<1x20x101xf32, #tpu.memory_space<hbm>> -> memref<20x101xf32, #tpu.memory_space<hbm>>
      tpu.enqueue_dma source(%arg9 : memref<20x101xf32, #tpu.memory_space<vmem>>) target(%dma_start3A_432 : memref<20x101xf32, #tpu.memory_space<hbm>>) target_semaphore(%arg11 : memref<!tpu.dma_semaphore, #tpu.memory_space<semaphore_mem>>)
      %dma_start3A_433 = arith.constant 0 : i32
      %dma_start3A_434 = arith.constant 0 : i32
      %dma_start3A_435 = tpu.memref_slice %arg4[%add3A_169, %dma_start3A_433, %dma_start3A_434] : memref<1024x20x101xf32, #tpu.memory_space<hbm>> -> memref<1x20x101xf32, #tpu.memory_space<hbm>>
      %dma_start3A_436 = tpu.memref_squeeze %dma_start3A_435 : memref<1x20x101xf32, #tpu.memory_space<hbm>> -> memref<20x101xf32, #tpu.memory_space<hbm>>
      %dma_start3A_437 = arith.constant 0 : i32
      %dma_start3A_438 = arith.constant 0 : i32
      %dma_start3A_439 = tpu.memref_slice %arg4[%add3A_169, %dma_start3A_437, %dma_start3A_438] : memref<1024x20x101xf32, #tpu.memory_space<hbm>> -> memref<1x20x101xf32, #tpu.memory_space<hbm>>
      %dma_start3A_440 = tpu.memref_squeeze %dma_start3A_439 : memref<1x20x101xf32, #tpu.memory_space<hbm>> -> memref<20x101xf32, #tpu.memory_space<hbm>>
      tpu.enqueue_dma source(%arg9 : memref<20x101xf32, #tpu.memory_space<vmem>>) target(%dma_start3A_440 : memref<20x101xf32, #tpu.memory_space<hbm>>) target_semaphore(%arg11 : memref<!tpu.dma_semaphore, #tpu.memory_space<semaphore_mem>>)
      %dma_start3A_441 = arith.constant 0 : i32
      %dma_start3A_442 = arith.constant 0 : i32
      %dma_start3A_443 = tpu.memref_slice %arg4[%add3A_173, %dma_start3A_441, %dma_start3A_442] : memref<1024x20x101xf32, #tpu.memory_space<hbm>> -> memref<1x20x101xf32, #tpu.memory_space<hbm>>
      %dma_start3A_444 = tpu.memref_squeeze %dma_start3A_443 : memref<1x20x101xf32, #tpu.memory_space<hbm>> -> memref<20x101xf32, #tpu.memory_space<hbm>>
      %dma_start3A_445 = arith.constant 0 : i32
      %dma_start3A_446 = arith.constant 0 : i32
      %dma_start3A_447 = tpu.memref_slice %arg4[%add3A_173, %dma_start3A_445, %dma_start3A_446] : memref<1024x20x101xf32, #tpu.memory_space<hbm>> -> memref<1x20x101xf32, #tpu.memory_space<hbm>>
      %dma_start3A_448 = tpu.memref_squeeze %dma_start3A_447 : memref<1x20x101xf32, #tpu.memory_space<hbm>> -> memref<20x101xf32, #tpu.memory_space<hbm>>
      tpu.enqueue_dma source(%arg9 : memref<20x101xf32, #tpu.memory_space<vmem>>) target(%dma_start3A_448 : memref<20x101xf32, #tpu.memory_space<hbm>>) target_semaphore(%arg11 : memref<!tpu.dma_semaphore, #tpu.memory_space<semaphore_mem>>)
      %dma_start3A_449 = arith.constant 0 : i32
      %dma_start3A_450 = arith.constant 0 : i32
      %dma_start3A_451 = tpu.memref_slice %arg4[%add3A_177, %dma_start3A_449, %dma_start3A_450] : memref<1024x20x101xf32, #tpu.memory_space<hbm>> -> memref<1x20x101xf32, #tpu.memory_space<hbm>>
      %dma_start3A_452 = tpu.memref_squeeze %dma_start3A_451 : memref<1x20x101xf32, #tpu.memory_space<hbm>> -> memref<20x101xf32, #tpu.memory_space<hbm>>
      %dma_start3A_453 = arith.constant 0 : i32
      %dma_start3A_454 = arith.constant 0 : i32
      %dma_start3A_455 = tpu.memref_slice %arg4[%add3A_177, %dma_start3A_453, %dma_start3A_454] : memref<1024x20x101xf32, #tpu.memory_space<hbm>> -> memref<1x20x101xf32, #tpu.memory_space<hbm>>
      %dma_start3A_456 = tpu.memref_squeeze %dma_start3A_455 : memref<1x20x101xf32, #tpu.memory_space<hbm>> -> memref<20x101xf32, #tpu.memory_space<hbm>>
      tpu.enqueue_dma source(%arg9 : memref<20x101xf32, #tpu.memory_space<vmem>>) target(%dma_start3A_456 : memref<20x101xf32, #tpu.memory_space<hbm>>) target_semaphore(%arg11 : memref<!tpu.dma_semaphore, #tpu.memory_space<semaphore_mem>>)
      %dma_start3A_457 = arith.constant 0 : i32
      %dma_start3A_458 = arith.constant 0 : i32
      %dma_start3A_459 = tpu.memref_slice %arg4[%add3A_181, %dma_start3A_457, %dma_start3A_458] : memref<1024x20x101xf32, #tpu.memory_space<hbm>> -> memref<1x20x101xf32, #tpu.memory_space<hbm>>
      %dma_start3A_460 = tpu.memref_squeeze %dma_start3A_459 : memref<1x20x101xf32, #tpu.memory_space<hbm>> -> memref<20x101xf32, #tpu.memory_space<hbm>>
      %dma_start3A_461 = arith.constant 0 : i32
      %dma_start3A_462 = arith.constant 0 : i32
      %dma_start3A_463 = tpu.memref_slice %arg4[%add3A_181, %dma_start3A_461, %dma_start3A_462] : memref<1024x20x101xf32, #tpu.memory_space<hbm>> -> memref<1x20x101xf32, #tpu.memory_space<hbm>>
      %dma_start3A_464 = tpu.memref_squeeze %dma_start3A_463 : memref<1x20x101xf32, #tpu.memory_space<hbm>> -> memref<20x101xf32, #tpu.memory_space<hbm>>
      tpu.enqueue_dma source(%arg9 : memref<20x101xf32, #tpu.memory_space<vmem>>) target(%dma_start3A_464 : memref<20x101xf32, #tpu.memory_space<hbm>>) target_semaphore(%arg11 : memref<!tpu.dma_semaphore, #tpu.memory_space<semaphore_mem>>)
      %dma_start3A_465 = arith.constant 0 : i32
      %dma_start3A_466 = arith.constant 0 : i32
      %dma_start3A_467 = tpu.memref_slice %arg4[%add3A_185, %dma_start3A_465, %dma_start3A_466] : memref<1024x20x101xf32, #tpu.memory_space<hbm>> -> memref<1x20x101xf32, #tpu.memory_space<hbm>>
      %dma_start3A_468 = tpu.memref_squeeze %dma_start3A_467 : memref<1x20x101xf32, #tpu.memory_space<hbm>> -> memref<20x101xf32, #tpu.memory_space<hbm>>
      %dma_start3A_469 = arith.constant 0 : i32
      %dma_start3A_470 = arith.constant 0 : i32
      %dma_start3A_471 = tpu.memref_slice %arg4[%add3A_185, %dma_start3A_469, %dma_start3A_470] : memref<1024x20x101xf32, #tpu.memory_space<hbm>> -> memref<1x20x101xf32, #tpu.memory_space<hbm>>
      %dma_start3A_472 = tpu.memref_squeeze %dma_start3A_471 : memref<1x20x101xf32, #tpu.memory_space<hbm>> -> memref<20x101xf32, #tpu.memory_space<hbm>>
      tpu.enqueue_dma source(%arg9 : memref<20x101xf32, #tpu.memory_space<vmem>>) target(%dma_start3A_472 : memref<20x101xf32, #tpu.memory_space<hbm>>) target_semaphore(%arg11 : memref<!tpu.dma_semaphore, #tpu.memory_space<semaphore_mem>>)
      %dma_start3A_473 = arith.constant 0 : i32
      %dma_start3A_474 = arith.constant 0 : i32
      %dma_start3A_475 = tpu.memref_slice %arg4[%add3A_189, %dma_start3A_473, %dma_start3A_474] : memref<1024x20x101xf32, #tpu.memory_space<hbm>> -> memref<1x20x101xf32, #tpu.memory_space<hbm>>
      %dma_start3A_476 = tpu.memref_squeeze %dma_start3A_475 : memref<1x20x101xf32, #tpu.memory_space<hbm>> -> memref<20x101xf32, #tpu.memory_space<hbm>>
      %dma_start3A_477 = arith.constant 0 : i32
      %dma_start3A_478 = arith.constant 0 : i32
      %dma_start3A_479 = tpu.memref_slice %arg4[%add3A_189, %dma_start3A_477, %dma_start3A_478] : memref<1024x20x101xf32, #tpu.memory_space<hbm>> -> memref<1x20x101xf32, #tpu.memory_space<hbm>>
      %dma_start3A_480 = tpu.memref_squeeze %dma_start3A_479 : memref<1x20x101xf32, #tpu.memory_space<hbm>> -> memref<20x101xf32, #tpu.memory_space<hbm>>
      tpu.enqueue_dma source(%arg9 : memref<20x101xf32, #tpu.memory_space<vmem>>) target(%dma_start3A_480 : memref<20x101xf32, #tpu.memory_space<hbm>>) target_semaphore(%arg11 : memref<!tpu.dma_semaphore, #tpu.memory_space<semaphore_mem>>)
      %dma_start3A_481 = arith.constant 0 : i32
      %dma_start3A_482 = arith.constant 0 : i32
      %dma_start3A_483 = tpu.memref_slice %arg4[%add3A_193, %dma_start3A_481, %dma_start3A_482] : memref<1024x20x101xf32, #tpu.memory_space<hbm>> -> memref<1x20x101xf32, #tpu.memory_space<hbm>>
      %dma_start3A_484 = tpu.memref_squeeze %dma_start3A_483 : memref<1x20x101xf32, #tpu.memory_space<hbm>> -> memref<20x101xf32, #tpu.memory_space<hbm>>
      %dma_start3A_485 = arith.constant 0 : i32
      %dma_start3A_486 = arith.constant 0 : i32
      %dma_start3A_487 = tpu.memref_slice %arg4[%add3A_193, %dma_start3A_485, %dma_start3A_486] : memref<1024x20x101xf32, #tpu.memory_space<hbm>> -> memref<1x20x101xf32, #tpu.memory_space<hbm>>
      %dma_start3A_488 = tpu.memref_squeeze %dma_start3A_487 : memref<1x20x101xf32, #tpu.memory_space<hbm>> -> memref<20x101xf32, #tpu.memory_space<hbm>>
      tpu.enqueue_dma source(%arg9 : memref<20x101xf32, #tpu.memory_space<vmem>>) target(%dma_start3A_488 : memref<20x101xf32, #tpu.memory_space<hbm>>) target_semaphore(%arg11 : memref<!tpu.dma_semaphore, #tpu.memory_space<semaphore_mem>>)
      %dma_start3A_489 = arith.constant 0 : i32
      %dma_start3A_490 = arith.constant 0 : i32
      %dma_start3A_491 = tpu.memref_slice %arg4[%add3A_197, %dma_start3A_489, %dma_start3A_490] : memref<1024x20x101xf32, #tpu.memory_space<hbm>> -> memref<1x20x101xf32, #tpu.memory_space<hbm>>
      %dma_start3A_492 = tpu.memref_squeeze %dma_start3A_491 : memref<1x20x101xf32, #tpu.memory_space<hbm>> -> memref<20x101xf32, #tpu.memory_space<hbm>>
      %dma_start3A_493 = arith.constant 0 : i32
      %dma_start3A_494 = arith.constant 0 : i32
      %dma_start3A_495 = tpu.memref_slice %arg4[%add3A_197, %dma_start3A_493, %dma_start3A_494] : memref<1024x20x101xf32, #tpu.memory_space<hbm>> -> memref<1x20x101xf32, #tpu.memory_space<hbm>>
      %dma_start3A_496 = tpu.memref_squeeze %dma_start3A_495 : memref<1x20x101xf32, #tpu.memory_space<hbm>> -> memref<20x101xf32, #tpu.memory_space<hbm>>
      tpu.enqueue_dma source(%arg9 : memref<20x101xf32, #tpu.memory_space<vmem>>) target(%dma_start3A_496 : memref<20x101xf32, #tpu.memory_space<hbm>>) target_semaphore(%arg11 : memref<!tpu.dma_semaphore, #tpu.memory_space<semaphore_mem>>)
      %dma_start3A_497 = arith.constant 0 : i32
      %dma_start3A_498 = arith.constant 0 : i32
      %dma_start3A_499 = tpu.memref_slice %arg4[%add3A_201, %dma_start3A_497, %dma_start3A_498] : memref<1024x20x101xf32, #tpu.memory_space<hbm>> -> memref<1x20x101xf32, #tpu.memory_space<hbm>>
      %dma_start3A_500 = tpu.memref_squeeze %dma_start3A_499 : memref<1x20x101xf32, #tpu.memory_space<hbm>> -> memref<20x101xf32, #tpu.memory_space<hbm>>
      %dma_start3A_501 = arith.constant 0 : i32
      %dma_start3A_502 = arith.constant 0 : i32
      %dma_start3A_503 = tpu.memref_slice %arg4[%add3A_201, %dma_start3A_501, %dma_start3A_502] : memref<1024x20x101xf32, #tpu.memory_space<hbm>> -> memref<1x20x101xf32, #tpu.memory_space<hbm>>
      %dma_start3A_504 = tpu.memref_squeeze %dma_start3A_503 : memref<1x20x101xf32, #tpu.memory_space<hbm>> -> memref<20x101xf32, #tpu.memory_space<hbm>>
      tpu.enqueue_dma source(%arg9 : memref<20x101xf32, #tpu.memory_space<vmem>>) target(%dma_start3A_504 : memref<20x101xf32, #tpu.memory_space<hbm>>) target_semaphore(%arg11 : memref<!tpu.dma_semaphore, #tpu.memory_space<semaphore_mem>>)
      %dma_start3A_505 = arith.constant 0 : i32
      %dma_start3A_506 = arith.constant 0 : i32
      %dma_start3A_507 = tpu.memref_slice %arg4[%add3A_205, %dma_start3A_505, %dma_start3A_506] : memref<1024x20x101xf32, #tpu.memory_space<hbm>> -> memref<1x20x101xf32, #tpu.memory_space<hbm>>
      %dma_start3A_508 = tpu.memref_squeeze %dma_start3A_507 : memref<1x20x101xf32, #tpu.memory_space<hbm>> -> memref<20x101xf32, #tpu.memory_space<hbm>>
      %dma_start3A_509 = arith.constant 0 : i32
      %dma_start3A_510 = arith.constant 0 : i32
      %dma_start3A_511 = tpu.memref_slice %arg4[%add3A_205, %dma_start3A_509, %dma_start3A_510] : memref<1024x20x101xf32, #tpu.memory_space<hbm>> -> memref<1x20x101xf32, #tpu.memory_space<hbm>>
      %dma_start3A_512 = tpu.memref_squeeze %dma_start3A_511 : memref<1x20x101xf32, #tpu.memory_space<hbm>> -> memref<20x101xf32, #tpu.memory_space<hbm>>
      tpu.enqueue_dma source(%arg9 : memref<20x101xf32, #tpu.memory_space<vmem>>) target(%dma_start3A_512 : memref<20x101xf32, #tpu.memory_space<hbm>>) target_semaphore(%arg11 : memref<!tpu.dma_semaphore, #tpu.memory_space<semaphore_mem>>)
      %dma_start3A_513 = arith.constant 0 : i32
      %dma_start3A_514 = arith.constant 0 : i32
      %dma_start3A_515 = tpu.memref_slice %arg4[%add3A_209, %dma_start3A_513, %dma_start3A_514] : memref<1024x20x101xf32, #tpu.memory_space<hbm>> -> memref<1x20x101xf32, #tpu.memory_space<hbm>>
      %dma_start3A_516 = tpu.memref_squeeze %dma_start3A_515 : memref<1x20x101xf32, #tpu.memory_space<hbm>> -> memref<20x101xf32, #tpu.memory_space<hbm>>
      %dma_start3A_517 = arith.constant 0 : i32
      %dma_start3A_518 = arith.constant 0 : i32
      %dma_start3A_519 = tpu.memref_slice %arg4[%add3A_209, %dma_start3A_517, %dma_start3A_518] : memref<1024x20x101xf32, #tpu.memory_space<hbm>> -> memref<1x20x101xf32, #tpu.memory_space<hbm>>
      %dma_start3A_520 = tpu.memref_squeeze %dma_start3A_519 : memref<1x20x101xf32, #tpu.memory_space<hbm>> -> memref<20x101xf32, #tpu.memory_space<hbm>>
      tpu.enqueue_dma source(%arg9 : memref<20x101xf32, #tpu.memory_space<vmem>>) target(%dma_start3A_520 : memref<20x101xf32, #tpu.memory_space<hbm>>) target_semaphore(%arg11 : memref<!tpu.dma_semaphore, #tpu.memory_space<semaphore_mem>>)
      %dma_start3A_521 = arith.constant 0 : i32
      %dma_start3A_522 = arith.constant 0 : i32
      %dma_start3A_523 = tpu.memref_slice %arg4[%add3A_213, %dma_start3A_521, %dma_start3A_522] : memref<1024x20x101xf32, #tpu.memory_space<hbm>> -> memref<1x20x101xf32, #tpu.memory_space<hbm>>
      %dma_start3A_524 = tpu.memref_squeeze %dma_start3A_523 : memref<1x20x101xf32, #tpu.memory_space<hbm>> -> memref<20x101xf32, #tpu.memory_space<hbm>>
      %dma_start3A_525 = arith.constant 0 : i32
      %dma_start3A_526 = arith.constant 0 : i32
      %dma_start3A_527 = tpu.memref_slice %arg4[%add3A_213, %dma_start3A_525, %dma_start3A_526] : memref<1024x20x101xf32, #tpu.memory_space<hbm>> -> memref<1x20x101xf32, #tpu.memory_space<hbm>>
      %dma_start3A_528 = tpu.memref_squeeze %dma_start3A_527 : memref<1x20x101xf32, #tpu.memory_space<hbm>> -> memref<20x101xf32, #tpu.memory_space<hbm>>
      tpu.enqueue_dma source(%arg9 : memref<20x101xf32, #tpu.memory_space<vmem>>) target(%dma_start3A_528 : memref<20x101xf32, #tpu.memory_space<hbm>>) target_semaphore(%arg11 : memref<!tpu.dma_semaphore, #tpu.memory_space<semaphore_mem>>)
      %dma_start3A_529 = arith.constant 0 : i32
      %dma_start3A_530 = arith.constant 0 : i32
      %dma_start3A_531 = tpu.memref_slice %arg4[%add3A_217, %dma_start3A_529, %dma_start3A_530] : memref<1024x20x101xf32, #tpu.memory_space<hbm>> -> memref<1x20x101xf32, #tpu.memory_space<hbm>>
      %dma_start3A_532 = tpu.memref_squeeze %dma_start3A_531 : memref<1x20x101xf32, #tpu.memory_space<hbm>> -> memref<20x101xf32, #tpu.memory_space<hbm>>
      %dma_start3A_533 = arith.constant 0 : i32
      %dma_start3A_534 = arith.constant 0 : i32
      %dma_start3A_535 = tpu.memref_slice %arg4[%add3A_217, %dma_start3A_533, %dma_start3A_534] : memref<1024x20x101xf32, #tpu.memory_space<hbm>> -> memref<1x20x101xf32, #tpu.memory_space<hbm>>
      %dma_start3A_536 = tpu.memref_squeeze %dma_start3A_535 : memref<1x20x101xf32, #tpu.memory_space<hbm>> -> memref<20x101xf32, #tpu.memory_space<hbm>>
      tpu.enqueue_dma source(%arg9 : memref<20x101xf32, #tpu.memory_space<vmem>>) target(%dma_start3A_536 : memref<20x101xf32, #tpu.memory_space<hbm>>) target_semaphore(%arg11 : memref<!tpu.dma_semaphore, #tpu.memory_space<semaphore_mem>>)
      %dma_start3A_537 = arith.constant 0 : i32
      %dma_start3A_538 = arith.constant 0 : i32
      %dma_start3A_539 = tpu.memref_slice %arg4[%add3A_221, %dma_start3A_537, %dma_start3A_538] : memref<1024x20x101xf32, #tpu.memory_space<hbm>> -> memref<1x20x101xf32, #tpu.memory_space<hbm>>
      %dma_start3A_540 = tpu.memref_squeeze %dma_start3A_539 : memref<1x20x101xf32, #tpu.memory_space<hbm>> -> memref<20x101xf32, #tpu.memory_space<hbm>>
      %dma_start3A_541 = arith.constant 0 : i32
      %dma_start3A_542 = arith.constant 0 : i32
      %dma_start3A_543 = tpu.memref_slice %arg4[%add3A_221, %dma_start3A_541, %dma_start3A_542] : memref<1024x20x101xf32, #tpu.memory_space<hbm>> -> memref<1x20x101xf32, #tpu.memory_space<hbm>>
      %dma_start3A_544 = tpu.memref_squeeze %dma_start3A_543 : memref<1x20x101xf32, #tpu.memory_space<hbm>> -> memref<20x101xf32, #tpu.memory_space<hbm>>
      tpu.enqueue_dma source(%arg9 : memref<20x101xf32, #tpu.memory_space<vmem>>) target(%dma_start3A_544 : memref<20x101xf32, #tpu.memory_space<hbm>>) target_semaphore(%arg11 : memref<!tpu.dma_semaphore, #tpu.memory_space<semaphore_mem>>)
      %dma_start3A_545 = arith.constant 0 : i32
      %dma_start3A_546 = arith.constant 0 : i32
      %dma_start3A_547 = tpu.memref_slice %arg4[%add3A_225, %dma_start3A_545, %dma_start3A_546] : memref<1024x20x101xf32, #tpu.memory_space<hbm>> -> memref<1x20x101xf32, #tpu.memory_space<hbm>>
      %dma_start3A_548 = tpu.memref_squeeze %dma_start3A_547 : memref<1x20x101xf32, #tpu.memory_space<hbm>> -> memref<20x101xf32, #tpu.memory_space<hbm>>
      %dma_start3A_549 = arith.constant 0 : i32
      %dma_start3A_550 = arith.constant 0 : i32
      %dma_start3A_551 = tpu.memref_slice %arg4[%add3A_225, %dma_start3A_549, %dma_start3A_550] : memref<1024x20x101xf32, #tpu.memory_space<hbm>> -> memref<1x20x101xf32, #tpu.memory_space<hbm>>
      %dma_start3A_552 = tpu.memref_squeeze %dma_start3A_551 : memref<1x20x101xf32, #tpu.memory_space<hbm>> -> memref<20x101xf32, #tpu.memory_space<hbm>>
      tpu.enqueue_dma source(%arg9 : memref<20x101xf32, #tpu.memory_space<vmem>>) target(%dma_start3A_552 : memref<20x101xf32, #tpu.memory_space<hbm>>) target_semaphore(%arg11 : memref<!tpu.dma_semaphore, #tpu.memory_space<semaphore_mem>>)
      %dma_start3A_553 = arith.constant 0 : i32
      %dma_start3A_554 = arith.constant 0 : i32
      %dma_start3A_555 = tpu.memref_slice %arg4[%add3A_229, %dma_start3A_553, %dma_start3A_554] : memref<1024x20x101xf32, #tpu.memory_space<hbm>> -> memref<1x20x101xf32, #tpu.memory_space<hbm>>
      %dma_start3A_556 = tpu.memref_squeeze %dma_start3A_555 : memref<1x20x101xf32, #tpu.memory_space<hbm>> -> memref<20x101xf32, #tpu.memory_space<hbm>>
      %dma_start3A_557 = arith.constant 0 : i32
      %dma_start3A_558 = arith.constant 0 : i32
      %dma_start3A_559 = tpu.memref_slice %arg4[%add3A_229, %dma_start3A_557, %dma_start3A_558] : memref<1024x20x101xf32, #tpu.memory_space<hbm>> -> memref<1x20x101xf32, #tpu.memory_space<hbm>>
      %dma_start3A_560 = tpu.memref_squeeze %dma_start3A_559 : memref<1x20x101xf32, #tpu.memory_space<hbm>> -> memref<20x101xf32, #tpu.memory_space<hbm>>
      tpu.enqueue_dma source(%arg9 : memref<20x101xf32, #tpu.memory_space<vmem>>) target(%dma_start3A_560 : memref<20x101xf32, #tpu.memory_space<hbm>>) target_semaphore(%arg11 : memref<!tpu.dma_semaphore, #tpu.memory_space<semaphore_mem>>)
      %dma_start3A_561 = arith.constant 0 : i32
      %dma_start3A_562 = arith.constant 0 : i32
      %dma_start3A_563 = tpu.memref_slice %arg4[%add3A_233, %dma_start3A_561, %dma_start3A_562] : memref<1024x20x101xf32, #tpu.memory_space<hbm>> -> memref<1x20x101xf32, #tpu.memory_space<hbm>>
      %dma_start3A_564 = tpu.memref_squeeze %dma_start3A_563 : memref<1x20x101xf32, #tpu.memory_space<hbm>> -> memref<20x101xf32, #tpu.memory_space<hbm>>
      %dma_start3A_565 = arith.constant 0 : i32
      %dma_start3A_566 = arith.constant 0 : i32
      %dma_start3A_567 = tpu.memref_slice %arg4[%add3A_233, %dma_start3A_565, %dma_start3A_566] : memref<1024x20x101xf32, #tpu.memory_space<hbm>> -> memref<1x20x101xf32, #tpu.memory_space<hbm>>
      %dma_start3A_568 = tpu.memref_squeeze %dma_start3A_567 : memref<1x20x101xf32, #tpu.memory_space<hbm>> -> memref<20x101xf32, #tpu.memory_space<hbm>>
      tpu.enqueue_dma source(%arg9 : memref<20x101xf32, #tpu.memory_space<vmem>>) target(%dma_start3A_568 : memref<20x101xf32, #tpu.memory_space<hbm>>) target_semaphore(%arg11 : memref<!tpu.dma_semaphore, #tpu.memory_space<semaphore_mem>>)
      %dma_start3A_569 = arith.constant 0 : i32
      %dma_start3A_570 = arith.constant 0 : i32
      %dma_start3A_571 = tpu.memref_slice %arg4[%add3A_237, %dma_start3A_569, %dma_start3A_570] : memref<1024x20x101xf32, #tpu.memory_space<hbm>> -> memref<1x20x101xf32, #tpu.memory_space<hbm>>
      %dma_start3A_572 = tpu.memref_squeeze %dma_start3A_571 : memref<1x20x101xf32, #tpu.memory_space<hbm>> -> memref<20x101xf32, #tpu.memory_space<hbm>>
      %dma_start3A_573 = arith.constant 0 : i32
      %dma_start3A_574 = arith.constant 0 : i32
      %dma_start3A_575 = tpu.memref_slice %arg4[%add3A_237, %dma_start3A_573, %dma_start3A_574] : memref<1024x20x101xf32, #tpu.memory_space<hbm>> -> memref<1x20x101xf32, #tpu.memory_space<hbm>>
      %dma_start3A_576 = tpu.memref_squeeze %dma_start3A_575 : memref<1x20x101xf32, #tpu.memory_space<hbm>> -> memref<20x101xf32, #tpu.memory_space<hbm>>
      tpu.enqueue_dma source(%arg9 : memref<20x101xf32, #tpu.memory_space<vmem>>) target(%dma_start3A_576 : memref<20x101xf32, #tpu.memory_space<hbm>>) target_semaphore(%arg11 : memref<!tpu.dma_semaphore, #tpu.memory_space<semaphore_mem>>)
      %dma_start3A_577 = arith.constant 0 : i32
      %dma_start3A_578 = arith.constant 0 : i32
      %dma_start3A_579 = tpu.memref_slice %arg4[%add3A_241, %dma_start3A_577, %dma_start3A_578] : memref<1024x20x101xf32, #tpu.memory_space<hbm>> -> memref<1x20x101xf32, #tpu.memory_space<hbm>>
      %dma_start3A_580 = tpu.memref_squeeze %dma_start3A_579 : memref<1x20x101xf32, #tpu.memory_space<hbm>> -> memref<20x101xf32, #tpu.memory_space<hbm>>
      %dma_start3A_581 = arith.constant 0 : i32
      %dma_start3A_582 = arith.constant 0 : i32
      %dma_start3A_583 = tpu.memref_slice %arg4[%add3A_241, %dma_start3A_581, %dma_start3A_582] : memref<1024x20x101xf32, #tpu.memory_space<hbm>> -> memref<1x20x101xf32, #tpu.memory_space<hbm>>
      %dma_start3A_584 = tpu.memref_squeeze %dma_start3A_583 : memref<1x20x101xf32, #tpu.memory_space<hbm>> -> memref<20x101xf32, #tpu.memory_space<hbm>>
      tpu.enqueue_dma source(%arg9 : memref<20x101xf32, #tpu.memory_space<vmem>>) target(%dma_start3A_584 : memref<20x101xf32, #tpu.memory_space<hbm>>) target_semaphore(%arg11 : memref<!tpu.dma_semaphore, #tpu.memory_space<semaphore_mem>>)
      %dma_start3A_585 = arith.constant 0 : i32
      %dma_start3A_586 = arith.constant 0 : i32
      %dma_start3A_587 = tpu.memref_slice %arg4[%add3A_245, %dma_start3A_585, %dma_start3A_586] : memref<1024x20x101xf32, #tpu.memory_space<hbm>> -> memref<1x20x101xf32, #tpu.memory_space<hbm>>
      %dma_start3A_588 = tpu.memref_squeeze %dma_start3A_587 : memref<1x20x101xf32, #tpu.memory_space<hbm>> -> memref<20x101xf32, #tpu.memory_space<hbm>>
      %dma_start3A_589 = arith.constant 0 : i32
      %dma_start3A_590 = arith.constant 0 : i32
      %dma_start3A_591 = tpu.memref_slice %arg4[%add3A_245, %dma_start3A_589, %dma_start3A_590] : memref<1024x20x101xf32, #tpu.memory_space<hbm>> -> memref<1x20x101xf32, #tpu.memory_space<hbm>>
      %dma_start3A_592 = tpu.memref_squeeze %dma_start3A_591 : memref<1x20x101xf32, #tpu.memory_space<hbm>> -> memref<20x101xf32, #tpu.memory_space<hbm>>
      tpu.enqueue_dma source(%arg9 : memref<20x101xf32, #tpu.memory_space<vmem>>) target(%dma_start3A_592 : memref<20x101xf32, #tpu.memory_space<hbm>>) target_semaphore(%arg11 : memref<!tpu.dma_semaphore, #tpu.memory_space<semaphore_mem>>)
      %dma_start3A_593 = arith.constant 0 : i32
      %dma_start3A_594 = arith.constant 0 : i32
      %dma_start3A_595 = tpu.memref_slice %arg4[%add3A_249, %dma_start3A_593, %dma_start3A_594] : memref<1024x20x101xf32, #tpu.memory_space<hbm>> -> memref<1x20x101xf32, #tpu.memory_space<hbm>>
      %dma_start3A_596 = tpu.memref_squeeze %dma_start3A_595 : memref<1x20x101xf32, #tpu.memory_space<hbm>> -> memref<20x101xf32, #tpu.memory_space<hbm>>
      %dma_start3A_597 = arith.constant 0 : i32
      %dma_start3A_598 = arith.constant 0 : i32
      %dma_start3A_599 = tpu.memref_slice %arg4[%add3A_249, %dma_start3A_597, %dma_start3A_598] : memref<1024x20x101xf32, #tpu.memory_space<hbm>> -> memref<1x20x101xf32, #tpu.memory_space<hbm>>
      %dma_start3A_600 = tpu.memref_squeeze %dma_start3A_599 : memref<1x20x101xf32, #tpu.memory_space<hbm>> -> memref<20x101xf32, #tpu.memory_space<hbm>>
      tpu.enqueue_dma source(%arg9 : memref<20x101xf32, #tpu.memory_space<vmem>>) target(%dma_start3A_600 : memref<20x101xf32, #tpu.memory_space<hbm>>) target_semaphore(%arg11 : memref<!tpu.dma_semaphore, #tpu.memory_space<semaphore_mem>>)
      %dma_start3A_601 = arith.constant 0 : i32
      %dma_start3A_602 = arith.constant 0 : i32
      %dma_start3A_603 = tpu.memref_slice %arg4[%add3A_253, %dma_start3A_601, %dma_start3A_602] : memref<1024x20x101xf32, #tpu.memory_space<hbm>> -> memref<1x20x101xf32, #tpu.memory_space<hbm>>
      %dma_start3A_604 = tpu.memref_squeeze %dma_start3A_603 : memref<1x20x101xf32, #tpu.memory_space<hbm>> -> memref<20x101xf32, #tpu.memory_space<hbm>>
      %dma_start3A_605 = arith.constant 0 : i32
      %dma_start3A_606 = arith.constant 0 : i32
      %dma_start3A_607 = tpu.memref_slice %arg4[%add3A_253, %dma_start3A_605, %dma_start3A_606] : memref<1024x20x101xf32, #tpu.memory_space<hbm>> -> memref<1x20x101xf32, #tpu.memory_space<hbm>>
      %dma_start3A_608 = tpu.memref_squeeze %dma_start3A_607 : memref<1x20x101xf32, #tpu.memory_space<hbm>> -> memref<20x101xf32, #tpu.memory_space<hbm>>
      tpu.enqueue_dma source(%arg9 : memref<20x101xf32, #tpu.memory_space<vmem>>) target(%dma_start3A_608 : memref<20x101xf32, #tpu.memory_space<hbm>>) target_semaphore(%arg11 : memref<!tpu.dma_semaphore, #tpu.memory_space<semaphore_mem>>)
      %dma_start3A_609 = arith.constant 0 : i32
      %dma_start3A_610 = arith.constant 0 : i32
      %dma_start3A_611 = tpu.memref_slice %arg4[%add3A_257, %dma_start3A_609, %dma_start3A_610] : memref<1024x20x101xf32, #tpu.memory_space<hbm>> -> memref<1x20x101xf32, #tpu.memory_space<hbm>>
      %dma_start3A_612 = tpu.memref_squeeze %dma_start3A_611 : memref<1x20x101xf32, #tpu.memory_space<hbm>> -> memref<20x101xf32, #tpu.memory_space<hbm>>
      %dma_start3A_613 = arith.constant 0 : i32
      %dma_start3A_614 = arith.constant 0 : i32
      %dma_start3A_615 = tpu.memref_slice %arg4[%add3A_257, %dma_start3A_613, %dma_start3A_614] : memref<1024x20x101xf32, #tpu.memory_space<hbm>> -> memref<1x20x101xf32, #tpu.memory_space<hbm>>
      %dma_start3A_616 = tpu.memref_squeeze %dma_start3A_615 : memref<1x20x101xf32, #tpu.memory_space<hbm>> -> memref<20x101xf32, #tpu.memory_space<hbm>>
      tpu.enqueue_dma source(%arg9 : memref<20x101xf32, #tpu.memory_space<vmem>>) target(%dma_start3A_616 : memref<20x101xf32, #tpu.memory_space<hbm>>) target_semaphore(%arg11 : memref<!tpu.dma_semaphore, #tpu.memory_space<semaphore_mem>>)
      %dma_start3A_617 = arith.constant 0 : i32
      %dma_start3A_618 = arith.constant 0 : i32
      %dma_start3A_619 = tpu.memref_slice %arg4[%add3A_261, %dma_start3A_617, %dma_start3A_618] : memref<1024x20x101xf32, #tpu.memory_space<hbm>> -> memref<1x20x101xf32, #tpu.memory_space<hbm>>
      %dma_start3A_620 = tpu.memref_squeeze %dma_start3A_619 : memref<1x20x101xf32, #tpu.memory_space<hbm>> -> memref<20x101xf32, #tpu.memory_space<hbm>>
      %dma_start3A_621 = arith.constant 0 : i32
      %dma_start3A_622 = arith.constant 0 : i32
      %dma_start3A_623 = tpu.memref_slice %arg4[%add3A_261, %dma_start3A_621, %dma_start3A_622] : memref<1024x20x101xf32, #tpu.memory_space<hbm>> -> memref<1x20x101xf32, #tpu.memory_space<hbm>>
      %dma_start3A_624 = tpu.memref_squeeze %dma_start3A_623 : memref<1x20x101xf32, #tpu.memory_space<hbm>> -> memref<20x101xf32, #tpu.memory_space<hbm>>
      tpu.enqueue_dma source(%arg9 : memref<20x101xf32, #tpu.memory_space<vmem>>) target(%dma_start3A_624 : memref<20x101xf32, #tpu.memory_space<hbm>>) target_semaphore(%arg11 : memref<!tpu.dma_semaphore, #tpu.memory_space<semaphore_mem>>)
      %dma_start3A_625 = arith.constant 0 : i32
      %dma_start3A_626 = arith.constant 0 : i32
      %dma_start3A_627 = tpu.memref_slice %arg4[%add3A_265, %dma_start3A_625, %dma_start3A_626] : memref<1024x20x101xf32, #tpu.memory_space<hbm>> -> memref<1x20x101xf32, #tpu.memory_space<hbm>>
      %dma_start3A_628 = tpu.memref_squeeze %dma_start3A_627 : memref<1x20x101xf32, #tpu.memory_space<hbm>> -> memref<20x101xf32, #tpu.memory_space<hbm>>
      %dma_start3A_629 = arith.constant 0 : i32
      %dma_start3A_630 = arith.constant 0 : i32
      %dma_start3A_631 = tpu.memref_slice %arg4[%add3A_265, %dma_start3A_629, %dma_start3A_630] : memref<1024x20x101xf32, #tpu.memory_space<hbm>> -> memref<1x20x101xf32, #tpu.memory_space<hbm>>
      %dma_start3A_632 = tpu.memref_squeeze %dma_start3A_631 : memref<1x20x101xf32, #tpu.memory_space<hbm>> -> memref<20x101xf32, #tpu.memory_space<hbm>>
      tpu.enqueue_dma source(%arg9 : memref<20x101xf32, #tpu.memory_space<vmem>>) target(%dma_start3A_632 : memref<20x101xf32, #tpu.memory_space<hbm>>) target_semaphore(%arg11 : memref<!tpu.dma_semaphore, #tpu.memory_space<semaphore_mem>>)
      %dma_start3A_633 = arith.constant 0 : i32
      %dma_start3A_634 = arith.constant 0 : i32
      %dma_start3A_635 = tpu.memref_slice %arg4[%add3A_269, %dma_start3A_633, %dma_start3A_634] : memref<1024x20x101xf32, #tpu.memory_space<hbm>> -> memref<1x20x101xf32, #tpu.memory_space<hbm>>
      %dma_start3A_636 = tpu.memref_squeeze %dma_start3A_635 : memref<1x20x101xf32, #tpu.memory_space<hbm>> -> memref<20x101xf32, #tpu.memory_space<hbm>>
      %dma_start3A_637 = arith.constant 0 : i32
      %dma_start3A_638 = arith.constant 0 : i32
      %dma_start3A_639 = tpu.memref_slice %arg4[%add3A_269, %dma_start3A_637, %dma_start3A_638] : memref<1024x20x101xf32, #tpu.memory_space<hbm>> -> memref<1x20x101xf32, #tpu.memory_space<hbm>>
      %dma_start3A_640 = tpu.memref_squeeze %dma_start3A_639 : memref<1x20x101xf32, #tpu.memory_space<hbm>> -> memref<20x101xf32, #tpu.memory_space<hbm>>
      tpu.enqueue_dma source(%arg9 : memref<20x101xf32, #tpu.memory_space<vmem>>) target(%dma_start3A_640 : memref<20x101xf32, #tpu.memory_space<hbm>>) target_semaphore(%arg11 : memref<!tpu.dma_semaphore, #tpu.memory_space<semaphore_mem>>)
      %dma_start3A_641 = arith.constant 0 : i32
      %dma_start3A_642 = arith.constant 0 : i32
      %dma_start3A_643 = tpu.memref_slice %arg4[%add3A_273, %dma_start3A_641, %dma_start3A_642] : memref<1024x20x101xf32, #tpu.memory_space<hbm>> -> memref<1x20x101xf32, #tpu.memory_space<hbm>>
      %dma_start3A_644 = tpu.memref_squeeze %dma_start3A_643 : memref<1x20x101xf32, #tpu.memory_space<hbm>> -> memref<20x101xf32, #tpu.memory_space<hbm>>
      %dma_start3A_645 = arith.constant 0 : i32
      %dma_start3A_646 = arith.constant 0 : i32
      %dma_start3A_647 = tpu.memref_slice %arg4[%add3A_273, %dma_start3A_645, %dma_start3A_646] : memref<1024x20x101xf32, #tpu.memory_space<hbm>> -> memref<1x20x101xf32, #tpu.memory_space<hbm>>
      %dma_start3A_648 = tpu.memref_squeeze %dma_start3A_647 : memref<1x20x101xf32, #tpu.memory_space<hbm>> -> memref<20x101xf32, #tpu.memory_space<hbm>>
      tpu.enqueue_dma source(%arg9 : memref<20x101xf32, #tpu.memory_space<vmem>>) target(%dma_start3A_648 : memref<20x101xf32, #tpu.memory_space<hbm>>) target_semaphore(%arg11 : memref<!tpu.dma_semaphore, #tpu.memory_space<semaphore_mem>>)
      %dma_start3A_649 = arith.constant 0 : i32
      %dma_start3A_650 = arith.constant 0 : i32
      %dma_start3A_651 = tpu.memref_slice %arg4[%add3A_277, %dma_start3A_649, %dma_start3A_650] : memref<1024x20x101xf32, #tpu.memory_space<hbm>> -> memref<1x20x101xf32, #tpu.memory_space<hbm>>
      %dma_start3A_652 = tpu.memref_squeeze %dma_start3A_651 : memref<1x20x101xf32, #tpu.memory_space<hbm>> -> memref<20x101xf32, #tpu.memory_space<hbm>>
      %dma_start3A_653 = arith.constant 0 : i32
      %dma_start3A_654 = arith.constant 0 : i32
      %dma_start3A_655 = tpu.memref_slice %arg4[%add3A_277, %dma_start3A_653, %dma_start3A_654] : memref<1024x20x101xf32, #tpu.memory_space<hbm>> -> memref<1x20x101xf32, #tpu.memory_space<hbm>>
      %dma_start3A_656 = tpu.memref_squeeze %dma_start3A_655 : memref<1x20x101xf32, #tpu.memory_space<hbm>> -> memref<20x101xf32, #tpu.memory_space<hbm>>
      tpu.enqueue_dma source(%arg9 : memref<20x101xf32, #tpu.memory_space<vmem>>) target(%dma_start3A_656 : memref<20x101xf32, #tpu.memory_space<hbm>>) target_semaphore(%arg11 : memref<!tpu.dma_semaphore, #tpu.memory_space<semaphore_mem>>)
      %dma_start3A_657 = arith.constant 0 : i32
      %dma_start3A_658 = arith.constant 0 : i32
      %dma_start3A_659 = tpu.memref_slice %arg4[%add3A_281, %dma_start3A_657, %dma_start3A_658] : memref<1024x20x101xf32, #tpu.memory_space<hbm>> -> memref<1x20x101xf32, #tpu.memory_space<hbm>>
      %dma_start3A_660 = tpu.memref_squeeze %dma_start3A_659 : memref<1x20x101xf32, #tpu.memory_space<hbm>> -> memref<20x101xf32, #tpu.memory_space<hbm>>
      %dma_start3A_661 = arith.constant 0 : i32
      %dma_start3A_662 = arith.constant 0 : i32
      %dma_start3A_663 = tpu.memref_slice %arg4[%add3A_281, %dma_start3A_661, %dma_start3A_662] : memref<1024x20x101xf32, #tpu.memory_space<hbm>> -> memref<1x20x101xf32, #tpu.memory_space<hbm>>
      %dma_start3A_664 = tpu.memref_squeeze %dma_start3A_663 : memref<1x20x101xf32, #tpu.memory_space<hbm>> -> memref<20x101xf32, #tpu.memory_space<hbm>>
      tpu.enqueue_dma source(%arg9 : memref<20x101xf32, #tpu.memory_space<vmem>>) target(%dma_start3A_664 : memref<20x101xf32, #tpu.memory_space<hbm>>) target_semaphore(%arg11 : memref<!tpu.dma_semaphore, #tpu.memory_space<semaphore_mem>>)
      %dma_start3A_665 = arith.constant 0 : i32
      %dma_start3A_666 = arith.constant 0 : i32
      %dma_start3A_667 = tpu.memref_slice %arg4[%add3A_285, %dma_start3A_665, %dma_start3A_666] : memref<1024x20x101xf32, #tpu.memory_space<hbm>> -> memref<1x20x101xf32, #tpu.memory_space<hbm>>
      %dma_start3A_668 = tpu.memref_squeeze %dma_start3A_667 : memref<1x20x101xf32, #tpu.memory_space<hbm>> -> memref<20x101xf32, #tpu.memory_space<hbm>>
      %dma_start3A_669 = arith.constant 0 : i32
      %dma_start3A_670 = arith.constant 0 : i32
      %dma_start3A_671 = tpu.memref_slice %arg4[%add3A_285, %dma_start3A_669, %dma_start3A_670] : memref<1024x20x101xf32, #tpu.memory_space<hbm>> -> memref<1x20x101xf32, #tpu.memory_space<hbm>>
      %dma_start3A_672 = tpu.memref_squeeze %dma_start3A_671 : memref<1x20x101xf32, #tpu.memory_space<hbm>> -> memref<20x101xf32, #tpu.memory_space<hbm>>
      tpu.enqueue_dma source(%arg9 : memref<20x101xf32, #tpu.memory_space<vmem>>) target(%dma_start3A_672 : memref<20x101xf32, #tpu.memory_space<hbm>>) target_semaphore(%arg11 : memref<!tpu.dma_semaphore, #tpu.memory_space<semaphore_mem>>)
      %dma_start3A_673 = arith.constant 0 : i32
      %dma_start3A_674 = arith.constant 0 : i32
      %dma_start3A_675 = tpu.memref_slice %arg4[%add3A_289, %dma_start3A_673, %dma_start3A_674] : memref<1024x20x101xf32, #tpu.memory_space<hbm>> -> memref<1x20x101xf32, #tpu.memory_space<hbm>>
      %dma_start3A_676 = tpu.memref_squeeze %dma_start3A_675 : memref<1x20x101xf32, #tpu.memory_space<hbm>> -> memref<20x101xf32, #tpu.memory_space<hbm>>
      %dma_start3A_677 = arith.constant 0 : i32
      %dma_start3A_678 = arith.constant 0 : i32
      %dma_start3A_679 = tpu.memref_slice %arg4[%add3A_289, %dma_start3A_677, %dma_start3A_678] : memref<1024x20x101xf32, #tpu.memory_space<hbm>> -> memref<1x20x101xf32, #tpu.memory_space<hbm>>
      %dma_start3A_680 = tpu.memref_squeeze %dma_start3A_679 : memref<1x20x101xf32, #tpu.memory_space<hbm>> -> memref<20x101xf32, #tpu.memory_space<hbm>>
      tpu.enqueue_dma source(%arg9 : memref<20x101xf32, #tpu.memory_space<vmem>>) target(%dma_start3A_680 : memref<20x101xf32, #tpu.memory_space<hbm>>) target_semaphore(%arg11 : memref<!tpu.dma_semaphore, #tpu.memory_space<semaphore_mem>>)
      %dma_start3A_681 = arith.constant 0 : i32
      %dma_start3A_682 = arith.constant 0 : i32
      %dma_start3A_683 = tpu.memref_slice %arg4[%add3A_293, %dma_start3A_681, %dma_start3A_682] : memref<1024x20x101xf32, #tpu.memory_space<hbm>> -> memref<1x20x101xf32, #tpu.memory_space<hbm>>
      %dma_start3A_684 = tpu.memref_squeeze %dma_start3A_683 : memref<1x20x101xf32, #tpu.memory_space<hbm>> -> memref<20x101xf32, #tpu.memory_space<hbm>>
      %dma_start3A_685 = arith.constant 0 : i32
      %dma_start3A_686 = arith.constant 0 : i32
      %dma_start3A_687 = tpu.memref_slice %arg4[%add3A_293, %dma_start3A_685, %dma_start3A_686] : memref<1024x20x101xf32, #tpu.memory_space<hbm>> -> memref<1x20x101xf32, #tpu.memory_space<hbm>>
      %dma_start3A_688 = tpu.memref_squeeze %dma_start3A_687 : memref<1x20x101xf32, #tpu.memory_space<hbm>> -> memref<20x101xf32, #tpu.memory_space<hbm>>
      tpu.enqueue_dma source(%arg9 : memref<20x101xf32, #tpu.memory_space<vmem>>) target(%dma_start3A_688 : memref<20x101xf32, #tpu.memory_space<hbm>>) target_semaphore(%arg11 : memref<!tpu.dma_semaphore, #tpu.memory_space<semaphore_mem>>)
      %dma_start3A_689 = arith.constant 0 : i32
      %dma_start3A_690 = arith.constant 0 : i32
      %dma_start3A_691 = tpu.memref_slice %arg4[%add3A_297, %dma_start3A_689, %dma_start3A_690] : memref<1024x20x101xf32, #tpu.memory_space<hbm>> -> memref<1x20x101xf32, #tpu.memory_space<hbm>>
      %dma_start3A_692 = tpu.memref_squeeze %dma_start3A_691 : memref<1x20x101xf32, #tpu.memory_space<hbm>> -> memref<20x101xf32, #tpu.memory_space<hbm>>
      %dma_start3A_693 = arith.constant 0 : i32
      %dma_start3A_694 = arith.constant 0 : i32
      %dma_start3A_695 = tpu.memref_slice %arg4[%add3A_297, %dma_start3A_693, %dma_start3A_694] : memref<1024x20x101xf32, #tpu.memory_space<hbm>> -> memref<1x20x101xf32, #tpu.memory_space<hbm>>
      %dma_start3A_696 = tpu.memref_squeeze %dma_start3A_695 : memref<1x20x101xf32, #tpu.memory_space<hbm>> -> memref<20x101xf32, #tpu.memory_space<hbm>>
      tpu.enqueue_dma source(%arg9 : memref<20x101xf32, #tpu.memory_space<vmem>>) target(%dma_start3A_696 : memref<20x101xf32, #tpu.memory_space<hbm>>) target_semaphore(%arg11 : memref<!tpu.dma_semaphore, #tpu.memory_space<semaphore_mem>>)
      %dma_start3A_697 = arith.constant 0 : i32
      %dma_start3A_698 = arith.constant 0 : i32
      %dma_start3A_699 = tpu.memref_slice %arg4[%add3A_301, %dma_start3A_697, %dma_start3A_698] : memref<1024x20x101xf32, #tpu.memory_space<hbm>> -> memref<1x20x101xf32, #tpu.memory_space<hbm>>
      %dma_start3A_700 = tpu.memref_squeeze %dma_start3A_699 : memref<1x20x101xf32, #tpu.memory_space<hbm>> -> memref<20x101xf32, #tpu.memory_space<hbm>>
      %dma_start3A_701 = arith.constant 0 : i32
      %dma_start3A_702 = arith.constant 0 : i32
      %dma_start3A_703 = tpu.memref_slice %arg4[%add3A_301, %dma_start3A_701, %dma_start3A_702] : memref<1024x20x101xf32, #tpu.memory_space<hbm>> -> memref<1x20x101xf32, #tpu.memory_space<hbm>>
      %dma_start3A_704 = tpu.memref_squeeze %dma_start3A_703 : memref<1x20x101xf32, #tpu.memory_space<hbm>> -> memref<20x101xf32, #tpu.memory_space<hbm>>
      tpu.enqueue_dma source(%arg9 : memref<20x101xf32, #tpu.memory_space<vmem>>) target(%dma_start3A_704 : memref<20x101xf32, #tpu.memory_space<hbm>>) target_semaphore(%arg11 : memref<!tpu.dma_semaphore, #tpu.memory_space<semaphore_mem>>)
      %dma_start3A_705 = arith.constant 0 : i32
      %dma_start3A_706 = arith.constant 0 : i32
      %dma_start3A_707 = tpu.memref_slice %arg4[%add3A_305, %dma_start3A_705, %dma_start3A_706] : memref<1024x20x101xf32, #tpu.memory_space<hbm>> -> memref<1x20x101xf32, #tpu.memory_space<hbm>>
      %dma_start3A_708 = tpu.memref_squeeze %dma_start3A_707 : memref<1x20x101xf32, #tpu.memory_space<hbm>> -> memref<20x101xf32, #tpu.memory_space<hbm>>
      %dma_start3A_709 = arith.constant 0 : i32
      %dma_start3A_710 = arith.constant 0 : i32
      %dma_start3A_711 = tpu.memref_slice %arg4[%add3A_305, %dma_start3A_709, %dma_start3A_710] : memref<1024x20x101xf32, #tpu.memory_space<hbm>> -> memref<1x20x101xf32, #tpu.memory_space<hbm>>
      %dma_start3A_712 = tpu.memref_squeeze %dma_start3A_711 : memref<1x20x101xf32, #tpu.memory_space<hbm>> -> memref<20x101xf32, #tpu.memory_space<hbm>>
      tpu.enqueue_dma source(%arg9 : memref<20x101xf32, #tpu.memory_space<vmem>>) target(%dma_start3A_712 : memref<20x101xf32, #tpu.memory_space<hbm>>) target_semaphore(%arg11 : memref<!tpu.dma_semaphore, #tpu.memory_space<semaphore_mem>>)
      %dma_start3A_713 = arith.constant 0 : i32
      %dma_start3A_714 = arith.constant 0 : i32
      %dma_start3A_715 = tpu.memref_slice %arg4[%add3A_309, %dma_start3A_713, %dma_start3A_714] : memref<1024x20x101xf32, #tpu.memory_space<hbm>> -> memref<1x20x101xf32, #tpu.memory_space<hbm>>
      %dma_start3A_716 = tpu.memref_squeeze %dma_start3A_715 : memref<1x20x101xf32, #tpu.memory_space<hbm>> -> memref<20x101xf32, #tpu.memory_space<hbm>>
      %dma_start3A_717 = arith.constant 0 : i32
      %dma_start3A_718 = arith.constant 0 : i32
      %dma_start3A_719 = tpu.memref_slice %arg4[%add3A_309, %dma_start3A_717, %dma_start3A_718] : memref<1024x20x101xf32, #tpu.memory_space<hbm>> -> memref<1x20x101xf32, #tpu.memory_space<hbm>>
      %dma_start3A_720 = tpu.memref_squeeze %dma_start3A_719 : memref<1x20x101xf32, #tpu.memory_space<hbm>> -> memref<20x101xf32, #tpu.memory_space<hbm>>
      tpu.enqueue_dma source(%arg9 : memref<20x101xf32, #tpu.memory_space<vmem>>) target(%dma_start3A_720 : memref<20x101xf32, #tpu.memory_space<hbm>>) target_semaphore(%arg11 : memref<!tpu.dma_semaphore, #tpu.memory_space<semaphore_mem>>)
      %dma_start3A_721 = arith.constant 0 : i32
      %dma_start3A_722 = arith.constant 0 : i32
      %dma_start3A_723 = tpu.memref_slice %arg4[%add3A_313, %dma_start3A_721, %dma_start3A_722] : memref<1024x20x101xf32, #tpu.memory_space<hbm>> -> memref<1x20x101xf32, #tpu.memory_space<hbm>>
      %dma_start3A_724 = tpu.memref_squeeze %dma_start3A_723 : memref<1x20x101xf32, #tpu.memory_space<hbm>> -> memref<20x101xf32, #tpu.memory_space<hbm>>
      %dma_start3A_725 = arith.constant 0 : i32
      %dma_start3A_726 = arith.constant 0 : i32
      %dma_start3A_727 = tpu.memref_slice %arg4[%add3A_313, %dma_start3A_725, %dma_start3A_726] : memref<1024x20x101xf32, #tpu.memory_space<hbm>> -> memref<1x20x101xf32, #tpu.memory_space<hbm>>
      %dma_start3A_728 = tpu.memref_squeeze %dma_start3A_727 : memref<1x20x101xf32, #tpu.memory_space<hbm>> -> memref<20x101xf32, #tpu.memory_space<hbm>>
      tpu.enqueue_dma source(%arg9 : memref<20x101xf32, #tpu.memory_space<vmem>>) target(%dma_start3A_728 : memref<20x101xf32, #tpu.memory_space<hbm>>) target_semaphore(%arg11 : memref<!tpu.dma_semaphore, #tpu.memory_space<semaphore_mem>>)
      %dma_start3A_729 = arith.constant 0 : i32
      %dma_start3A_730 = arith.constant 0 : i32
      %dma_start3A_731 = tpu.memref_slice %arg4[%add3A_317, %dma_start3A_729, %dma_start3A_730] : memref<1024x20x101xf32, #tpu.memory_space<hbm>> -> memref<1x20x101xf32, #tpu.memory_space<hbm>>
      %dma_start3A_732 = tpu.memref_squeeze %dma_start3A_731 : memref<1x20x101xf32, #tpu.memory_space<hbm>> -> memref<20x101xf32, #tpu.memory_space<hbm>>
      %dma_start3A_733 = arith.constant 0 : i32
      %dma_start3A_734 = arith.constant 0 : i32
      %dma_start3A_735 = tpu.memref_slice %arg4[%add3A_317, %dma_start3A_733, %dma_start3A_734] : memref<1024x20x101xf32, #tpu.memory_space<hbm>> -> memref<1x20x101xf32, #tpu.memory_space<hbm>>
      %dma_start3A_736 = tpu.memref_squeeze %dma_start3A_735 : memref<1x20x101xf32, #tpu.memory_space<hbm>> -> memref<20x101xf32, #tpu.memory_space<hbm>>
      tpu.enqueue_dma source(%arg9 : memref<20x101xf32, #tpu.memory_space<vmem>>) target(%dma_start3A_736 : memref<20x101xf32, #tpu.memory_space<hbm>>) target_semaphore(%arg11 : memref<!tpu.dma_semaphore, #tpu.memory_space<semaphore_mem>>)
      %dma_start3A_737 = arith.constant 0 : i32
      %dma_start3A_738 = arith.constant 0 : i32
      %dma_start3A_739 = tpu.memref_slice %arg4[%add3A_321, %dma_start3A_737, %dma_start3A_738] : memref<1024x20x101xf32, #tpu.memory_space<hbm>> -> memref<1x20x101xf32, #tpu.memory_space<hbm>>
      %dma_start3A_740 = tpu.memref_squeeze %dma_start3A_739 : memref<1x20x101xf32, #tpu.memory_space<hbm>> -> memref<20x101xf32, #tpu.memory_space<hbm>>
      %dma_start3A_741 = arith.constant 0 : i32
      %dma_start3A_742 = arith.constant 0 : i32
      %dma_start3A_743 = tpu.memref_slice %arg4[%add3A_321, %dma_start3A_741, %dma_start3A_742] : memref<1024x20x101xf32, #tpu.memory_space<hbm>> -> memref<1x20x101xf32, #tpu.memory_space<hbm>>
      %dma_start3A_744 = tpu.memref_squeeze %dma_start3A_743 : memref<1x20x101xf32, #tpu.memory_space<hbm>> -> memref<20x101xf32, #tpu.memory_space<hbm>>
      tpu.enqueue_dma source(%arg9 : memref<20x101xf32, #tpu.memory_space<vmem>>) target(%dma_start3A_744 : memref<20x101xf32, #tpu.memory_space<hbm>>) target_semaphore(%arg11 : memref<!tpu.dma_semaphore, #tpu.memory_space<semaphore_mem>>)
      %dma_start3A_745 = arith.constant 0 : i32
      %dma_start3A_746 = arith.constant 0 : i32
      %dma_start3A_747 = tpu.memref_slice %arg4[%add3A_325, %dma_start3A_745, %dma_start3A_746] : memref<1024x20x101xf32, #tpu.memory_space<hbm>> -> memref<1x20x101xf32, #tpu.memory_space<hbm>>
      %dma_start3A_748 = tpu.memref_squeeze %dma_start3A_747 : memref<1x20x101xf32, #tpu.memory_space<hbm>> -> memref<20x101xf32, #tpu.memory_space<hbm>>
      %dma_start3A_749 = arith.constant 0 : i32
      %dma_start3A_750 = arith.constant 0 : i32
      %dma_start3A_751 = tpu.memref_slice %arg4[%add3A_325, %dma_start3A_749, %dma_start3A_750] : memref<1024x20x101xf32, #tpu.memory_space<hbm>> -> memref<1x20x101xf32, #tpu.memory_space<hbm>>
      %dma_start3A_752 = tpu.memref_squeeze %dma_start3A_751 : memref<1x20x101xf32, #tpu.memory_space<hbm>> -> memref<20x101xf32, #tpu.memory_space<hbm>>
      tpu.enqueue_dma source(%arg9 : memref<20x101xf32, #tpu.memory_space<vmem>>) target(%dma_start3A_752 : memref<20x101xf32, #tpu.memory_space<hbm>>) target_semaphore(%arg11 : memref<!tpu.dma_semaphore, #tpu.memory_space<semaphore_mem>>)
      %dma_start3A_753 = arith.constant 0 : i32
      %dma_start3A_754 = arith.constant 0 : i32
      %dma_start3A_755 = tpu.memref_slice %arg4[%add3A_329, %dma_start3A_753, %dma_start3A_754] : memref<1024x20x101xf32, #tpu.memory_space<hbm>> -> memref<1x20x101xf32, #tpu.memory_space<hbm>>
      %dma_start3A_756 = tpu.memref_squeeze %dma_start3A_755 : memref<1x20x101xf32, #tpu.memory_space<hbm>> -> memref<20x101xf32, #tpu.memory_space<hbm>>
      %dma_start3A_757 = arith.constant 0 : i32
      %dma_start3A_758 = arith.constant 0 : i32
      %dma_start3A_759 = tpu.memref_slice %arg4[%add3A_329, %dma_start3A_757, %dma_start3A_758] : memref<1024x20x101xf32, #tpu.memory_space<hbm>> -> memref<1x20x101xf32, #tpu.memory_space<hbm>>
      %dma_start3A_760 = tpu.memref_squeeze %dma_start3A_759 : memref<1x20x101xf32, #tpu.memory_space<hbm>> -> memref<20x101xf32, #tpu.memory_space<hbm>>
      tpu.enqueue_dma source(%arg9 : memref<20x101xf32, #tpu.memory_space<vmem>>) target(%dma_start3A_760 : memref<20x101xf32, #tpu.memory_space<hbm>>) target_semaphore(%arg11 : memref<!tpu.dma_semaphore, #tpu.memory_space<semaphore_mem>>)
      %dma_start3A_761 = arith.constant 0 : i32
      %dma_start3A_762 = arith.constant 0 : i32
      %dma_start3A_763 = tpu.memref_slice %arg4[%add3A_333, %dma_start3A_761, %dma_start3A_762] : memref<1024x20x101xf32, #tpu.memory_space<hbm>> -> memref<1x20x101xf32, #tpu.memory_space<hbm>>
      %dma_start3A_764 = tpu.memref_squeeze %dma_start3A_763 : memref<1x20x101xf32, #tpu.memory_space<hbm>> -> memref<20x101xf32, #tpu.memory_space<hbm>>
      %dma_start3A_765 = arith.constant 0 : i32
      %dma_start3A_766 = arith.constant 0 : i32
      %dma_start3A_767 = tpu.memref_slice %arg4[%add3A_333, %dma_start3A_765, %dma_start3A_766] : memref<1024x20x101xf32, #tpu.memory_space<hbm>> -> memref<1x20x101xf32, #tpu.memory_space<hbm>>
      %dma_start3A_768 = tpu.memref_squeeze %dma_start3A_767 : memref<1x20x101xf32, #tpu.memory_space<hbm>> -> memref<20x101xf32, #tpu.memory_space<hbm>>
      tpu.enqueue_dma source(%arg9 : memref<20x101xf32, #tpu.memory_space<vmem>>) target(%dma_start3A_768 : memref<20x101xf32, #tpu.memory_space<hbm>>) target_semaphore(%arg11 : memref<!tpu.dma_semaphore, #tpu.memory_space<semaphore_mem>>)
      %dma_start3A_769 = arith.constant 0 : i32
      %dma_start3A_770 = arith.constant 0 : i32
      %dma_start3A_771 = tpu.memref_slice %arg4[%add3A_337, %dma_start3A_769, %dma_start3A_770] : memref<1024x20x101xf32, #tpu.memory_space<hbm>> -> memref<1x20x101xf32, #tpu.memory_space<hbm>>
      %dma_start3A_772 = tpu.memref_squeeze %dma_start3A_771 : memref<1x20x101xf32, #tpu.memory_space<hbm>> -> memref<20x101xf32, #tpu.memory_space<hbm>>
      %dma_start3A_773 = arith.constant 0 : i32
      %dma_start3A_774 = arith.constant 0 : i32
      %dma_start3A_775 = tpu.memref_slice %arg4[%add3A_337, %dma_start3A_773, %dma_start3A_774] : memref<1024x20x101xf32, #tpu.memory_space<hbm>> -> memref<1x20x101xf32, #tpu.memory_space<hbm>>
      %dma_start3A_776 = tpu.memref_squeeze %dma_start3A_775 : memref<1x20x101xf32, #tpu.memory_space<hbm>> -> memref<20x101xf32, #tpu.memory_space<hbm>>
      tpu.enqueue_dma source(%arg9 : memref<20x101xf32, #tpu.memory_space<vmem>>) target(%dma_start3A_776 : memref<20x101xf32, #tpu.memory_space<hbm>>) target_semaphore(%arg11 : memref<!tpu.dma_semaphore, #tpu.memory_space<semaphore_mem>>)
      %dma_start3A_777 = arith.constant 0 : i32
      %dma_start3A_778 = arith.constant 0 : i32
      %dma_start3A_779 = tpu.memref_slice %arg4[%add3A_341, %dma_start3A_777, %dma_start3A_778] : memref<1024x20x101xf32, #tpu.memory_space<hbm>> -> memref<1x20x101xf32, #tpu.memory_space<hbm>>
      %dma_start3A_780 = tpu.memref_squeeze %dma_start3A_779 : memref<1x20x101xf32, #tpu.memory_space<hbm>> -> memref<20x101xf32, #tpu.memory_space<hbm>>
      %dma_start3A_781 = arith.constant 0 : i32
      %dma_start3A_782 = arith.constant 0 : i32
      %dma_start3A_783 = tpu.memref_slice %arg4[%add3A_341, %dma_start3A_781, %dma_start3A_782] : memref<1024x20x101xf32, #tpu.memory_space<hbm>> -> memref<1x20x101xf32, #tpu.memory_space<hbm>>
      %dma_start3A_784 = tpu.memref_squeeze %dma_start3A_783 : memref<1x20x101xf32, #tpu.memory_space<hbm>> -> memref<20x101xf32, #tpu.memory_space<hbm>>
      tpu.enqueue_dma source(%arg9 : memref<20x101xf32, #tpu.memory_space<vmem>>) target(%dma_start3A_784 : memref<20x101xf32, #tpu.memory_space<hbm>>) target_semaphore(%arg11 : memref<!tpu.dma_semaphore, #tpu.memory_space<semaphore_mem>>)
      %dma_start3A_785 = arith.constant 0 : i32
      %dma_start3A_786 = arith.constant 0 : i32
      %dma_start3A_787 = tpu.memref_slice %arg4[%add3A_345, %dma_start3A_785, %dma_start3A_786] : memref<1024x20x101xf32, #tpu.memory_space<hbm>> -> memref<1x20x101xf32, #tpu.memory_space<hbm>>
      %dma_start3A_788 = tpu.memref_squeeze %dma_start3A_787 : memref<1x20x101xf32, #tpu.memory_space<hbm>> -> memref<20x101xf32, #tpu.memory_space<hbm>>
      %dma_start3A_789 = arith.constant 0 : i32
      %dma_start3A_790 = arith.constant 0 : i32
      %dma_start3A_791 = tpu.memref_slice %arg4[%add3A_345, %dma_start3A_789, %dma_start3A_790] : memref<1024x20x101xf32, #tpu.memory_space<hbm>> -> memref<1x20x101xf32, #tpu.memory_space<hbm>>
      %dma_start3A_792 = tpu.memref_squeeze %dma_start3A_791 : memref<1x20x101xf32, #tpu.memory_space<hbm>> -> memref<20x101xf32, #tpu.memory_space<hbm>>
      tpu.enqueue_dma source(%arg9 : memref<20x101xf32, #tpu.memory_space<vmem>>) target(%dma_start3A_792 : memref<20x101xf32, #tpu.memory_space<hbm>>) target_semaphore(%arg11 : memref<!tpu.dma_semaphore, #tpu.memory_space<semaphore_mem>>)
      %dma_start3A_793 = arith.constant 0 : i32
      %dma_start3A_794 = arith.constant 0 : i32
      %dma_start3A_795 = tpu.memref_slice %arg4[%add3A_349, %dma_start3A_793, %dma_start3A_794] : memref<1024x20x101xf32, #tpu.memory_space<hbm>> -> memref<1x20x101xf32, #tpu.memory_space<hbm>>
      %dma_start3A_796 = tpu.memref_squeeze %dma_start3A_795 : memref<1x20x101xf32, #tpu.memory_space<hbm>> -> memref<20x101xf32, #tpu.memory_space<hbm>>
      %dma_start3A_797 = arith.constant 0 : i32
      %dma_start3A_798 = arith.constant 0 : i32
      %dma_start3A_799 = tpu.memref_slice %arg4[%add3A_349, %dma_start3A_797, %dma_start3A_798] : memref<1024x20x101xf32, #tpu.memory_space<hbm>> -> memref<1x20x101xf32, #tpu.memory_space<hbm>>
      %dma_start3A_800 = tpu.memref_squeeze %dma_start3A_799 : memref<1x20x101xf32, #tpu.memory_space<hbm>> -> memref<20x101xf32, #tpu.memory_space<hbm>>
      tpu.enqueue_dma source(%arg9 : memref<20x101xf32, #tpu.memory_space<vmem>>) target(%dma_start3A_800 : memref<20x101xf32, #tpu.memory_space<hbm>>) target_semaphore(%arg11 : memref<!tpu.dma_semaphore, #tpu.memory_space<semaphore_mem>>)
      %dma_start3A_801 = arith.constant 0 : i32
      %dma_start3A_802 = arith.constant 0 : i32
      %dma_start3A_803 = tpu.memref_slice %arg4[%add3A_353, %dma_start3A_801, %dma_start3A_802] : memref<1024x20x101xf32, #tpu.memory_space<hbm>> -> memref<1x20x101xf32, #tpu.memory_space<hbm>>
      %dma_start3A_804 = tpu.memref_squeeze %dma_start3A_803 : memref<1x20x101xf32, #tpu.memory_space<hbm>> -> memref<20x101xf32, #tpu.memory_space<hbm>>
      %dma_start3A_805 = arith.constant 0 : i32
      %dma_start3A_806 = arith.constant 0 : i32
      %dma_start3A_807 = tpu.memref_slice %arg4[%add3A_353, %dma_start3A_805, %dma_start3A_806] : memref<1024x20x101xf32, #tpu.memory_space<hbm>> -> memref<1x20x101xf32, #tpu.memory_space<hbm>>
      %dma_start3A_808 = tpu.memref_squeeze %dma_start3A_807 : memref<1x20x101xf32, #tpu.memory_space<hbm>> -> memref<20x101xf32, #tpu.memory_space<hbm>>
      tpu.enqueue_dma source(%arg9 : memref<20x101xf32, #tpu.memory_space<vmem>>) target(%dma_start3A_808 : memref<20x101xf32, #tpu.memory_space<hbm>>) target_semaphore(%arg11 : memref<!tpu.dma_semaphore, #tpu.memory_space<semaphore_mem>>)
      %dma_start3A_809 = arith.constant 0 : i32
      %dma_start3A_810 = arith.constant 0 : i32
      %dma_start3A_811 = tpu.memref_slice %arg4[%add3A_357, %dma_start3A_809, %dma_start3A_810] : memref<1024x20x101xf32, #tpu.memory_space<hbm>> -> memref<1x20x101xf32, #tpu.memory_space<hbm>>
      %dma_start3A_812 = tpu.memref_squeeze %dma_start3A_811 : memref<1x20x101xf32, #tpu.memory_space<hbm>> -> memref<20x101xf32, #tpu.memory_space<hbm>>
      %dma_start3A_813 = arith.constant 0 : i32
      %dma_start3A_814 = arith.constant 0 : i32
      %dma_start3A_815 = tpu.memref_slice %arg4[%add3A_357, %dma_start3A_813, %dma_start3A_814] : memref<1024x20x101xf32, #tpu.memory_space<hbm>> -> memref<1x20x101xf32, #tpu.memory_space<hbm>>
      %dma_start3A_816 = tpu.memref_squeeze %dma_start3A_815 : memref<1x20x101xf32, #tpu.memory_space<hbm>> -> memref<20x101xf32, #tpu.memory_space<hbm>>
      tpu.enqueue_dma source(%arg9 : memref<20x101xf32, #tpu.memory_space<vmem>>) target(%dma_start3A_816 : memref<20x101xf32, #tpu.memory_space<hbm>>) target_semaphore(%arg11 : memref<!tpu.dma_semaphore, #tpu.memory_space<semaphore_mem>>)
      %dma_start3A_817 = arith.constant 0 : i32
      %dma_start3A_818 = arith.constant 0 : i32
      %dma_start3A_819 = tpu.memref_slice %arg4[%add3A_361, %dma_start3A_817, %dma_start3A_818] : memref<1024x20x101xf32, #tpu.memory_space<hbm>> -> memref<1x20x101xf32, #tpu.memory_space<hbm>>
      %dma_start3A_820 = tpu.memref_squeeze %dma_start3A_819 : memref<1x20x101xf32, #tpu.memory_space<hbm>> -> memref<20x101xf32, #tpu.memory_space<hbm>>
      %dma_start3A_821 = arith.constant 0 : i32
      %dma_start3A_822 = arith.constant 0 : i32
      %dma_start3A_823 = tpu.memref_slice %arg4[%add3A_361, %dma_start3A_821, %dma_start3A_822] : memref<1024x20x101xf32, #tpu.memory_space<hbm>> -> memref<1x20x101xf32, #tpu.memory_space<hbm>>
      %dma_start3A_824 = tpu.memref_squeeze %dma_start3A_823 : memref<1x20x101xf32, #tpu.memory_space<hbm>> -> memref<20x101xf32, #tpu.memory_space<hbm>>
      tpu.enqueue_dma source(%arg9 : memref<20x101xf32, #tpu.memory_space<vmem>>) target(%dma_start3A_824 : memref<20x101xf32, #tpu.memory_space<hbm>>) target_semaphore(%arg11 : memref<!tpu.dma_semaphore, #tpu.memory_space<semaphore_mem>>)
      %dma_start3A_825 = arith.constant 0 : i32
      %dma_start3A_826 = arith.constant 0 : i32
      %dma_start3A_827 = tpu.memref_slice %arg4[%add3A_365, %dma_start3A_825, %dma_start3A_826] : memref<1024x20x101xf32, #tpu.memory_space<hbm>> -> memref<1x20x101xf32, #tpu.memory_space<hbm>>
      %dma_start3A_828 = tpu.memref_squeeze %dma_start3A_827 : memref<1x20x101xf32, #tpu.memory_space<hbm>> -> memref<20x101xf32, #tpu.memory_space<hbm>>
      %dma_start3A_829 = arith.constant 0 : i32
      %dma_start3A_830 = arith.constant 0 : i32
      %dma_start3A_831 = tpu.memref_slice %arg4[%add3A_365, %dma_start3A_829, %dma_start3A_830] : memref<1024x20x101xf32, #tpu.memory_space<hbm>> -> memref<1x20x101xf32, #tpu.memory_space<hbm>>
      %dma_start3A_832 = tpu.memref_squeeze %dma_start3A_831 : memref<1x20x101xf32, #tpu.memory_space<hbm>> -> memref<20x101xf32, #tpu.memory_space<hbm>>
      tpu.enqueue_dma source(%arg9 : memref<20x101xf32, #tpu.memory_space<vmem>>) target(%dma_start3A_832 : memref<20x101xf32, #tpu.memory_space<hbm>>) target_semaphore(%arg11 : memref<!tpu.dma_semaphore, #tpu.memory_space<semaphore_mem>>)
      %dma_start3A_833 = arith.constant 0 : i32
      %dma_start3A_834 = arith.constant 0 : i32
      %dma_start3A_835 = tpu.memref_slice %arg4[%add3A_369, %dma_start3A_833, %dma_start3A_834] : memref<1024x20x101xf32, #tpu.memory_space<hbm>> -> memref<1x20x101xf32, #tpu.memory_space<hbm>>
      %dma_start3A_836 = tpu.memref_squeeze %dma_start3A_835 : memref<1x20x101xf32, #tpu.memory_space<hbm>> -> memref<20x101xf32, #tpu.memory_space<hbm>>
      %dma_start3A_837 = arith.constant 0 : i32
      %dma_start3A_838 = arith.constant 0 : i32
      %dma_start3A_839 = tpu.memref_slice %arg4[%add3A_369, %dma_start3A_837, %dma_start3A_838] : memref<1024x20x101xf32, #tpu.memory_space<hbm>> -> memref<1x20x101xf32, #tpu.memory_space<hbm>>
      %dma_start3A_840 = tpu.memref_squeeze %dma_start3A_839 : memref<1x20x101xf32, #tpu.memory_space<hbm>> -> memref<20x101xf32, #tpu.memory_space<hbm>>
      tpu.enqueue_dma source(%arg9 : memref<20x101xf32, #tpu.memory_space<vmem>>) target(%dma_start3A_840 : memref<20x101xf32, #tpu.memory_space<hbm>>) target_semaphore(%arg11 : memref<!tpu.dma_semaphore, #tpu.memory_space<semaphore_mem>>)
      %dma_start3A_841 = arith.constant 0 : i32
      %dma_start3A_842 = arith.constant 0 : i32
      %dma_start3A_843 = tpu.memref_slice %arg4[%add3A_373, %dma_start3A_841, %dma_start3A_842] : memref<1024x20x101xf32, #tpu.memory_space<hbm>> -> memref<1x20x101xf32, #tpu.memory_space<hbm>>
      %dma_start3A_844 = tpu.memref_squeeze %dma_start3A_843 : memref<1x20x101xf32, #tpu.memory_space<hbm>> -> memref<20x101xf32, #tpu.memory_space<hbm>>
      %dma_start3A_845 = arith.constant 0 : i32
      %dma_start3A_846 = arith.constant 0 : i32
      %dma_start3A_847 = tpu.memref_slice %arg4[%add3A_373, %dma_start3A_845, %dma_start3A_846] : memref<1024x20x101xf32, #tpu.memory_space<hbm>> -> memref<1x20x101xf32, #tpu.memory_space<hbm>>
      %dma_start3A_848 = tpu.memref_squeeze %dma_start3A_847 : memref<1x20x101xf32, #tpu.memory_space<hbm>> -> memref<20x101xf32, #tpu.memory_space<hbm>>
      tpu.enqueue_dma source(%arg9 : memref<20x101xf32, #tpu.memory_space<vmem>>) target(%dma_start3A_848 : memref<20x101xf32, #tpu.memory_space<hbm>>) target_semaphore(%arg11 : memref<!tpu.dma_semaphore, #tpu.memory_space<semaphore_mem>>)
      %dma_start3A_849 = arith.constant 0 : i32
      %dma_start3A_850 = arith.constant 0 : i32
      %dma_start3A_851 = tpu.memref_slice %arg4[%add3A_377, %dma_start3A_849, %dma_start3A_850] : memref<1024x20x101xf32, #tpu.memory_space<hbm>> -> memref<1x20x101xf32, #tpu.memory_space<hbm>>
      %dma_start3A_852 = tpu.memref_squeeze %dma_start3A_851 : memref<1x20x101xf32, #tpu.memory_space<hbm>> -> memref<20x101xf32, #tpu.memory_space<hbm>>
      %dma_start3A_853 = arith.constant 0 : i32
      %dma_start3A_854 = arith.constant 0 : i32
      %dma_start3A_855 = tpu.memref_slice %arg4[%add3A_377, %dma_start3A_853, %dma_start3A_854] : memref<1024x20x101xf32, #tpu.memory_space<hbm>> -> memref<1x20x101xf32, #tpu.memory_space<hbm>>
      %dma_start3A_856 = tpu.memref_squeeze %dma_start3A_855 : memref<1x20x101xf32, #tpu.memory_space<hbm>> -> memref<20x101xf32, #tpu.memory_space<hbm>>
      tpu.enqueue_dma source(%arg9 : memref<20x101xf32, #tpu.memory_space<vmem>>) target(%dma_start3A_856 : memref<20x101xf32, #tpu.memory_space<hbm>>) target_semaphore(%arg11 : memref<!tpu.dma_semaphore, #tpu.memory_space<semaphore_mem>>)
      %dma_start3A_857 = arith.constant 0 : i32
      %dma_start3A_858 = arith.constant 0 : i32
      %dma_start3A_859 = tpu.memref_slice %arg4[%add3A_381, %dma_start3A_857, %dma_start3A_858] : memref<1024x20x101xf32, #tpu.memory_space<hbm>> -> memref<1x20x101xf32, #tpu.memory_space<hbm>>
      %dma_start3A_860 = tpu.memref_squeeze %dma_start3A_859 : memref<1x20x101xf32, #tpu.memory_space<hbm>> -> memref<20x101xf32, #tpu.memory_space<hbm>>
      %dma_start3A_861 = arith.constant 0 : i32
      %dma_start3A_862 = arith.constant 0 : i32
      %dma_start3A_863 = tpu.memref_slice %arg4[%add3A_381, %dma_start3A_861, %dma_start3A_862] : memref<1024x20x101xf32, #tpu.memory_space<hbm>> -> memref<1x20x101xf32, #tpu.memory_space<hbm>>
      %dma_start3A_864 = tpu.memref_squeeze %dma_start3A_863 : memref<1x20x101xf32, #tpu.memory_space<hbm>> -> memref<20x101xf32, #tpu.memory_space<hbm>>
      tpu.enqueue_dma source(%arg9 : memref<20x101xf32, #tpu.memory_space<vmem>>) target(%dma_start3A_864 : memref<20x101xf32, #tpu.memory_space<hbm>>) target_semaphore(%arg11 : memref<!tpu.dma_semaphore, #tpu.memory_space<semaphore_mem>>)
      %dma_start3A_865 = arith.constant 0 : i32
      %dma_start3A_866 = arith.constant 0 : i32
      %dma_start3A_867 = tpu.memref_slice %arg4[%add3A_385, %dma_start3A_865, %dma_start3A_866] : memref<1024x20x101xf32, #tpu.memory_space<hbm>> -> memref<1x20x101xf32, #tpu.memory_space<hbm>>
      %dma_start3A_868 = tpu.memref_squeeze %dma_start3A_867 : memref<1x20x101xf32, #tpu.memory_space<hbm>> -> memref<20x101xf32, #tpu.memory_space<hbm>>
      %dma_start3A_869 = arith.constant 0 : i32
      %dma_start3A_870 = arith.constant 0 : i32
      %dma_start3A_871 = tpu.memref_slice %arg4[%add3A_385, %dma_start3A_869, %dma_start3A_870] : memref<1024x20x101xf32, #tpu.memory_space<hbm>> -> memref<1x20x101xf32, #tpu.memory_space<hbm>>
      %dma_start3A_872 = tpu.memref_squeeze %dma_start3A_871 : memref<1x20x101xf32, #tpu.memory_space<hbm>> -> memref<20x101xf32, #tpu.memory_space<hbm>>
      tpu.enqueue_dma source(%arg9 : memref<20x101xf32, #tpu.memory_space<vmem>>) target(%dma_start3A_872 : memref<20x101xf32, #tpu.memory_space<hbm>>) target_semaphore(%arg11 : memref<!tpu.dma_semaphore, #tpu.memory_space<semaphore_mem>>)
      %dma_start3A_873 = arith.constant 0 : i32
      %dma_start3A_874 = arith.constant 0 : i32
      %dma_start3A_875 = tpu.memref_slice %arg4[%add3A_389, %dma_start3A_873, %dma_start3A_874] : memref<1024x20x101xf32, #tpu.memory_space<hbm>> -> memref<1x20x101xf32, #tpu.memory_space<hbm>>
      %dma_start3A_876 = tpu.memref_squeeze %dma_start3A_875 : memref<1x20x101xf32, #tpu.memory_space<hbm>> -> memref<20x101xf32, #tpu.memory_space<hbm>>
      %dma_start3A_877 = arith.constant 0 : i32
      %dma_start3A_878 = arith.constant 0 : i32
      %dma_start3A_879 = tpu.memref_slice %arg4[%add3A_389, %dma_start3A_877, %dma_start3A_878] : memref<1024x20x101xf32, #tpu.memory_space<hbm>> -> memref<1x20x101xf32, #tpu.memory_space<hbm>>
      %dma_start3A_880 = tpu.memref_squeeze %dma_start3A_879 : memref<1x20x101xf32, #tpu.memory_space<hbm>> -> memref<20x101xf32, #tpu.memory_space<hbm>>
      tpu.enqueue_dma source(%arg9 : memref<20x101xf32, #tpu.memory_space<vmem>>) target(%dma_start3A_880 : memref<20x101xf32, #tpu.memory_space<hbm>>) target_semaphore(%arg11 : memref<!tpu.dma_semaphore, #tpu.memory_space<semaphore_mem>>)
      %dma_start3A_881 = arith.constant 0 : i32
      %dma_start3A_882 = arith.constant 0 : i32
      %dma_start3A_883 = tpu.memref_slice %arg4[%add3A_393, %dma_start3A_881, %dma_start3A_882] : memref<1024x20x101xf32, #tpu.memory_space<hbm>> -> memref<1x20x101xf32, #tpu.memory_space<hbm>>
      %dma_start3A_884 = tpu.memref_squeeze %dma_start3A_883 : memref<1x20x101xf32, #tpu.memory_space<hbm>> -> memref<20x101xf32, #tpu.memory_space<hbm>>
      %dma_start3A_885 = arith.constant 0 : i32
      %dma_start3A_886 = arith.constant 0 : i32
      %dma_start3A_887 = tpu.memref_slice %arg4[%add3A_393, %dma_start3A_885, %dma_start3A_886] : memref<1024x20x101xf32, #tpu.memory_space<hbm>> -> memref<1x20x101xf32, #tpu.memory_space<hbm>>
      %dma_start3A_888 = tpu.memref_squeeze %dma_start3A_887 : memref<1x20x101xf32, #tpu.memory_space<hbm>> -> memref<20x101xf32, #tpu.memory_space<hbm>>
      tpu.enqueue_dma source(%arg9 : memref<20x101xf32, #tpu.memory_space<vmem>>) target(%dma_start3A_888 : memref<20x101xf32, #tpu.memory_space<hbm>>) target_semaphore(%arg11 : memref<!tpu.dma_semaphore, #tpu.memory_space<semaphore_mem>>)
      %dma_start3A_889 = arith.constant 0 : i32
      %dma_start3A_890 = arith.constant 0 : i32
      %dma_start3A_891 = tpu.memref_slice %arg4[%add3A_397, %dma_start3A_889, %dma_start3A_890] : memref<1024x20x101xf32, #tpu.memory_space<hbm>> -> memref<1x20x101xf32, #tpu.memory_space<hbm>>
      %dma_start3A_892 = tpu.memref_squeeze %dma_start3A_891 : memref<1x20x101xf32, #tpu.memory_space<hbm>> -> memref<20x101xf32, #tpu.memory_space<hbm>>
      %dma_start3A_893 = arith.constant 0 : i32
      %dma_start3A_894 = arith.constant 0 : i32
      %dma_start3A_895 = tpu.memref_slice %arg4[%add3A_397, %dma_start3A_893, %dma_start3A_894] : memref<1024x20x101xf32, #tpu.memory_space<hbm>> -> memref<1x20x101xf32, #tpu.memory_space<hbm>>
      %dma_start3A_896 = tpu.memref_squeeze %dma_start3A_895 : memref<1x20x101xf32, #tpu.memory_space<hbm>> -> memref<20x101xf32, #tpu.memory_space<hbm>>
      tpu.enqueue_dma source(%arg9 : memref<20x101xf32, #tpu.memory_space<vmem>>) target(%dma_start3A_896 : memref<20x101xf32, #tpu.memory_space<hbm>>) target_semaphore(%arg11 : memref<!tpu.dma_semaphore, #tpu.memory_space<semaphore_mem>>)
      %dma_start3A_897 = arith.constant 0 : i32
      %dma_start3A_898 = arith.constant 0 : i32
      %dma_start3A_899 = tpu.memref_slice %arg4[%add3A_401, %dma_start3A_897, %dma_start3A_898] : memref<1024x20x101xf32, #tpu.memory_space<hbm>> -> memref<1x20x101xf32, #tpu.memory_space<hbm>>
      %dma_start3A_900 = tpu.memref_squeeze %dma_start3A_899 : memref<1x20x101xf32, #tpu.memory_space<hbm>> -> memref<20x101xf32, #tpu.memory_space<hbm>>
      %dma_start3A_901 = arith.constant 0 : i32
      %dma_start3A_902 = arith.constant 0 : i32
      %dma_start3A_903 = tpu.memref_slice %arg4[%add3A_401, %dma_start3A_901, %dma_start3A_902] : memref<1024x20x101xf32, #tpu.memory_space<hbm>> -> memref<1x20x101xf32, #tpu.memory_space<hbm>>
      %dma_start3A_904 = tpu.memref_squeeze %dma_start3A_903 : memref<1x20x101xf32, #tpu.memory_space<hbm>> -> memref<20x101xf32, #tpu.memory_space<hbm>>
      tpu.enqueue_dma source(%arg9 : memref<20x101xf32, #tpu.memory_space<vmem>>) target(%dma_start3A_904 : memref<20x101xf32, #tpu.memory_space<hbm>>) target_semaphore(%arg11 : memref<!tpu.dma_semaphore, #tpu.memory_space<semaphore_mem>>)
      %dma_start3A_905 = arith.constant 0 : i32
      %dma_start3A_906 = arith.constant 0 : i32
      %dma_start3A_907 = tpu.memref_slice %arg4[%add3A_405, %dma_start3A_905, %dma_start3A_906] : memref<1024x20x101xf32, #tpu.memory_space<hbm>> -> memref<1x20x101xf32, #tpu.memory_space<hbm>>
      %dma_start3A_908 = tpu.memref_squeeze %dma_start3A_907 : memref<1x20x101xf32, #tpu.memory_space<hbm>> -> memref<20x101xf32, #tpu.memory_space<hbm>>
      %dma_start3A_909 = arith.constant 0 : i32
      %dma_start3A_910 = arith.constant 0 : i32
      %dma_start3A_911 = tpu.memref_slice %arg4[%add3A_405, %dma_start3A_909, %dma_start3A_910] : memref<1024x20x101xf32, #tpu.memory_space<hbm>> -> memref<1x20x101xf32, #tpu.memory_space<hbm>>
      %dma_start3A_912 = tpu.memref_squeeze %dma_start3A_911 : memref<1x20x101xf32, #tpu.memory_space<hbm>> -> memref<20x101xf32, #tpu.memory_space<hbm>>
      tpu.enqueue_dma source(%arg9 : memref<20x101xf32, #tpu.memory_space<vmem>>) target(%dma_start3A_912 : memref<20x101xf32, #tpu.memory_space<hbm>>) target_semaphore(%arg11 : memref<!tpu.dma_semaphore, #tpu.memory_space<semaphore_mem>>)
      %dma_start3A_913 = arith.constant 0 : i32
      %dma_start3A_914 = arith.constant 0 : i32
      %dma_start3A_915 = tpu.memref_slice %arg4[%add3A_409, %dma_start3A_913, %dma_start3A_914] : memref<1024x20x101xf32, #tpu.memory_space<hbm>> -> memref<1x20x101xf32, #tpu.memory_space<hbm>>
      %dma_start3A_916 = tpu.memref_squeeze %dma_start3A_915 : memref<1x20x101xf32, #tpu.memory_space<hbm>> -> memref<20x101xf32, #tpu.memory_space<hbm>>
      %dma_start3A_917 = arith.constant 0 : i32
      %dma_start3A_918 = arith.constant 0 : i32
      %dma_start3A_919 = tpu.memref_slice %arg4[%add3A_409, %dma_start3A_917, %dma_start3A_918] : memref<1024x20x101xf32, #tpu.memory_space<hbm>> -> memref<1x20x101xf32, #tpu.memory_space<hbm>>
      %dma_start3A_920 = tpu.memref_squeeze %dma_start3A_919 : memref<1x20x101xf32, #tpu.memory_space<hbm>> -> memref<20x101xf32, #tpu.memory_space<hbm>>
      tpu.enqueue_dma source(%arg9 : memref<20x101xf32, #tpu.memory_space<vmem>>) target(%dma_start3A_920 : memref<20x101xf32, #tpu.memory_space<hbm>>) target_semaphore(%arg11 : memref<!tpu.dma_semaphore, #tpu.memory_space<semaphore_mem>>)
      %dma_wait3A = arith.constant 0 : i32
      %dma_wait3A_921 = arith.constant 0 : i32
      %dma_wait3A_922 = tpu.memref_slice %arg4[%add3A_157, %dma_wait3A, %dma_wait3A_921] : memref<1024x20x101xf32, #tpu.memory_space<hbm>> -> memref<1x20x101xf32, #tpu.memory_space<hbm>>
      %dma_wait3A_923 = tpu.memref_squeeze %dma_wait3A_922 : memref<1x20x101xf32, #tpu.memory_space<hbm>> -> memref<20x101xf32, #tpu.memory_space<hbm>>
      %dma_wait3A_924 = arith.constant 0 : i32
      %dma_wait3A_925 = arith.constant 0 : i32
      %dma_wait3A_926 = tpu.memref_slice %arg4[%add3A_157, %dma_wait3A_924, %dma_wait3A_925] : memref<1024x20x101xf32, #tpu.memory_space<hbm>> -> memref<1x20x101xf32, #tpu.memory_space<hbm>>
      %dma_wait3A_927 = tpu.memref_squeeze %dma_wait3A_926 : memref<1x20x101xf32, #tpu.memory_space<hbm>> -> memref<20x101xf32, #tpu.memory_space<hbm>>
      tpu.wait_dma2 semaphore(%arg11 : memref<!tpu.dma_semaphore, #tpu.memory_space<semaphore_mem>>) src(%arg9 : memref<20x101xf32, #tpu.memory_space<vmem>>) dst(%dma_wait3A_927 : memref<20x101xf32, #tpu.memory_space<hbm>>)
      %dma_wait3A_928 = arith.constant 0 : i32
      %dma_wait3A_929 = arith.constant 0 : i32
      %dma_wait3A_930 = tpu.memref_slice %arg4[%add3A_161, %dma_wait3A_928, %dma_wait3A_929] : memref<1024x20x101xf32, #tpu.memory_space<hbm>> -> memref<1x20x101xf32, #tpu.memory_space<hbm>>
      %dma_wait3A_931 = tpu.memref_squeeze %dma_wait3A_930 : memref<1x20x101xf32, #tpu.memory_space<hbm>> -> memref<20x101xf32, #tpu.memory_space<hbm>>
      %dma_wait3A_932 = arith.constant 0 : i32
      %dma_wait3A_933 = arith.constant 0 : i32
      %dma_wait3A_934 = tpu.memref_slice %arg4[%add3A_161, %dma_wait3A_932, %dma_wait3A_933] : memref<1024x20x101xf32, #tpu.memory_space<hbm>> -> memref<1x20x101xf32, #tpu.memory_space<hbm>>
      %dma_wait3A_935 = tpu.memref_squeeze %dma_wait3A_934 : memref<1x20x101xf32, #tpu.memory_space<hbm>> -> memref<20x101xf32, #tpu.memory_space<hbm>>
      tpu.wait_dma2 semaphore(%arg11 : memref<!tpu.dma_semaphore, #tpu.memory_space<semaphore_mem>>) src(%arg9 : memref<20x101xf32, #tpu.memory_space<vmem>>) dst(%dma_wait3A_935 : memref<20x101xf32, #tpu.memory_space<hbm>>)
      %dma_wait3A_936 = arith.constant 0 : i32
      %dma_wait3A_937 = arith.constant 0 : i32
      %dma_wait3A_938 = tpu.memref_slice %arg4[%add3A_165, %dma_wait3A_936, %dma_wait3A_937] : memref<1024x20x101xf32, #tpu.memory_space<hbm>> -> memref<1x20x101xf32, #tpu.memory_space<hbm>>
      %dma_wait3A_939 = tpu.memref_squeeze %dma_wait3A_938 : memref<1x20x101xf32, #tpu.memory_space<hbm>> -> memref<20x101xf32, #tpu.memory_space<hbm>>
      %dma_wait3A_940 = arith.constant 0 : i32
      %dma_wait3A_941 = arith.constant 0 : i32
      %dma_wait3A_942 = tpu.memref_slice %arg4[%add3A_165, %dma_wait3A_940, %dma_wait3A_941] : memref<1024x20x101xf32, #tpu.memory_space<hbm>> -> memref<1x20x101xf32, #tpu.memory_space<hbm>>
      %dma_wait3A_943 = tpu.memref_squeeze %dma_wait3A_942 : memref<1x20x101xf32, #tpu.memory_space<hbm>> -> memref<20x101xf32, #tpu.memory_space<hbm>>
      tpu.wait_dma2 semaphore(%arg11 : memref<!tpu.dma_semaphore, #tpu.memory_space<semaphore_mem>>) src(%arg9 : memref<20x101xf32, #tpu.memory_space<vmem>>) dst(%dma_wait3A_943 : memref<20x101xf32, #tpu.memory_space<hbm>>)
      %dma_wait3A_944 = arith.constant 0 : i32
      %dma_wait3A_945 = arith.constant 0 : i32
      %dma_wait3A_946 = tpu.memref_slice %arg4[%add3A_169, %dma_wait3A_944, %dma_wait3A_945] : memref<1024x20x101xf32, #tpu.memory_space<hbm>> -> memref<1x20x101xf32, #tpu.memory_space<hbm>>
      %dma_wait3A_947 = tpu.memref_squeeze %dma_wait3A_946 : memref<1x20x101xf32, #tpu.memory_space<hbm>> -> memref<20x101xf32, #tpu.memory_space<hbm>>
      %dma_wait3A_948 = arith.constant 0 : i32
      %dma_wait3A_949 = arith.constant 0 : i32
      %dma_wait3A_950 = tpu.memref_slice %arg4[%add3A_169, %dma_wait3A_948, %dma_wait3A_949] : memref<1024x20x101xf32, #tpu.memory_space<hbm>> -> memref<1x20x101xf32, #tpu.memory_space<hbm>>
      %dma_wait3A_951 = tpu.memref_squeeze %dma_wait3A_950 : memref<1x20x101xf32, #tpu.memory_space<hbm>> -> memref<20x101xf32, #tpu.memory_space<hbm>>
      tpu.wait_dma2 semaphore(%arg11 : memref<!tpu.dma_semaphore, #tpu.memory_space<semaphore_mem>>) src(%arg9 : memref<20x101xf32, #tpu.memory_space<vmem>>) dst(%dma_wait3A_951 : memref<20x101xf32, #tpu.memory_space<hbm>>)
      %dma_wait3A_952 = arith.constant 0 : i32
      %dma_wait3A_953 = arith.constant 0 : i32
      %dma_wait3A_954 = tpu.memref_slice %arg4[%add3A_173, %dma_wait3A_952, %dma_wait3A_953] : memref<1024x20x101xf32, #tpu.memory_space<hbm>> -> memref<1x20x101xf32, #tpu.memory_space<hbm>>
      %dma_wait3A_955 = tpu.memref_squeeze %dma_wait3A_954 : memref<1x20x101xf32, #tpu.memory_space<hbm>> -> memref<20x101xf32, #tpu.memory_space<hbm>>
      %dma_wait3A_956 = arith.constant 0 : i32
      %dma_wait3A_957 = arith.constant 0 : i32
      %dma_wait3A_958 = tpu.memref_slice %arg4[%add3A_173, %dma_wait3A_956, %dma_wait3A_957] : memref<1024x20x101xf32, #tpu.memory_space<hbm>> -> memref<1x20x101xf32, #tpu.memory_space<hbm>>
      %dma_wait3A_959 = tpu.memref_squeeze %dma_wait3A_958 : memref<1x20x101xf32, #tpu.memory_space<hbm>> -> memref<20x101xf32, #tpu.memory_space<hbm>>
      tpu.wait_dma2 semaphore(%arg11 : memref<!tpu.dma_semaphore, #tpu.memory_space<semaphore_mem>>) src(%arg9 : memref<20x101xf32, #tpu.memory_space<vmem>>) dst(%dma_wait3A_959 : memref<20x101xf32, #tpu.memory_space<hbm>>)
      %dma_wait3A_960 = arith.constant 0 : i32
      %dma_wait3A_961 = arith.constant 0 : i32
      %dma_wait3A_962 = tpu.memref_slice %arg4[%add3A_177, %dma_wait3A_960, %dma_wait3A_961] : memref<1024x20x101xf32, #tpu.memory_space<hbm>> -> memref<1x20x101xf32, #tpu.memory_space<hbm>>
      %dma_wait3A_963 = tpu.memref_squeeze %dma_wait3A_962 : memref<1x20x101xf32, #tpu.memory_space<hbm>> -> memref<20x101xf32, #tpu.memory_space<hbm>>
      %dma_wait3A_964 = arith.constant 0 : i32
      %dma_wait3A_965 = arith.constant 0 : i32
      %dma_wait3A_966 = tpu.memref_slice %arg4[%add3A_177, %dma_wait3A_964, %dma_wait3A_965] : memref<1024x20x101xf32, #tpu.memory_space<hbm>> -> memref<1x20x101xf32, #tpu.memory_space<hbm>>
      %dma_wait3A_967 = tpu.memref_squeeze %dma_wait3A_966 : memref<1x20x101xf32, #tpu.memory_space<hbm>> -> memref<20x101xf32, #tpu.memory_space<hbm>>
      tpu.wait_dma2 semaphore(%arg11 : memref<!tpu.dma_semaphore, #tpu.memory_space<semaphore_mem>>) src(%arg9 : memref<20x101xf32, #tpu.memory_space<vmem>>) dst(%dma_wait3A_967 : memref<20x101xf32, #tpu.memory_space<hbm>>)
      %dma_wait3A_968 = arith.constant 0 : i32
      %dma_wait3A_969 = arith.constant 0 : i32
      %dma_wait3A_970 = tpu.memref_slice %arg4[%add3A_181, %dma_wait3A_968, %dma_wait3A_969] : memref<1024x20x101xf32, #tpu.memory_space<hbm>> -> memref<1x20x101xf32, #tpu.memory_space<hbm>>
      %dma_wait3A_971 = tpu.memref_squeeze %dma_wait3A_970 : memref<1x20x101xf32, #tpu.memory_space<hbm>> -> memref<20x101xf32, #tpu.memory_space<hbm>>
      %dma_wait3A_972 = arith.constant 0 : i32
      %dma_wait3A_973 = arith.constant 0 : i32
      %dma_wait3A_974 = tpu.memref_slice %arg4[%add3A_181, %dma_wait3A_972, %dma_wait3A_973] : memref<1024x20x101xf32, #tpu.memory_space<hbm>> -> memref<1x20x101xf32, #tpu.memory_space<hbm>>
      %dma_wait3A_975 = tpu.memref_squeeze %dma_wait3A_974 : memref<1x20x101xf32, #tpu.memory_space<hbm>> -> memref<20x101xf32, #tpu.memory_space<hbm>>
      tpu.wait_dma2 semaphore(%arg11 : memref<!tpu.dma_semaphore, #tpu.memory_space<semaphore_mem>>) src(%arg9 : memref<20x101xf32, #tpu.memory_space<vmem>>) dst(%dma_wait3A_975 : memref<20x101xf32, #tpu.memory_space<hbm>>)
      %dma_wait3A_976 = arith.constant 0 : i32
      %dma_wait3A_977 = arith.constant 0 : i32
      %dma_wait3A_978 = tpu.memref_slice %arg4[%add3A_185, %dma_wait3A_976, %dma_wait3A_977] : memref<1024x20x101xf32, #tpu.memory_space<hbm>> -> memref<1x20x101xf32, #tpu.memory_space<hbm>>
      %dma_wait3A_979 = tpu.memref_squeeze %dma_wait3A_978 : memref<1x20x101xf32, #tpu.memory_space<hbm>> -> memref<20x101xf32, #tpu.memory_space<hbm>>
      %dma_wait3A_980 = arith.constant 0 : i32
      %dma_wait3A_981 = arith.constant 0 : i32
      %dma_wait3A_982 = tpu.memref_slice %arg4[%add3A_185, %dma_wait3A_980, %dma_wait3A_981] : memref<1024x20x101xf32, #tpu.memory_space<hbm>> -> memref<1x20x101xf32, #tpu.memory_space<hbm>>
      %dma_wait3A_983 = tpu.memref_squeeze %dma_wait3A_982 : memref<1x20x101xf32, #tpu.memory_space<hbm>> -> memref<20x101xf32, #tpu.memory_space<hbm>>
      tpu.wait_dma2 semaphore(%arg11 : memref<!tpu.dma_semaphore, #tpu.memory_space<semaphore_mem>>) src(%arg9 : memref<20x101xf32, #tpu.memory_space<vmem>>) dst(%dma_wait3A_983 : memref<20x101xf32, #tpu.memory_space<hbm>>)
      %dma_wait3A_984 = arith.constant 0 : i32
      %dma_wait3A_985 = arith.constant 0 : i32
      %dma_wait3A_986 = tpu.memref_slice %arg4[%add3A_189, %dma_wait3A_984, %dma_wait3A_985] : memref<1024x20x101xf32, #tpu.memory_space<hbm>> -> memref<1x20x101xf32, #tpu.memory_space<hbm>>
      %dma_wait3A_987 = tpu.memref_squeeze %dma_wait3A_986 : memref<1x20x101xf32, #tpu.memory_space<hbm>> -> memref<20x101xf32, #tpu.memory_space<hbm>>
      %dma_wait3A_988 = arith.constant 0 : i32
      %dma_wait3A_989 = arith.constant 0 : i32
      %dma_wait3A_990 = tpu.memref_slice %arg4[%add3A_189, %dma_wait3A_988, %dma_wait3A_989] : memref<1024x20x101xf32, #tpu.memory_space<hbm>> -> memref<1x20x101xf32, #tpu.memory_space<hbm>>
      %dma_wait3A_991 = tpu.memref_squeeze %dma_wait3A_990 : memref<1x20x101xf32, #tpu.memory_space<hbm>> -> memref<20x101xf32, #tpu.memory_space<hbm>>
      tpu.wait_dma2 semaphore(%arg11 : memref<!tpu.dma_semaphore, #tpu.memory_space<semaphore_mem>>) src(%arg9 : memref<20x101xf32, #tpu.memory_space<vmem>>) dst(%dma_wait3A_991 : memref<20x101xf32, #tpu.memory_space<hbm>>)
      %dma_wait3A_992 = arith.constant 0 : i32
      %dma_wait3A_993 = arith.constant 0 : i32
      %dma_wait3A_994 = tpu.memref_slice %arg4[%add3A_193, %dma_wait3A_992, %dma_wait3A_993] : memref<1024x20x101xf32, #tpu.memory_space<hbm>> -> memref<1x20x101xf32, #tpu.memory_space<hbm>>
      %dma_wait3A_995 = tpu.memref_squeeze %dma_wait3A_994 : memref<1x20x101xf32, #tpu.memory_space<hbm>> -> memref<20x101xf32, #tpu.memory_space<hbm>>
      %dma_wait3A_996 = arith.constant 0 : i32
      %dma_wait3A_997 = arith.constant 0 : i32
      %dma_wait3A_998 = tpu.memref_slice %arg4[%add3A_193, %dma_wait3A_996, %dma_wait3A_997] : memref<1024x20x101xf32, #tpu.memory_space<hbm>> -> memref<1x20x101xf32, #tpu.memory_space<hbm>>
      %dma_wait3A_999 = tpu.memref_squeeze %dma_wait3A_998 : memref<1x20x101xf32, #tpu.memory_space<hbm>> -> memref<20x101xf32, #tpu.memory_space<hbm>>
      tpu.wait_dma2 semaphore(%arg11 : memref<!tpu.dma_semaphore, #tpu.memory_space<semaphore_mem>>) src(%arg9 : memref<20x101xf32, #tpu.memory_space<vmem>>) dst(%dma_wait3A_999 : memref<20x101xf32, #tpu.memory_space<hbm>>)
      %dma_wait3A_1000 = arith.constant 0 : i32
      %dma_wait3A_1001 = arith.constant 0 : i32
      %dma_wait3A_1002 = tpu.memref_slice %arg4[%add3A_197, %dma_wait3A_1000, %dma_wait3A_1001] : memref<1024x20x101xf32, #tpu.memory_space<hbm>> -> memref<1x20x101xf32, #tpu.memory_space<hbm>>
      %dma_wait3A_1003 = tpu.memref_squeeze %dma_wait3A_1002 : memref<1x20x101xf32, #tpu.memory_space<hbm>> -> memref<20x101xf32, #tpu.memory_space<hbm>>
      %dma_wait3A_1004 = arith.constant 0 : i32
      %dma_wait3A_1005 = arith.constant 0 : i32
      %dma_wait3A_1006 = tpu.memref_slice %arg4[%add3A_197, %dma_wait3A_1004, %dma_wait3A_1005] : memref<1024x20x101xf32, #tpu.memory_space<hbm>> -> memref<1x20x101xf32, #tpu.memory_space<hbm>>
      %dma_wait3A_1007 = tpu.memref_squeeze %dma_wait3A_1006 : memref<1x20x101xf32, #tpu.memory_space<hbm>> -> memref<20x101xf32, #tpu.memory_space<hbm>>
      tpu.wait_dma2 semaphore(%arg11 : memref<!tpu.dma_semaphore, #tpu.memory_space<semaphore_mem>>) src(%arg9 : memref<20x101xf32, #tpu.memory_space<vmem>>) dst(%dma_wait3A_1007 : memref<20x101xf32, #tpu.memory_space<hbm>>)
      %dma_wait3A_1008 = arith.constant 0 : i32
      %dma_wait3A_1009 = arith.constant 0 : i32
      %dma_wait3A_1010 = tpu.memref_slice %arg4[%add3A_201, %dma_wait3A_1008, %dma_wait3A_1009] : memref<1024x20x101xf32, #tpu.memory_space<hbm>> -> memref<1x20x101xf32, #tpu.memory_space<hbm>>
      %dma_wait3A_1011 = tpu.memref_squeeze %dma_wait3A_1010 : memref<1x20x101xf32, #tpu.memory_space<hbm>> -> memref<20x101xf32, #tpu.memory_space<hbm>>
      %dma_wait3A_1012 = arith.constant 0 : i32
      %dma_wait3A_1013 = arith.constant 0 : i32
      %dma_wait3A_1014 = tpu.memref_slice %arg4[%add3A_201, %dma_wait3A_1012, %dma_wait3A_1013] : memref<1024x20x101xf32, #tpu.memory_space<hbm>> -> memref<1x20x101xf32, #tpu.memory_space<hbm>>
      %dma_wait3A_1015 = tpu.memref_squeeze %dma_wait3A_1014 : memref<1x20x101xf32, #tpu.memory_space<hbm>> -> memref<20x101xf32, #tpu.memory_space<hbm>>
      tpu.wait_dma2 semaphore(%arg11 : memref<!tpu.dma_semaphore, #tpu.memory_space<semaphore_mem>>) src(%arg9 : memref<20x101xf32, #tpu.memory_space<vmem>>) dst(%dma_wait3A_1015 : memref<20x101xf32, #tpu.memory_space<hbm>>)
      %dma_wait3A_1016 = arith.constant 0 : i32
      %dma_wait3A_1017 = arith.constant 0 : i32
      %dma_wait3A_1018 = tpu.memref_slice %arg4[%add3A_205, %dma_wait3A_1016, %dma_wait3A_1017] : memref<1024x20x101xf32, #tpu.memory_space<hbm>> -> memref<1x20x101xf32, #tpu.memory_space<hbm>>
      %dma_wait3A_1019 = tpu.memref_squeeze %dma_wait3A_1018 : memref<1x20x101xf32, #tpu.memory_space<hbm>> -> memref<20x101xf32, #tpu.memory_space<hbm>>
      %dma_wait3A_1020 = arith.constant 0 : i32
      %dma_wait3A_1021 = arith.constant 0 : i32
      %dma_wait3A_1022 = tpu.memref_slice %arg4[%add3A_205, %dma_wait3A_1020, %dma_wait3A_1021] : memref<1024x20x101xf32, #tpu.memory_space<hbm>> -> memref<1x20x101xf32, #tpu.memory_space<hbm>>
      %dma_wait3A_1023 = tpu.memref_squeeze %dma_wait3A_1022 : memref<1x20x101xf32, #tpu.memory_space<hbm>> -> memref<20x101xf32, #tpu.memory_space<hbm>>
      tpu.wait_dma2 semaphore(%arg11 : memref<!tpu.dma_semaphore, #tpu.memory_space<semaphore_mem>>) src(%arg9 : memref<20x101xf32, #tpu.memory_space<vmem>>) dst(%dma_wait3A_1023 : memref<20x101xf32, #tpu.memory_space<hbm>>)
      %dma_wait3A_1024 = arith.constant 0 : i32
      %dma_wait3A_1025 = arith.constant 0 : i32
      %dma_wait3A_1026 = tpu.memref_slice %arg4[%add3A_209, %dma_wait3A_1024, %dma_wait3A_1025] : memref<1024x20x101xf32, #tpu.memory_space<hbm>> -> memref<1x20x101xf32, #tpu.memory_space<hbm>>
      %dma_wait3A_1027 = tpu.memref_squeeze %dma_wait3A_1026 : memref<1x20x101xf32, #tpu.memory_space<hbm>> -> memref<20x101xf32, #tpu.memory_space<hbm>>
      %dma_wait3A_1028 = arith.constant 0 : i32
      %dma_wait3A_1029 = arith.constant 0 : i32
      %dma_wait3A_1030 = tpu.memref_slice %arg4[%add3A_209, %dma_wait3A_1028, %dma_wait3A_1029] : memref<1024x20x101xf32, #tpu.memory_space<hbm>> -> memref<1x20x101xf32, #tpu.memory_space<hbm>>
      %dma_wait3A_1031 = tpu.memref_squeeze %dma_wait3A_1030 : memref<1x20x101xf32, #tpu.memory_space<hbm>> -> memref<20x101xf32, #tpu.memory_space<hbm>>
      tpu.wait_dma2 semaphore(%arg11 : memref<!tpu.dma_semaphore, #tpu.memory_space<semaphore_mem>>) src(%arg9 : memref<20x101xf32, #tpu.memory_space<vmem>>) dst(%dma_wait3A_1031 : memref<20x101xf32, #tpu.memory_space<hbm>>)
      %dma_wait3A_1032 = arith.constant 0 : i32
      %dma_wait3A_1033 = arith.constant 0 : i32
      %dma_wait3A_1034 = tpu.memref_slice %arg4[%add3A_213, %dma_wait3A_1032, %dma_wait3A_1033] : memref<1024x20x101xf32, #tpu.memory_space<hbm>> -> memref<1x20x101xf32, #tpu.memory_space<hbm>>
      %dma_wait3A_1035 = tpu.memref_squeeze %dma_wait3A_1034 : memref<1x20x101xf32, #tpu.memory_space<hbm>> -> memref<20x101xf32, #tpu.memory_space<hbm>>
      %dma_wait3A_1036 = arith.constant 0 : i32
      %dma_wait3A_1037 = arith.constant 0 : i32
      %dma_wait3A_1038 = tpu.memref_slice %arg4[%add3A_213, %dma_wait3A_1036, %dma_wait3A_1037] : memref<1024x20x101xf32, #tpu.memory_space<hbm>> -> memref<1x20x101xf32, #tpu.memory_space<hbm>>
      %dma_wait3A_1039 = tpu.memref_squeeze %dma_wait3A_1038 : memref<1x20x101xf32, #tpu.memory_space<hbm>> -> memref<20x101xf32, #tpu.memory_space<hbm>>
      tpu.wait_dma2 semaphore(%arg11 : memref<!tpu.dma_semaphore, #tpu.memory_space<semaphore_mem>>) src(%arg9 : memref<20x101xf32, #tpu.memory_space<vmem>>) dst(%dma_wait3A_1039 : memref<20x101xf32, #tpu.memory_space<hbm>>)
      %dma_wait3A_1040 = arith.constant 0 : i32
      %dma_wait3A_1041 = arith.constant 0 : i32
      %dma_wait3A_1042 = tpu.memref_slice %arg4[%add3A_217, %dma_wait3A_1040, %dma_wait3A_1041] : memref<1024x20x101xf32, #tpu.memory_space<hbm>> -> memref<1x20x101xf32, #tpu.memory_space<hbm>>
      %dma_wait3A_1043 = tpu.memref_squeeze %dma_wait3A_1042 : memref<1x20x101xf32, #tpu.memory_space<hbm>> -> memref<20x101xf32, #tpu.memory_space<hbm>>
      %dma_wait3A_1044 = arith.constant 0 : i32
      %dma_wait3A_1045 = arith.constant 0 : i32
      %dma_wait3A_1046 = tpu.memref_slice %arg4[%add3A_217, %dma_wait3A_1044, %dma_wait3A_1045] : memref<1024x20x101xf32, #tpu.memory_space<hbm>> -> memref<1x20x101xf32, #tpu.memory_space<hbm>>
      %dma_wait3A_1047 = tpu.memref_squeeze %dma_wait3A_1046 : memref<1x20x101xf32, #tpu.memory_space<hbm>> -> memref<20x101xf32, #tpu.memory_space<hbm>>
      tpu.wait_dma2 semaphore(%arg11 : memref<!tpu.dma_semaphore, #tpu.memory_space<semaphore_mem>>) src(%arg9 : memref<20x101xf32, #tpu.memory_space<vmem>>) dst(%dma_wait3A_1047 : memref<20x101xf32, #tpu.memory_space<hbm>>)
      %dma_wait3A_1048 = arith.constant 0 : i32
      %dma_wait3A_1049 = arith.constant 0 : i32
      %dma_wait3A_1050 = tpu.memref_slice %arg4[%add3A_221, %dma_wait3A_1048, %dma_wait3A_1049] : memref<1024x20x101xf32, #tpu.memory_space<hbm>> -> memref<1x20x101xf32, #tpu.memory_space<hbm>>
      %dma_wait3A_1051 = tpu.memref_squeeze %dma_wait3A_1050 : memref<1x20x101xf32, #tpu.memory_space<hbm>> -> memref<20x101xf32, #tpu.memory_space<hbm>>
      %dma_wait3A_1052 = arith.constant 0 : i32
      %dma_wait3A_1053 = arith.constant 0 : i32
      %dma_wait3A_1054 = tpu.memref_slice %arg4[%add3A_221, %dma_wait3A_1052, %dma_wait3A_1053] : memref<1024x20x101xf32, #tpu.memory_space<hbm>> -> memref<1x20x101xf32, #tpu.memory_space<hbm>>
      %dma_wait3A_1055 = tpu.memref_squeeze %dma_wait3A_1054 : memref<1x20x101xf32, #tpu.memory_space<hbm>> -> memref<20x101xf32, #tpu.memory_space<hbm>>
      tpu.wait_dma2 semaphore(%arg11 : memref<!tpu.dma_semaphore, #tpu.memory_space<semaphore_mem>>) src(%arg9 : memref<20x101xf32, #tpu.memory_space<vmem>>) dst(%dma_wait3A_1055 : memref<20x101xf32, #tpu.memory_space<hbm>>)
      %dma_wait3A_1056 = arith.constant 0 : i32
      %dma_wait3A_1057 = arith.constant 0 : i32
      %dma_wait3A_1058 = tpu.memref_slice %arg4[%add3A_225, %dma_wait3A_1056, %dma_wait3A_1057] : memref<1024x20x101xf32, #tpu.memory_space<hbm>> -> memref<1x20x101xf32, #tpu.memory_space<hbm>>
      %dma_wait3A_1059 = tpu.memref_squeeze %dma_wait3A_1058 : memref<1x20x101xf32, #tpu.memory_space<hbm>> -> memref<20x101xf32, #tpu.memory_space<hbm>>
      %dma_wait3A_1060 = arith.constant 0 : i32
      %dma_wait3A_1061 = arith.constant 0 : i32
      %dma_wait3A_1062 = tpu.memref_slice %arg4[%add3A_225, %dma_wait3A_1060, %dma_wait3A_1061] : memref<1024x20x101xf32, #tpu.memory_space<hbm>> -> memref<1x20x101xf32, #tpu.memory_space<hbm>>
      %dma_wait3A_1063 = tpu.memref_squeeze %dma_wait3A_1062 : memref<1x20x101xf32, #tpu.memory_space<hbm>> -> memref<20x101xf32, #tpu.memory_space<hbm>>
      tpu.wait_dma2 semaphore(%arg11 : memref<!tpu.dma_semaphore, #tpu.memory_space<semaphore_mem>>) src(%arg9 : memref<20x101xf32, #tpu.memory_space<vmem>>) dst(%dma_wait3A_1063 : memref<20x101xf32, #tpu.memory_space<hbm>>)
      %dma_wait3A_1064 = arith.constant 0 : i32
      %dma_wait3A_1065 = arith.constant 0 : i32
      %dma_wait3A_1066 = tpu.memref_slice %arg4[%add3A_229, %dma_wait3A_1064, %dma_wait3A_1065] : memref<1024x20x101xf32, #tpu.memory_space<hbm>> -> memref<1x20x101xf32, #tpu.memory_space<hbm>>
      %dma_wait3A_1067 = tpu.memref_squeeze %dma_wait3A_1066 : memref<1x20x101xf32, #tpu.memory_space<hbm>> -> memref<20x101xf32, #tpu.memory_space<hbm>>
      %dma_wait3A_1068 = arith.constant 0 : i32
      %dma_wait3A_1069 = arith.constant 0 : i32
      %dma_wait3A_1070 = tpu.memref_slice %arg4[%add3A_229, %dma_wait3A_1068, %dma_wait3A_1069] : memref<1024x20x101xf32, #tpu.memory_space<hbm>> -> memref<1x20x101xf32, #tpu.memory_space<hbm>>
      %dma_wait3A_1071 = tpu.memref_squeeze %dma_wait3A_1070 : memref<1x20x101xf32, #tpu.memory_space<hbm>> -> memref<20x101xf32, #tpu.memory_space<hbm>>
      tpu.wait_dma2 semaphore(%arg11 : memref<!tpu.dma_semaphore, #tpu.memory_space<semaphore_mem>>) src(%arg9 : memref<20x101xf32, #tpu.memory_space<vmem>>) dst(%dma_wait3A_1071 : memref<20x101xf32, #tpu.memory_space<hbm>>)
      %dma_wait3A_1072 = arith.constant 0 : i32
      %dma_wait3A_1073 = arith.constant 0 : i32
      %dma_wait3A_1074 = tpu.memref_slice %arg4[%add3A_233, %dma_wait3A_1072, %dma_wait3A_1073] : memref<1024x20x101xf32, #tpu.memory_space<hbm>> -> memref<1x20x101xf32, #tpu.memory_space<hbm>>
      %dma_wait3A_1075 = tpu.memref_squeeze %dma_wait3A_1074 : memref<1x20x101xf32, #tpu.memory_space<hbm>> -> memref<20x101xf32, #tpu.memory_space<hbm>>
      %dma_wait3A_1076 = arith.constant 0 : i32
      %dma_wait3A_1077 = arith.constant 0 : i32
      %dma_wait3A_1078 = tpu.memref_slice %arg4[%add3A_233, %dma_wait3A_1076, %dma_wait3A_1077] : memref<1024x20x101xf32, #tpu.memory_space<hbm>> -> memref<1x20x101xf32, #tpu.memory_space<hbm>>
      %dma_wait3A_1079 = tpu.memref_squeeze %dma_wait3A_1078 : memref<1x20x101xf32, #tpu.memory_space<hbm>> -> memref<20x101xf32, #tpu.memory_space<hbm>>
      tpu.wait_dma2 semaphore(%arg11 : memref<!tpu.dma_semaphore, #tpu.memory_space<semaphore_mem>>) src(%arg9 : memref<20x101xf32, #tpu.memory_space<vmem>>) dst(%dma_wait3A_1079 : memref<20x101xf32, #tpu.memory_space<hbm>>)
      %dma_wait3A_1080 = arith.constant 0 : i32
      %dma_wait3A_1081 = arith.constant 0 : i32
      %dma_wait3A_1082 = tpu.memref_slice %arg4[%add3A_237, %dma_wait3A_1080, %dma_wait3A_1081] : memref<1024x20x101xf32, #tpu.memory_space<hbm>> -> memref<1x20x101xf32, #tpu.memory_space<hbm>>
      %dma_wait3A_1083 = tpu.memref_squeeze %dma_wait3A_1082 : memref<1x20x101xf32, #tpu.memory_space<hbm>> -> memref<20x101xf32, #tpu.memory_space<hbm>>
      %dma_wait3A_1084 = arith.constant 0 : i32
      %dma_wait3A_1085 = arith.constant 0 : i32
      %dma_wait3A_1086 = tpu.memref_slice %arg4[%add3A_237, %dma_wait3A_1084, %dma_wait3A_1085] : memref<1024x20x101xf32, #tpu.memory_space<hbm>> -> memref<1x20x101xf32, #tpu.memory_space<hbm>>
      %dma_wait3A_1087 = tpu.memref_squeeze %dma_wait3A_1086 : memref<1x20x101xf32, #tpu.memory_space<hbm>> -> memref<20x101xf32, #tpu.memory_space<hbm>>
      tpu.wait_dma2 semaphore(%arg11 : memref<!tpu.dma_semaphore, #tpu.memory_space<semaphore_mem>>) src(%arg9 : memref<20x101xf32, #tpu.memory_space<vmem>>) dst(%dma_wait3A_1087 : memref<20x101xf32, #tpu.memory_space<hbm>>)
      %dma_wait3A_1088 = arith.constant 0 : i32
      %dma_wait3A_1089 = arith.constant 0 : i32
      %dma_wait3A_1090 = tpu.memref_slice %arg4[%add3A_241, %dma_wait3A_1088, %dma_wait3A_1089] : memref<1024x20x101xf32, #tpu.memory_space<hbm>> -> memref<1x20x101xf32, #tpu.memory_space<hbm>>
      %dma_wait3A_1091 = tpu.memref_squeeze %dma_wait3A_1090 : memref<1x20x101xf32, #tpu.memory_space<hbm>> -> memref<20x101xf32, #tpu.memory_space<hbm>>
      %dma_wait3A_1092 = arith.constant 0 : i32
      %dma_wait3A_1093 = arith.constant 0 : i32
      %dma_wait3A_1094 = tpu.memref_slice %arg4[%add3A_241, %dma_wait3A_1092, %dma_wait3A_1093] : memref<1024x20x101xf32, #tpu.memory_space<hbm>> -> memref<1x20x101xf32, #tpu.memory_space<hbm>>
      %dma_wait3A_1095 = tpu.memref_squeeze %dma_wait3A_1094 : memref<1x20x101xf32, #tpu.memory_space<hbm>> -> memref<20x101xf32, #tpu.memory_space<hbm>>
      tpu.wait_dma2 semaphore(%arg11 : memref<!tpu.dma_semaphore, #tpu.memory_space<semaphore_mem>>) src(%arg9 : memref<20x101xf32, #tpu.memory_space<vmem>>) dst(%dma_wait3A_1095 : memref<20x101xf32, #tpu.memory_space<hbm>>)
      %dma_wait3A_1096 = arith.constant 0 : i32
      %dma_wait3A_1097 = arith.constant 0 : i32
      %dma_wait3A_1098 = tpu.memref_slice %arg4[%add3A_245, %dma_wait3A_1096, %dma_wait3A_1097] : memref<1024x20x101xf32, #tpu.memory_space<hbm>> -> memref<1x20x101xf32, #tpu.memory_space<hbm>>
      %dma_wait3A_1099 = tpu.memref_squeeze %dma_wait3A_1098 : memref<1x20x101xf32, #tpu.memory_space<hbm>> -> memref<20x101xf32, #tpu.memory_space<hbm>>
      %dma_wait3A_1100 = arith.constant 0 : i32
      %dma_wait3A_1101 = arith.constant 0 : i32
      %dma_wait3A_1102 = tpu.memref_slice %arg4[%add3A_245, %dma_wait3A_1100, %dma_wait3A_1101] : memref<1024x20x101xf32, #tpu.memory_space<hbm>> -> memref<1x20x101xf32, #tpu.memory_space<hbm>>
      %dma_wait3A_1103 = tpu.memref_squeeze %dma_wait3A_1102 : memref<1x20x101xf32, #tpu.memory_space<hbm>> -> memref<20x101xf32, #tpu.memory_space<hbm>>
      tpu.wait_dma2 semaphore(%arg11 : memref<!tpu.dma_semaphore, #tpu.memory_space<semaphore_mem>>) src(%arg9 : memref<20x101xf32, #tpu.memory_space<vmem>>) dst(%dma_wait3A_1103 : memref<20x101xf32, #tpu.memory_space<hbm>>)
      %dma_wait3A_1104 = arith.constant 0 : i32
      %dma_wait3A_1105 = arith.constant 0 : i32
      %dma_wait3A_1106 = tpu.memref_slice %arg4[%add3A_249, %dma_wait3A_1104, %dma_wait3A_1105] : memref<1024x20x101xf32, #tpu.memory_space<hbm>> -> memref<1x20x101xf32, #tpu.memory_space<hbm>>
      %dma_wait3A_1107 = tpu.memref_squeeze %dma_wait3A_1106 : memref<1x20x101xf32, #tpu.memory_space<hbm>> -> memref<20x101xf32, #tpu.memory_space<hbm>>
      %dma_wait3A_1108 = arith.constant 0 : i32
      %dma_wait3A_1109 = arith.constant 0 : i32
      %dma_wait3A_1110 = tpu.memref_slice %arg4[%add3A_249, %dma_wait3A_1108, %dma_wait3A_1109] : memref<1024x20x101xf32, #tpu.memory_space<hbm>> -> memref<1x20x101xf32, #tpu.memory_space<hbm>>
      %dma_wait3A_1111 = tpu.memref_squeeze %dma_wait3A_1110 : memref<1x20x101xf32, #tpu.memory_space<hbm>> -> memref<20x101xf32, #tpu.memory_space<hbm>>
      tpu.wait_dma2 semaphore(%arg11 : memref<!tpu.dma_semaphore, #tpu.memory_space<semaphore_mem>>) src(%arg9 : memref<20x101xf32, #tpu.memory_space<vmem>>) dst(%dma_wait3A_1111 : memref<20x101xf32, #tpu.memory_space<hbm>>)
      %dma_wait3A_1112 = arith.constant 0 : i32
      %dma_wait3A_1113 = arith.constant 0 : i32
      %dma_wait3A_1114 = tpu.memref_slice %arg4[%add3A_253, %dma_wait3A_1112, %dma_wait3A_1113] : memref<1024x20x101xf32, #tpu.memory_space<hbm>> -> memref<1x20x101xf32, #tpu.memory_space<hbm>>
      %dma_wait3A_1115 = tpu.memref_squeeze %dma_wait3A_1114 : memref<1x20x101xf32, #tpu.memory_space<hbm>> -> memref<20x101xf32, #tpu.memory_space<hbm>>
      %dma_wait3A_1116 = arith.constant 0 : i32
      %dma_wait3A_1117 = arith.constant 0 : i32
      %dma_wait3A_1118 = tpu.memref_slice %arg4[%add3A_253, %dma_wait3A_1116, %dma_wait3A_1117] : memref<1024x20x101xf32, #tpu.memory_space<hbm>> -> memref<1x20x101xf32, #tpu.memory_space<hbm>>
      %dma_wait3A_1119 = tpu.memref_squeeze %dma_wait3A_1118 : memref<1x20x101xf32, #tpu.memory_space<hbm>> -> memref<20x101xf32, #tpu.memory_space<hbm>>
      tpu.wait_dma2 semaphore(%arg11 : memref<!tpu.dma_semaphore, #tpu.memory_space<semaphore_mem>>) src(%arg9 : memref<20x101xf32, #tpu.memory_space<vmem>>) dst(%dma_wait3A_1119 : memref<20x101xf32, #tpu.memory_space<hbm>>)
      %dma_wait3A_1120 = arith.constant 0 : i32
      %dma_wait3A_1121 = arith.constant 0 : i32
      %dma_wait3A_1122 = tpu.memref_slice %arg4[%add3A_257, %dma_wait3A_1120, %dma_wait3A_1121] : memref<1024x20x101xf32, #tpu.memory_space<hbm>> -> memref<1x20x101xf32, #tpu.memory_space<hbm>>
      %dma_wait3A_1123 = tpu.memref_squeeze %dma_wait3A_1122 : memref<1x20x101xf32, #tpu.memory_space<hbm>> -> memref<20x101xf32, #tpu.memory_space<hbm>>
      %dma_wait3A_1124 = arith.constant 0 : i32
      %dma_wait3A_1125 = arith.constant 0 : i32
      %dma_wait3A_1126 = tpu.memref_slice %arg4[%add3A_257, %dma_wait3A_1124, %dma_wait3A_1125] : memref<1024x20x101xf32, #tpu.memory_space<hbm>> -> memref<1x20x101xf32, #tpu.memory_space<hbm>>
      %dma_wait3A_1127 = tpu.memref_squeeze %dma_wait3A_1126 : memref<1x20x101xf32, #tpu.memory_space<hbm>> -> memref<20x101xf32, #tpu.memory_space<hbm>>
      tpu.wait_dma2 semaphore(%arg11 : memref<!tpu.dma_semaphore, #tpu.memory_space<semaphore_mem>>) src(%arg9 : memref<20x101xf32, #tpu.memory_space<vmem>>) dst(%dma_wait3A_1127 : memref<20x101xf32, #tpu.memory_space<hbm>>)
      %dma_wait3A_1128 = arith.constant 0 : i32
      %dma_wait3A_1129 = arith.constant 0 : i32
      %dma_wait3A_1130 = tpu.memref_slice %arg4[%add3A_261, %dma_wait3A_1128, %dma_wait3A_1129] : memref<1024x20x101xf32, #tpu.memory_space<hbm>> -> memref<1x20x101xf32, #tpu.memory_space<hbm>>
      %dma_wait3A_1131 = tpu.memref_squeeze %dma_wait3A_1130 : memref<1x20x101xf32, #tpu.memory_space<hbm>> -> memref<20x101xf32, #tpu.memory_space<hbm>>
      %dma_wait3A_1132 = arith.constant 0 : i32
      %dma_wait3A_1133 = arith.constant 0 : i32
      %dma_wait3A_1134 = tpu.memref_slice %arg4[%add3A_261, %dma_wait3A_1132, %dma_wait3A_1133] : memref<1024x20x101xf32, #tpu.memory_space<hbm>> -> memref<1x20x101xf32, #tpu.memory_space<hbm>>
      %dma_wait3A_1135 = tpu.memref_squeeze %dma_wait3A_1134 : memref<1x20x101xf32, #tpu.memory_space<hbm>> -> memref<20x101xf32, #tpu.memory_space<hbm>>
      tpu.wait_dma2 semaphore(%arg11 : memref<!tpu.dma_semaphore, #tpu.memory_space<semaphore_mem>>) src(%arg9 : memref<20x101xf32, #tpu.memory_space<vmem>>) dst(%dma_wait3A_1135 : memref<20x101xf32, #tpu.memory_space<hbm>>)
      %dma_wait3A_1136 = arith.constant 0 : i32
      %dma_wait3A_1137 = arith.constant 0 : i32
      %dma_wait3A_1138 = tpu.memref_slice %arg4[%add3A_265, %dma_wait3A_1136, %dma_wait3A_1137] : memref<1024x20x101xf32, #tpu.memory_space<hbm>> -> memref<1x20x101xf32, #tpu.memory_space<hbm>>
      %dma_wait3A_1139 = tpu.memref_squeeze %dma_wait3A_1138 : memref<1x20x101xf32, #tpu.memory_space<hbm>> -> memref<20x101xf32, #tpu.memory_space<hbm>>
      %dma_wait3A_1140 = arith.constant 0 : i32
      %dma_wait3A_1141 = arith.constant 0 : i32
      %dma_wait3A_1142 = tpu.memref_slice %arg4[%add3A_265, %dma_wait3A_1140, %dma_wait3A_1141] : memref<1024x20x101xf32, #tpu.memory_space<hbm>> -> memref<1x20x101xf32, #tpu.memory_space<hbm>>
      %dma_wait3A_1143 = tpu.memref_squeeze %dma_wait3A_1142 : memref<1x20x101xf32, #tpu.memory_space<hbm>> -> memref<20x101xf32, #tpu.memory_space<hbm>>
      tpu.wait_dma2 semaphore(%arg11 : memref<!tpu.dma_semaphore, #tpu.memory_space<semaphore_mem>>) src(%arg9 : memref<20x101xf32, #tpu.memory_space<vmem>>) dst(%dma_wait3A_1143 : memref<20x101xf32, #tpu.memory_space<hbm>>)
      %dma_wait3A_1144 = arith.constant 0 : i32
      %dma_wait3A_1145 = arith.constant 0 : i32
      %dma_wait3A_1146 = tpu.memref_slice %arg4[%add3A_269, %dma_wait3A_1144, %dma_wait3A_1145] : memref<1024x20x101xf32, #tpu.memory_space<hbm>> -> memref<1x20x101xf32, #tpu.memory_space<hbm>>
      %dma_wait3A_1147 = tpu.memref_squeeze %dma_wait3A_1146 : memref<1x20x101xf32, #tpu.memory_space<hbm>> -> memref<20x101xf32, #tpu.memory_space<hbm>>
      %dma_wait3A_1148 = arith.constant 0 : i32
      %dma_wait3A_1149 = arith.constant 0 : i32
      %dma_wait3A_1150 = tpu.memref_slice %arg4[%add3A_269, %dma_wait3A_1148, %dma_wait3A_1149] : memref<1024x20x101xf32, #tpu.memory_space<hbm>> -> memref<1x20x101xf32, #tpu.memory_space<hbm>>
      %dma_wait3A_1151 = tpu.memref_squeeze %dma_wait3A_1150 : memref<1x20x101xf32, #tpu.memory_space<hbm>> -> memref<20x101xf32, #tpu.memory_space<hbm>>
      tpu.wait_dma2 semaphore(%arg11 : memref<!tpu.dma_semaphore, #tpu.memory_space<semaphore_mem>>) src(%arg9 : memref<20x101xf32, #tpu.memory_space<vmem>>) dst(%dma_wait3A_1151 : memref<20x101xf32, #tpu.memory_space<hbm>>)
      %dma_wait3A_1152 = arith.constant 0 : i32
      %dma_wait3A_1153 = arith.constant 0 : i32
      %dma_wait3A_1154 = tpu.memref_slice %arg4[%add3A_273, %dma_wait3A_1152, %dma_wait3A_1153] : memref<1024x20x101xf32, #tpu.memory_space<hbm>> -> memref<1x20x101xf32, #tpu.memory_space<hbm>>
      %dma_wait3A_1155 = tpu.memref_squeeze %dma_wait3A_1154 : memref<1x20x101xf32, #tpu.memory_space<hbm>> -> memref<20x101xf32, #tpu.memory_space<hbm>>
      %dma_wait3A_1156 = arith.constant 0 : i32
      %dma_wait3A_1157 = arith.constant 0 : i32
      %dma_wait3A_1158 = tpu.memref_slice %arg4[%add3A_273, %dma_wait3A_1156, %dma_wait3A_1157] : memref<1024x20x101xf32, #tpu.memory_space<hbm>> -> memref<1x20x101xf32, #tpu.memory_space<hbm>>
      %dma_wait3A_1159 = tpu.memref_squeeze %dma_wait3A_1158 : memref<1x20x101xf32, #tpu.memory_space<hbm>> -> memref<20x101xf32, #tpu.memory_space<hbm>>
      tpu.wait_dma2 semaphore(%arg11 : memref<!tpu.dma_semaphore, #tpu.memory_space<semaphore_mem>>) src(%arg9 : memref<20x101xf32, #tpu.memory_space<vmem>>) dst(%dma_wait3A_1159 : memref<20x101xf32, #tpu.memory_space<hbm>>)
      %dma_wait3A_1160 = arith.constant 0 : i32
      %dma_wait3A_1161 = arith.constant 0 : i32
      %dma_wait3A_1162 = tpu.memref_slice %arg4[%add3A_277, %dma_wait3A_1160, %dma_wait3A_1161] : memref<1024x20x101xf32, #tpu.memory_space<hbm>> -> memref<1x20x101xf32, #tpu.memory_space<hbm>>
      %dma_wait3A_1163 = tpu.memref_squeeze %dma_wait3A_1162 : memref<1x20x101xf32, #tpu.memory_space<hbm>> -> memref<20x101xf32, #tpu.memory_space<hbm>>
      %dma_wait3A_1164 = arith.constant 0 : i32
      %dma_wait3A_1165 = arith.constant 0 : i32
      %dma_wait3A_1166 = tpu.memref_slice %arg4[%add3A_277, %dma_wait3A_1164, %dma_wait3A_1165] : memref<1024x20x101xf32, #tpu.memory_space<hbm>> -> memref<1x20x101xf32, #tpu.memory_space<hbm>>
      %dma_wait3A_1167 = tpu.memref_squeeze %dma_wait3A_1166 : memref<1x20x101xf32, #tpu.memory_space<hbm>> -> memref<20x101xf32, #tpu.memory_space<hbm>>
      tpu.wait_dma2 semaphore(%arg11 : memref<!tpu.dma_semaphore, #tpu.memory_space<semaphore_mem>>) src(%arg9 : memref<20x101xf32, #tpu.memory_space<vmem>>) dst(%dma_wait3A_1167 : memref<20x101xf32, #tpu.memory_space<hbm>>)
      %dma_wait3A_1168 = arith.constant 0 : i32
      %dma_wait3A_1169 = arith.constant 0 : i32
      %dma_wait3A_1170 = tpu.memref_slice %arg4[%add3A_281, %dma_wait3A_1168, %dma_wait3A_1169] : memref<1024x20x101xf32, #tpu.memory_space<hbm>> -> memref<1x20x101xf32, #tpu.memory_space<hbm>>
      %dma_wait3A_1171 = tpu.memref_squeeze %dma_wait3A_1170 : memref<1x20x101xf32, #tpu.memory_space<hbm>> -> memref<20x101xf32, #tpu.memory_space<hbm>>
      %dma_wait3A_1172 = arith.constant 0 : i32
      %dma_wait3A_1173 = arith.constant 0 : i32
      %dma_wait3A_1174 = tpu.memref_slice %arg4[%add3A_281, %dma_wait3A_1172, %dma_wait3A_1173] : memref<1024x20x101xf32, #tpu.memory_space<hbm>> -> memref<1x20x101xf32, #tpu.memory_space<hbm>>
      %dma_wait3A_1175 = tpu.memref_squeeze %dma_wait3A_1174 : memref<1x20x101xf32, #tpu.memory_space<hbm>> -> memref<20x101xf32, #tpu.memory_space<hbm>>
      tpu.wait_dma2 semaphore(%arg11 : memref<!tpu.dma_semaphore, #tpu.memory_space<semaphore_mem>>) src(%arg9 : memref<20x101xf32, #tpu.memory_space<vmem>>) dst(%dma_wait3A_1175 : memref<20x101xf32, #tpu.memory_space<hbm>>)
      %dma_wait3A_1176 = arith.constant 0 : i32
      %dma_wait3A_1177 = arith.constant 0 : i32
      %dma_wait3A_1178 = tpu.memref_slice %arg4[%add3A_285, %dma_wait3A_1176, %dma_wait3A_1177] : memref<1024x20x101xf32, #tpu.memory_space<hbm>> -> memref<1x20x101xf32, #tpu.memory_space<hbm>>
      %dma_wait3A_1179 = tpu.memref_squeeze %dma_wait3A_1178 : memref<1x20x101xf32, #tpu.memory_space<hbm>> -> memref<20x101xf32, #tpu.memory_space<hbm>>
      %dma_wait3A_1180 = arith.constant 0 : i32
      %dma_wait3A_1181 = arith.constant 0 : i32
      %dma_wait3A_1182 = tpu.memref_slice %arg4[%add3A_285, %dma_wait3A_1180, %dma_wait3A_1181] : memref<1024x20x101xf32, #tpu.memory_space<hbm>> -> memref<1x20x101xf32, #tpu.memory_space<hbm>>
      %dma_wait3A_1183 = tpu.memref_squeeze %dma_wait3A_1182 : memref<1x20x101xf32, #tpu.memory_space<hbm>> -> memref<20x101xf32, #tpu.memory_space<hbm>>
      tpu.wait_dma2 semaphore(%arg11 : memref<!tpu.dma_semaphore, #tpu.memory_space<semaphore_mem>>) src(%arg9 : memref<20x101xf32, #tpu.memory_space<vmem>>) dst(%dma_wait3A_1183 : memref<20x101xf32, #tpu.memory_space<hbm>>)
      %dma_wait3A_1184 = arith.constant 0 : i32
      %dma_wait3A_1185 = arith.constant 0 : i32
      %dma_wait3A_1186 = tpu.memref_slice %arg4[%add3A_289, %dma_wait3A_1184, %dma_wait3A_1185] : memref<1024x20x101xf32, #tpu.memory_space<hbm>> -> memref<1x20x101xf32, #tpu.memory_space<hbm>>
      %dma_wait3A_1187 = tpu.memref_squeeze %dma_wait3A_1186 : memref<1x20x101xf32, #tpu.memory_space<hbm>> -> memref<20x101xf32, #tpu.memory_space<hbm>>
      %dma_wait3A_1188 = arith.constant 0 : i32
      %dma_wait3A_1189 = arith.constant 0 : i32
      %dma_wait3A_1190 = tpu.memref_slice %arg4[%add3A_289, %dma_wait3A_1188, %dma_wait3A_1189] : memref<1024x20x101xf32, #tpu.memory_space<hbm>> -> memref<1x20x101xf32, #tpu.memory_space<hbm>>
      %dma_wait3A_1191 = tpu.memref_squeeze %dma_wait3A_1190 : memref<1x20x101xf32, #tpu.memory_space<hbm>> -> memref<20x101xf32, #tpu.memory_space<hbm>>
      tpu.wait_dma2 semaphore(%arg11 : memref<!tpu.dma_semaphore, #tpu.memory_space<semaphore_mem>>) src(%arg9 : memref<20x101xf32, #tpu.memory_space<vmem>>) dst(%dma_wait3A_1191 : memref<20x101xf32, #tpu.memory_space<hbm>>)
      %dma_wait3A_1192 = arith.constant 0 : i32
      %dma_wait3A_1193 = arith.constant 0 : i32
      %dma_wait3A_1194 = tpu.memref_slice %arg4[%add3A_293, %dma_wait3A_1192, %dma_wait3A_1193] : memref<1024x20x101xf32, #tpu.memory_space<hbm>> -> memref<1x20x101xf32, #tpu.memory_space<hbm>>
      %dma_wait3A_1195 = tpu.memref_squeeze %dma_wait3A_1194 : memref<1x20x101xf32, #tpu.memory_space<hbm>> -> memref<20x101xf32, #tpu.memory_space<hbm>>
      %dma_wait3A_1196 = arith.constant 0 : i32
      %dma_wait3A_1197 = arith.constant 0 : i32
      %dma_wait3A_1198 = tpu.memref_slice %arg4[%add3A_293, %dma_wait3A_1196, %dma_wait3A_1197] : memref<1024x20x101xf32, #tpu.memory_space<hbm>> -> memref<1x20x101xf32, #tpu.memory_space<hbm>>
      %dma_wait3A_1199 = tpu.memref_squeeze %dma_wait3A_1198 : memref<1x20x101xf32, #tpu.memory_space<hbm>> -> memref<20x101xf32, #tpu.memory_space<hbm>>
      tpu.wait_dma2 semaphore(%arg11 : memref<!tpu.dma_semaphore, #tpu.memory_space<semaphore_mem>>) src(%arg9 : memref<20x101xf32, #tpu.memory_space<vmem>>) dst(%dma_wait3A_1199 : memref<20x101xf32, #tpu.memory_space<hbm>>)
      %dma_wait3A_1200 = arith.constant 0 : i32
      %dma_wait3A_1201 = arith.constant 0 : i32
      %dma_wait3A_1202 = tpu.memref_slice %arg4[%add3A_297, %dma_wait3A_1200, %dma_wait3A_1201] : memref<1024x20x101xf32, #tpu.memory_space<hbm>> -> memref<1x20x101xf32, #tpu.memory_space<hbm>>
      %dma_wait3A_1203 = tpu.memref_squeeze %dma_wait3A_1202 : memref<1x20x101xf32, #tpu.memory_space<hbm>> -> memref<20x101xf32, #tpu.memory_space<hbm>>
      %dma_wait3A_1204 = arith.constant 0 : i32
      %dma_wait3A_1205 = arith.constant 0 : i32
      %dma_wait3A_1206 = tpu.memref_slice %arg4[%add3A_297, %dma_wait3A_1204, %dma_wait3A_1205] : memref<1024x20x101xf32, #tpu.memory_space<hbm>> -> memref<1x20x101xf32, #tpu.memory_space<hbm>>
      %dma_wait3A_1207 = tpu.memref_squeeze %dma_wait3A_1206 : memref<1x20x101xf32, #tpu.memory_space<hbm>> -> memref<20x101xf32, #tpu.memory_space<hbm>>
      tpu.wait_dma2 semaphore(%arg11 : memref<!tpu.dma_semaphore, #tpu.memory_space<semaphore_mem>>) src(%arg9 : memref<20x101xf32, #tpu.memory_space<vmem>>) dst(%dma_wait3A_1207 : memref<20x101xf32, #tpu.memory_space<hbm>>)
      %dma_wait3A_1208 = arith.constant 0 : i32
      %dma_wait3A_1209 = arith.constant 0 : i32
      %dma_wait3A_1210 = tpu.memref_slice %arg4[%add3A_301, %dma_wait3A_1208, %dma_wait3A_1209] : memref<1024x20x101xf32, #tpu.memory_space<hbm>> -> memref<1x20x101xf32, #tpu.memory_space<hbm>>
      %dma_wait3A_1211 = tpu.memref_squeeze %dma_wait3A_1210 : memref<1x20x101xf32, #tpu.memory_space<hbm>> -> memref<20x101xf32, #tpu.memory_space<hbm>>
      %dma_wait3A_1212 = arith.constant 0 : i32
      %dma_wait3A_1213 = arith.constant 0 : i32
      %dma_wait3A_1214 = tpu.memref_slice %arg4[%add3A_301, %dma_wait3A_1212, %dma_wait3A_1213] : memref<1024x20x101xf32, #tpu.memory_space<hbm>> -> memref<1x20x101xf32, #tpu.memory_space<hbm>>
      %dma_wait3A_1215 = tpu.memref_squeeze %dma_wait3A_1214 : memref<1x20x101xf32, #tpu.memory_space<hbm>> -> memref<20x101xf32, #tpu.memory_space<hbm>>
      tpu.wait_dma2 semaphore(%arg11 : memref<!tpu.dma_semaphore, #tpu.memory_space<semaphore_mem>>) src(%arg9 : memref<20x101xf32, #tpu.memory_space<vmem>>) dst(%dma_wait3A_1215 : memref<20x101xf32, #tpu.memory_space<hbm>>)
      %dma_wait3A_1216 = arith.constant 0 : i32
      %dma_wait3A_1217 = arith.constant 0 : i32
      %dma_wait3A_1218 = tpu.memref_slice %arg4[%add3A_305, %dma_wait3A_1216, %dma_wait3A_1217] : memref<1024x20x101xf32, #tpu.memory_space<hbm>> -> memref<1x20x101xf32, #tpu.memory_space<hbm>>
      %dma_wait3A_1219 = tpu.memref_squeeze %dma_wait3A_1218 : memref<1x20x101xf32, #tpu.memory_space<hbm>> -> memref<20x101xf32, #tpu.memory_space<hbm>>
      %dma_wait3A_1220 = arith.constant 0 : i32
      %dma_wait3A_1221 = arith.constant 0 : i32
      %dma_wait3A_1222 = tpu.memref_slice %arg4[%add3A_305, %dma_wait3A_1220, %dma_wait3A_1221] : memref<1024x20x101xf32, #tpu.memory_space<hbm>> -> memref<1x20x101xf32, #tpu.memory_space<hbm>>
      %dma_wait3A_1223 = tpu.memref_squeeze %dma_wait3A_1222 : memref<1x20x101xf32, #tpu.memory_space<hbm>> -> memref<20x101xf32, #tpu.memory_space<hbm>>
      tpu.wait_dma2 semaphore(%arg11 : memref<!tpu.dma_semaphore, #tpu.memory_space<semaphore_mem>>) src(%arg9 : memref<20x101xf32, #tpu.memory_space<vmem>>) dst(%dma_wait3A_1223 : memref<20x101xf32, #tpu.memory_space<hbm>>)
      %dma_wait3A_1224 = arith.constant 0 : i32
      %dma_wait3A_1225 = arith.constant 0 : i32
      %dma_wait3A_1226 = tpu.memref_slice %arg4[%add3A_309, %dma_wait3A_1224, %dma_wait3A_1225] : memref<1024x20x101xf32, #tpu.memory_space<hbm>> -> memref<1x20x101xf32, #tpu.memory_space<hbm>>
      %dma_wait3A_1227 = tpu.memref_squeeze %dma_wait3A_1226 : memref<1x20x101xf32, #tpu.memory_space<hbm>> -> memref<20x101xf32, #tpu.memory_space<hbm>>
      %dma_wait3A_1228 = arith.constant 0 : i32
      %dma_wait3A_1229 = arith.constant 0 : i32
      %dma_wait3A_1230 = tpu.memref_slice %arg4[%add3A_309, %dma_wait3A_1228, %dma_wait3A_1229] : memref<1024x20x101xf32, #tpu.memory_space<hbm>> -> memref<1x20x101xf32, #tpu.memory_space<hbm>>
      %dma_wait3A_1231 = tpu.memref_squeeze %dma_wait3A_1230 : memref<1x20x101xf32, #tpu.memory_space<hbm>> -> memref<20x101xf32, #tpu.memory_space<hbm>>
      tpu.wait_dma2 semaphore(%arg11 : memref<!tpu.dma_semaphore, #tpu.memory_space<semaphore_mem>>) src(%arg9 : memref<20x101xf32, #tpu.memory_space<vmem>>) dst(%dma_wait3A_1231 : memref<20x101xf32, #tpu.memory_space<hbm>>)
      %dma_wait3A_1232 = arith.constant 0 : i32
      %dma_wait3A_1233 = arith.constant 0 : i32
      %dma_wait3A_1234 = tpu.memref_slice %arg4[%add3A_313, %dma_wait3A_1232, %dma_wait3A_1233] : memref<1024x20x101xf32, #tpu.memory_space<hbm>> -> memref<1x20x101xf32, #tpu.memory_space<hbm>>
      %dma_wait3A_1235 = tpu.memref_squeeze %dma_wait3A_1234 : memref<1x20x101xf32, #tpu.memory_space<hbm>> -> memref<20x101xf32, #tpu.memory_space<hbm>>
      %dma_wait3A_1236 = arith.constant 0 : i32
      %dma_wait3A_1237 = arith.constant 0 : i32
      %dma_wait3A_1238 = tpu.memref_slice %arg4[%add3A_313, %dma_wait3A_1236, %dma_wait3A_1237] : memref<1024x20x101xf32, #tpu.memory_space<hbm>> -> memref<1x20x101xf32, #tpu.memory_space<hbm>>
      %dma_wait3A_1239 = tpu.memref_squeeze %dma_wait3A_1238 : memref<1x20x101xf32, #tpu.memory_space<hbm>> -> memref<20x101xf32, #tpu.memory_space<hbm>>
      tpu.wait_dma2 semaphore(%arg11 : memref<!tpu.dma_semaphore, #tpu.memory_space<semaphore_mem>>) src(%arg9 : memref<20x101xf32, #tpu.memory_space<vmem>>) dst(%dma_wait3A_1239 : memref<20x101xf32, #tpu.memory_space<hbm>>)
      %dma_wait3A_1240 = arith.constant 0 : i32
      %dma_wait3A_1241 = arith.constant 0 : i32
      %dma_wait3A_1242 = tpu.memref_slice %arg4[%add3A_317, %dma_wait3A_1240, %dma_wait3A_1241] : memref<1024x20x101xf32, #tpu.memory_space<hbm>> -> memref<1x20x101xf32, #tpu.memory_space<hbm>>
      %dma_wait3A_1243 = tpu.memref_squeeze %dma_wait3A_1242 : memref<1x20x101xf32, #tpu.memory_space<hbm>> -> memref<20x101xf32, #tpu.memory_space<hbm>>
      %dma_wait3A_1244 = arith.constant 0 : i32
      %dma_wait3A_1245 = arith.constant 0 : i32
      %dma_wait3A_1246 = tpu.memref_slice %arg4[%add3A_317, %dma_wait3A_1244, %dma_wait3A_1245] : memref<1024x20x101xf32, #tpu.memory_space<hbm>> -> memref<1x20x101xf32, #tpu.memory_space<hbm>>
      %dma_wait3A_1247 = tpu.memref_squeeze %dma_wait3A_1246 : memref<1x20x101xf32, #tpu.memory_space<hbm>> -> memref<20x101xf32, #tpu.memory_space<hbm>>
      tpu.wait_dma2 semaphore(%arg11 : memref<!tpu.dma_semaphore, #tpu.memory_space<semaphore_mem>>) src(%arg9 : memref<20x101xf32, #tpu.memory_space<vmem>>) dst(%dma_wait3A_1247 : memref<20x101xf32, #tpu.memory_space<hbm>>)
      %dma_wait3A_1248 = arith.constant 0 : i32
      %dma_wait3A_1249 = arith.constant 0 : i32
      %dma_wait3A_1250 = tpu.memref_slice %arg4[%add3A_321, %dma_wait3A_1248, %dma_wait3A_1249] : memref<1024x20x101xf32, #tpu.memory_space<hbm>> -> memref<1x20x101xf32, #tpu.memory_space<hbm>>
      %dma_wait3A_1251 = tpu.memref_squeeze %dma_wait3A_1250 : memref<1x20x101xf32, #tpu.memory_space<hbm>> -> memref<20x101xf32, #tpu.memory_space<hbm>>
      %dma_wait3A_1252 = arith.constant 0 : i32
      %dma_wait3A_1253 = arith.constant 0 : i32
      %dma_wait3A_1254 = tpu.memref_slice %arg4[%add3A_321, %dma_wait3A_1252, %dma_wait3A_1253] : memref<1024x20x101xf32, #tpu.memory_space<hbm>> -> memref<1x20x101xf32, #tpu.memory_space<hbm>>
      %dma_wait3A_1255 = tpu.memref_squeeze %dma_wait3A_1254 : memref<1x20x101xf32, #tpu.memory_space<hbm>> -> memref<20x101xf32, #tpu.memory_space<hbm>>
      tpu.wait_dma2 semaphore(%arg11 : memref<!tpu.dma_semaphore, #tpu.memory_space<semaphore_mem>>) src(%arg9 : memref<20x101xf32, #tpu.memory_space<vmem>>) dst(%dma_wait3A_1255 : memref<20x101xf32, #tpu.memory_space<hbm>>)
      %dma_wait3A_1256 = arith.constant 0 : i32
      %dma_wait3A_1257 = arith.constant 0 : i32
      %dma_wait3A_1258 = tpu.memref_slice %arg4[%add3A_325, %dma_wait3A_1256, %dma_wait3A_1257] : memref<1024x20x101xf32, #tpu.memory_space<hbm>> -> memref<1x20x101xf32, #tpu.memory_space<hbm>>
      %dma_wait3A_1259 = tpu.memref_squeeze %dma_wait3A_1258 : memref<1x20x101xf32, #tpu.memory_space<hbm>> -> memref<20x101xf32, #tpu.memory_space<hbm>>
      %dma_wait3A_1260 = arith.constant 0 : i32
      %dma_wait3A_1261 = arith.constant 0 : i32
      %dma_wait3A_1262 = tpu.memref_slice %arg4[%add3A_325, %dma_wait3A_1260, %dma_wait3A_1261] : memref<1024x20x101xf32, #tpu.memory_space<hbm>> -> memref<1x20x101xf32, #tpu.memory_space<hbm>>
      %dma_wait3A_1263 = tpu.memref_squeeze %dma_wait3A_1262 : memref<1x20x101xf32, #tpu.memory_space<hbm>> -> memref<20x101xf32, #tpu.memory_space<hbm>>
      tpu.wait_dma2 semaphore(%arg11 : memref<!tpu.dma_semaphore, #tpu.memory_space<semaphore_mem>>) src(%arg9 : memref<20x101xf32, #tpu.memory_space<vmem>>) dst(%dma_wait3A_1263 : memref<20x101xf32, #tpu.memory_space<hbm>>)
      %dma_wait3A_1264 = arith.constant 0 : i32
      %dma_wait3A_1265 = arith.constant 0 : i32
      %dma_wait3A_1266 = tpu.memref_slice %arg4[%add3A_329, %dma_wait3A_1264, %dma_wait3A_1265] : memref<1024x20x101xf32, #tpu.memory_space<hbm>> -> memref<1x20x101xf32, #tpu.memory_space<hbm>>
      %dma_wait3A_1267 = tpu.memref_squeeze %dma_wait3A_1266 : memref<1x20x101xf32, #tpu.memory_space<hbm>> -> memref<20x101xf32, #tpu.memory_space<hbm>>
      %dma_wait3A_1268 = arith.constant 0 : i32
      %dma_wait3A_1269 = arith.constant 0 : i32
      %dma_wait3A_1270 = tpu.memref_slice %arg4[%add3A_329, %dma_wait3A_1268, %dma_wait3A_1269] : memref<1024x20x101xf32, #tpu.memory_space<hbm>> -> memref<1x20x101xf32, #tpu.memory_space<hbm>>
      %dma_wait3A_1271 = tpu.memref_squeeze %dma_wait3A_1270 : memref<1x20x101xf32, #tpu.memory_space<hbm>> -> memref<20x101xf32, #tpu.memory_space<hbm>>
      tpu.wait_dma2 semaphore(%arg11 : memref<!tpu.dma_semaphore, #tpu.memory_space<semaphore_mem>>) src(%arg9 : memref<20x101xf32, #tpu.memory_space<vmem>>) dst(%dma_wait3A_1271 : memref<20x101xf32, #tpu.memory_space<hbm>>)
      %dma_wait3A_1272 = arith.constant 0 : i32
      %dma_wait3A_1273 = arith.constant 0 : i32
      %dma_wait3A_1274 = tpu.memref_slice %arg4[%add3A_333, %dma_wait3A_1272, %dma_wait3A_1273] : memref<1024x20x101xf32, #tpu.memory_space<hbm>> -> memref<1x20x101xf32, #tpu.memory_space<hbm>>
      %dma_wait3A_1275 = tpu.memref_squeeze %dma_wait3A_1274 : memref<1x20x101xf32, #tpu.memory_space<hbm>> -> memref<20x101xf32, #tpu.memory_space<hbm>>
      %dma_wait3A_1276 = arith.constant 0 : i32
      %dma_wait3A_1277 = arith.constant 0 : i32
      %dma_wait3A_1278 = tpu.memref_slice %arg4[%add3A_333, %dma_wait3A_1276, %dma_wait3A_1277] : memref<1024x20x101xf32, #tpu.memory_space<hbm>> -> memref<1x20x101xf32, #tpu.memory_space<hbm>>
      %dma_wait3A_1279 = tpu.memref_squeeze %dma_wait3A_1278 : memref<1x20x101xf32, #tpu.memory_space<hbm>> -> memref<20x101xf32, #tpu.memory_space<hbm>>
      tpu.wait_dma2 semaphore(%arg11 : memref<!tpu.dma_semaphore, #tpu.memory_space<semaphore_mem>>) src(%arg9 : memref<20x101xf32, #tpu.memory_space<vmem>>) dst(%dma_wait3A_1279 : memref<20x101xf32, #tpu.memory_space<hbm>>)
      %dma_wait3A_1280 = arith.constant 0 : i32
      %dma_wait3A_1281 = arith.constant 0 : i32
      %dma_wait3A_1282 = tpu.memref_slice %arg4[%add3A_337, %dma_wait3A_1280, %dma_wait3A_1281] : memref<1024x20x101xf32, #tpu.memory_space<hbm>> -> memref<1x20x101xf32, #tpu.memory_space<hbm>>
      %dma_wait3A_1283 = tpu.memref_squeeze %dma_wait3A_1282 : memref<1x20x101xf32, #tpu.memory_space<hbm>> -> memref<20x101xf32, #tpu.memory_space<hbm>>
      %dma_wait3A_1284 = arith.constant 0 : i32
      %dma_wait3A_1285 = arith.constant 0 : i32
      %dma_wait3A_1286 = tpu.memref_slice %arg4[%add3A_337, %dma_wait3A_1284, %dma_wait3A_1285] : memref<1024x20x101xf32, #tpu.memory_space<hbm>> -> memref<1x20x101xf32, #tpu.memory_space<hbm>>
      %dma_wait3A_1287 = tpu.memref_squeeze %dma_wait3A_1286 : memref<1x20x101xf32, #tpu.memory_space<hbm>> -> memref<20x101xf32, #tpu.memory_space<hbm>>
      tpu.wait_dma2 semaphore(%arg11 : memref<!tpu.dma_semaphore, #tpu.memory_space<semaphore_mem>>) src(%arg9 : memref<20x101xf32, #tpu.memory_space<vmem>>) dst(%dma_wait3A_1287 : memref<20x101xf32, #tpu.memory_space<hbm>>)
      %dma_wait3A_1288 = arith.constant 0 : i32
      %dma_wait3A_1289 = arith.constant 0 : i32
      %dma_wait3A_1290 = tpu.memref_slice %arg4[%add3A_341, %dma_wait3A_1288, %dma_wait3A_1289] : memref<1024x20x101xf32, #tpu.memory_space<hbm>> -> memref<1x20x101xf32, #tpu.memory_space<hbm>>
      %dma_wait3A_1291 = tpu.memref_squeeze %dma_wait3A_1290 : memref<1x20x101xf32, #tpu.memory_space<hbm>> -> memref<20x101xf32, #tpu.memory_space<hbm>>
      %dma_wait3A_1292 = arith.constant 0 : i32
      %dma_wait3A_1293 = arith.constant 0 : i32
      %dma_wait3A_1294 = tpu.memref_slice %arg4[%add3A_341, %dma_wait3A_1292, %dma_wait3A_1293] : memref<1024x20x101xf32, #tpu.memory_space<hbm>> -> memref<1x20x101xf32, #tpu.memory_space<hbm>>
      %dma_wait3A_1295 = tpu.memref_squeeze %dma_wait3A_1294 : memref<1x20x101xf32, #tpu.memory_space<hbm>> -> memref<20x101xf32, #tpu.memory_space<hbm>>
      tpu.wait_dma2 semaphore(%arg11 : memref<!tpu.dma_semaphore, #tpu.memory_space<semaphore_mem>>) src(%arg9 : memref<20x101xf32, #tpu.memory_space<vmem>>) dst(%dma_wait3A_1295 : memref<20x101xf32, #tpu.memory_space<hbm>>)
      %dma_wait3A_1296 = arith.constant 0 : i32
      %dma_wait3A_1297 = arith.constant 0 : i32
      %dma_wait3A_1298 = tpu.memref_slice %arg4[%add3A_345, %dma_wait3A_1296, %dma_wait3A_1297] : memref<1024x20x101xf32, #tpu.memory_space<hbm>> -> memref<1x20x101xf32, #tpu.memory_space<hbm>>
      %dma_wait3A_1299 = tpu.memref_squeeze %dma_wait3A_1298 : memref<1x20x101xf32, #tpu.memory_space<hbm>> -> memref<20x101xf32, #tpu.memory_space<hbm>>
      %dma_wait3A_1300 = arith.constant 0 : i32
      %dma_wait3A_1301 = arith.constant 0 : i32
      %dma_wait3A_1302 = tpu.memref_slice %arg4[%add3A_345, %dma_wait3A_1300, %dma_wait3A_1301] : memref<1024x20x101xf32, #tpu.memory_space<hbm>> -> memref<1x20x101xf32, #tpu.memory_space<hbm>>
      %dma_wait3A_1303 = tpu.memref_squeeze %dma_wait3A_1302 : memref<1x20x101xf32, #tpu.memory_space<hbm>> -> memref<20x101xf32, #tpu.memory_space<hbm>>
      tpu.wait_dma2 semaphore(%arg11 : memref<!tpu.dma_semaphore, #tpu.memory_space<semaphore_mem>>) src(%arg9 : memref<20x101xf32, #tpu.memory_space<vmem>>) dst(%dma_wait3A_1303 : memref<20x101xf32, #tpu.memory_space<hbm>>)
      %dma_wait3A_1304 = arith.constant 0 : i32
      %dma_wait3A_1305 = arith.constant 0 : i32
      %dma_wait3A_1306 = tpu.memref_slice %arg4[%add3A_349, %dma_wait3A_1304, %dma_wait3A_1305] : memref<1024x20x101xf32, #tpu.memory_space<hbm>> -> memref<1x20x101xf32, #tpu.memory_space<hbm>>
      %dma_wait3A_1307 = tpu.memref_squeeze %dma_wait3A_1306 : memref<1x20x101xf32, #tpu.memory_space<hbm>> -> memref<20x101xf32, #tpu.memory_space<hbm>>
      %dma_wait3A_1308 = arith.constant 0 : i32
      %dma_wait3A_1309 = arith.constant 0 : i32
      %dma_wait3A_1310 = tpu.memref_slice %arg4[%add3A_349, %dma_wait3A_1308, %dma_wait3A_1309] : memref<1024x20x101xf32, #tpu.memory_space<hbm>> -> memref<1x20x101xf32, #tpu.memory_space<hbm>>
      %dma_wait3A_1311 = tpu.memref_squeeze %dma_wait3A_1310 : memref<1x20x101xf32, #tpu.memory_space<hbm>> -> memref<20x101xf32, #tpu.memory_space<hbm>>
      tpu.wait_dma2 semaphore(%arg11 : memref<!tpu.dma_semaphore, #tpu.memory_space<semaphore_mem>>) src(%arg9 : memref<20x101xf32, #tpu.memory_space<vmem>>) dst(%dma_wait3A_1311 : memref<20x101xf32, #tpu.memory_space<hbm>>)
      %dma_wait3A_1312 = arith.constant 0 : i32
      %dma_wait3A_1313 = arith.constant 0 : i32
      %dma_wait3A_1314 = tpu.memref_slice %arg4[%add3A_353, %dma_wait3A_1312, %dma_wait3A_1313] : memref<1024x20x101xf32, #tpu.memory_space<hbm>> -> memref<1x20x101xf32, #tpu.memory_space<hbm>>
      %dma_wait3A_1315 = tpu.memref_squeeze %dma_wait3A_1314 : memref<1x20x101xf32, #tpu.memory_space<hbm>> -> memref<20x101xf32, #tpu.memory_space<hbm>>
      %dma_wait3A_1316 = arith.constant 0 : i32
      %dma_wait3A_1317 = arith.constant 0 : i32
      %dma_wait3A_1318 = tpu.memref_slice %arg4[%add3A_353, %dma_wait3A_1316, %dma_wait3A_1317] : memref<1024x20x101xf32, #tpu.memory_space<hbm>> -> memref<1x20x101xf32, #tpu.memory_space<hbm>>
      %dma_wait3A_1319 = tpu.memref_squeeze %dma_wait3A_1318 : memref<1x20x101xf32, #tpu.memory_space<hbm>> -> memref<20x101xf32, #tpu.memory_space<hbm>>
      tpu.wait_dma2 semaphore(%arg11 : memref<!tpu.dma_semaphore, #tpu.memory_space<semaphore_mem>>) src(%arg9 : memref<20x101xf32, #tpu.memory_space<vmem>>) dst(%dma_wait3A_1319 : memref<20x101xf32, #tpu.memory_space<hbm>>)
      %dma_wait3A_1320 = arith.constant 0 : i32
      %dma_wait3A_1321 = arith.constant 0 : i32
      %dma_wait3A_1322 = tpu.memref_slice %arg4[%add3A_357, %dma_wait3A_1320, %dma_wait3A_1321] : memref<1024x20x101xf32, #tpu.memory_space<hbm>> -> memref<1x20x101xf32, #tpu.memory_space<hbm>>
      %dma_wait3A_1323 = tpu.memref_squeeze %dma_wait3A_1322 : memref<1x20x101xf32, #tpu.memory_space<hbm>> -> memref<20x101xf32, #tpu.memory_space<hbm>>
      %dma_wait3A_1324 = arith.constant 0 : i32
      %dma_wait3A_1325 = arith.constant 0 : i32
      %dma_wait3A_1326 = tpu.memref_slice %arg4[%add3A_357, %dma_wait3A_1324, %dma_wait3A_1325] : memref<1024x20x101xf32, #tpu.memory_space<hbm>> -> memref<1x20x101xf32, #tpu.memory_space<hbm>>
      %dma_wait3A_1327 = tpu.memref_squeeze %dma_wait3A_1326 : memref<1x20x101xf32, #tpu.memory_space<hbm>> -> memref<20x101xf32, #tpu.memory_space<hbm>>
      tpu.wait_dma2 semaphore(%arg11 : memref<!tpu.dma_semaphore, #tpu.memory_space<semaphore_mem>>) src(%arg9 : memref<20x101xf32, #tpu.memory_space<vmem>>) dst(%dma_wait3A_1327 : memref<20x101xf32, #tpu.memory_space<hbm>>)
      %dma_wait3A_1328 = arith.constant 0 : i32
      %dma_wait3A_1329 = arith.constant 0 : i32
      %dma_wait3A_1330 = tpu.memref_slice %arg4[%add3A_361, %dma_wait3A_1328, %dma_wait3A_1329] : memref<1024x20x101xf32, #tpu.memory_space<hbm>> -> memref<1x20x101xf32, #tpu.memory_space<hbm>>
      %dma_wait3A_1331 = tpu.memref_squeeze %dma_wait3A_1330 : memref<1x20x101xf32, #tpu.memory_space<hbm>> -> memref<20x101xf32, #tpu.memory_space<hbm>>
      %dma_wait3A_1332 = arith.constant 0 : i32
      %dma_wait3A_1333 = arith.constant 0 : i32
      %dma_wait3A_1334 = tpu.memref_slice %arg4[%add3A_361, %dma_wait3A_1332, %dma_wait3A_1333] : memref<1024x20x101xf32, #tpu.memory_space<hbm>> -> memref<1x20x101xf32, #tpu.memory_space<hbm>>
      %dma_wait3A_1335 = tpu.memref_squeeze %dma_wait3A_1334 : memref<1x20x101xf32, #tpu.memory_space<hbm>> -> memref<20x101xf32, #tpu.memory_space<hbm>>
      tpu.wait_dma2 semaphore(%arg11 : memref<!tpu.dma_semaphore, #tpu.memory_space<semaphore_mem>>) src(%arg9 : memref<20x101xf32, #tpu.memory_space<vmem>>) dst(%dma_wait3A_1335 : memref<20x101xf32, #tpu.memory_space<hbm>>)
      %dma_wait3A_1336 = arith.constant 0 : i32
      %dma_wait3A_1337 = arith.constant 0 : i32
      %dma_wait3A_1338 = tpu.memref_slice %arg4[%add3A_365, %dma_wait3A_1336, %dma_wait3A_1337] : memref<1024x20x101xf32, #tpu.memory_space<hbm>> -> memref<1x20x101xf32, #tpu.memory_space<hbm>>
      %dma_wait3A_1339 = tpu.memref_squeeze %dma_wait3A_1338 : memref<1x20x101xf32, #tpu.memory_space<hbm>> -> memref<20x101xf32, #tpu.memory_space<hbm>>
      %dma_wait3A_1340 = arith.constant 0 : i32
      %dma_wait3A_1341 = arith.constant 0 : i32
      %dma_wait3A_1342 = tpu.memref_slice %arg4[%add3A_365, %dma_wait3A_1340, %dma_wait3A_1341] : memref<1024x20x101xf32, #tpu.memory_space<hbm>> -> memref<1x20x101xf32, #tpu.memory_space<hbm>>
      %dma_wait3A_1343 = tpu.memref_squeeze %dma_wait3A_1342 : memref<1x20x101xf32, #tpu.memory_space<hbm>> -> memref<20x101xf32, #tpu.memory_space<hbm>>
      tpu.wait_dma2 semaphore(%arg11 : memref<!tpu.dma_semaphore, #tpu.memory_space<semaphore_mem>>) src(%arg9 : memref<20x101xf32, #tpu.memory_space<vmem>>) dst(%dma_wait3A_1343 : memref<20x101xf32, #tpu.memory_space<hbm>>)
      %dma_wait3A_1344 = arith.constant 0 : i32
      %dma_wait3A_1345 = arith.constant 0 : i32
      %dma_wait3A_1346 = tpu.memref_slice %arg4[%add3A_369, %dma_wait3A_1344, %dma_wait3A_1345] : memref<1024x20x101xf32, #tpu.memory_space<hbm>> -> memref<1x20x101xf32, #tpu.memory_space<hbm>>
      %dma_wait3A_1347 = tpu.memref_squeeze %dma_wait3A_1346 : memref<1x20x101xf32, #tpu.memory_space<hbm>> -> memref<20x101xf32, #tpu.memory_space<hbm>>
      %dma_wait3A_1348 = arith.constant 0 : i32
      %dma_wait3A_1349 = arith.constant 0 : i32
      %dma_wait3A_1350 = tpu.memref_slice %arg4[%add3A_369, %dma_wait3A_1348, %dma_wait3A_1349] : memref<1024x20x101xf32, #tpu.memory_space<hbm>> -> memref<1x20x101xf32, #tpu.memory_space<hbm>>
      %dma_wait3A_1351 = tpu.memref_squeeze %dma_wait3A_1350 : memref<1x20x101xf32, #tpu.memory_space<hbm>> -> memref<20x101xf32, #tpu.memory_space<hbm>>
      tpu.wait_dma2 semaphore(%arg11 : memref<!tpu.dma_semaphore, #tpu.memory_space<semaphore_mem>>) src(%arg9 : memref<20x101xf32, #tpu.memory_space<vmem>>) dst(%dma_wait3A_1351 : memref<20x101xf32, #tpu.memory_space<hbm>>)
      %dma_wait3A_1352 = arith.constant 0 : i32
      %dma_wait3A_1353 = arith.constant 0 : i32
      %dma_wait3A_1354 = tpu.memref_slice %arg4[%add3A_373, %dma_wait3A_1352, %dma_wait3A_1353] : memref<1024x20x101xf32, #tpu.memory_space<hbm>> -> memref<1x20x101xf32, #tpu.memory_space<hbm>>
      %dma_wait3A_1355 = tpu.memref_squeeze %dma_wait3A_1354 : memref<1x20x101xf32, #tpu.memory_space<hbm>> -> memref<20x101xf32, #tpu.memory_space<hbm>>
      %dma_wait3A_1356 = arith.constant 0 : i32
      %dma_wait3A_1357 = arith.constant 0 : i32
      %dma_wait3A_1358 = tpu.memref_slice %arg4[%add3A_373, %dma_wait3A_1356, %dma_wait3A_1357] : memref<1024x20x101xf32, #tpu.memory_space<hbm>> -> memref<1x20x101xf32, #tpu.memory_space<hbm>>
      %dma_wait3A_1359 = tpu.memref_squeeze %dma_wait3A_1358 : memref<1x20x101xf32, #tpu.memory_space<hbm>> -> memref<20x101xf32, #tpu.memory_space<hbm>>
      tpu.wait_dma2 semaphore(%arg11 : memref<!tpu.dma_semaphore, #tpu.memory_space<semaphore_mem>>) src(%arg9 : memref<20x101xf32, #tpu.memory_space<vmem>>) dst(%dma_wait3A_1359 : memref<20x101xf32, #tpu.memory_space<hbm>>)
      %dma_wait3A_1360 = arith.constant 0 : i32
      %dma_wait3A_1361 = arith.constant 0 : i32
      %dma_wait3A_1362 = tpu.memref_slice %arg4[%add3A_377, %dma_wait3A_1360, %dma_wait3A_1361] : memref<1024x20x101xf32, #tpu.memory_space<hbm>> -> memref<1x20x101xf32, #tpu.memory_space<hbm>>
      %dma_wait3A_1363 = tpu.memref_squeeze %dma_wait3A_1362 : memref<1x20x101xf32, #tpu.memory_space<hbm>> -> memref<20x101xf32, #tpu.memory_space<hbm>>
      %dma_wait3A_1364 = arith.constant 0 : i32
      %dma_wait3A_1365 = arith.constant 0 : i32
      %dma_wait3A_1366 = tpu.memref_slice %arg4[%add3A_377, %dma_wait3A_1364, %dma_wait3A_1365] : memref<1024x20x101xf32, #tpu.memory_space<hbm>> -> memref<1x20x101xf32, #tpu.memory_space<hbm>>
      %dma_wait3A_1367 = tpu.memref_squeeze %dma_wait3A_1366 : memref<1x20x101xf32, #tpu.memory_space<hbm>> -> memref<20x101xf32, #tpu.memory_space<hbm>>
      tpu.wait_dma2 semaphore(%arg11 : memref<!tpu.dma_semaphore, #tpu.memory_space<semaphore_mem>>) src(%arg9 : memref<20x101xf32, #tpu.memory_space<vmem>>) dst(%dma_wait3A_1367 : memref<20x101xf32, #tpu.memory_space<hbm>>)
      %dma_wait3A_1368 = arith.constant 0 : i32
      %dma_wait3A_1369 = arith.constant 0 : i32
      %dma_wait3A_1370 = tpu.memref_slice %arg4[%add3A_381, %dma_wait3A_1368, %dma_wait3A_1369] : memref<1024x20x101xf32, #tpu.memory_space<hbm>> -> memref<1x20x101xf32, #tpu.memory_space<hbm>>
      %dma_wait3A_1371 = tpu.memref_squeeze %dma_wait3A_1370 : memref<1x20x101xf32, #tpu.memory_space<hbm>> -> memref<20x101xf32, #tpu.memory_space<hbm>>
      %dma_wait3A_1372 = arith.constant 0 : i32
      %dma_wait3A_1373 = arith.constant 0 : i32
      %dma_wait3A_1374 = tpu.memref_slice %arg4[%add3A_381, %dma_wait3A_1372, %dma_wait3A_1373] : memref<1024x20x101xf32, #tpu.memory_space<hbm>> -> memref<1x20x101xf32, #tpu.memory_space<hbm>>
      %dma_wait3A_1375 = tpu.memref_squeeze %dma_wait3A_1374 : memref<1x20x101xf32, #tpu.memory_space<hbm>> -> memref<20x101xf32, #tpu.memory_space<hbm>>
      tpu.wait_dma2 semaphore(%arg11 : memref<!tpu.dma_semaphore, #tpu.memory_space<semaphore_mem>>) src(%arg9 : memref<20x101xf32, #tpu.memory_space<vmem>>) dst(%dma_wait3A_1375 : memref<20x101xf32, #tpu.memory_space<hbm>>)
      %dma_wait3A_1376 = arith.constant 0 : i32
      %dma_wait3A_1377 = arith.constant 0 : i32
      %dma_wait3A_1378 = tpu.memref_slice %arg4[%add3A_385, %dma_wait3A_1376, %dma_wait3A_1377] : memref<1024x20x101xf32, #tpu.memory_space<hbm>> -> memref<1x20x101xf32, #tpu.memory_space<hbm>>
      %dma_wait3A_1379 = tpu.memref_squeeze %dma_wait3A_1378 : memref<1x20x101xf32, #tpu.memory_space<hbm>> -> memref<20x101xf32, #tpu.memory_space<hbm>>
      %dma_wait3A_1380 = arith.constant 0 : i32
      %dma_wait3A_1381 = arith.constant 0 : i32
      %dma_wait3A_1382 = tpu.memref_slice %arg4[%add3A_385, %dma_wait3A_1380, %dma_wait3A_1381] : memref<1024x20x101xf32, #tpu.memory_space<hbm>> -> memref<1x20x101xf32, #tpu.memory_space<hbm>>
      %dma_wait3A_1383 = tpu.memref_squeeze %dma_wait3A_1382 : memref<1x20x101xf32, #tpu.memory_space<hbm>> -> memref<20x101xf32, #tpu.memory_space<hbm>>
      tpu.wait_dma2 semaphore(%arg11 : memref<!tpu.dma_semaphore, #tpu.memory_space<semaphore_mem>>) src(%arg9 : memref<20x101xf32, #tpu.memory_space<vmem>>) dst(%dma_wait3A_1383 : memref<20x101xf32, #tpu.memory_space<hbm>>)
      %dma_wait3A_1384 = arith.constant 0 : i32
      %dma_wait3A_1385 = arith.constant 0 : i32
      %dma_wait3A_1386 = tpu.memref_slice %arg4[%add3A_389, %dma_wait3A_1384, %dma_wait3A_1385] : memref<1024x20x101xf32, #tpu.memory_space<hbm>> -> memref<1x20x101xf32, #tpu.memory_space<hbm>>
      %dma_wait3A_1387 = tpu.memref_squeeze %dma_wait3A_1386 : memref<1x20x101xf32, #tpu.memory_space<hbm>> -> memref<20x101xf32, #tpu.memory_space<hbm>>
      %dma_wait3A_1388 = arith.constant 0 : i32
      %dma_wait3A_1389 = arith.constant 0 : i32
      %dma_wait3A_1390 = tpu.memref_slice %arg4[%add3A_389, %dma_wait3A_1388, %dma_wait3A_1389] : memref<1024x20x101xf32, #tpu.memory_space<hbm>> -> memref<1x20x101xf32, #tpu.memory_space<hbm>>
      %dma_wait3A_1391 = tpu.memref_squeeze %dma_wait3A_1390 : memref<1x20x101xf32, #tpu.memory_space<hbm>> -> memref<20x101xf32, #tpu.memory_space<hbm>>
      tpu.wait_dma2 semaphore(%arg11 : memref<!tpu.dma_semaphore, #tpu.memory_space<semaphore_mem>>) src(%arg9 : memref<20x101xf32, #tpu.memory_space<vmem>>) dst(%dma_wait3A_1391 : memref<20x101xf32, #tpu.memory_space<hbm>>)
      %dma_wait3A_1392 = arith.constant 0 : i32
      %dma_wait3A_1393 = arith.constant 0 : i32
      %dma_wait3A_1394 = tpu.memref_slice %arg4[%add3A_393, %dma_wait3A_1392, %dma_wait3A_1393] : memref<1024x20x101xf32, #tpu.memory_space<hbm>> -> memref<1x20x101xf32, #tpu.memory_space<hbm>>
      %dma_wait3A_1395 = tpu.memref_squeeze %dma_wait3A_1394 : memref<1x20x101xf32, #tpu.memory_space<hbm>> -> memref<20x101xf32, #tpu.memory_space<hbm>>
      %dma_wait3A_1396 = arith.constant 0 : i32
      %dma_wait3A_1397 = arith.constant 0 : i32
      %dma_wait3A_1398 = tpu.memref_slice %arg4[%add3A_393, %dma_wait3A_1396, %dma_wait3A_1397] : memref<1024x20x101xf32, #tpu.memory_space<hbm>> -> memref<1x20x101xf32, #tpu.memory_space<hbm>>
      %dma_wait3A_1399 = tpu.memref_squeeze %dma_wait3A_1398 : memref<1x20x101xf32, #tpu.memory_space<hbm>> -> memref<20x101xf32, #tpu.memory_space<hbm>>
      tpu.wait_dma2 semaphore(%arg11 : memref<!tpu.dma_semaphore, #tpu.memory_space<semaphore_mem>>) src(%arg9 : memref<20x101xf32, #tpu.memory_space<vmem>>) dst(%dma_wait3A_1399 : memref<20x101xf32, #tpu.memory_space<hbm>>)
      %dma_wait3A_1400 = arith.constant 0 : i32
      %dma_wait3A_1401 = arith.constant 0 : i32
      %dma_wait3A_1402 = tpu.memref_slice %arg4[%add3A_397, %dma_wait3A_1400, %dma_wait3A_1401] : memref<1024x20x101xf32, #tpu.memory_space<hbm>> -> memref<1x20x101xf32, #tpu.memory_space<hbm>>
      %dma_wait3A_1403 = tpu.memref_squeeze %dma_wait3A_1402 : memref<1x20x101xf32, #tpu.memory_space<hbm>> -> memref<20x101xf32, #tpu.memory_space<hbm>>
      %dma_wait3A_1404 = arith.constant 0 : i32
      %dma_wait3A_1405 = arith.constant 0 : i32
      %dma_wait3A_1406 = tpu.memref_slice %arg4[%add3A_397, %dma_wait3A_1404, %dma_wait3A_1405] : memref<1024x20x101xf32, #tpu.memory_space<hbm>> -> memref<1x20x101xf32, #tpu.memory_space<hbm>>
      %dma_wait3A_1407 = tpu.memref_squeeze %dma_wait3A_1406 : memref<1x20x101xf32, #tpu.memory_space<hbm>> -> memref<20x101xf32, #tpu.memory_space<hbm>>
      tpu.wait_dma2 semaphore(%arg11 : memref<!tpu.dma_semaphore, #tpu.memory_space<semaphore_mem>>) src(%arg9 : memref<20x101xf32, #tpu.memory_space<vmem>>) dst(%dma_wait3A_1407 : memref<20x101xf32, #tpu.memory_space<hbm>>)
      %dma_wait3A_1408 = arith.constant 0 : i32
      %dma_wait3A_1409 = arith.constant 0 : i32
      %dma_wait3A_1410 = tpu.memref_slice %arg4[%add3A_401, %dma_wait3A_1408, %dma_wait3A_1409] : memref<1024x20x101xf32, #tpu.memory_space<hbm>> -> memref<1x20x101xf32, #tpu.memory_space<hbm>>
      %dma_wait3A_1411 = tpu.memref_squeeze %dma_wait3A_1410 : memref<1x20x101xf32, #tpu.memory_space<hbm>> -> memref<20x101xf32, #tpu.memory_space<hbm>>
      %dma_wait3A_1412 = arith.constant 0 : i32
      %dma_wait3A_1413 = arith.constant 0 : i32
      %dma_wait3A_1414 = tpu.memref_slice %arg4[%add3A_401, %dma_wait3A_1412, %dma_wait3A_1413] : memref<1024x20x101xf32, #tpu.memory_space<hbm>> -> memref<1x20x101xf32, #tpu.memory_space<hbm>>
      %dma_wait3A_1415 = tpu.memref_squeeze %dma_wait3A_1414 : memref<1x20x101xf32, #tpu.memory_space<hbm>> -> memref<20x101xf32, #tpu.memory_space<hbm>>
      tpu.wait_dma2 semaphore(%arg11 : memref<!tpu.dma_semaphore, #tpu.memory_space<semaphore_mem>>) src(%arg9 : memref<20x101xf32, #tpu.memory_space<vmem>>) dst(%dma_wait3A_1415 : memref<20x101xf32, #tpu.memory_space<hbm>>)
      %dma_wait3A_1416 = arith.constant 0 : i32
      %dma_wait3A_1417 = arith.constant 0 : i32
      %dma_wait3A_1418 = tpu.memref_slice %arg4[%add3A_405, %dma_wait3A_1416, %dma_wait3A_1417] : memref<1024x20x101xf32, #tpu.memory_space<hbm>> -> memref<1x20x101xf32, #tpu.memory_space<hbm>>
      %dma_wait3A_1419 = tpu.memref_squeeze %dma_wait3A_1418 : memref<1x20x101xf32, #tpu.memory_space<hbm>> -> memref<20x101xf32, #tpu.memory_space<hbm>>
      %dma_wait3A_1420 = arith.constant 0 : i32
      %dma_wait3A_1421 = arith.constant 0 : i32
      %dma_wait3A_1422 = tpu.memref_slice %arg4[%add3A_405, %dma_wait3A_1420, %dma_wait3A_1421] : memref<1024x20x101xf32, #tpu.memory_space<hbm>> -> memref<1x20x101xf32, #tpu.memory_space<hbm>>
      %dma_wait3A_1423 = tpu.memref_squeeze %dma_wait3A_1422 : memref<1x20x101xf32, #tpu.memory_space<hbm>> -> memref<20x101xf32, #tpu.memory_space<hbm>>
      tpu.wait_dma2 semaphore(%arg11 : memref<!tpu.dma_semaphore, #tpu.memory_space<semaphore_mem>>) src(%arg9 : memref<20x101xf32, #tpu.memory_space<vmem>>) dst(%dma_wait3A_1423 : memref<20x101xf32, #tpu.memory_space<hbm>>)
      %dma_wait3A_1424 = arith.constant 0 : i32
      %dma_wait3A_1425 = arith.constant 0 : i32
      %dma_wait3A_1426 = tpu.memref_slice %arg4[%add3A_409, %dma_wait3A_1424, %dma_wait3A_1425] : memref<1024x20x101xf32, #tpu.memory_space<hbm>> -> memref<1x20x101xf32, #tpu.memory_space<hbm>>
      %dma_wait3A_1427 = tpu.memref_squeeze %dma_wait3A_1426 : memref<1x20x101xf32, #tpu.memory_space<hbm>> -> memref<20x101xf32, #tpu.memory_space<hbm>>
      %dma_wait3A_1428 = arith.constant 0 : i32
      %dma_wait3A_1429 = arith.constant 0 : i32
      %dma_wait3A_1430 = tpu.memref_slice %arg4[%add3A_409, %dma_wait3A_1428, %dma_wait3A_1429] : memref<1024x20x101xf32, #tpu.memory_space<hbm>> -> memref<1x20x101xf32, #tpu.memory_space<hbm>>
      %dma_wait3A_1431 = tpu.memref_squeeze %dma_wait3A_1430 : memref<1x20x101xf32, #tpu.memory_space<hbm>> -> memref<20x101xf32, #tpu.memory_space<hbm>>
      tpu.wait_dma2 semaphore(%arg11 : memref<!tpu.dma_semaphore, #tpu.memory_space<semaphore_mem>>) src(%arg9 : memref<20x101xf32, #tpu.memory_space<vmem>>) dst(%dma_wait3A_1431 : memref<20x101xf32, #tpu.memory_space<hbm>>)
    } else {
    }
    return
  }
}

module attributes {stable_mosaic.version = 14 : i64} {
  func.func @_tc_kern(%arg0: i32, %arg1: memref<320x128xf32, #tpu.memory_space<vmem>>, %arg2: memref<256x20x101xf32, #tpu.memory_space<vmem>>, %arg3: memref<256x20x101xf32, #tpu.memory_space<vmem>>, %arg4: memref<8x128xf32, #tpu.memory_space<vmem>>) attributes {dimension_semantics = [#tpu.dimension_semantics<arbitrary>], iteration_bounds = array<i64: 4>, scalar_prefetch = 0 : i64, scratch_operands = 1 : i64, tpu.core_type = #tpu.core_type<tc>, window_params = [{pipeline_mode = #tpu.pipeline_mode<synchronous>, transform_indices = @transform_0, window_bounds = array<i64: 320, 128>}, {transform_indices = @transform_1, window_bounds = array<i64: 256, 20, 101>}, {transform_indices = @transform_2, window_bounds = array<i64: 256, 20, 101>}]} {
    %eq3A = arith.constant 0 : i32
    %eq3A_0 = arith.cmpi eq, %arg0, %eq3A : i32
    %convert_element_type3A = arith.extui %eq3A_0 : i1 to i32
    %cond3A = arith.constant 0 : i32
    %cond3A_1 = arith.cmpi ne, %convert_element_type3A, %cond3A : i32
    scf.if %cond3A_1 {
      %iota3A = tpu.iota {dimensions = array<i32: 1>} : vector<1x128xi32>
      %get3A_18 = arith.constant 0 : index
      %get3A_19 = arith.constant 0 : index
      %get3A_20 = vector.load %arg1[%get3A_18, %get3A_19] : memref<320x128xf32, #tpu.memory_space<vmem>>, vector<160x128xf32>
      %convert_element_type3A_21 = arith.fptosi %get3A_20 : vector<160x128xf32> to vector<160x128xi32>
      %add3A = arith.constant 1 : i32
      %add3A_22 = vector.broadcast %add3A : i32 to vector<160x128xi32>
      %add3A_23 = arith.addi %convert_element_type3A_21, %add3A_22 : vector<160x128xi32>
      %lt3A = arith.constant 0 : i32
      %lt3A_24 = vector.broadcast %lt3A : i32 to vector<160x128xi32>
      %lt3A_25 = arith.cmpi slt, %add3A_23, %lt3A_24 : vector<160x128xi32>
      %add3A_26 = arith.constant 101 : i32
      %add3A_27 = vector.broadcast %add3A_26 : i32 to vector<160x128xi32>
      %add3A_28 = arith.addi %add3A_23, %add3A_27 : vector<160x128xi32>
      %select_n3A = arith.select %lt3A_25, %add3A_28, %add3A_23 : vector<160x128xi1>, vector<160x128xi32>
      %jit3A = arith.constant 0 : i32
      %jit3A_29 = arith.constant 127 : i32
      %max3A = vector.broadcast %jit3A : i32 to vector<160x128xi32>
      %max3A_30 = arith.maxsi %max3A, %select_n3A : vector<160x128xi32>
      %min3A = vector.broadcast %jit3A_29 : i32 to vector<160x128xi32>
      %min3A_31 = arith.minsi %min3A, %max3A_30 : vector<160x128xi32>
      %and3A = arith.constant 31 : i32
      %and3A_32 = vector.broadcast %and3A : i32 to vector<160x128xi32>
      %and3A_33 = arith.andi %min3A_31, %and3A_32 : vector<160x128xi32>
      %shift_left3A = arith.constant 1 : i32
      %shift_left3A_34 = vector.broadcast %shift_left3A : i32 to vector<160x128xi32>
      %shift_left3A_35 = arith.shli %shift_left3A_34, %and3A_33 : vector<160x128xi32>
      %shift_right_arithmetic3A = arith.constant 5 : i32
      %shift_right_arithmetic3A_36 = vector.broadcast %shift_right_arithmetic3A : i32 to vector<160x128xi32>
      %shift_right_arithmetic3A_37 = arith.shrsi %min3A_31, %shift_right_arithmetic3A_36 : vector<160x128xi32>
      %eq3A_38 = arith.constant 0 : i32
      %eq3A_39 = vector.broadcast %eq3A_38 : i32 to vector<160x128xi32>
      %eq3A_40 = arith.cmpi eq, %shift_right_arithmetic3A_37, %eq3A_39 : vector<160x128xi32>
      %jit3A_41 = arith.constant 0 : i32
      %broadcast_in_dim3A_42 = vector.broadcast %jit3A_41 : i32 to vector<160x128xi32>
      %select_n3A_43 = arith.select %eq3A_40, %shift_left3A_35, %broadcast_in_dim3A_42 : vector<160x128xi1>, vector<160x128xi32>
      %slice3A = vector.extract_strided_slice %select_n3A_43 {offsets = [0, 0], sizes = [80, 128], strides = [1, 1]} : vector<160x128xi32> to vector<80x128xi32>
      %slice3A_44 = vector.extract_strided_slice %select_n3A_43 {offsets = [80, 0], sizes = [80, 128], strides = [1, 1]} : vector<160x128xi32> to vector<80x128xi32>
      %or3A = arith.ori %slice3A, %slice3A_44 : vector<80x128xi32>
      %slice3A_45 = vector.extract_strided_slice %or3A {offsets = [0, 0], sizes = [40, 128], strides = [1, 1]} : vector<80x128xi32> to vector<40x128xi32>
      %slice3A_46 = vector.extract_strided_slice %or3A {offsets = [40, 0], sizes = [40, 128], strides = [1, 1]} : vector<80x128xi32> to vector<40x128xi32>
      %or3A_47 = arith.ori %slice3A_45, %slice3A_46 : vector<40x128xi32>
      %slice3A_48 = vector.extract_strided_slice %or3A_47 {offsets = [0, 0], sizes = [20, 128], strides = [1, 1]} : vector<40x128xi32> to vector<20x128xi32>
      %slice3A_49 = vector.extract_strided_slice %or3A_47 {offsets = [20, 0], sizes = [20, 128], strides = [1, 1]} : vector<40x128xi32> to vector<20x128xi32>
      %or3A_50 = arith.ori %slice3A_48, %slice3A_49 : vector<20x128xi32>
      %slice3A_51 = vector.extract_strided_slice %or3A_50 {offsets = [0, 0], sizes = [10, 128], strides = [1, 1]} : vector<20x128xi32> to vector<10x128xi32>
      %slice3A_52 = vector.extract_strided_slice %or3A_50 {offsets = [10, 0], sizes = [10, 128], strides = [1, 1]} : vector<20x128xi32> to vector<10x128xi32>
      %or3A_53 = arith.ori %slice3A_51, %slice3A_52 : vector<10x128xi32>
      %slice3A_54 = vector.extract_strided_slice %or3A_53 {offsets = [0, 0], sizes = [5, 128], strides = [1, 1]} : vector<10x128xi32> to vector<5x128xi32>
      %slice3A_55 = vector.extract_strided_slice %or3A_53 {offsets = [5, 0], sizes = [5, 128], strides = [1, 1]} : vector<10x128xi32> to vector<5x128xi32>
      %or3A_56 = arith.ori %slice3A_54, %slice3A_55 : vector<5x128xi32>
      %slice3A_57 = vector.extract_strided_slice %or3A_56 {offsets = [0, 0], sizes = [1, 128], strides = [1, 1]} : vector<5x128xi32> to vector<1x128xi32>
      %slice3A_58 = vector.extract_strided_slice %or3A_56 {offsets = [1, 0], sizes = [1, 128], strides = [1, 1]} : vector<5x128xi32> to vector<1x128xi32>
      %or3A_59 = arith.ori %slice3A_57, %slice3A_58 : vector<1x128xi32>
      %slice3A_60 = vector.extract_strided_slice %or3A_56 {offsets = [2, 0], sizes = [1, 128], strides = [1, 1]} : vector<5x128xi32> to vector<1x128xi32>
      %or3A_61 = arith.ori %or3A_59, %slice3A_60 : vector<1x128xi32>
      %slice3A_62 = vector.extract_strided_slice %or3A_56 {offsets = [3, 0], sizes = [1, 128], strides = [1, 1]} : vector<5x128xi32> to vector<1x128xi32>
      %or3A_63 = arith.ori %or3A_61, %slice3A_62 : vector<1x128xi32>
      %slice3A_64 = vector.extract_strided_slice %or3A_56 {offsets = [4, 0], sizes = [1, 128], strides = [1, 1]} : vector<5x128xi32> to vector<1x128xi32>
      %or3A_65 = arith.ori %or3A_63, %slice3A_64 : vector<1x128xi32>
      %roll3A = arith.constant 1 : i32
      %roll3A_66 = tpu.dynamic_rotate %or3A_65 by %roll3A dim 1 : vector<1x128xi32>, i32 -> vector<1x128xi32>
      %or3A_67 = arith.ori %or3A_65, %roll3A_66 : vector<1x128xi32>
      %roll3A_68 = arith.constant 2 : i32
      %roll3A_69 = tpu.dynamic_rotate %or3A_67 by %roll3A_68 dim 1 : vector<1x128xi32>, i32 -> vector<1x128xi32>
      %or3A_70 = arith.ori %or3A_67, %roll3A_69 : vector<1x128xi32>
      %roll3A_71 = arith.constant 4 : i32
      %roll3A_72 = tpu.dynamic_rotate %or3A_70 by %roll3A_71 dim 1 : vector<1x128xi32>, i32 -> vector<1x128xi32>
      %or3A_73 = arith.ori %or3A_70, %roll3A_72 : vector<1x128xi32>
      %roll3A_74 = arith.constant 8 : i32
      %roll3A_75 = tpu.dynamic_rotate %or3A_73 by %roll3A_74 dim 1 : vector<1x128xi32>, i32 -> vector<1x128xi32>
      %or3A_76 = arith.ori %or3A_73, %roll3A_75 : vector<1x128xi32>
      %roll3A_77 = arith.constant 16 : i32
      %roll3A_78 = tpu.dynamic_rotate %or3A_76 by %roll3A_77 dim 1 : vector<1x128xi32>, i32 -> vector<1x128xi32>
      %or3A_79 = arith.ori %or3A_76, %roll3A_78 : vector<1x128xi32>
      %roll3A_80 = arith.constant 32 : i32
      %roll3A_81 = tpu.dynamic_rotate %or3A_79 by %roll3A_80 dim 1 : vector<1x128xi32>, i32 -> vector<1x128xi32>
      %or3A_82 = arith.ori %or3A_79, %roll3A_81 : vector<1x128xi32>
      %roll3A_83 = arith.constant 64 : i32
      %roll3A_84 = tpu.dynamic_rotate %or3A_82 by %roll3A_83 dim 1 : vector<1x128xi32>, i32 -> vector<1x128xi32>
      %or3A_85 = arith.ori %or3A_82, %roll3A_84 : vector<1x128xi32>
      %eq3A_86 = arith.constant 1 : i32
      %eq3A_87 = vector.broadcast %eq3A_86 : i32 to vector<160x128xi32>
      %eq3A_88 = arith.cmpi eq, %shift_right_arithmetic3A_37, %eq3A_87 : vector<160x128xi32>
      %jit3A_89 = arith.constant 0 : i32
      %broadcast_in_dim3A_90 = vector.broadcast %jit3A_89 : i32 to vector<160x128xi32>
      %select_n3A_91 = arith.select %eq3A_88, %shift_left3A_35, %broadcast_in_dim3A_90 : vector<160x128xi1>, vector<160x128xi32>
      %slice3A_92 = vector.extract_strided_slice %select_n3A_91 {offsets = [0, 0], sizes = [80, 128], strides = [1, 1]} : vector<160x128xi32> to vector<80x128xi32>
      %slice3A_93 = vector.extract_strided_slice %select_n3A_91 {offsets = [80, 0], sizes = [80, 128], strides = [1, 1]} : vector<160x128xi32> to vector<80x128xi32>
      %or3A_94 = arith.ori %slice3A_92, %slice3A_93 : vector<80x128xi32>
      %slice3A_95 = vector.extract_strided_slice %or3A_94 {offsets = [0, 0], sizes = [40, 128], strides = [1, 1]} : vector<80x128xi32> to vector<40x128xi32>
      %slice3A_96 = vector.extract_strided_slice %or3A_94 {offsets = [40, 0], sizes = [40, 128], strides = [1, 1]} : vector<80x128xi32> to vector<40x128xi32>
      %or3A_97 = arith.ori %slice3A_95, %slice3A_96 : vector<40x128xi32>
      %slice3A_98 = vector.extract_strided_slice %or3A_97 {offsets = [0, 0], sizes = [20, 128], strides = [1, 1]} : vector<40x128xi32> to vector<20x128xi32>
      %slice3A_99 = vector.extract_strided_slice %or3A_97 {offsets = [20, 0], sizes = [20, 128], strides = [1, 1]} : vector<40x128xi32> to vector<20x128xi32>
      %or3A_100 = arith.ori %slice3A_98, %slice3A_99 : vector<20x128xi32>
      %slice3A_101 = vector.extract_strided_slice %or3A_100 {offsets = [0, 0], sizes = [10, 128], strides = [1, 1]} : vector<20x128xi32> to vector<10x128xi32>
      %slice3A_102 = vector.extract_strided_slice %or3A_100 {offsets = [10, 0], sizes = [10, 128], strides = [1, 1]} : vector<20x128xi32> to vector<10x128xi32>
      %or3A_103 = arith.ori %slice3A_101, %slice3A_102 : vector<10x128xi32>
      %slice3A_104 = vector.extract_strided_slice %or3A_103 {offsets = [0, 0], sizes = [5, 128], strides = [1, 1]} : vector<10x128xi32> to vector<5x128xi32>
      %slice3A_105 = vector.extract_strided_slice %or3A_103 {offsets = [5, 0], sizes = [5, 128], strides = [1, 1]} : vector<10x128xi32> to vector<5x128xi32>
      %or3A_106 = arith.ori %slice3A_104, %slice3A_105 : vector<5x128xi32>
      %slice3A_107 = vector.extract_strided_slice %or3A_106 {offsets = [0, 0], sizes = [1, 128], strides = [1, 1]} : vector<5x128xi32> to vector<1x128xi32>
      %slice3A_108 = vector.extract_strided_slice %or3A_106 {offsets = [1, 0], sizes = [1, 128], strides = [1, 1]} : vector<5x128xi32> to vector<1x128xi32>
      %or3A_109 = arith.ori %slice3A_107, %slice3A_108 : vector<1x128xi32>
      %slice3A_110 = vector.extract_strided_slice %or3A_106 {offsets = [2, 0], sizes = [1, 128], strides = [1, 1]} : vector<5x128xi32> to vector<1x128xi32>
      %or3A_111 = arith.ori %or3A_109, %slice3A_110 : vector<1x128xi32>
      %slice3A_112 = vector.extract_strided_slice %or3A_106 {offsets = [3, 0], sizes = [1, 128], strides = [1, 1]} : vector<5x128xi32> to vector<1x128xi32>
      %or3A_113 = arith.ori %or3A_111, %slice3A_112 : vector<1x128xi32>
      %slice3A_114 = vector.extract_strided_slice %or3A_106 {offsets = [4, 0], sizes = [1, 128], strides = [1, 1]} : vector<5x128xi32> to vector<1x128xi32>
      %or3A_115 = arith.ori %or3A_113, %slice3A_114 : vector<1x128xi32>
      %roll3A_116 = arith.constant 1 : i32
      %roll3A_117 = tpu.dynamic_rotate %or3A_115 by %roll3A_116 dim 1 : vector<1x128xi32>, i32 -> vector<1x128xi32>
      %or3A_118 = arith.ori %or3A_115, %roll3A_117 : vector<1x128xi32>
      %roll3A_119 = arith.constant 2 : i32
      %roll3A_120 = tpu.dynamic_rotate %or3A_118 by %roll3A_119 dim 1 : vector<1x128xi32>, i32 -> vector<1x128xi32>
      %or3A_121 = arith.ori %or3A_118, %roll3A_120 : vector<1x128xi32>
      %roll3A_122 = arith.constant 4 : i32
      %roll3A_123 = tpu.dynamic_rotate %or3A_121 by %roll3A_122 dim 1 : vector<1x128xi32>, i32 -> vector<1x128xi32>
      %or3A_124 = arith.ori %or3A_121, %roll3A_123 : vector<1x128xi32>
      %roll3A_125 = arith.constant 8 : i32
      %roll3A_126 = tpu.dynamic_rotate %or3A_124 by %roll3A_125 dim 1 : vector<1x128xi32>, i32 -> vector<1x128xi32>
      %or3A_127 = arith.ori %or3A_124, %roll3A_126 : vector<1x128xi32>
      %roll3A_128 = arith.constant 16 : i32
      %roll3A_129 = tpu.dynamic_rotate %or3A_127 by %roll3A_128 dim 1 : vector<1x128xi32>, i32 -> vector<1x128xi32>
      %or3A_130 = arith.ori %or3A_127, %roll3A_129 : vector<1x128xi32>
      %roll3A_131 = arith.constant 32 : i32
      %roll3A_132 = tpu.dynamic_rotate %or3A_130 by %roll3A_131 dim 1 : vector<1x128xi32>, i32 -> vector<1x128xi32>
      %or3A_133 = arith.ori %or3A_130, %roll3A_132 : vector<1x128xi32>
      %roll3A_134 = arith.constant 64 : i32
      %roll3A_135 = tpu.dynamic_rotate %or3A_133 by %roll3A_134 dim 1 : vector<1x128xi32>, i32 -> vector<1x128xi32>
      %or3A_136 = arith.ori %or3A_133, %roll3A_135 : vector<1x128xi32>
      %eq3A_137 = arith.constant 2 : i32
      %eq3A_138 = vector.broadcast %eq3A_137 : i32 to vector<160x128xi32>
      %eq3A_139 = arith.cmpi eq, %shift_right_arithmetic3A_37, %eq3A_138 : vector<160x128xi32>
      %jit3A_140 = arith.constant 0 : i32
      %broadcast_in_dim3A_141 = vector.broadcast %jit3A_140 : i32 to vector<160x128xi32>
      %select_n3A_142 = arith.select %eq3A_139, %shift_left3A_35, %broadcast_in_dim3A_141 : vector<160x128xi1>, vector<160x128xi32>
      %slice3A_143 = vector.extract_strided_slice %select_n3A_142 {offsets = [0, 0], sizes = [80, 128], strides = [1, 1]} : vector<160x128xi32> to vector<80x128xi32>
      %slice3A_144 = vector.extract_strided_slice %select_n3A_142 {offsets = [80, 0], sizes = [80, 128], strides = [1, 1]} : vector<160x128xi32> to vector<80x128xi32>
      %or3A_145 = arith.ori %slice3A_143, %slice3A_144 : vector<80x128xi32>
      %slice3A_146 = vector.extract_strided_slice %or3A_145 {offsets = [0, 0], sizes = [40, 128], strides = [1, 1]} : vector<80x128xi32> to vector<40x128xi32>
      %slice3A_147 = vector.extract_strided_slice %or3A_145 {offsets = [40, 0], sizes = [40, 128], strides = [1, 1]} : vector<80x128xi32> to vector<40x128xi32>
      %or3A_148 = arith.ori %slice3A_146, %slice3A_147 : vector<40x128xi32>
      %slice3A_149 = vector.extract_strided_slice %or3A_148 {offsets = [0, 0], sizes = [20, 128], strides = [1, 1]} : vector<40x128xi32> to vector<20x128xi32>
      %slice3A_150 = vector.extract_strided_slice %or3A_148 {offsets = [20, 0], sizes = [20, 128], strides = [1, 1]} : vector<40x128xi32> to vector<20x128xi32>
      %or3A_151 = arith.ori %slice3A_149, %slice3A_150 : vector<20x128xi32>
      %slice3A_152 = vector.extract_strided_slice %or3A_151 {offsets = [0, 0], sizes = [10, 128], strides = [1, 1]} : vector<20x128xi32> to vector<10x128xi32>
      %slice3A_153 = vector.extract_strided_slice %or3A_151 {offsets = [10, 0], sizes = [10, 128], strides = [1, 1]} : vector<20x128xi32> to vector<10x128xi32>
      %or3A_154 = arith.ori %slice3A_152, %slice3A_153 : vector<10x128xi32>
      %slice3A_155 = vector.extract_strided_slice %or3A_154 {offsets = [0, 0], sizes = [5, 128], strides = [1, 1]} : vector<10x128xi32> to vector<5x128xi32>
      %slice3A_156 = vector.extract_strided_slice %or3A_154 {offsets = [5, 0], sizes = [5, 128], strides = [1, 1]} : vector<10x128xi32> to vector<5x128xi32>
      %or3A_157 = arith.ori %slice3A_155, %slice3A_156 : vector<5x128xi32>
      %slice3A_158 = vector.extract_strided_slice %or3A_157 {offsets = [0, 0], sizes = [1, 128], strides = [1, 1]} : vector<5x128xi32> to vector<1x128xi32>
      %slice3A_159 = vector.extract_strided_slice %or3A_157 {offsets = [1, 0], sizes = [1, 128], strides = [1, 1]} : vector<5x128xi32> to vector<1x128xi32>
      %or3A_160 = arith.ori %slice3A_158, %slice3A_159 : vector<1x128xi32>
      %slice3A_161 = vector.extract_strided_slice %or3A_157 {offsets = [2, 0], sizes = [1, 128], strides = [1, 1]} : vector<5x128xi32> to vector<1x128xi32>
      %or3A_162 = arith.ori %or3A_160, %slice3A_161 : vector<1x128xi32>
      %slice3A_163 = vector.extract_strided_slice %or3A_157 {offsets = [3, 0], sizes = [1, 128], strides = [1, 1]} : vector<5x128xi32> to vector<1x128xi32>
      %or3A_164 = arith.ori %or3A_162, %slice3A_163 : vector<1x128xi32>
      %slice3A_165 = vector.extract_strided_slice %or3A_157 {offsets = [4, 0], sizes = [1, 128], strides = [1, 1]} : vector<5x128xi32> to vector<1x128xi32>
      %or3A_166 = arith.ori %or3A_164, %slice3A_165 : vector<1x128xi32>
      %roll3A_167 = arith.constant 1 : i32
      %roll3A_168 = tpu.dynamic_rotate %or3A_166 by %roll3A_167 dim 1 : vector<1x128xi32>, i32 -> vector<1x128xi32>
      %or3A_169 = arith.ori %or3A_166, %roll3A_168 : vector<1x128xi32>
      %roll3A_170 = arith.constant 2 : i32
      %roll3A_171 = tpu.dynamic_rotate %or3A_169 by %roll3A_170 dim 1 : vector<1x128xi32>, i32 -> vector<1x128xi32>
      %or3A_172 = arith.ori %or3A_169, %roll3A_171 : vector<1x128xi32>
      %roll3A_173 = arith.constant 4 : i32
      %roll3A_174 = tpu.dynamic_rotate %or3A_172 by %roll3A_173 dim 1 : vector<1x128xi32>, i32 -> vector<1x128xi32>
      %or3A_175 = arith.ori %or3A_172, %roll3A_174 : vector<1x128xi32>
      %roll3A_176 = arith.constant 8 : i32
      %roll3A_177 = tpu.dynamic_rotate %or3A_175 by %roll3A_176 dim 1 : vector<1x128xi32>, i32 -> vector<1x128xi32>
      %or3A_178 = arith.ori %or3A_175, %roll3A_177 : vector<1x128xi32>
      %roll3A_179 = arith.constant 16 : i32
      %roll3A_180 = tpu.dynamic_rotate %or3A_178 by %roll3A_179 dim 1 : vector<1x128xi32>, i32 -> vector<1x128xi32>
      %or3A_181 = arith.ori %or3A_178, %roll3A_180 : vector<1x128xi32>
      %roll3A_182 = arith.constant 32 : i32
      %roll3A_183 = tpu.dynamic_rotate %or3A_181 by %roll3A_182 dim 1 : vector<1x128xi32>, i32 -> vector<1x128xi32>
      %or3A_184 = arith.ori %or3A_181, %roll3A_183 : vector<1x128xi32>
      %roll3A_185 = arith.constant 64 : i32
      %roll3A_186 = tpu.dynamic_rotate %or3A_184 by %roll3A_185 dim 1 : vector<1x128xi32>, i32 -> vector<1x128xi32>
      %or3A_187 = arith.ori %or3A_184, %roll3A_186 : vector<1x128xi32>
      %eq3A_188 = arith.constant 3 : i32
      %eq3A_189 = vector.broadcast %eq3A_188 : i32 to vector<160x128xi32>
      %eq3A_190 = arith.cmpi eq, %shift_right_arithmetic3A_37, %eq3A_189 : vector<160x128xi32>
      %jit3A_191 = arith.constant 0 : i32
      %broadcast_in_dim3A_192 = vector.broadcast %jit3A_191 : i32 to vector<160x128xi32>
      %select_n3A_193 = arith.select %eq3A_190, %shift_left3A_35, %broadcast_in_dim3A_192 : vector<160x128xi1>, vector<160x128xi32>
      %slice3A_194 = vector.extract_strided_slice %select_n3A_193 {offsets = [0, 0], sizes = [80, 128], strides = [1, 1]} : vector<160x128xi32> to vector<80x128xi32>
      %slice3A_195 = vector.extract_strided_slice %select_n3A_193 {offsets = [80, 0], sizes = [80, 128], strides = [1, 1]} : vector<160x128xi32> to vector<80x128xi32>
      %or3A_196 = arith.ori %slice3A_194, %slice3A_195 : vector<80x128xi32>
      %slice3A_197 = vector.extract_strided_slice %or3A_196 {offsets = [0, 0], sizes = [40, 128], strides = [1, 1]} : vector<80x128xi32> to vector<40x128xi32>
      %slice3A_198 = vector.extract_strided_slice %or3A_196 {offsets = [40, 0], sizes = [40, 128], strides = [1, 1]} : vector<80x128xi32> to vector<40x128xi32>
      %or3A_199 = arith.ori %slice3A_197, %slice3A_198 : vector<40x128xi32>
      %slice3A_200 = vector.extract_strided_slice %or3A_199 {offsets = [0, 0], sizes = [20, 128], strides = [1, 1]} : vector<40x128xi32> to vector<20x128xi32>
      %slice3A_201 = vector.extract_strided_slice %or3A_199 {offsets = [20, 0], sizes = [20, 128], strides = [1, 1]} : vector<40x128xi32> to vector<20x128xi32>
      %or3A_202 = arith.ori %slice3A_200, %slice3A_201 : vector<20x128xi32>
      %slice3A_203 = vector.extract_strided_slice %or3A_202 {offsets = [0, 0], sizes = [10, 128], strides = [1, 1]} : vector<20x128xi32> to vector<10x128xi32>
      %slice3A_204 = vector.extract_strided_slice %or3A_202 {offsets = [10, 0], sizes = [10, 128], strides = [1, 1]} : vector<20x128xi32> to vector<10x128xi32>
      %or3A_205 = arith.ori %slice3A_203, %slice3A_204 : vector<10x128xi32>
      %slice3A_206 = vector.extract_strided_slice %or3A_205 {offsets = [0, 0], sizes = [5, 128], strides = [1, 1]} : vector<10x128xi32> to vector<5x128xi32>
      %slice3A_207 = vector.extract_strided_slice %or3A_205 {offsets = [5, 0], sizes = [5, 128], strides = [1, 1]} : vector<10x128xi32> to vector<5x128xi32>
      %or3A_208 = arith.ori %slice3A_206, %slice3A_207 : vector<5x128xi32>
      %slice3A_209 = vector.extract_strided_slice %or3A_208 {offsets = [0, 0], sizes = [1, 128], strides = [1, 1]} : vector<5x128xi32> to vector<1x128xi32>
      %slice3A_210 = vector.extract_strided_slice %or3A_208 {offsets = [1, 0], sizes = [1, 128], strides = [1, 1]} : vector<5x128xi32> to vector<1x128xi32>
      %or3A_211 = arith.ori %slice3A_209, %slice3A_210 : vector<1x128xi32>
      %slice3A_212 = vector.extract_strided_slice %or3A_208 {offsets = [2, 0], sizes = [1, 128], strides = [1, 1]} : vector<5x128xi32> to vector<1x128xi32>
      %or3A_213 = arith.ori %or3A_211, %slice3A_212 : vector<1x128xi32>
      %slice3A_214 = vector.extract_strided_slice %or3A_208 {offsets = [3, 0], sizes = [1, 128], strides = [1, 1]} : vector<5x128xi32> to vector<1x128xi32>
      %or3A_215 = arith.ori %or3A_213, %slice3A_214 : vector<1x128xi32>
      %slice3A_216 = vector.extract_strided_slice %or3A_208 {offsets = [4, 0], sizes = [1, 128], strides = [1, 1]} : vector<5x128xi32> to vector<1x128xi32>
      %or3A_217 = arith.ori %or3A_215, %slice3A_216 : vector<1x128xi32>
      %roll3A_218 = arith.constant 1 : i32
      %roll3A_219 = tpu.dynamic_rotate %or3A_217 by %roll3A_218 dim 1 : vector<1x128xi32>, i32 -> vector<1x128xi32>
      %or3A_220 = arith.ori %or3A_217, %roll3A_219 : vector<1x128xi32>
      %roll3A_221 = arith.constant 2 : i32
      %roll3A_222 = tpu.dynamic_rotate %or3A_220 by %roll3A_221 dim 1 : vector<1x128xi32>, i32 -> vector<1x128xi32>
      %or3A_223 = arith.ori %or3A_220, %roll3A_222 : vector<1x128xi32>
      %roll3A_224 = arith.constant 4 : i32
      %roll3A_225 = tpu.dynamic_rotate %or3A_223 by %roll3A_224 dim 1 : vector<1x128xi32>, i32 -> vector<1x128xi32>
      %or3A_226 = arith.ori %or3A_223, %roll3A_225 : vector<1x128xi32>
      %roll3A_227 = arith.constant 8 : i32
      %roll3A_228 = tpu.dynamic_rotate %or3A_226 by %roll3A_227 dim 1 : vector<1x128xi32>, i32 -> vector<1x128xi32>
      %or3A_229 = arith.ori %or3A_226, %roll3A_228 : vector<1x128xi32>
      %roll3A_230 = arith.constant 16 : i32
      %roll3A_231 = tpu.dynamic_rotate %or3A_229 by %roll3A_230 dim 1 : vector<1x128xi32>, i32 -> vector<1x128xi32>
      %or3A_232 = arith.ori %or3A_229, %roll3A_231 : vector<1x128xi32>
      %roll3A_233 = arith.constant 32 : i32
      %roll3A_234 = tpu.dynamic_rotate %or3A_232 by %roll3A_233 dim 1 : vector<1x128xi32>, i32 -> vector<1x128xi32>
      %or3A_235 = arith.ori %or3A_232, %roll3A_234 : vector<1x128xi32>
      %roll3A_236 = arith.constant 64 : i32
      %roll3A_237 = tpu.dynamic_rotate %or3A_235 by %roll3A_236 dim 1 : vector<1x128xi32>, i32 -> vector<1x128xi32>
      %or3A_238 = arith.ori %or3A_235, %roll3A_237 : vector<1x128xi32>
      %lt3A_239 = arith.constant 32 : i32
      %lt3A_240 = vector.broadcast %lt3A_239 : i32 to vector<1x128xi32>
      %lt3A_241 = arith.cmpi slt, %iota3A, %lt3A_240 : vector<1x128xi32>
      %lt3A_242 = arith.constant 64 : i32
      %lt3A_243 = vector.broadcast %lt3A_242 : i32 to vector<1x128xi32>
      %lt3A_244 = arith.cmpi slt, %iota3A, %lt3A_243 : vector<1x128xi32>
      %lt3A_245 = arith.constant 96 : i32
      %lt3A_246 = vector.broadcast %lt3A_245 : i32 to vector<1x128xi32>
      %lt3A_247 = arith.cmpi slt, %iota3A, %lt3A_246 : vector<1x128xi32>
      %select_n3A_248 = arith.select %lt3A_247, %or3A_187, %or3A_238 : vector<1x128xi1>, vector<1x128xi32>
      %select_n3A_249 = arith.select %lt3A_244, %or3A_136, %select_n3A_248 : vector<1x128xi1>, vector<1x128xi32>
      %select_n3A_250 = arith.select %lt3A_241, %or3A_85, %select_n3A_249 : vector<1x128xi1>, vector<1x128xi32>
      %and3A_251 = arith.constant 31 : i32
      %and3A_252 = vector.broadcast %and3A_251 : i32 to vector<1x128xi32>
      %and3A_253 = arith.andi %iota3A, %and3A_252 : vector<1x128xi32>
      %shift_right_arithmetic3A_254 = arith.shrsi %select_n3A_250, %and3A_253 : vector<1x128xi32>
      %and3A_255 = arith.constant 1 : i32
      %and3A_256 = vector.broadcast %and3A_255 : i32 to vector<1x128xi32>
      %and3A_257 = arith.andi %shift_right_arithmetic3A_254, %and3A_256 : vector<1x128xi32>
      %convert_element_type3A_258 = arith.sitofp %and3A_257 : vector<1x128xi32> to vector<1x128xf32>
      %swap3A_259 = arith.constant 0 : index
      %swap3A_260 = arith.constant 0 : index
      %swap3A_261 = vector.load %arg4[%swap3A_259, %swap3A_260] : memref<8x128xf32, #tpu.memory_space<vmem>>, vector<1x128xf32>
      tpu.vector_store %arg4[%swap3A_259, %swap3A_260], %convert_element_type3A_258 {strides = array<i32>} : memref<8x128xf32, #tpu.memory_space<vmem>>, vector<1x128xf32>,
      %get3A_262 = arith.constant 160 : index
      %get3A_263 = arith.constant 0 : index
      %get3A_264 = vector.load %arg1[%get3A_262, %get3A_263] : memref<320x128xf32, #tpu.memory_space<vmem>>, vector<160x128xf32>
      %convert_element_type3A_265 = arith.fptosi %get3A_264 : vector<160x128xf32> to vector<160x128xi32>
      %add3A_266 = arith.constant 1 : i32
      %add3A_267 = vector.broadcast %add3A_266 : i32 to vector<160x128xi32>
      %add3A_268 = arith.addi %convert_element_type3A_265, %add3A_267 : vector<160x128xi32>
      %lt3A_269 = arith.constant 0 : i32
      %lt3A_270 = vector.broadcast %lt3A_269 : i32 to vector<160x128xi32>
      %lt3A_271 = arith.cmpi slt, %add3A_268, %lt3A_270 : vector<160x128xi32>
      %add3A_272 = arith.constant 101 : i32
      %add3A_273 = vector.broadcast %add3A_272 : i32 to vector<160x128xi32>
      %add3A_274 = arith.addi %add3A_268, %add3A_273 : vector<160x128xi32>
      %select_n3A_275 = arith.select %lt3A_271, %add3A_274, %add3A_268 : vector<160x128xi1>, vector<160x128xi32>
      %jit3A_276 = arith.constant 0 : i32
      %jit3A_277 = arith.constant 127 : i32
      %max3A_278 = vector.broadcast %jit3A_276 : i32 to vector<160x128xi32>
      %max3A_279 = arith.maxsi %max3A_278, %select_n3A_275 : vector<160x128xi32>
      %min3A_280 = vector.broadcast %jit3A_277 : i32 to vector<160x128xi32>
      %min3A_281 = arith.minsi %min3A_280, %max3A_279 : vector<160x128xi32>
      %and3A_282 = arith.constant 31 : i32
      %and3A_283 = vector.broadcast %and3A_282 : i32 to vector<160x128xi32>
      %and3A_284 = arith.andi %min3A_281, %and3A_283 : vector<160x128xi32>
      %shift_left3A_285 = arith.constant 1 : i32
      %shift_left3A_286 = vector.broadcast %shift_left3A_285 : i32 to vector<160x128xi32>
      %shift_left3A_287 = arith.shli %shift_left3A_286, %and3A_284 : vector<160x128xi32>
      %shift_right_arithmetic3A_288 = arith.constant 5 : i32
      %shift_right_arithmetic3A_289 = vector.broadcast %shift_right_arithmetic3A_288 : i32 to vector<160x128xi32>
      %shift_right_arithmetic3A_290 = arith.shrsi %min3A_281, %shift_right_arithmetic3A_289 : vector<160x128xi32>
      %eq3A_291 = arith.constant 0 : i32
      %eq3A_292 = vector.broadcast %eq3A_291 : i32 to vector<160x128xi32>
      %eq3A_293 = arith.cmpi eq, %shift_right_arithmetic3A_290, %eq3A_292 : vector<160x128xi32>
      %jit3A_294 = arith.constant 0 : i32
      %broadcast_in_dim3A_295 = vector.broadcast %jit3A_294 : i32 to vector<160x128xi32>
      %select_n3A_296 = arith.select %eq3A_293, %shift_left3A_287, %broadcast_in_dim3A_295 : vector<160x128xi1>, vector<160x128xi32>
      %slice3A_297 = vector.extract_strided_slice %select_n3A_296 {offsets = [0, 0], sizes = [80, 128], strides = [1, 1]} : vector<160x128xi32> to vector<80x128xi32>
      %slice3A_298 = vector.extract_strided_slice %select_n3A_296 {offsets = [80, 0], sizes = [80, 128], strides = [1, 1]} : vector<160x128xi32> to vector<80x128xi32>
      %or3A_299 = arith.ori %slice3A_297, %slice3A_298 : vector<80x128xi32>
      %slice3A_300 = vector.extract_strided_slice %or3A_299 {offsets = [0, 0], sizes = [40, 128], strides = [1, 1]} : vector<80x128xi32> to vector<40x128xi32>
      %slice3A_301 = vector.extract_strided_slice %or3A_299 {offsets = [40, 0], sizes = [40, 128], strides = [1, 1]} : vector<80x128xi32> to vector<40x128xi32>
      %or3A_302 = arith.ori %slice3A_300, %slice3A_301 : vector<40x128xi32>
      %slice3A_303 = vector.extract_strided_slice %or3A_302 {offsets = [0, 0], sizes = [20, 128], strides = [1, 1]} : vector<40x128xi32> to vector<20x128xi32>
      %slice3A_304 = vector.extract_strided_slice %or3A_302 {offsets = [20, 0], sizes = [20, 128], strides = [1, 1]} : vector<40x128xi32> to vector<20x128xi32>
      %or3A_305 = arith.ori %slice3A_303, %slice3A_304 : vector<20x128xi32>
      %slice3A_306 = vector.extract_strided_slice %or3A_305 {offsets = [0, 0], sizes = [10, 128], strides = [1, 1]} : vector<20x128xi32> to vector<10x128xi32>
      %slice3A_307 = vector.extract_strided_slice %or3A_305 {offsets = [10, 0], sizes = [10, 128], strides = [1, 1]} : vector<20x128xi32> to vector<10x128xi32>
      %or3A_308 = arith.ori %slice3A_306, %slice3A_307 : vector<10x128xi32>
      %slice3A_309 = vector.extract_strided_slice %or3A_308 {offsets = [0, 0], sizes = [5, 128], strides = [1, 1]} : vector<10x128xi32> to vector<5x128xi32>
      %slice3A_310 = vector.extract_strided_slice %or3A_308 {offsets = [5, 0], sizes = [5, 128], strides = [1, 1]} : vector<10x128xi32> to vector<5x128xi32>
      %or3A_311 = arith.ori %slice3A_309, %slice3A_310 : vector<5x128xi32>
      %slice3A_312 = vector.extract_strided_slice %or3A_311 {offsets = [0, 0], sizes = [1, 128], strides = [1, 1]} : vector<5x128xi32> to vector<1x128xi32>
      %slice3A_313 = vector.extract_strided_slice %or3A_311 {offsets = [1, 0], sizes = [1, 128], strides = [1, 1]} : vector<5x128xi32> to vector<1x128xi32>
      %or3A_314 = arith.ori %slice3A_312, %slice3A_313 : vector<1x128xi32>
      %slice3A_315 = vector.extract_strided_slice %or3A_311 {offsets = [2, 0], sizes = [1, 128], strides = [1, 1]} : vector<5x128xi32> to vector<1x128xi32>
      %or3A_316 = arith.ori %or3A_314, %slice3A_315 : vector<1x128xi32>
      %slice3A_317 = vector.extract_strided_slice %or3A_311 {offsets = [3, 0], sizes = [1, 128], strides = [1, 1]} : vector<5x128xi32> to vector<1x128xi32>
      %or3A_318 = arith.ori %or3A_316, %slice3A_317 : vector<1x128xi32>
      %slice3A_319 = vector.extract_strided_slice %or3A_311 {offsets = [4, 0], sizes = [1, 128], strides = [1, 1]} : vector<5x128xi32> to vector<1x128xi32>
      %or3A_320 = arith.ori %or3A_318, %slice3A_319 : vector<1x128xi32>
      %roll3A_321 = arith.constant 1 : i32
      %roll3A_322 = tpu.dynamic_rotate %or3A_320 by %roll3A_321 dim 1 : vector<1x128xi32>, i32 -> vector<1x128xi32>
      %or3A_323 = arith.ori %or3A_320, %roll3A_322 : vector<1x128xi32>
      %roll3A_324 = arith.constant 2 : i32
      %roll3A_325 = tpu.dynamic_rotate %or3A_323 by %roll3A_324 dim 1 : vector<1x128xi32>, i32 -> vector<1x128xi32>
      %or3A_326 = arith.ori %or3A_323, %roll3A_325 : vector<1x128xi32>
      %roll3A_327 = arith.constant 4 : i32
      %roll3A_328 = tpu.dynamic_rotate %or3A_326 by %roll3A_327 dim 1 : vector<1x128xi32>, i32 -> vector<1x128xi32>
      %or3A_329 = arith.ori %or3A_326, %roll3A_328 : vector<1x128xi32>
      %roll3A_330 = arith.constant 8 : i32
      %roll3A_331 = tpu.dynamic_rotate %or3A_329 by %roll3A_330 dim 1 : vector<1x128xi32>, i32 -> vector<1x128xi32>
      %or3A_332 = arith.ori %or3A_329, %roll3A_331 : vector<1x128xi32>
      %roll3A_333 = arith.constant 16 : i32
      %roll3A_334 = tpu.dynamic_rotate %or3A_332 by %roll3A_333 dim 1 : vector<1x128xi32>, i32 -> vector<1x128xi32>
      %or3A_335 = arith.ori %or3A_332, %roll3A_334 : vector<1x128xi32>
      %roll3A_336 = arith.constant 32 : i32
      %roll3A_337 = tpu.dynamic_rotate %or3A_335 by %roll3A_336 dim 1 : vector<1x128xi32>, i32 -> vector<1x128xi32>
      %or3A_338 = arith.ori %or3A_335, %roll3A_337 : vector<1x128xi32>
      %roll3A_339 = arith.constant 64 : i32
      %roll3A_340 = tpu.dynamic_rotate %or3A_338 by %roll3A_339 dim 1 : vector<1x128xi32>, i32 -> vector<1x128xi32>
      %or3A_341 = arith.ori %or3A_338, %roll3A_340 : vector<1x128xi32>
      %eq3A_342 = arith.constant 1 : i32
      %eq3A_343 = vector.broadcast %eq3A_342 : i32 to vector<160x128xi32>
      %eq3A_344 = arith.cmpi eq, %shift_right_arithmetic3A_290, %eq3A_343 : vector<160x128xi32>
      %jit3A_345 = arith.constant 0 : i32
      %broadcast_in_dim3A_346 = vector.broadcast %jit3A_345 : i32 to vector<160x128xi32>
      %select_n3A_347 = arith.select %eq3A_344, %shift_left3A_287, %broadcast_in_dim3A_346 : vector<160x128xi1>, vector<160x128xi32>
      %slice3A_348 = vector.extract_strided_slice %select_n3A_347 {offsets = [0, 0], sizes = [80, 128], strides = [1, 1]} : vector<160x128xi32> to vector<80x128xi32>
      %slice3A_349 = vector.extract_strided_slice %select_n3A_347 {offsets = [80, 0], sizes = [80, 128], strides = [1, 1]} : vector<160x128xi32> to vector<80x128xi32>
      %or3A_350 = arith.ori %slice3A_348, %slice3A_349 : vector<80x128xi32>
      %slice3A_351 = vector.extract_strided_slice %or3A_350 {offsets = [0, 0], sizes = [40, 128], strides = [1, 1]} : vector<80x128xi32> to vector<40x128xi32>
      %slice3A_352 = vector.extract_strided_slice %or3A_350 {offsets = [40, 0], sizes = [40, 128], strides = [1, 1]} : vector<80x128xi32> to vector<40x128xi32>
      %or3A_353 = arith.ori %slice3A_351, %slice3A_352 : vector<40x128xi32>
      %slice3A_354 = vector.extract_strided_slice %or3A_353 {offsets = [0, 0], sizes = [20, 128], strides = [1, 1]} : vector<40x128xi32> to vector<20x128xi32>
      %slice3A_355 = vector.extract_strided_slice %or3A_353 {offsets = [20, 0], sizes = [20, 128], strides = [1, 1]} : vector<40x128xi32> to vector<20x128xi32>
      %or3A_356 = arith.ori %slice3A_354, %slice3A_355 : vector<20x128xi32>
      %slice3A_357 = vector.extract_strided_slice %or3A_356 {offsets = [0, 0], sizes = [10, 128], strides = [1, 1]} : vector<20x128xi32> to vector<10x128xi32>
      %slice3A_358 = vector.extract_strided_slice %or3A_356 {offsets = [10, 0], sizes = [10, 128], strides = [1, 1]} : vector<20x128xi32> to vector<10x128xi32>
      %or3A_359 = arith.ori %slice3A_357, %slice3A_358 : vector<10x128xi32>
      %slice3A_360 = vector.extract_strided_slice %or3A_359 {offsets = [0, 0], sizes = [5, 128], strides = [1, 1]} : vector<10x128xi32> to vector<5x128xi32>
      %slice3A_361 = vector.extract_strided_slice %or3A_359 {offsets = [5, 0], sizes = [5, 128], strides = [1, 1]} : vector<10x128xi32> to vector<5x128xi32>
      %or3A_362 = arith.ori %slice3A_360, %slice3A_361 : vector<5x128xi32>
      %slice3A_363 = vector.extract_strided_slice %or3A_362 {offsets = [0, 0], sizes = [1, 128], strides = [1, 1]} : vector<5x128xi32> to vector<1x128xi32>
      %slice3A_364 = vector.extract_strided_slice %or3A_362 {offsets = [1, 0], sizes = [1, 128], strides = [1, 1]} : vector<5x128xi32> to vector<1x128xi32>
      %or3A_365 = arith.ori %slice3A_363, %slice3A_364 : vector<1x128xi32>
      %slice3A_366 = vector.extract_strided_slice %or3A_362 {offsets = [2, 0], sizes = [1, 128], strides = [1, 1]} : vector<5x128xi32> to vector<1x128xi32>
      %or3A_367 = arith.ori %or3A_365, %slice3A_366 : vector<1x128xi32>
      %slice3A_368 = vector.extract_strided_slice %or3A_362 {offsets = [3, 0], sizes = [1, 128], strides = [1, 1]} : vector<5x128xi32> to vector<1x128xi32>
      %or3A_369 = arith.ori %or3A_367, %slice3A_368 : vector<1x128xi32>
      %slice3A_370 = vector.extract_strided_slice %or3A_362 {offsets = [4, 0], sizes = [1, 128], strides = [1, 1]} : vector<5x128xi32> to vector<1x128xi32>
      %or3A_371 = arith.ori %or3A_369, %slice3A_370 : vector<1x128xi32>
      %roll3A_372 = arith.constant 1 : i32
      %roll3A_373 = tpu.dynamic_rotate %or3A_371 by %roll3A_372 dim 1 : vector<1x128xi32>, i32 -> vector<1x128xi32>
      %or3A_374 = arith.ori %or3A_371, %roll3A_373 : vector<1x128xi32>
      %roll3A_375 = arith.constant 2 : i32
      %roll3A_376 = tpu.dynamic_rotate %or3A_374 by %roll3A_375 dim 1 : vector<1x128xi32>, i32 -> vector<1x128xi32>
      %or3A_377 = arith.ori %or3A_374, %roll3A_376 : vector<1x128xi32>
      %roll3A_378 = arith.constant 4 : i32
      %roll3A_379 = tpu.dynamic_rotate %or3A_377 by %roll3A_378 dim 1 : vector<1x128xi32>, i32 -> vector<1x128xi32>
      %or3A_380 = arith.ori %or3A_377, %roll3A_379 : vector<1x128xi32>
      %roll3A_381 = arith.constant 8 : i32
      %roll3A_382 = tpu.dynamic_rotate %or3A_380 by %roll3A_381 dim 1 : vector<1x128xi32>, i32 -> vector<1x128xi32>
      %or3A_383 = arith.ori %or3A_380, %roll3A_382 : vector<1x128xi32>
      %roll3A_384 = arith.constant 16 : i32
      %roll3A_385 = tpu.dynamic_rotate %or3A_383 by %roll3A_384 dim 1 : vector<1x128xi32>, i32 -> vector<1x128xi32>
      %or3A_386 = arith.ori %or3A_383, %roll3A_385 : vector<1x128xi32>
      %roll3A_387 = arith.constant 32 : i32
      %roll3A_388 = tpu.dynamic_rotate %or3A_386 by %roll3A_387 dim 1 : vector<1x128xi32>, i32 -> vector<1x128xi32>
      %or3A_389 = arith.ori %or3A_386, %roll3A_388 : vector<1x128xi32>
      %roll3A_390 = arith.constant 64 : i32
      %roll3A_391 = tpu.dynamic_rotate %or3A_389 by %roll3A_390 dim 1 : vector<1x128xi32>, i32 -> vector<1x128xi32>
      %or3A_392 = arith.ori %or3A_389, %roll3A_391 : vector<1x128xi32>
      %eq3A_393 = arith.constant 2 : i32
      %eq3A_394 = vector.broadcast %eq3A_393 : i32 to vector<160x128xi32>
      %eq3A_395 = arith.cmpi eq, %shift_right_arithmetic3A_290, %eq3A_394 : vector<160x128xi32>
      %jit3A_396 = arith.constant 0 : i32
      %broadcast_in_dim3A_397 = vector.broadcast %jit3A_396 : i32 to vector<160x128xi32>
      %select_n3A_398 = arith.select %eq3A_395, %shift_left3A_287, %broadcast_in_dim3A_397 : vector<160x128xi1>, vector<160x128xi32>
      %slice3A_399 = vector.extract_strided_slice %select_n3A_398 {offsets = [0, 0], sizes = [80, 128], strides = [1, 1]} : vector<160x128xi32> to vector<80x128xi32>
      %slice3A_400 = vector.extract_strided_slice %select_n3A_398 {offsets = [80, 0], sizes = [80, 128], strides = [1, 1]} : vector<160x128xi32> to vector<80x128xi32>
      %or3A_401 = arith.ori %slice3A_399, %slice3A_400 : vector<80x128xi32>
      %slice3A_402 = vector.extract_strided_slice %or3A_401 {offsets = [0, 0], sizes = [40, 128], strides = [1, 1]} : vector<80x128xi32> to vector<40x128xi32>
      %slice3A_403 = vector.extract_strided_slice %or3A_401 {offsets = [40, 0], sizes = [40, 128], strides = [1, 1]} : vector<80x128xi32> to vector<40x128xi32>
      %or3A_404 = arith.ori %slice3A_402, %slice3A_403 : vector<40x128xi32>
      %slice3A_405 = vector.extract_strided_slice %or3A_404 {offsets = [0, 0], sizes = [20, 128], strides = [1, 1]} : vector<40x128xi32> to vector<20x128xi32>
      %slice3A_406 = vector.extract_strided_slice %or3A_404 {offsets = [20, 0], sizes = [20, 128], strides = [1, 1]} : vector<40x128xi32> to vector<20x128xi32>
      %or3A_407 = arith.ori %slice3A_405, %slice3A_406 : vector<20x128xi32>
      %slice3A_408 = vector.extract_strided_slice %or3A_407 {offsets = [0, 0], sizes = [10, 128], strides = [1, 1]} : vector<20x128xi32> to vector<10x128xi32>
      %slice3A_409 = vector.extract_strided_slice %or3A_407 {offsets = [10, 0], sizes = [10, 128], strides = [1, 1]} : vector<20x128xi32> to vector<10x128xi32>
      %or3A_410 = arith.ori %slice3A_408, %slice3A_409 : vector<10x128xi32>
      %slice3A_411 = vector.extract_strided_slice %or3A_410 {offsets = [0, 0], sizes = [5, 128], strides = [1, 1]} : vector<10x128xi32> to vector<5x128xi32>
      %slice3A_412 = vector.extract_strided_slice %or3A_410 {offsets = [5, 0], sizes = [5, 128], strides = [1, 1]} : vector<10x128xi32> to vector<5x128xi32>
      %or3A_413 = arith.ori %slice3A_411, %slice3A_412 : vector<5x128xi32>
      %slice3A_414 = vector.extract_strided_slice %or3A_413 {offsets = [0, 0], sizes = [1, 128], strides = [1, 1]} : vector<5x128xi32> to vector<1x128xi32>
      %slice3A_415 = vector.extract_strided_slice %or3A_413 {offsets = [1, 0], sizes = [1, 128], strides = [1, 1]} : vector<5x128xi32> to vector<1x128xi32>
      %or3A_416 = arith.ori %slice3A_414, %slice3A_415 : vector<1x128xi32>
      %slice3A_417 = vector.extract_strided_slice %or3A_413 {offsets = [2, 0], sizes = [1, 128], strides = [1, 1]} : vector<5x128xi32> to vector<1x128xi32>
      %or3A_418 = arith.ori %or3A_416, %slice3A_417 : vector<1x128xi32>
      %slice3A_419 = vector.extract_strided_slice %or3A_413 {offsets = [3, 0], sizes = [1, 128], strides = [1, 1]} : vector<5x128xi32> to vector<1x128xi32>
      %or3A_420 = arith.ori %or3A_418, %slice3A_419 : vector<1x128xi32>
      %slice3A_421 = vector.extract_strided_slice %or3A_413 {offsets = [4, 0], sizes = [1, 128], strides = [1, 1]} : vector<5x128xi32> to vector<1x128xi32>
      %or3A_422 = arith.ori %or3A_420, %slice3A_421 : vector<1x128xi32>
      %roll3A_423 = arith.constant 1 : i32
      %roll3A_424 = tpu.dynamic_rotate %or3A_422 by %roll3A_423 dim 1 : vector<1x128xi32>, i32 -> vector<1x128xi32>
      %or3A_425 = arith.ori %or3A_422, %roll3A_424 : vector<1x128xi32>
      %roll3A_426 = arith.constant 2 : i32
      %roll3A_427 = tpu.dynamic_rotate %or3A_425 by %roll3A_426 dim 1 : vector<1x128xi32>, i32 -> vector<1x128xi32>
      %or3A_428 = arith.ori %or3A_425, %roll3A_427 : vector<1x128xi32>
      %roll3A_429 = arith.constant 4 : i32
      %roll3A_430 = tpu.dynamic_rotate %or3A_428 by %roll3A_429 dim 1 : vector<1x128xi32>, i32 -> vector<1x128xi32>
      %or3A_431 = arith.ori %or3A_428, %roll3A_430 : vector<1x128xi32>
      %roll3A_432 = arith.constant 8 : i32
      %roll3A_433 = tpu.dynamic_rotate %or3A_431 by %roll3A_432 dim 1 : vector<1x128xi32>, i32 -> vector<1x128xi32>
      %or3A_434 = arith.ori %or3A_431, %roll3A_433 : vector<1x128xi32>
      %roll3A_435 = arith.constant 16 : i32
      %roll3A_436 = tpu.dynamic_rotate %or3A_434 by %roll3A_435 dim 1 : vector<1x128xi32>, i32 -> vector<1x128xi32>
      %or3A_437 = arith.ori %or3A_434, %roll3A_436 : vector<1x128xi32>
      %roll3A_438 = arith.constant 32 : i32
      %roll3A_439 = tpu.dynamic_rotate %or3A_437 by %roll3A_438 dim 1 : vector<1x128xi32>, i32 -> vector<1x128xi32>
      %or3A_440 = arith.ori %or3A_437, %roll3A_439 : vector<1x128xi32>
      %roll3A_441 = arith.constant 64 : i32
      %roll3A_442 = tpu.dynamic_rotate %or3A_440 by %roll3A_441 dim 1 : vector<1x128xi32>, i32 -> vector<1x128xi32>
      %or3A_443 = arith.ori %or3A_440, %roll3A_442 : vector<1x128xi32>
      %eq3A_444 = arith.constant 3 : i32
      %eq3A_445 = vector.broadcast %eq3A_444 : i32 to vector<160x128xi32>
      %eq3A_446 = arith.cmpi eq, %shift_right_arithmetic3A_290, %eq3A_445 : vector<160x128xi32>
      %jit3A_447 = arith.constant 0 : i32
      %broadcast_in_dim3A_448 = vector.broadcast %jit3A_447 : i32 to vector<160x128xi32>
      %select_n3A_449 = arith.select %eq3A_446, %shift_left3A_287, %broadcast_in_dim3A_448 : vector<160x128xi1>, vector<160x128xi32>
      %slice3A_450 = vector.extract_strided_slice %select_n3A_449 {offsets = [0, 0], sizes = [80, 128], strides = [1, 1]} : vector<160x128xi32> to vector<80x128xi32>
      %slice3A_451 = vector.extract_strided_slice %select_n3A_449 {offsets = [80, 0], sizes = [80, 128], strides = [1, 1]} : vector<160x128xi32> to vector<80x128xi32>
      %or3A_452 = arith.ori %slice3A_450, %slice3A_451 : vector<80x128xi32>
      %slice3A_453 = vector.extract_strided_slice %or3A_452 {offsets = [0, 0], sizes = [40, 128], strides = [1, 1]} : vector<80x128xi32> to vector<40x128xi32>
      %slice3A_454 = vector.extract_strided_slice %or3A_452 {offsets = [40, 0], sizes = [40, 128], strides = [1, 1]} : vector<80x128xi32> to vector<40x128xi32>
      %or3A_455 = arith.ori %slice3A_453, %slice3A_454 : vector<40x128xi32>
      %slice3A_456 = vector.extract_strided_slice %or3A_455 {offsets = [0, 0], sizes = [20, 128], strides = [1, 1]} : vector<40x128xi32> to vector<20x128xi32>
      %slice3A_457 = vector.extract_strided_slice %or3A_455 {offsets = [20, 0], sizes = [20, 128], strides = [1, 1]} : vector<40x128xi32> to vector<20x128xi32>
      %or3A_458 = arith.ori %slice3A_456, %slice3A_457 : vector<20x128xi32>
      %slice3A_459 = vector.extract_strided_slice %or3A_458 {offsets = [0, 0], sizes = [10, 128], strides = [1, 1]} : vector<20x128xi32> to vector<10x128xi32>
      %slice3A_460 = vector.extract_strided_slice %or3A_458 {offsets = [10, 0], sizes = [10, 128], strides = [1, 1]} : vector<20x128xi32> to vector<10x128xi32>
      %or3A_461 = arith.ori %slice3A_459, %slice3A_460 : vector<10x128xi32>
      %slice3A_462 = vector.extract_strided_slice %or3A_461 {offsets = [0, 0], sizes = [5, 128], strides = [1, 1]} : vector<10x128xi32> to vector<5x128xi32>
      %slice3A_463 = vector.extract_strided_slice %or3A_461 {offsets = [5, 0], sizes = [5, 128], strides = [1, 1]} : vector<10x128xi32> to vector<5x128xi32>
      %or3A_464 = arith.ori %slice3A_462, %slice3A_463 : vector<5x128xi32>
      %slice3A_465 = vector.extract_strided_slice %or3A_464 {offsets = [0, 0], sizes = [1, 128], strides = [1, 1]} : vector<5x128xi32> to vector<1x128xi32>
      %slice3A_466 = vector.extract_strided_slice %or3A_464 {offsets = [1, 0], sizes = [1, 128], strides = [1, 1]} : vector<5x128xi32> to vector<1x128xi32>
      %or3A_467 = arith.ori %slice3A_465, %slice3A_466 : vector<1x128xi32>
      %slice3A_468 = vector.extract_strided_slice %or3A_464 {offsets = [2, 0], sizes = [1, 128], strides = [1, 1]} : vector<5x128xi32> to vector<1x128xi32>
      %or3A_469 = arith.ori %or3A_467, %slice3A_468 : vector<1x128xi32>
      %slice3A_470 = vector.extract_strided_slice %or3A_464 {offsets = [3, 0], sizes = [1, 128], strides = [1, 1]} : vector<5x128xi32> to vector<1x128xi32>
      %or3A_471 = arith.ori %or3A_469, %slice3A_470 : vector<1x128xi32>
      %slice3A_472 = vector.extract_strided_slice %or3A_464 {offsets = [4, 0], sizes = [1, 128], strides = [1, 1]} : vector<5x128xi32> to vector<1x128xi32>
      %or3A_473 = arith.ori %or3A_471, %slice3A_472 : vector<1x128xi32>
      %roll3A_474 = arith.constant 1 : i32
      %roll3A_475 = tpu.dynamic_rotate %or3A_473 by %roll3A_474 dim 1 : vector<1x128xi32>, i32 -> vector<1x128xi32>
      %or3A_476 = arith.ori %or3A_473, %roll3A_475 : vector<1x128xi32>
      %roll3A_477 = arith.constant 2 : i32
      %roll3A_478 = tpu.dynamic_rotate %or3A_476 by %roll3A_477 dim 1 : vector<1x128xi32>, i32 -> vector<1x128xi32>
      %or3A_479 = arith.ori %or3A_476, %roll3A_478 : vector<1x128xi32>
      %roll3A_480 = arith.constant 4 : i32
      %roll3A_481 = tpu.dynamic_rotate %or3A_479 by %roll3A_480 dim 1 : vector<1x128xi32>, i32 -> vector<1x128xi32>
      %or3A_482 = arith.ori %or3A_479, %roll3A_481 : vector<1x128xi32>
      %roll3A_483 = arith.constant 8 : i32
      %roll3A_484 = tpu.dynamic_rotate %or3A_482 by %roll3A_483 dim 1 : vector<1x128xi32>, i32 -> vector<1x128xi32>
      %or3A_485 = arith.ori %or3A_482, %roll3A_484 : vector<1x128xi32>
      %roll3A_486 = arith.constant 16 : i32
      %roll3A_487 = tpu.dynamic_rotate %or3A_485 by %roll3A_486 dim 1 : vector<1x128xi32>, i32 -> vector<1x128xi32>
      %or3A_488 = arith.ori %or3A_485, %roll3A_487 : vector<1x128xi32>
      %roll3A_489 = arith.constant 32 : i32
      %roll3A_490 = tpu.dynamic_rotate %or3A_488 by %roll3A_489 dim 1 : vector<1x128xi32>, i32 -> vector<1x128xi32>
      %or3A_491 = arith.ori %or3A_488, %roll3A_490 : vector<1x128xi32>
      %roll3A_492 = arith.constant 64 : i32
      %roll3A_493 = tpu.dynamic_rotate %or3A_491 by %roll3A_492 dim 1 : vector<1x128xi32>, i32 -> vector<1x128xi32>
      %or3A_494 = arith.ori %or3A_491, %roll3A_493 : vector<1x128xi32>
      %lt3A_495 = arith.constant 32 : i32
      %lt3A_496 = vector.broadcast %lt3A_495 : i32 to vector<1x128xi32>
      %lt3A_497 = arith.cmpi slt, %iota3A, %lt3A_496 : vector<1x128xi32>
      %lt3A_498 = arith.constant 64 : i32
      %lt3A_499 = vector.broadcast %lt3A_498 : i32 to vector<1x128xi32>
      %lt3A_500 = arith.cmpi slt, %iota3A, %lt3A_499 : vector<1x128xi32>
      %lt3A_501 = arith.constant 96 : i32
      %lt3A_502 = vector.broadcast %lt3A_501 : i32 to vector<1x128xi32>
      %lt3A_503 = arith.cmpi slt, %iota3A, %lt3A_502 : vector<1x128xi32>
      %select_n3A_504 = arith.select %lt3A_503, %or3A_443, %or3A_494 : vector<1x128xi1>, vector<1x128xi32>
      %select_n3A_505 = arith.select %lt3A_500, %or3A_392, %select_n3A_504 : vector<1x128xi1>, vector<1x128xi32>
      %select_n3A_506 = arith.select %lt3A_497, %or3A_341, %select_n3A_505 : vector<1x128xi1>, vector<1x128xi32>
      %and3A_507 = arith.constant 31 : i32
      %and3A_508 = vector.broadcast %and3A_507 : i32 to vector<1x128xi32>
      %and3A_509 = arith.andi %iota3A, %and3A_508 : vector<1x128xi32>
      %shift_right_arithmetic3A_510 = arith.shrsi %select_n3A_506, %and3A_509 : vector<1x128xi32>
      %and3A_511 = arith.constant 1 : i32
      %and3A_512 = vector.broadcast %and3A_511 : i32 to vector<1x128xi32>
      %and3A_513 = arith.andi %shift_right_arithmetic3A_510, %and3A_512 : vector<1x128xi32>
      %convert_element_type3A_514 = arith.sitofp %and3A_513 : vector<1x128xi32> to vector<1x128xf32>
      %swap3A_515 = arith.constant 1 : index
      %swap3A_516 = arith.constant 0 : index
      %swap3A_517 = vector.load %arg4[%swap3A_515, %swap3A_516] : memref<8x128xf32, #tpu.memory_space<vmem>>, vector<1x128xf32>
      tpu.vector_store %arg4[%swap3A_515, %swap3A_516], %convert_element_type3A_514 {strides = array<i32>} : memref<8x128xf32, #tpu.memory_space<vmem>>, vector<1x128xf32>,
    } else {
    }
    %get3A = arith.constant 0 : index
    %get3A_2 = arith.constant 0 : index
    %get3A_3 = vector.load %arg4[%get3A, %get3A_2] : memref<8x128xf32, #tpu.memory_space<vmem>>, vector<1x101xf32>
    %reshape3A = vector.shape_cast %get3A_3 : vector<1x101xf32> to vector<1x1x101xf32>
    %broadcast_in_dim3A = vector.shape_cast %reshape3A : vector<1x1x101xf32> to vector<1x1x101xf32>
    %broadcast_in_dim3A_4 = vector.broadcast %broadcast_in_dim3A : vector<1x1x101xf32> to vector<256x20x101xf32>
    %swap3A = arith.constant 0 : index
    %swap3A_5 = arith.constant 0 : index
    %swap3A_6 = arith.constant 0 : index
    %swap3A_7 = vector.load %arg2[%swap3A, %swap3A_5, %swap3A_6] : memref<256x20x101xf32, #tpu.memory_space<vmem>>, vector<256x20x101xf32>
    tpu.vector_store %arg2[%swap3A, %swap3A_5, %swap3A_6], %broadcast_in_dim3A_4 {strides = array<i32>} : memref<256x20x101xf32, #tpu.memory_space<vmem>>, vector<256x20x101xf32>,
    %get3A_8 = arith.constant 1 : index
    %get3A_9 = arith.constant 0 : index
    %get3A_10 = vector.load %arg4[%get3A_8, %get3A_9] : memref<8x128xf32, #tpu.memory_space<vmem>>, vector<1x101xf32>
    %reshape3A_11 = vector.shape_cast %get3A_10 : vector<1x101xf32> to vector<1x1x101xf32>
    %broadcast_in_dim3A_12 = vector.shape_cast %reshape3A_11 : vector<1x1x101xf32> to vector<1x1x101xf32>
    %broadcast_in_dim3A_13 = vector.broadcast %broadcast_in_dim3A_12 : vector<1x1x101xf32> to vector<256x20x101xf32>
    %swap3A_14 = arith.constant 0 : index
    %swap3A_15 = arith.constant 0 : index
    %swap3A_16 = arith.constant 0 : index
    %swap3A_17 = vector.load %arg3[%swap3A_14, %swap3A_15, %swap3A_16] : memref<256x20x101xf32, #tpu.memory_space<vmem>>, vector<256x20x101xf32>
    tpu.vector_store %arg3[%swap3A_14, %swap3A_15, %swap3A_16], %broadcast_in_dim3A_13 {strides = array<i32>} : memref<256x20x101xf32, #tpu.memory_space<vmem>>, vector<256x20x101xf32>,
    return
  }
  func.func @transform_0(%arg0: i32) -> (i32, i32) {
    %c0_i32 = arith.constant 0 : i32
    %c0_i32_0 = arith.constant 0 : i32
    %c0_i32_1 = arith.constant 0 : i32
    return %c0_i32, %c0_i32_0 : i32, i32
  }
  func.func @transform_1(%arg0: i32) -> (i32, i32, i32) {
    %c0_i32 = arith.constant 0 : i32
    %c0_i32_0 = arith.constant 0 : i32
    %c0_i32_1 = arith.constant 0 : i32
    return %arg0, %c0_i32, %c0_i32_0 : i32, i32, i32
  }
  func.func @transform_2(%arg0: i32) -> (i32, i32, i32) {
    %c0_i32 = arith.constant 0 : i32
    %c0_i32_0 = arith.constant 0 : i32
    %c0_i32_1 = arith.constant 0 : i32
    return %arg0, %c0_i32, %c0_i32_0 : i32, i32, i32
  }
}

</mosaic_0001>

<sc_bundles>
// kernel: kernel.4.cloned.1.call-start
scs
__scs_entry_jumppad:
0x0: {  	(pc) =	sbr.rel $0x88, $3  }
0x1: {  	(tag) =	ssettag $0x0;
	lr =	simm.s32 $0x1  }
0x2: {  	[smem:$0x3FA0] =	sst lr;
	_ =	strace $0xD0000000  }
0x3: {  	_ = 	snop  }
0x4: {  	_ = 	snop  }
0x5: {  	_ = 	snop  }
0x6: {  	_ = 	snop  }
0x7: {  	_ = 	snop  }
__scs_overlays_trampoline_lowered:
0x8: {  	[smem:$0x3FAF] =	sst s0  }
0x9: {  	[smem:$0x3FB0] =	sst s1  }
0xa: {  	[smem:$0x3FB1] =	sst s2  }
0xb: {  	[smem:$0x3FB2] =	sst s3  }
0xc: {  	[smem:$0x3FB3] =	sst s4  }
0xd: {  	[smem:$0x3FB4] =	sst s5  }
0xe: {  	[smem:$0x3FB5] =	sst s6  }
0xf: {  	[smem:$0x3FB6] =	sst s7  }
0x10: {  	[smem:$0x3FB7] =	sst s8  }
0x11: {  	[smem:$0x3FB8] =	sst s9;
	s0 =	simm.s32 @!p0 $0x0  }
0x12: {  	s1 =	sld [smem:$0x3F9E];
	s0 =	simm.s32 @p0 $0x1  }
0x13: {  	[smem:$0x3FB9] =	sst s0;
	s0 =	simm.s32 @!p1 $0x0  }
0x14: {  	s2 =	sld [smem:$0x3F9D];
	s0 =	simm.s32 @p1 $0x1  }
0x15: {  	[smem:$0x3FBA] =	sst s0;
	s0 =	simm.s32 @!p2 $0x0  }
0x16: {  	s3 =	sld [smem:$0x3FDB];
	s0 =	simm.s32 @p2 $0x1  }
0x17: {  	s4 =	simm.s32 $0x1BF5;
	[smem:$0x3FBC] =	sst s0  }
0x18: {  	s0 =	sld [smem:$0x3F9F];
	_ =	swait.ge [sflag:s4], $0x0  }
0x19: {  	s7 =	sld [smem:$0x3FA0]  }
0x1a: {  	s8 =	sadd.s32 $0xFFFFE003, lr  }
0x1b: {  	s9 =	sadd.s32 $0xFFFFFEF7, lr;
	s5 =	simm.s32 $0xFFFFFFFF;
	p2 =	slt.u32 s8, $0xFFFFF086  }
0x1c: {  	p1 =	slt.u32 s9, $0xF7A;
	s5 =	simm.s32 @!p2 $0x0  }
0x1d: {  	s5 =	simm.s32 @p1 $0x1;
	p0 =	seq.s32 s7, s2  }
0x1e: {  	s7 =	smul.u32 @!p0 $0xF7A, s2;
	p2 =	seq.s32 @!p0 s5, $0x0  }
0x1f: {  	s9 =	smul.u32 $0xF7A, s1;
	s8 =	simm.s32 @!p0 $0x1BF5;
	p2 =	por !p2, p0  }
0x20: {  	[sflag:s8] =	ssyncset.s32 @!p0 $0xFFFFF086;
	s6 =	sadd.s32 @!p0 s3, s7;
	s7 =	simm.s32 @!p0 $0x108  }
0x21: {  	s3 =	sadd.s32 s3, s9;
	s6 =	sadd.s32 @!p0 $0x88, s6;
	s7 =	simm.s32 @p2 $0x1082  }
0x22: {  	[simem:s7], [sflag:s8] =	dma.local @!p0 [hbm:s6], $0xF7A  }
0x23: {  	s9 =	sor.u32 $0xD0000000, s2;
	s6 =	simm.s32 $0x108;
	_ =	swait.ge @!p0 [sflag:s8], $0x0  }
0x24: {  	s3 =	sadd.s32 $0x88, s3;
	s6 =	simm.s32 @!p1 $0x1082;
	[sflag:s4] =	ssyncset.s32 $0xFFFFF086  }
0x25: {  	[simem:s6], [sflag:s4] =	dma.local [hbm:s3], $0xF7A  }
0x26: {  	[smem:$0x3FA0] =	sst s1;
	(tag) =	ssettag s2;
	_ =	strace s9  }
0x27: {  	s1 =	sld [smem:$0x3FB0]  }
0x28: {  	s2 =	sld [smem:$0x3FB1]  }
0x29: {  	s4 =	sld [smem:$0x3FB3]  }
0x2a: {  	p0 =	seq.s32 s5, $0x0;
	s5 =	sld [smem:$0x3FB4]  }
0x2b: {  	s6 =	sld [smem:$0x3FB5]  }
0x2c: {  	s7 =	sld [smem:$0x3FB6]  }
0x2d: {  	s3 =	simm.s32 $0x108;
	s8 =	sld [smem:$0x3FB7]  }
0x2e: {  	s3 =	simm.s32 @!p0 $0x1082;
	s9 =	sld [smem:$0x3FB8]  }
0x2f: {  	lr =	sadd.s32 s0, s3;
	s0 =	sld [smem:$0x3FAF]  }
0x30: {  	s3 =	sld [smem:$0x3FB2]  }
0x31: {  	[smem:$0x3FBB] =	sst s10  }
0x32: {  	s10 =	sld [smem:$0x3FB9];
	_ =	sdelay $0x3  }
0x33: {  	p0 =	seq.s32 s10, $0x1;
	s10 =	sld [smem:$0x3FBB];
	_ =	sdelay $0x3  }
0x34: {  	[smem:$0x3FBB] =	sst s10  }
0x35: {  	s10 =	sld [smem:$0x3FBA];
	_ =	sdelay $0x3  }
0x36: {  	p1 =	seq.s32 s10, $0x1;
	s10 =	sld [smem:$0x3FBB];
	_ =	sdelay $0x3  }
0x37: {  	[smem:$0x3FBB] =	sst s10  }
0x38: {  	s10 =	sld [smem:$0x3FBC]  }
0x39: {  	_ = 	snop;
	(pc) =	sbr.ind lr, $3  }
0x3a: {  	_ = 	snop  }
0x3b: {  	_ = 	snop  }
0x3c: {  	p2 =	seq.s32 s10, $0x1;
	s10 =	sld [smem:$0x3FBB]  }
0x3d: {  	_ =	shalt  }
0x3e: {  	_ =	shalt  }
0x3f: {  	_ =	shalt  }
0x40: {  	_ =	shalt  }
0x41: {  	_ =	shalt  }
0x42: {  	_ =	shalt  }
0x43: {  	_ =	shalt  }
0x44: {  	_ =	shalt  }
0x45: {  	_ =	shalt  }
0x46: {  	_ =	shalt  }
0x47: {  	_ =	shalt  }
0x48: {  	_ =	shalt  }
0x49: {  	_ =	shalt  }
0x4a: {  	_ =	shalt  }
0x4b: {  	_ =	shalt  }
0x4c: {  	_ =	shalt  }
0x4d: {  	_ =	shalt  }
0x4e: {  	_ =	shalt  }
0x4f: {  	_ =	shalt  }
0x50: {  	_ =	shalt  }
0x51: {  	_ =	shalt  }
0x52: {  	_ =	shalt  }
0x53: {  	_ =	shalt  }
0x54: {  	_ =	shalt  }
0x55: {  	_ =	shalt  }
0x56: {  	_ =	shalt  }
0x57: {  	_ =	shalt  }
0x58: {  	_ =	shalt  }
0x59: {  	_ =	shalt  }
0x5a: {  	_ =	shalt  }
0x5b: {  	_ =	shalt  }
0x5c: {  	_ =	shalt  }
0x5d: {  	_ =	shalt  }
0x5e: {  	_ =	shalt  }
0x5f: {  	_ =	shalt  }
0x60: {  	_ =	shalt  }
0x61: {  	_ =	shalt  }
0x62: {  	_ =	shalt  }
0x63: {  	_ =	shalt  }
0x64: {  	_ =	shalt  }
0x65: {  	_ =	shalt  }
0x66: {  	_ =	shalt  }
0x67: {  	_ =	shalt  }
0x68: {  	_ =	shalt  }
0x69: {  	_ =	shalt  }
0x6a: {  	_ =	shalt  }
0x6b: {  	_ =	shalt  }
0x6c: {  	_ =	shalt  }
0x6d: {  	_ =	shalt  }
0x6e: {  	_ =	shalt  }
0x6f: {  	_ =	shalt  }
0x70: {  	_ =	shalt  }
0x71: {  	_ =	shalt  }
0x72: {  	_ =	shalt  }
0x73: {  	_ =	shalt  }
0x74: {  	_ =	shalt  }
0x75: {  	_ =	shalt  }
0x76: {  	_ =	shalt  }
0x77: {  	_ =	shalt  }
0x78: {  	_ =	shalt  }
0x79: {  	_ =	shalt  }
0x7a: {  	_ =	shalt  }
0x7b: {  	_ =	shalt  }
0x7c: {  	_ =	shalt  }
0x7d: {  	_ =	shalt  }
0x7e: {  	_ =	shalt  }
0x7f: {  	_ =	shalt  }
0x80: {  	_ =	shalt  }
0x81: {  	_ =	shalt  }
0x82: {  	_ =	shalt  }
0x83: {  	_ =	shalt  }
0x84: {  	_ =	shalt  }
0x85: {  	_ =	shalt  }
0x86: {  	_ =	shalt  }
0x87: {  	_ =	shalt  }
.Lfunc_end0:
.L_simem_size_0:
called_computation_lowered:
.L_overlay_start_0:
0x88: {  	s2 =	sld [smem:$0x3FD9]  }
0x89: {  	s3 =	sld [smem:$0x3FFE];
	_ =	sdelay $0x1  }
0x8a: {  	s1 =	srdreg.scid  }
0x8b: {  	s0 =	sand.u32 $0x1, s1  }
0x8c: {  	s14 =	sshll.u32 s0, $0xA;
	s2 =	sadd.s32 s3, s2  }
0x8d: {  	s2 =	sadd.s32 s2, s14  }
0x8e: {  	[smem:$0x3FC7] =	sst s2  }
0x8f: {  	_ = 	snop  }
0x90: {  	s2 =	sld [smem:$0x3FD0];
	_ =	sdelay $0x2  }
0x91: {  	s15 =	simm.s32 $0xA;
	s4 =	simm.s32 $0x10  }
0x92: {  	[smem:s4], [sflag:s15] =	dma.local [hbm:s2], $0x1  }
0x93: {  	_ =	swait.eq [sflag:s15], $0x1  }
0x94: {  	[sflag:s15] =	ssyncset.done $0x0  }
0x95: {  	[sflag:s15] =	ssyncadd.s32 $0xFFFFFFFF  }
0x96: {  	s16 =	sld [smem:$0x11];
	(tm) =	ssettm $0x1  }
0x97: {  	s17 =	sld [smem:$0x3FFB];
	_ =	sdelay $0x3  }
0x98: {  	_ =	strace s17  }
0x99: {  	s3 =	sld [smem:$0x3FFC];
	_ =	sdelay $0x3  }
0x9a: {  	_ =	strace s3  }
0x9b: {  	s3 =	sld [smem:$0x3FFD];
	_ =	sdelay $0x3  }
0x9c: {  	_ =	strace s3  }
0x9d: {  	_ =	strace $0x8FFFFFFF  }
0x9e: {  	s18 =	sld [smem:$0x3FDB];
	_ =	sdelay $0x1  }
0x9f: {  	s19 =	simm.s32 $_scs_section_size  }
0xa0: {  	s5 =	simm.s32 $_size__tile_overlayer_lowered;
	s6 =	simm.s32 $_tile_overlayer_lowered  }
0xa1: {  	s22 =	simm.s32 $0x1BFF;
	s21 =	sshll.u32 s6, $0x1;
	s3 =	sadd.s32 s19, s18  }
0xa2: {  	s7 =	simm.s32 $0x0;
	s20 =	sshll.u32 s5, $0x1;
	s5 =	sadd.s32 s21, s3  }
0xa3: {  	[timem:s7], [sflag:s22] =	dma.local [hbm:s5], s20  }
0xa4: {  	_ =	swait.ge [sflag:s22], s20  }
0xa5: {  	s4 =	ssub.s32 $0x0, s20;
	[sflag:s22] =	ssyncset.done $0x0  }
0xa6: {  	[sflag:s22] =	ssyncadd.s32 s4;
	_ =	sdelay $0x1  }
0xa7: {  	s23 =	simm.s32 $0x1B8B  }
0xa8: {  	_ =	swait.ge [sflag:s23], $0x1  }
0xa9: {  	[sflag:s23] =	ssyncset.done $0x0  }
0xaa: {  	s25 =	simm.s32 $0x1B8E;
	s24 =	sld [smem:$0x3FFE];
	[sflag:s23] =	ssyncadd.s32 $0xFFFFFFFF  }
0xab: {  	s26 =	simm.s32 $execute0_lowered;
	[smem:$0x3FD2] =	sst s25  }
0xac: {  	s5 =	sshll.u32 s26, $0x1;
	_ =	strace $0x80000046;
	[dreg:$0x1] =	wrdreg $0xFFFFFFFF  }
0xad: {  	s28 =	simm.s32 $_size_execute0_lowered;
	s3 =	sadd.s32 s3, s5;
	[dreg:$0x0] =	wrdreg $0x0  }
0xae: {  	s5 =	sshll.u32 s28, $0x1;
	[dreg:$0x2] =	wrdreg s3  }
0xaf: {  	[dreg:$0x3] =	wrdreg s5  }
0xb0: {  	[dreg:$0x4] =	wrdreg $0xC0  }
0xb1: {  	_ =	task [dreg:s7], $0x5FFFF  }
0xb2: {  	[dreg:$0x1] =	wrdreg $0xFFFFFFFF  }
0xb3: {  	[dreg:$0x0] =	wrdreg $0x60  }
0xb4: {  	[dreg:$0x2] =	wrdreg s16  }
0xb5: {  	[dreg:$0x3] =	wrdreg s24  }
0xb6: {  	[dreg:$0x4] =	wrdreg $0x1F000  }
0xb7: {  	[dreg:$0x5] =	wrdreg $0x9  }
0xb8: {  	_ =	task.clear_ibuf [dreg:s7], $0x6FFFF;
	_ =	strace $0x90000046  }
0xb9: {  	s29 =	simm.s32 $0x9;
	_ =	strace $0x80000048  }
0xba: {  	_ =	swait.ge [sflag:s29], $0x1  }
0xbb: {  	[sflag:s29] =	ssyncadd.s32 $0xFFFFFFFF  }
0xbc: {  	_ =	strace $0x90000048  }
0xbd: {  	_ =	sfence  }
0xbe: {  	s30 =	sld [smem:$0x0];
	_ =	sdelay $0x2  }
0xbf: {  	s31 =	sshll.u32 s1, $0xD;
	s1 =	sshrl.u32 s1, $0x2  }
0xc0: {  	s3 =	sand.u32 $0x4000, s31;
	s1 =	sadd.s32 s1, s30  }
0xc1: {  	s0 =	sor.u32 s3, s0;
	s1 =	sshll.u32 s1, $0x11  }
0xc2: {  	s0 =	sor.u32 s1, s0  }
0xc3: {  	s0 =	sadd.s32 $0x8F2B, s0  }
0xc4: {  	[sflag:s0] =	ssyncadd.remote.s32 $0x1  }
0xc5: {  	_ =	sfence.sel $0xFFFF  }
0xc6: {  	[dreg:$0x0] =	wrdreg $0xFFFFFFFF;
	(pc) =	sbr.abs _section_cstart, $3  }
0xc7: {  	[dreg:$0x1] =	wrdreg $0xFFFFFFFF  }
0xc8: {  	_ =	task.clear_ibuf [dreg:s7], $0x2FFFF;
	_ =	strace $0x9FFFFFFF  }
0xc9: {  	(tm) =	ssettm $0x7FFFFFFF  }
tec
execute0_lowered:
.L_overlay_start_1:
0x0: {  	(tag) =	ssettag $0x1  }
0x1: {  	s0 =	rddreg [dreg:$0x0]  }
0x2: {  	s1 =	rddreg [dreg:$0x1];
	s2 =	srdreg.scid  }
0x3: {  	s9 =	rddreg [dreg:$0x2];
	s8 =	stileid.u32  }
0x4: {  	s3 =	simm.s32 $0x0;
	s7 =	simm.s32 $0x1200;
	s23 =	smul.u32 $0x140, s8  }
0x5: {  	s2 =	sand.u32 $0x1, s2;
	[smem:$0x7FF] =	sst s3;
	s6 =	smul.u32 $0x30000, s8  }
0x6: {  	s24 =	sshll.u32 s8, $0x7;
	s4 =	ssub.s32 $0x2, s2;
	_ =	strace $0x80000047  }
0x7: {  	p0 =	seq.s32 s2, $0x0;
	s5 =	sshrl.u32 s4, $0x1;
	s0 =	sadd.s32 s0, s23  }
0x8: {  	s7 =	simm.s32 @!p0 $0x61200;
	s26 =	sshrl.u32 s6, $0x3;
	s4 =	ssub.s32 s4, s5  }
0x9: {  	[dreg:$0x4] =	wrdreg s0;
	s1 =	sadd.s32 s7, s1;
	s0 =	sadd.s32 s24, s9  }
0xa: {  	[dreg:$0x5] =	wrdreg s0;
	s0 =	sadd.s32 s1, s26;
	s4 =	smax.u32 s4, $0x1  }
0xb: {  	[dreg:$0x6] =	wrdreg s4;
	s5 =	sadd.s32 $0x2100, s0  }
0xc: {  	s7 =	sadd.s32 $0x2280, s0;
	[dreg:$0x7] =	wrdreg s5  }
0xd: {  	s9 =	sadd.s32 $0x2400, s0;
	[dreg:$0x8] =	wrdreg s7  }
0xe: {  	s10 =	sadd.s32 $0x2580, s0;
	[dreg:$0x9] =	wrdreg s9  }
0xf: {  	s11 =	sadd.s32 $0x2700, s0;
	[dreg:$0xa] =	wrdreg s10  }
0x10: {  	s12 =	sadd.s32 $0x2880, s0;
	[dreg:$0xb] =	wrdreg s11  }
0x11: {  	s13 =	sadd.s32 $0x2A00, s0;
	[dreg:$0xc] =	wrdreg s12  }
0x12: {  	s14 =	sadd.s32 $0x2B80, s0;
	[dreg:$0xd] =	wrdreg s13  }
0x13: {  	s15 =	sadd.s32 $0x2D00, s0;
	[dreg:$0xe] =	wrdreg s14  }
0x14: {  	s16 =	sadd.s32 $0x2E80, s0;
	[dreg:$0xf] =	wrdreg s15  }
0x15: {  	s17 =	sadd.s32 $0x3000, s0;
	[dreg:$0x10] =	wrdreg s16  }
0x16: {  	s18 =	sadd.s32 $0x3180, s0;
	[dreg:$0x11] =	wrdreg s17  }
0x17: {  	s19 =	sadd.s32 $0x3300, s0;
	[dreg:$0x12] =	wrdreg s18  }
0x18: {  	s20 =	sadd.s32 $0x3480, s0;
	[dreg:$0x13] =	wrdreg s19  }
0x19: {  	s21 =	sadd.s32 $0x3600, s0;
	[dreg:$0x14] =	wrdreg s20  }
0x1a: {  	s22 =	sadd.s32 $0x3780, s0;
	[dreg:$0x15] =	wrdreg s21  }
0x1b: {  	s25 =	smul.u32 $0x6000, s8;
	s23 =	sadd.s32 $0x3900, s0;
	[dreg:$0x16] =	wrdreg s22  }
0x1c: {  	s24 =	sadd.s32 $0x3A80, s0;
	[dreg:$0x17] =	wrdreg s23  }
0x1d: {  	s8 =	sadd.s32 s1, s25;
	s25 =	sadd.s32 $0x3C00, s0;
	[dreg:$0x18] =	wrdreg s24  }
0x1e: {  	s26 =	sadd.s32 $0x3D80, s0;
	[dreg:$0x19] =	wrdreg s25  }
0x1f: {  	s6 =	sshll.u32 s2, $0xA;
	s2 =	sadd.s32 $0x3F00, s0;
	[dreg:$0x1a] =	wrdreg s26  }
0x20: {  	s4 =	sadd.s32 $0x4080, s0;
	[dreg:$0x1b] =	wrdreg s2  }
0x21: {  	[dreg:$0x1c] =	wrdreg s4;
	s5 =	sadd.s32 $0x4200, s0  }
0x22: {  	s7 =	sadd.s32 $0x4380, s0;
	[dreg:$0x1d] =	wrdreg s5  }
0x23: {  	s9 =	sadd.s32 $0x4500, s0;
	[dreg:$0x1e] =	wrdreg s7  }
0x24: {  	s10 =	sadd.s32 $0x4680, s0;
	[dreg:$0x1f] =	wrdreg s9  }
0x25: {  	s11 =	sadd.s32 $0x4800, s0;
	[smem:$0x7EC] =	sst s10  }
0x26: {  	s12 =	sadd.s32 $0x4980, s0;
	[smem:$0x7ED] =	sst s11  }
0x27: {  	s13 =	sadd.s32 $0x4B00, s0;
	[smem:$0x7EE] =	sst s12  }
0x28: {  	s14 =	sadd.s32 $0x4C80, s0;
	[smem:$0x7EF] =	sst s13  }
0x29: {  	s15 =	sadd.s32 $0x4E00, s0;
	[smem:$0x7F0] =	sst s14  }
0x2a: {  	s16 =	sadd.s32 $0x4F80, s0;
	[smem:$0x7F1] =	sst s15  }
0x2b: {  	s17 =	sadd.s32 $0x5100, s0;
	[smem:$0x7F2] =	sst s16  }
0x2c: {  	s18 =	sadd.s32 $0x5280, s0;
	[smem:$0x7F3] =	sst s17  }
0x2d: {  	s19 =	sadd.s32 $0x5400, s0;
	[smem:$0x7F4] =	sst s18  }
0x2e: {  	s20 =	sadd.s32 $0x5580, s0;
	[smem:$0x7F5] =	sst s19  }
0x2f: {  	s21 =	sadd.s32 $0x5700, s0;
	[smem:$0x7F6] =	sst s20  }
0x30: {  	s28 =	sadd.s32 $0x780, s8;
	s22 =	sadd.s32 $0x5880, s0;
	[smem:$0x7F7] =	sst s21  }
0x31: {  	s29 =	sadd.s32 $0x900, s8;
	s23 =	sadd.s32 $0x5A00, s0;
	[smem:$0x7F8] =	sst s22  }
0x32: {  	s30 =	sadd.s32 $0xA80, s8;
	s24 =	sadd.s32 $0x5B80, s0;
	[smem:$0x7F9] =	sst s23  }
0x33: {  	s31 =	sadd.s32 $0xC00, s8;
	s25 =	sadd.s32 $0x5D00, s0;
	[smem:$0x7FA] =	sst s24  }
0x34: {  	s1 =	sadd.s32 $0x1080, s8;
	s0 =	sadd.s32 $0x5E80, s0;
	[smem:$0x7FB] =	sst s25  }
0x35: {  	s26 =	sadd.s32 $0x180, s8;
	s2 =	sadd.s32 $0xF00, s8;
	[smem:$0x7FC] =	sst s0  }
0x36: {  	s4 =	sadd.s32 $0x1200, s8;
	[smem:$0x7FD] =	sst s26;
	s24 =	sadd.s32 $0x300, s8  }
0x37: {  	s25 =	sadd.s32 $0x480, s8;
	s26 =	sadd.s32 $0x600, s8;
	s0 =	sadd.s32 $0xD80, s8  }
0x38: {  	s5 =	sadd.s32 $0x1380, s8;
	s7 =	sadd.s32 $0x1500, s8;
	s9 =	sadd.s32 $0x1680, s8  }
0x39: {  	s10 =	sadd.s32 $0x1800, s8;
	s11 =	sadd.s32 $0x1980, s8;
	s12 =	sadd.s32 $0x1B00, s8  }
0x3a: {  	v0 =	vimm.f32 $0.0e+00;
	v1 =	vimm.f32 $1.000000000e+00;
	v2 =	vlaneseq.u32;
	s13 =	sadd.s32 $0x1C80, s8;
	s14 =	sadd.s32 $0x1E00, s8;
	s15 =	sadd.s32 $0x1F80, s8  }
0x3b: {  	v3 =	vor.u32 $0x10, v2;
	v4 =	vor.u32 $0x20, v2;
	v5 =	vor.u32 $0x30, v2;
	s16 =	simm.s32 $0x2;
	s17 =	simm.s32 $0xA00;
	s18 =	simm.s32 $0x1280  }
0x3c: {  	v6 =	vor.u32 $0x40, v2;
	v7 =	vor.u32 $0x50, v2;
	v8 =	vor.u32 $0x60, v2;
	s19 =	simm.s32 $0x1300;
	s20 =	simm.s32 $0x1;
	s21 =	simm.s32 $0x0  }
.LBB2_1:
0x3d: {  	[tilespmem:$0xA00] =	vst v0  }
0x3e: {  	[tilespmem:$0xA10] =	vst v0  }
0x3f: {  	[tilespmem:$0xA20] =	vst v0  }
0x40: {  	[tilespmem:$0xA30] =	vst v0  }
0x41: {  	[tilespmem:$0xA40] =	vst v0  }
0x42: {  	[tilespmem:$0xA50] =	vst v0  }
0x43: {  	[tilespmem:$0xA60] =	vst v0  }
0x44: {  	[tilespmem:$0xA70] =	vst v0;
	s22 =	rddreg [dreg:$0x4]  }
0x45: {  	[tilespmem:s3], [sflag:$0x2] =	stream.linear.gather [hbm4b:s22+s3], $0xA00, $0x38;
	[tilespmem:$0x1F80] =	vst v63  }
0x46: {  	_ =	swait.ge [sflag:s16], $0xA00  }
0x47: {  	[sflag:s16] =	ssyncset.done $0x0  }
0x48: {  	s23 =	simm.s32 $0x0;
	s22 =	simm.s32 $0x40;
	[sflag:s16] =	ssyncadd.s32 $0xFFFFF600  }
.LBB2_2:
0x49: {  	p0 =	sne.s32 s22, $0x27C0;
	v9 =	vld [tilespmem:s23+$0x0];
	_ =	sdelay $0x4  }
0x4a: {  	v9 =	vtrunc.f32 v9  }
0x4b: {  	v9 =	vcvt.f32.s32 v9;
	_ =	sdelay $0x1  }
0x4c: {  	v10 =	vadd.s32 $0x1, v9  }
0x4d: {  	v9 =	vadd.s32 $0x66, v9;
	vm0 =	vlt.s32 v10, $0x0  }
0x4e: {  	v9 =	vsel vm0, v9, v10  }
0x4f: {  	vm0 =	vgt.s32 v9, $0x0  }
0x50: {  	v9 =	vnsel vm0, $0x0, v9  }
0x51: {  	v9 =	vmin.u32 v9, $0x7F  }
.Ltmp0:
0x52: {  	(pc) =	sbr.rel @p0 .LBB2_2-.Ltmp0, $2  }
0x53: {  	_ =	sdelay $0x2  }
0x54: {  	s23 =	sshra.s32 s22, $0x2;
	s22 =	sadd.s32 $0x40, s22;
	[tilespmem:v9+s17+$0x0] =	vst.idx.msk $0xffff, v1  }
0x55: {  	v9 =	vld [tilespmem:s23+$0x0];
	_ =	sdelay $0x4  }
0x56: {  	v9 =	vtrunc.f32 v9  }
0x57: {  	v9 =	vcvt.f32.s32 v9;
	_ =	sdelay $0x1  }
0x58: {  	v10 =	vadd.s32 $0x1, v9  }
0x59: {  	v9 =	vadd.s32 $0x66, v9;
	vm0 =	vlt.s32 v10, $0x0  }
0x5a: {  	v9 =	vsel vm0, v9, v10  }
0x5b: {  	vm0 =	vgt.s32 v9, $0x0  }
0x5c: {  	v9 =	vnsel vm0, $0x0, v9  }
0x5d: {  	v9 =	vmin.u32 v9, $0x7F;
	_ =	sdelay $0x4  }
0x5e: {  	s22 =	rddreg [dreg:$0x5];
	[tilespmem:v9+s17+$0x0] =	vst.idx.msk $0xffff, v1  }
0x5f: {  	[spmem:s22] =	stream.linear.scatter [tilespmem:s17], [sflag:$0x2], $0x80, $0x38;
	[tilespmem:$0x1F80] =	vst v63  }
0x60: {  	_ =	swait.ge [sflag:s16], $0x80  }
0x61: {  	[sflag:s16] =	ssyncset.done $0x0  }
0x62: {  	[sflag:s16] =	ssyncadd.s32 $0xFFFFFF80  }
0x63: {  	[bflag:$0x0] =	sbarrier.arrive $0xFFFF  }
0x64: {  	s23 =	simm.s32 $0xA80;
	s22 =	rddreg [dreg:$0x2]  }
0x65: {  	[tilespmem:s23], [sflag:$0x2] =	stream.linear.gather [spmem:s22], $0x800, $0x38;
	[tilespmem:$0x1F80] =	vst v63  }
0x66: {  	_ =	swait.ge [sflag:s16], $0x800  }
0x67: {  	[sflag:s16] =	ssyncset.done $0x0  }
0x68: {  	[sflag:s16] =	ssyncadd.s32 $0xFFFFF800  }
0x69: {  	v9 =	vld [tilespmem:s6+$0xA80]  }
0x6a: {  	v10 =	vld [tilespmem:s6+$0xB00];
	_ =	sdelay $0x1  }
0x6b: {  	v11 =	vld [tilespmem:s6+$0xB80];
	_ =	sdelay $0x1  }
0x6c: {  	v12 =	vld [tilespmem:s6+$0xC00]  }
0x6d: {  	v9 =	vadd.f32 v10, v9  }
0x6e: {  	v10 =	vld [tilespmem:s6+$0xC80]  }
0x6f: {  	v9 =	vadd.f32 v11, v9  }
0x70: {  	v11 =	vld [tilespmem:s6+$0xD00]  }
0x71: {  	v9 =	vadd.f32 v12, v9  }
0x72: {  	v12 =	vld [tilespmem:s6+$0xD80]  }
0x73: {  	v9 =	vadd.f32 v10, v9  }
0x74: {  	v10 =	vld [tilespmem:s6+$0xE00]  }
0x75: {  	v9 =	vadd.f32 v11, v9;
	_ =	sdelay $0x1  }
0x76: {  	v9 =	vadd.f32 v12, v9;
	_ =	sdelay $0x1  }
0x77: {  	v9 =	vadd.f32 v10, v9;
	_ =	sdelay $0x1  }
0x78: {  	[tilespmem:$0x1280] =	vst v9  }
0x79: {  	v9 =	vld [tilespmem:s6+$0xA90]  }
0x7a: {  	v10 =	vld [tilespmem:s6+$0xB10];
	_ =	sdelay $0x1  }
0x7b: {  	v11 =	vld [tilespmem:s6+$0xB90];
	_ =	sdelay $0x1  }
0x7c: {  	v12 =	vld [tilespmem:s6+$0xC10]  }
0x7d: {  	v9 =	vadd.f32 v10, v9  }
0x7e: {  	v10 =	vld [tilespmem:s6+$0xC90]  }
0x7f: {  	v9 =	vadd.f32 v11, v9  }
0x80: {  	v11 =	vld [tilespmem:s6+$0xD10]  }
0x81: {  	v9 =	vadd.f32 v12, v9  }
0x82: {  	v12 =	vld [tilespmem:s6+$0xD90]  }
0x83: {  	v9 =	vadd.f32 v10, v9  }
0x84: {  	v10 =	vld [tilespmem:s6+$0xE10]  }
0x85: {  	v9 =	vadd.f32 v11, v9;
	_ =	sdelay $0x1  }
0x86: {  	v9 =	vadd.f32 v12, v9;
	_ =	sdelay $0x1  }
0x87: {  	v9 =	vadd.f32 v10, v9;
	_ =	sdelay $0x1  }
0x88: {  	[tilespmem:$0x1290] =	vst v9  }
0x89: {  	v9 =	vld [tilespmem:s6+$0xAA0]  }
0x8a: {  	v10 =	vld [tilespmem:s6+$0xB20];
	_ =	sdelay $0x1  }
0x8b: {  	v11 =	vld [tilespmem:s6+$0xBA0];
	_ =	sdelay $0x1  }
0x8c: {  	v12 =	vld [tilespmem:s6+$0xC20]  }
0x8d: {  	v9 =	vadd.f32 v10, v9  }
0x8e: {  	v10 =	vld [tilespmem:s6+$0xCA0]  }
0x8f: {  	v9 =	vadd.f32 v11, v9  }
0x90: {  	v11 =	vld [tilespmem:s6+$0xD20]  }
0x91: {  	v9 =	vadd.f32 v12, v9  }
0x92: {  	v12 =	vld [tilespmem:s6+$0xDA0]  }
0x93: {  	v9 =	vadd.f32 v10, v9  }
0x94: {  	v10 =	vld [tilespmem:s6+$0xE20]  }
0x95: {  	v9 =	vadd.f32 v11, v9;
	_ =	sdelay $0x1  }
0x96: {  	v9 =	vadd.f32 v12, v9;
	_ =	sdelay $0x1  }
0x97: {  	v9 =	vadd.f32 v10, v9;
	_ =	sdelay $0x1  }
0x98: {  	[tilespmem:$0x12A0] =	vst v9  }
0x99: {  	v9 =	vld [tilespmem:s6+$0xAB0]  }
0x9a: {  	v10 =	vld [tilespmem:s6+$0xB30];
	_ =	sdelay $0x1  }
0x9b: {  	v11 =	vld [tilespmem:s6+$0xBB0];
	_ =	sdelay $0x1  }
0x9c: {  	v12 =	vld [tilespmem:s6+$0xC30]  }
0x9d: {  	v9 =	vadd.f32 v10, v9  }
0x9e: {  	v10 =	vld [tilespmem:s6+$0xCB0]  }
0x9f: {  	v9 =	vadd.f32 v11, v9  }
0xa0: {  	v11 =	vld [tilespmem:s6+$0xD30]  }
0xa1: {  	v9 =	vadd.f32 v12, v9  }
0xa2: {  	v12 =	vld [tilespmem:s6+$0xDB0]  }
0xa3: {  	v9 =	vadd.f32 v10, v9  }
0xa4: {  	v10 =	vld [tilespmem:s6+$0xE30]  }
0xa5: {  	v9 =	vadd.f32 v11, v9;
	_ =	sdelay $0x1  }
0xa6: {  	v9 =	vadd.f32 v12, v9;
	_ =	sdelay $0x1  }
0xa7: {  	v9 =	vadd.f32 v10, v9;
	_ =	sdelay $0x1  }
0xa8: {  	[tilespmem:$0x12B0] =	vst v9  }
0xa9: {  	v9 =	vld [tilespmem:s6+$0xAC0]  }
0xaa: {  	v10 =	vld [tilespmem:s6+$0xB40];
	_ =	sdelay $0x1  }
0xab: {  	v11 =	vld [tilespmem:s6+$0xBC0];
	_ =	sdelay $0x1  }
0xac: {  	v12 =	vld [tilespmem:s6+$0xC40]  }
0xad: {  	v9 =	vadd.f32 v10, v9  }
0xae: {  	v10 =	vld [tilespmem:s6+$0xCC0]  }
0xaf: {  	v9 =	vadd.f32 v11, v9  }
0xb0: {  	v11 =	vld [tilespmem:s6+$0xD40]  }
0xb1: {  	v9 =	vadd.f32 v12, v9  }
0xb2: {  	v12 =	vld [tilespmem:s6+$0xDC0]  }
0xb3: {  	v9 =	vadd.f32 v10, v9  }
0xb4: {  	v10 =	vld [tilespmem:s6+$0xE40]  }
0xb5: {  	v9 =	vadd.f32 v11, v9;
	_ =	sdelay $0x1  }
0xb6: {  	v9 =	vadd.f32 v12, v9;
	_ =	sdelay $0x1  }
0xb7: {  	v9 =	vadd.f32 v10, v9;
	_ =	sdelay $0x1  }
0xb8: {  	[tilespmem:$0x12C0] =	vst v9  }
0xb9: {  	v9 =	vld [tilespmem:s6+$0xAD0]  }
0xba: {  	v10 =	vld [tilespmem:s6+$0xB50];
	_ =	sdelay $0x1  }
0xbb: {  	v11 =	vld [tilespmem:s6+$0xBD0];
	_ =	sdelay $0x1  }
0xbc: {  	v12 =	vld [tilespmem:s6+$0xC50]  }
0xbd: {  	v9 =	vadd.f32 v10, v9  }
0xbe: {  	v10 =	vld [tilespmem:s6+$0xCD0]  }
0xbf: {  	v9 =	vadd.f32 v11, v9  }
0xc0: {  	v11 =	vld [tilespmem:s6+$0xD50]  }
0xc1: {  	v9 =	vadd.f32 v12, v9  }
0xc2: {  	v12 =	vld [tilespmem:s6+$0xDD0]  }
0xc3: {  	v9 =	vadd.f32 v10, v9  }
0xc4: {  	v10 =	vld [tilespmem:s6+$0xE50]  }
0xc5: {  	v9 =	vadd.f32 v11, v9;
	_ =	sdelay $0x1  }
0xc6: {  	v9 =	vadd.f32 v12, v9;
	_ =	sdelay $0x1  }
0xc7: {  	v9 =	vadd.f32 v10, v9;
	_ =	sdelay $0x1  }
0xc8: {  	[tilespmem:$0x12D0] =	vst v9  }
0xc9: {  	v9 =	vld [tilespmem:s6+$0xAE0]  }
0xca: {  	v10 =	vld [tilespmem:s6+$0xB60];
	_ =	sdelay $0x1  }
0xcb: {  	v11 =	vld [tilespmem:s6+$0xBE0];
	_ =	sdelay $0x1  }
0xcc: {  	v12 =	vld [tilespmem:s6+$0xC60]  }
0xcd: {  	v9 =	vadd.f32 v10, v9  }
0xce: {  	v10 =	vld [tilespmem:s6+$0xCE0]  }
0xcf: {  	v9 =	vadd.f32 v11, v9  }
0xd0: {  	v11 =	vld [tilespmem:s6+$0xD60]  }
0xd1: {  	v9 =	vadd.f32 v12, v9  }
0xd2: {  	v12 =	vld [tilespmem:s6+$0xDE0]  }
0xd3: {  	v9 =	vadd.f32 v10, v9  }
0xd4: {  	v10 =	vld [tilespmem:s6+$0xE60]  }
0xd5: {  	v9 =	vadd.f32 v11, v9;
	_ =	sdelay $0x1  }
0xd6: {  	v9 =	vadd.f32 v12, v9;
	_ =	sdelay $0x1  }
0xd7: {  	v9 =	vadd.f32 v10, v9;
	_ =	sdelay $0x1  }
0xd8: {  	[tilespmem:$0x12E0] =	vst v9  }
0xd9: {  	v9 =	vld [tilespmem:s6+$0xAF0]  }
0xda: {  	v10 =	vld [tilespmem:s6+$0xB70];
	_ =	sdelay $0x1  }
0xdb: {  	v11 =	vld [tilespmem:s6+$0xBF0];
	_ =	sdelay $0x1  }
0xdc: {  	v12 =	vld [tilespmem:s6+$0xC70]  }
0xdd: {  	v9 =	vadd.f32 v10, v9  }
0xde: {  	v10 =	vld [tilespmem:s6+$0xCF0]  }
0xdf: {  	v9 =	vadd.f32 v11, v9  }
0xe0: {  	v11 =	vld [tilespmem:s6+$0xD70]  }
0xe1: {  	v9 =	vadd.f32 v12, v9  }
0xe2: {  	v12 =	vld [tilespmem:s6+$0xDF0]  }
0xe3: {  	v9 =	vadd.f32 v10, v9  }
0xe4: {  	v10 =	vld [tilespmem:s6+$0xE70]  }
0xe5: {  	v9 =	vadd.f32 v11, v9;
	_ =	sdelay $0x1  }
0xe6: {  	v9 =	vadd.f32 v12, v9;
	_ =	sdelay $0x1  }
0xe7: {  	v9 =	vadd.f32 v10, v9;
	_ =	sdelay $0x1  }
0xe8: {  	[tilespmem:$0x12F0] =	vst v9  }
0xe9: {  	v9 =	vld.idx.msk [tilespmem:v2+s18+$0x0], $0xffff  }
0xea: {  	v10 =	vld.idx.msk [tilespmem:v3+s18+$0x0], $0xffff  }
0xeb: {  	v11 =	vld.idx.msk [tilespmem:v4+s18+$0x0], $0xffff  }
0xec: {  	v12 =	vld.idx.msk [tilespmem:v5+s18+$0x0], $0xffff  }
0xed: {  	v13 =	vld.idx.msk [tilespmem:v6+s18+$0x0], $0xffff  }
0xee: {  	s23 =	simm.s32 $0x0;
	v14 =	vld.idx.msk [tilespmem:v7+s18+$0x0], $0xffff  }
0xef: {  	v21 =	vor.u32 s23, v2;
	v16 =	vld.idx.msk [tilespmem:v8+s18+$0x0], $0xffff  }
0xf0: {  	v18 =	vor.u32 s23, v3  }
0xf1: {  	v17 =	vor.u32 s23, v4;
	v19 =	vor.u32 s23, v5;
	v20 =	vor.u32 s23, v6  }
0xf2: {  	v15 =	vmin.f32 v9, $1.000000000e+00;
	v9 =	vmin.f32 v10, $1.000000000e+00;
	v10 =	vmin.f32 v11, $1.000000000e+00  }
0xf3: {  	v11 =	vmin.f32 v12, $1.000000000e+00;
	v12 =	vmin.f32 v13, $1.000000000e+00;
	v13 =	vmin.f32 v14, $1.000000000e+00  }
0xf4: {  	s22 =	simm.s32 $0x1;
	v14 =	vmin.f32 v16, $1.000000000e+00;
	v16 =	vor.u32 s23, v8;
	[tilespmem:v21+s19+$0x0] =	vst.idx.msk $0xffff, v15;
	v21 =	vor.u32 s23, v7  }
.LBB2_4:
0xf5: {  	s23 =	sshll.u32 s22, $0x7;
	p0 =	sne.s32 s22, $0x13;
	s22 =	sadd.s32 $0x1, s22;
	[tilespmem:v18+s19+$0x0] =	vst.idx.msk $0xffff, v9  }
0xf6: {  	v22 =	vor.u32 s23, v2;
	v23 =	vor.u32 s23, v8;
	[tilespmem:v17+s19+$0x0] =	vst.idx.msk $0xffff, v10  }
.Ltmp1:
0xf7: {  	v18 =	vor.u32 s23, v3;
	[tilespmem:v19+s19+$0x0] =	vst.idx.msk $0xffff, v11;
	(pc) =	sbr.rel @p0 .LBB2_4-.Ltmp1, $4  }
0xf8: {  	v17 =	vor.u32 s23, v4;
	[tilespmem:v20+s19+$0x0] =	vst.idx.msk $0xffff, v12  }
0xf9: {  	v19 =	vor.u32 s23, v5;
	[tilespmem:v21+s19+$0x0] =	vst.idx.msk $0xffff, v13  }
0xfa: {  	v20 =	vor.u32 s23, v6;
	[tilespmem:v16+s19+$0x0] =	vst.idx.msk $0x1f, v14;
	v16 =	vmov v23  }
0xfb: {  	v21 =	vor.u32 s23, v7;
	[tilespmem:v22+s19+$0x0] =	vst.idx.msk $0xffff, v15  }
0xfc: {  	_ =	sdelay $0x3  }
0xfd: {  	[tilespmem:v18+s19+$0x0] =	vst.idx.msk $0xffff, v9  }
0xfe: {  	[tilespmem:v17+s19+$0x0] =	vst.idx.msk $0xffff, v10  }
0xff: {  	[tilespmem:v19+s19+$0x0] =	vst.idx.msk $0xffff, v11  }
0x100: {  	[tilespmem:v20+s19+$0x0] =	vst.idx.msk $0xffff, v12  }
0x101: {  	[tilespmem:v21+s19+$0x0] =	vst.idx.msk $0xffff, v13  }
0x102: {  	s22 =	sld [smem:$0x7FD];
	[tilespmem:v16+s19+$0x0] =	vst.idx.msk $0x1f, v14  }
0x103: {  	[hbm4b:s8+s3] =	stream.linear.scatter [tilespmem:s19], [sflag:$0x1], $0xA00, $0x38;
	[tilespmem:$0x1F80] =	vst v63  }
0x104: {  	_ = 	snop  }
0x105: {  	[hbm4b:s22+s3] =	stream.linear.scatter [tilespmem:s19], [sflag:$0x1], $0xA00, $0x38;
	[tilespmem:$0x1F80] =	vst v63  }
0x106: {  	_ = 	snop  }
0x107: {  	[hbm4b:s24+s3] =	stream.linear.scatter [tilespmem:s19], [sflag:$0x1], $0xA00, $0x38;
	[tilespmem:$0x1F80] =	vst v63  }
0x108: {  	_ = 	snop  }
0x109: {  	[hbm4b:s25+s3] =	stream.linear.scatter [tilespmem:s19], [sflag:$0x1], $0xA00, $0x38;
	[tilespmem:$0x1F80] =	vst v63  }
0x10a: {  	_ = 	snop  }
0x10b: {  	[hbm4b:s26+s3] =	stream.linear.scatter [tilespmem:s19], [sflag:$0x1], $0xA00, $0x38;
	[tilespmem:$0x1F80] =	vst v63  }
0x10c: {  	_ = 	snop  }
0x10d: {  	[hbm4b:s28+s3] =	stream.linear.scatter [tilespmem:s19], [sflag:$0x1], $0xA00, $0x38;
	[tilespmem:$0x1F80] =	vst v63  }
0x10e: {  	_ = 	snop  }
0x10f: {  	[hbm4b:s29+s3] =	stream.linear.scatter [tilespmem:s19], [sflag:$0x1], $0xA00, $0x38;
	[tilespmem:$0x1F80] =	vst v63  }
0x110: {  	_ = 	snop  }
0x111: {  	[hbm4b:s30+s3] =	stream.linear.scatter [tilespmem:s19], [sflag:$0x1], $0xA00, $0x38;
	[tilespmem:$0x1F80] =	vst v63  }
0x112: {  	_ = 	snop  }
0x113: {  	[hbm4b:s31+s3] =	stream.linear.scatter [tilespmem:s19], [sflag:$0x1], $0xA00, $0x38;
	[tilespmem:$0x1F80] =	vst v63  }
0x114: {  	_ = 	snop  }
0x115: {  	[hbm4b:s0+s3] =	stream.linear.scatter [tilespmem:s19], [sflag:$0x1], $0xA00, $0x38;
	[tilespmem:$0x1F80] =	vst v63  }
0x116: {  	_ = 	snop  }
0x117: {  	[hbm4b:s2+s3] =	stream.linear.scatter [tilespmem:s19], [sflag:$0x1], $0xA00, $0x38;
	[tilespmem:$0x1F80] =	vst v63  }
0x118: {  	_ = 	snop  }
0x119: {  	[hbm4b:s1+s3] =	stream.linear.scatter [tilespmem:s19], [sflag:$0x1], $0xA00, $0x38;
	[tilespmem:$0x1F80] =	vst v63  }
0x11a: {  	_ = 	snop  }
0x11b: {  	[hbm4b:s4+s3] =	stream.linear.scatter [tilespmem:s19], [sflag:$0x1], $0xA00, $0x38;
	[tilespmem:$0x1F80] =	vst v63  }
0x11c: {  	_ = 	snop  }
0x11d: {  	[hbm4b:s5+s3] =	stream.linear.scatter [tilespmem:s19], [sflag:$0x1], $0xA00, $0x38;
	[tilespmem:$0x1F80] =	vst v63  }
0x11e: {  	_ = 	snop  }
0x11f: {  	[hbm4b:s7+s3] =	stream.linear.scatter [tilespmem:s19], [sflag:$0x1], $0xA00, $0x38;
	[tilespmem:$0x1F80] =	vst v63  }
0x120: {  	_ = 	snop  }
0x121: {  	[hbm4b:s9+s3] =	stream.linear.scatter [tilespmem:s19], [sflag:$0x1], $0xA00, $0x38;
	[tilespmem:$0x1F80] =	vst v63  }
0x122: {  	_ = 	snop  }
0x123: {  	[hbm4b:s10+s3] =	stream.linear.scatter [tilespmem:s19], [sflag:$0x1], $0xA00, $0x38;
	[tilespmem:$0x1F80] =	vst v63  }
0x124: {  	_ = 	snop  }
0x125: {  	[hbm4b:s11+s3] =	stream.linear.scatter [tilespmem:s19], [sflag:$0x1], $0xA00, $0x38;
	[tilespmem:$0x1F80] =	vst v63  }
0x126: {  	_ = 	snop  }
0x127: {  	[hbm4b:s12+s3] =	stream.linear.scatter [tilespmem:s19], [sflag:$0x1], $0xA00, $0x38;
	[tilespmem:$0x1F80] =	vst v63  }
0x128: {  	_ = 	snop  }
0x129: {  	[hbm4b:s13+s3] =	stream.linear.scatter [tilespmem:s19], [sflag:$0x1], $0xA00, $0x38;
	[tilespmem:$0x1F80] =	vst v63  }
0x12a: {  	_ = 	snop  }
0x12b: {  	[hbm4b:s14+s3] =	stream.linear.scatter [tilespmem:s19], [sflag:$0x1], $0xA00, $0x38;
	[tilespmem:$0x1F80] =	vst v63  }
0x12c: {  	_ = 	snop  }
0x12d: {  	[hbm4b:s15+s3] =	stream.linear.scatter [tilespmem:s19], [sflag:$0x1], $0xA00, $0x38;
	[tilespmem:$0x1F80] =	vst v63  }
0x12e: {  	s23 =	rddreg [dreg:$0x7]  }
0x12f: {  	[hbm4b:s23+s3] =	stream.linear.scatter [tilespmem:s19], [sflag:$0x1], $0xA00, $0x38;
	[tilespmem:$0x1F80] =	vst v63  }
0x130: {  	s23 =	rddreg [dreg:$0x8]  }
0x131: {  	[hbm4b:s23+s3] =	stream.linear.scatter [tilespmem:s19], [sflag:$0x1], $0xA00, $0x38;
	[tilespmem:$0x1F80] =	vst v63  }
0x132: {  	s23 =	rddreg [dreg:$0x9]  }
0x133: {  	[hbm4b:s23+s3] =	stream.linear.scatter [tilespmem:s19], [sflag:$0x1], $0xA00, $0x38;
	[tilespmem:$0x1F80] =	vst v63  }
0x134: {  	s23 =	rddreg [dreg:$0xa]  }
0x135: {  	[hbm4b:s23+s3] =	stream.linear.scatter [tilespmem:s19], [sflag:$0x1], $0xA00, $0x38;
	[tilespmem:$0x1F80] =	vst v63  }
0x136: {  	s23 =	rddreg [dreg:$0xb]  }
0x137: {  	[hbm4b:s23+s3] =	stream.linear.scatter [tilespmem:s19], [sflag:$0x1], $0xA00, $0x38;
	[tilespmem:$0x1F80] =	vst v63  }
0x138: {  	s23 =	rddreg [dreg:$0xc]  }
0x139: {  	[hbm4b:s23+s3] =	stream.linear.scatter [tilespmem:s19], [sflag:$0x1], $0xA00, $0x38;
	[tilespmem:$0x1F80] =	vst v63  }
0x13a: {  	s23 =	rddreg [dreg:$0xd]  }
0x13b: {  	[hbm4b:s23+s3] =	stream.linear.scatter [tilespmem:s19], [sflag:$0x1], $0xA00, $0x38;
	[tilespmem:$0x1F80] =	vst v63  }
0x13c: {  	s23 =	rddreg [dreg:$0xe]  }
0x13d: {  	[hbm4b:s23+s3] =	stream.linear.scatter [tilespmem:s19], [sflag:$0x1], $0xA00, $0x38;
	[tilespmem:$0x1F80] =	vst v63  }
0x13e: {  	s23 =	rddreg [dreg:$0xf]  }
0x13f: {  	[hbm4b:s23+s3] =	stream.linear.scatter [tilespmem:s19], [sflag:$0x1], $0xA00, $0x38;
	[tilespmem:$0x1F80] =	vst v63  }
0x140: {  	s23 =	rddreg [dreg:$0x10]  }
0x141: {  	[hbm4b:s23+s3] =	stream.linear.scatter [tilespmem:s19], [sflag:$0x1], $0xA00, $0x38;
	[tilespmem:$0x1F80] =	vst v63  }
0x142: {  	s23 =	rddreg [dreg:$0x11]  }
0x143: {  	[hbm4b:s23+s3] =	stream.linear.scatter [tilespmem:s19], [sflag:$0x1], $0xA00, $0x38;
	[tilespmem:$0x1F80] =	vst v63  }
0x144: {  	s23 =	rddreg [dreg:$0x12]  }
0x145: {  	[hbm4b:s23+s3] =	stream.linear.scatter [tilespmem:s19], [sflag:$0x1], $0xA00, $0x38;
	[tilespmem:$0x1F80] =	vst v63  }
0x146: {  	s23 =	rddreg [dreg:$0x13]  }
0x147: {  	[hbm4b:s23+s3] =	stream.linear.scatter [tilespmem:s19], [sflag:$0x1], $0xA00, $0x38;
	[tilespmem:$0x1F80] =	vst v63  }
0x148: {  	s23 =	rddreg [dreg:$0x14]  }
0x149: {  	[hbm4b:s23+s3] =	stream.linear.scatter [tilespmem:s19], [sflag:$0x1], $0xA00, $0x38;
	[tilespmem:$0x1F80] =	vst v63  }
0x14a: {  	s23 =	rddreg [dreg:$0x15]  }
0x14b: {  	[hbm4b:s23+s3] =	stream.linear.scatter [tilespmem:s19], [sflag:$0x1], $0xA00, $0x38;
	[tilespmem:$0x1F80] =	vst v63  }
0x14c: {  	s23 =	rddreg [dreg:$0x16]  }
0x14d: {  	[hbm4b:s23+s3] =	stream.linear.scatter [tilespmem:s19], [sflag:$0x1], $0xA00, $0x38;
	[tilespmem:$0x1F80] =	vst v63  }
0x14e: {  	s23 =	rddreg [dreg:$0x17]  }
0x14f: {  	[hbm4b:s23+s3] =	stream.linear.scatter [tilespmem:s19], [sflag:$0x1], $0xA00, $0x38;
	[tilespmem:$0x1F80] =	vst v63  }
0x150: {  	s23 =	rddreg [dreg:$0x18]  }
0x151: {  	[hbm4b:s23+s3] =	stream.linear.scatter [tilespmem:s19], [sflag:$0x1], $0xA00, $0x38;
	[tilespmem:$0x1F80] =	vst v63  }
0x152: {  	s23 =	rddreg [dreg:$0x19]  }
0x153: {  	[hbm4b:s23+s3] =	stream.linear.scatter [tilespmem:s19], [sflag:$0x1], $0xA00, $0x38;
	[tilespmem:$0x1F80] =	vst v63  }
0x154: {  	s23 =	rddreg [dreg:$0x1a]  }
0x155: {  	[hbm4b:s23+s3] =	stream.linear.scatter [tilespmem:s19], [sflag:$0x1], $0xA00, $0x38;
	[tilespmem:$0x1F80] =	vst v63  }
0x156: {  	s23 =	rddreg [dreg:$0x1b]  }
0x157: {  	[hbm4b:s23+s3] =	stream.linear.scatter [tilespmem:s19], [sflag:$0x1], $0xA00, $0x38;
	[tilespmem:$0x1F80] =	vst v63  }
0x158: {  	s23 =	rddreg [dreg:$0x1c]  }
0x159: {  	[hbm4b:s23+s3] =	stream.linear.scatter [tilespmem:s19], [sflag:$0x1], $0xA00, $0x38;
	[tilespmem:$0x1F80] =	vst v63  }
0x15a: {  	s23 =	rddreg [dreg:$0x1d]  }
0x15b: {  	[hbm4b:s23+s3] =	stream.linear.scatter [tilespmem:s19], [sflag:$0x1], $0xA00, $0x38;
	[tilespmem:$0x1F80] =	vst v63  }
0x15c: {  	s23 =	rddreg [dreg:$0x1e]  }
0x15d: {  	[hbm4b:s23+s3] =	stream.linear.scatter [tilespmem:s19], [sflag:$0x1], $0xA00, $0x38;
	[tilespmem:$0x1F80] =	vst v63  }
0x15e: {  	s23 =	rddreg [dreg:$0x1f]  }
0x15f: {  	[hbm4b:s23+s3] =	stream.linear.scatter [tilespmem:s19], [sflag:$0x1], $0xA00, $0x38;
	[tilespmem:$0x1F80] =	vst v63  }
0x160: {  	s23 =	sld [smem:$0x7EC];
	_ =	sdelay $0x2  }
0x161: {  	[hbm4b:s23+s3] =	stream.linear.scatter [tilespmem:s19], [sflag:$0x1], $0xA00, $0x38;
	[tilespmem:$0x1F80] =	vst v63  }
0x162: {  	s23 =	sld [smem:$0x7ED];
	_ =	sdelay $0x2  }
0x163: {  	[hbm4b:s23+s3] =	stream.linear.scatter [tilespmem:s19], [sflag:$0x1], $0xA00, $0x38;
	[tilespmem:$0x1F80] =	vst v63  }
0x164: {  	s23 =	sld [smem:$0x7EE];
	_ =	sdelay $0x2  }
0x165: {  	[hbm4b:s23+s3] =	stream.linear.scatter [tilespmem:s19], [sflag:$0x1], $0xA00, $0x38;
	[tilespmem:$0x1F80] =	vst v63  }
0x166: {  	s23 =	sld [smem:$0x7EF];
	_ =	sdelay $0x2  }
0x167: {  	[hbm4b:s23+s3] =	stream.linear.scatter [tilespmem:s19], [sflag:$0x1], $0xA00, $0x38;
	[tilespmem:$0x1F80] =	vst v63  }
0x168: {  	s23 =	sld [smem:$0x7F0];
	_ =	sdelay $0x2  }
0x169: {  	[hbm4b:s23+s3] =	stream.linear.scatter [tilespmem:s19], [sflag:$0x1], $0xA00, $0x38;
	[tilespmem:$0x1F80] =	vst v63  }
0x16a: {  	s23 =	sld [smem:$0x7F1];
	_ =	sdelay $0x2  }
0x16b: {  	[hbm4b:s23+s3] =	stream.linear.scatter [tilespmem:s19], [sflag:$0x1], $0xA00, $0x38;
	[tilespmem:$0x1F80] =	vst v63  }
0x16c: {  	s23 =	sld [smem:$0x7F2];
	_ =	sdelay $0x2  }
0x16d: {  	[hbm4b:s23+s3] =	stream.linear.scatter [tilespmem:s19], [sflag:$0x1], $0xA00, $0x38;
	[tilespmem:$0x1F80] =	vst v63  }
0x16e: {  	s23 =	sld [smem:$0x7F3];
	_ =	sdelay $0x2  }
0x16f: {  	[hbm4b:s23+s3] =	stream.linear.scatter [tilespmem:s19], [sflag:$0x1], $0xA00, $0x38;
	[tilespmem:$0x1F80] =	vst v63  }
0x170: {  	s23 =	sld [smem:$0x7F4];
	_ =	sdelay $0x2  }
0x171: {  	[hbm4b:s23+s3] =	stream.linear.scatter [tilespmem:s19], [sflag:$0x1], $0xA00, $0x38;
	[tilespmem:$0x1F80] =	vst v63  }
0x172: {  	s23 =	sld [smem:$0x7F5];
	_ =	sdelay $0x2  }
0x173: {  	[hbm4b:s23+s3] =	stream.linear.scatter [tilespmem:s19], [sflag:$0x1], $0xA00, $0x38;
	[tilespmem:$0x1F80] =	vst v63  }
0x174: {  	s23 =	sld [smem:$0x7F6];
	_ =	sdelay $0x2  }
0x175: {  	[hbm4b:s23+s3] =	stream.linear.scatter [tilespmem:s19], [sflag:$0x1], $0xA00, $0x38;
	[tilespmem:$0x1F80] =	vst v63  }
0x176: {  	s23 =	sld [smem:$0x7F7];
	_ =	sdelay $0x2  }
0x177: {  	[hbm4b:s23+s3] =	stream.linear.scatter [tilespmem:s19], [sflag:$0x1], $0xA00, $0x38;
	[tilespmem:$0x1F80] =	vst v63  }
0x178: {  	s23 =	sld [smem:$0x7F8];
	_ =	sdelay $0x2  }
0x179: {  	[hbm4b:s23+s3] =	stream.linear.scatter [tilespmem:s19], [sflag:$0x1], $0xA00, $0x38;
	[tilespmem:$0x1F80] =	vst v63  }
0x17a: {  	s23 =	sld [smem:$0x7F9];
	_ =	sdelay $0x2  }
0x17b: {  	[hbm4b:s23+s3] =	stream.linear.scatter [tilespmem:s19], [sflag:$0x1], $0xA00, $0x38;
	[tilespmem:$0x1F80] =	vst v63  }
0x17c: {  	s23 =	sld [smem:$0x7FA];
	_ =	sdelay $0x2  }
0x17d: {  	[hbm4b:s23+s3] =	stream.linear.scatter [tilespmem:s19], [sflag:$0x1], $0xA00, $0x38;
	[tilespmem:$0x1F80] =	vst v63  }
0x17e: {  	s23 =	sld [smem:$0x7FB];
	_ =	sdelay $0x2  }
0x17f: {  	[hbm4b:s23+s3] =	stream.linear.scatter [tilespmem:s19], [sflag:$0x1], $0xA00, $0x38;
	[tilespmem:$0x1F80] =	vst v63  }
0x180: {  	s23 =	sld [smem:$0x7FC];
	_ =	sdelay $0x2  }
0x181: {  	[hbm4b:s23+s3] =	stream.linear.scatter [tilespmem:s19], [sflag:$0x1], $0xA00, $0x38;
	[tilespmem:$0x1F80] =	vst v63  }
0x182: {  	_ =	swait.ge [sflag:s20], $0xA00  }
0x183: {  	[sflag:s20] =	ssyncset.done $0x0  }
0x184: {  	[sflag:s20] =	ssyncadd.s32 $0xFFFFF600  }
0x185: {  	_ =	swait.ge [sflag:s20], $0xA00  }
0x186: {  	[sflag:s20] =	ssyncset.done $0x0  }
0x187: {  	[sflag:s20] =	ssyncadd.s32 $0xFFFFF600  }
0x188: {  	_ =	swait.ge [sflag:s20], $0xA00  }
0x189: {  	[sflag:s20] =	ssyncset.done $0x0  }
0x18a: {  	[sflag:s20] =	ssyncadd.s32 $0xFFFFF600  }
0x18b: {  	_ =	swait.ge [sflag:s20], $0xA00  }
0x18c: {  	[sflag:s20] =	ssyncset.done $0x0  }
0x18d: {  	[sflag:s20] =	ssyncadd.s32 $0xFFFFF600  }
0x18e: {  	_ =	swait.ge [sflag:s20], $0xA00  }
0x18f: {  	[sflag:s20] =	ssyncset.done $0x0  }
0x190: {  	[sflag:s20] =	ssyncadd.s32 $0xFFFFF600  }
0x191: {  	_ =	swait.ge [sflag:s20], $0xA00  }
0x192: {  	[sflag:s20] =	ssyncset.done $0x0  }
0x193: {  	[sflag:s20] =	ssyncadd.s32 $0xFFFFF600  }
0x194: {  	_ =	swait.ge [sflag:s20], $0xA00  }
0x195: {  	[sflag:s20] =	ssyncset.done $0x0  }
0x196: {  	[sflag:s20] =	ssyncadd.s32 $0xFFFFF600  }
0x197: {  	_ =	swait.ge [sflag:s20], $0xA00  }
0x198: {  	[sflag:s20] =	ssyncset.done $0x0  }
0x199: {  	[sflag:s20] =	ssyncadd.s32 $0xFFFFF600  }
0x19a: {  	_ =	swait.ge [sflag:s20], $0xA00  }
0x19b: {  	[sflag:s20] =	ssyncset.done $0x0  }
0x19c: {  	[sflag:s20] =	ssyncadd.s32 $0xFFFFF600  }
0x19d: {  	_ =	swait.ge [sflag:s20], $0xA00  }
0x19e: {  	[sflag:s20] =	ssyncset.done $0x0  }
0x19f: {  	[sflag:s20] =	ssyncadd.s32 $0xFFFFF600  }
0x1a0: {  	_ =	swait.ge [sflag:s20], $0xA00  }
0x1a1: {  	[sflag:s20] =	ssyncset.done $0x0  }
0x1a2: {  	[sflag:s20] =	ssyncadd.s32 $0xFFFFF600  }
0x1a3: {  	_ =	swait.ge [sflag:s20], $0xA00  }
0x1a4: {  	[sflag:s20] =	ssyncset.done $0x0  }
0x1a5: {  	[sflag:s20] =	ssyncadd.s32 $0xFFFFF600  }
0x1a6: {  	_ =	swait.ge [sflag:s20], $0xA00  }
0x1a7: {  	[sflag:s20] =	ssyncset.done $0x0  }
0x1a8: {  	[sflag:s20] =	ssyncadd.s32 $0xFFFFF600  }
0x1a9: {  	_ =	swait.ge [sflag:s20], $0xA00  }
0x1aa: {  	[sflag:s20] =	ssyncset.done $0x0  }
0x1ab: {  	[sflag:s20] =	ssyncadd.s32 $0xFFFFF600  }
0x1ac: {  	_ =	swait.ge [sflag:s20], $0xA00  }
0x1ad: {  	[sflag:s20] =	ssyncset.done $0x0  }
0x1ae: {  	[sflag:s20] =	ssyncadd.s32 $0xFFFFF600  }
0x1af: {  	_ =	swait.ge [sflag:s20], $0xA00  }
0x1b0: {  	[sflag:s20] =	ssyncset.done $0x0  }
0x1b1: {  	[sflag:s20] =	ssyncadd.s32 $0xFFFFF600  }
0x1b2: {  	_ =	swait.ge [sflag:s20], $0xA00  }
0x1b3: {  	[sflag:s20] =	ssyncset.done $0x0  }
0x1b4: {  	[sflag:s20] =	ssyncadd.s32 $0xFFFFF600  }
0x1b5: {  	_ =	swait.ge [sflag:s20], $0xA00  }
0x1b6: {  	[sflag:s20] =	ssyncset.done $0x0  }
0x1b7: {  	[sflag:s20] =	ssyncadd.s32 $0xFFFFF600  }
0x1b8: {  	_ =	swait.ge [sflag:s20], $0xA00  }
0x1b9: {  	[sflag:s20] =	ssyncset.done $0x0  }
0x1ba: {  	[sflag:s20] =	ssyncadd.s32 $0xFFFFF600  }
0x1bb: {  	_ =	swait.ge [sflag:s20], $0xA00  }
0x1bc: {  	[sflag:s20] =	ssyncset.done $0x0  }
0x1bd: {  	[sflag:s20] =	ssyncadd.s32 $0xFFFFF600  }
0x1be: {  	_ =	swait.ge [sflag:s20], $0xA00  }
0x1bf: {  	[sflag:s20] =	ssyncset.done $0x0  }
0x1c0: {  	[sflag:s20] =	ssyncadd.s32 $0xFFFFF600  }
0x1c1: {  	_ =	swait.ge [sflag:s20], $0xA00  }
0x1c2: {  	[sflag:s20] =	ssyncset.done $0x0  }
0x1c3: {  	[sflag:s20] =	ssyncadd.s32 $0xFFFFF600  }
0x1c4: {  	_ =	swait.ge [sflag:s20], $0xA00  }
0x1c5: {  	[sflag:s20] =	ssyncset.done $0x0  }
0x1c6: {  	[sflag:s20] =	ssyncadd.s32 $0xFFFFF600  }
0x1c7: {  	_ =	swait.ge [sflag:s20], $0xA00  }
0x1c8: {  	[sflag:s20] =	ssyncset.done $0x0  }
0x1c9: {  	[sflag:s20] =	ssyncadd.s32 $0xFFFFF600  }
0x1ca: {  	_ =	swait.ge [sflag:s20], $0xA00  }
0x1cb: {  	[sflag:s20] =	ssyncset.done $0x0  }
0x1cc: {  	[sflag:s20] =	ssyncadd.s32 $0xFFFFF600  }
0x1cd: {  	_ =	swait.ge [sflag:s20], $0xA00  }
0x1ce: {  	[sflag:s20] =	ssyncset.done $0x0  }
0x1cf: {  	[sflag:s20] =	ssyncadd.s32 $0xFFFFF600  }
0x1d0: {  	_ =	swait.ge [sflag:s20], $0xA00  }
0x1d1: {  	[sflag:s20] =	ssyncset.done $0x0  }
0x1d2: {  	[sflag:s20] =	ssyncadd.s32 $0xFFFFF600  }
0x1d3: {  	_ =	swait.ge [sflag:s20], $0xA00  }
0x1d4: {  	[sflag:s20] =	ssyncset.done $0x0  }
0x1d5: {  	[sflag:s20] =	ssyncadd.s32 $0xFFFFF600  }
0x1d6: {  	_ =	swait.ge [sflag:s20], $0xA00  }
0x1d7: {  	[sflag:s20] =	ssyncset.done $0x0  }
0x1d8: {  	[sflag:s20] =	ssyncadd.s32 $0xFFFFF600  }
0x1d9: {  	_ =	swait.ge [sflag:s20], $0xA00  }
0x1da: {  	[sflag:s20] =	ssyncset.done $0x0  }
0x1db: {  	[sflag:s20] =	ssyncadd.s32 $0xFFFFF600  }
0x1dc: {  	_ =	swait.ge [sflag:s20], $0xA00  }
0x1dd: {  	[sflag:s20] =	ssyncset.done $0x0  }
0x1de: {  	[sflag:s20] =	ssyncadd.s32 $0xFFFFF600  }
0x1df: {  	_ =	swait.ge [sflag:s20], $0xA00  }
0x1e0: {  	[sflag:s20] =	ssyncset.done $0x0  }
0x1e1: {  	[sflag:s20] =	ssyncadd.s32 $0xFFFFF600  }
0x1e2: {  	_ =	swait.ge [sflag:s20], $0xA00  }
0x1e3: {  	[sflag:s20] =	ssyncset.done $0x0  }
0x1e4: {  	[sflag:s20] =	ssyncadd.s32 $0xFFFFF600  }
0x1e5: {  	_ =	swait.ge [sflag:s20], $0xA00  }
0x1e6: {  	[sflag:s20] =	ssyncset.done $0x0  }
0x1e7: {  	[sflag:s20] =	ssyncadd.s32 $0xFFFFF600  }
0x1e8: {  	_ =	swait.ge [sflag:s20], $0xA00  }
0x1e9: {  	[sflag:s20] =	ssyncset.done $0x0  }
0x1ea: {  	[sflag:s20] =	ssyncadd.s32 $0xFFFFF600  }
0x1eb: {  	_ =	swait.ge [sflag:s20], $0xA00  }
0x1ec: {  	[sflag:s20] =	ssyncset.done $0x0  }
0x1ed: {  	[sflag:s20] =	ssyncadd.s32 $0xFFFFF600  }
0x1ee: {  	_ =	swait.ge [sflag:s20], $0xA00  }
0x1ef: {  	[sflag:s20] =	ssyncset.done $0x0  }
0x1f0: {  	[sflag:s20] =	ssyncadd.s32 $0xFFFFF600  }
0x1f1: {  	_ =	swait.ge [sflag:s20], $0xA00  }
0x1f2: {  	[sflag:s20] =	ssyncset.done $0x0  }
0x1f3: {  	[sflag:s20] =	ssyncadd.s32 $0xFFFFF600  }
0x1f4: {  	_ =	swait.ge [sflag:s20], $0xA00  }
0x1f5: {  	[sflag:s20] =	ssyncset.done $0x0  }
0x1f6: {  	[sflag:s20] =	ssyncadd.s32 $0xFFFFF600  }
0x1f7: {  	_ =	swait.ge [sflag:s20], $0xA00  }
0x1f8: {  	[sflag:s20] =	ssyncset.done $0x0  }
0x1f9: {  	[sflag:s20] =	ssyncadd.s32 $0xFFFFF600  }
0x1fa: {  	_ =	swait.ge [sflag:s20], $0xA00  }
0x1fb: {  	[sflag:s20] =	ssyncset.done $0x0  }
0x1fc: {  	[sflag:s20] =	ssyncadd.s32 $0xFFFFF600  }
0x1fd: {  	_ =	swait.ge [sflag:s20], $0xA00  }
0x1fe: {  	[sflag:s20] =	ssyncset.done $0x0  }
0x1ff: {  	[sflag:s20] =	ssyncadd.s32 $0xFFFFF600  }
0x200: {  	_ =	swait.ge [sflag:s20], $0xA00  }
0x201: {  	[sflag:s20] =	ssyncset.done $0x0  }
0x202: {  	[sflag:s20] =	ssyncadd.s32 $0xFFFFF600  }
0x203: {  	_ =	swait.ge [sflag:s20], $0xA00  }
0x204: {  	[sflag:s20] =	ssyncset.done $0x0  }
0x205: {  	[sflag:s20] =	ssyncadd.s32 $0xFFFFF600  }
0x206: {  	_ =	swait.ge [sflag:s20], $0xA00  }
0x207: {  	[sflag:s20] =	ssyncset.done $0x0  }
0x208: {  	[sflag:s20] =	ssyncadd.s32 $0xFFFFF600  }
0x209: {  	_ =	swait.ge [sflag:s20], $0xA00  }
0x20a: {  	[sflag:s20] =	ssyncset.done $0x0  }
0x20b: {  	[sflag:s20] =	ssyncadd.s32 $0xFFFFF600  }
0x20c: {  	_ =	swait.ge [sflag:s20], $0xA00  }
0x20d: {  	[sflag:s20] =	ssyncset.done $0x0  }
0x20e: {  	[sflag:s20] =	ssyncadd.s32 $0xFFFFF600  }
0x20f: {  	_ =	swait.ge [sflag:s20], $0xA00  }
0x210: {  	[sflag:s20] =	ssyncset.done $0x0  }
0x211: {  	[sflag:s20] =	ssyncadd.s32 $0xFFFFF600  }
0x212: {  	_ =	swait.ge [sflag:s20], $0xA00  }
0x213: {  	[sflag:s20] =	ssyncset.done $0x0  }
0x214: {  	[sflag:s20] =	ssyncadd.s32 $0xFFFFF600  }
0x215: {  	_ =	swait.ge [sflag:s20], $0xA00  }
0x216: {  	[sflag:s20] =	ssyncset.done $0x0  }
0x217: {  	[sflag:s20] =	ssyncadd.s32 $0xFFFFF600  }
0x218: {  	_ =	swait.ge [sflag:s20], $0xA00  }
0x219: {  	[sflag:s20] =	ssyncset.done $0x0  }
0x21a: {  	[sflag:s20] =	ssyncadd.s32 $0xFFFFF600  }
0x21b: {  	_ =	swait.ge [sflag:s20], $0xA00  }
0x21c: {  	[sflag:s20] =	ssyncset.done $0x0  }
0x21d: {  	[sflag:s20] =	ssyncadd.s32 $0xFFFFF600  }
0x21e: {  	_ =	swait.ge [sflag:s20], $0xA00  }
0x21f: {  	[sflag:s20] =	ssyncset.done $0x0  }
0x220: {  	[sflag:s20] =	ssyncadd.s32 $0xFFFFF600  }
0x221: {  	_ =	swait.ge [sflag:s20], $0xA00  }
0x222: {  	[sflag:s20] =	ssyncset.done $0x0  }
0x223: {  	[sflag:s20] =	ssyncadd.s32 $0xFFFFF600  }
0x224: {  	_ =	swait.ge [sflag:s20], $0xA00  }
0x225: {  	[sflag:s20] =	ssyncset.done $0x0  }
0x226: {  	[sflag:s20] =	ssyncadd.s32 $0xFFFFF600  }
0x227: {  	_ =	swait.ge [sflag:s20], $0xA00  }
0x228: {  	[sflag:s20] =	ssyncset.done $0x0  }
0x229: {  	[sflag:s20] =	ssyncadd.s32 $0xFFFFF600  }
0x22a: {  	_ =	swait.ge [sflag:s20], $0xA00  }
0x22b: {  	[sflag:s20] =	ssyncset.done $0x0  }
0x22c: {  	[sflag:s20] =	ssyncadd.s32 $0xFFFFF600  }
0x22d: {  	_ =	swait.ge [sflag:s20], $0xA00  }
0x22e: {  	[sflag:s20] =	ssyncset.done $0x0  }
0x22f: {  	[sflag:s20] =	ssyncadd.s32 $0xFFFFF600  }
0x230: {  	_ =	swait.ge [sflag:s20], $0xA00  }
0x231: {  	[sflag:s20] =	ssyncset.done $0x0  }
0x232: {  	[sflag:s20] =	ssyncadd.s32 $0xFFFFF600  }
0x233: {  	_ =	swait.ge [sflag:s20], $0xA00  }
0x234: {  	[sflag:s20] =	ssyncset.done $0x0  }
0x235: {  	[sflag:s20] =	ssyncadd.s32 $0xFFFFF600  }
0x236: {  	_ =	swait.ge [sflag:s20], $0xA00  }
0x237: {  	[sflag:s20] =	ssyncset.done $0x0  }
0x238: {  	[sflag:s20] =	ssyncadd.s32 $0xFFFFF600  }
0x239: {  	_ =	swait.ge [sflag:s20], $0xA00  }
0x23a: {  	[sflag:s20] =	ssyncset.done $0x0  }
0x23b: {  	[sflag:s20] =	ssyncadd.s32 $0xFFFFF600  }
0x23c: {  	_ =	swait.ge [sflag:s20], $0xA00  }
0x23d: {  	[sflag:s20] =	ssyncset.done $0x0  }
0x23e: {  	[sflag:s20] =	ssyncadd.s32 $0xFFFFF600  }
0x23f: {  	_ =	swait.ge [sflag:s20], $0xA00  }
0x240: {  	s21 =	sadd.s32 $0x1, s21;
	s23 =	rddreg [dreg:$0x6]  }
0x241: {  	p0 =	sne.s32 s21, s23  }
.Ltmp2:
0x242: {  	_ = 	snop;
	(pc) =	sbr.rel @p0 .LBB2_1-.Ltmp2, $3  }
0x243: {  	_ =	sdelay $0x1  }
0x244: {  	[sflag:s20] =	ssyncset.done $0x0  }
0x245: {  	[sflag:s20] =	ssyncadd.s32 $0xFFFFF600  }
0x246: {  	_ =	sfence.sel $0x180000  }
0x247: {  	[bflag:$0x0] =	sbarrier.arrive $0xFFFF  }
0x248: {  	_ =	strace $0x90000047  }
0x249: {  	s0 =	stileid.u32;
	[bflag:$0x2] =	sbarrier.arrive $0xFFFF  }
0x24a: {  	p0 =	sne.s32 s0, $0x0;
	s0 =	rddreg [dreg:$0x3]  }
0x24b: {  	s0 =	sadd.s32 @!p0 $0x100000, s0  }
0x24c: {  	[sflag:s0] =	ssyncadd.tile.s32 @!p0 $0x1;
	_ =	shalt  }
.Lfunc_end2:
_tile_overlayer_lowered:
.L_overlay_start_2:
0x24d: {  	(tag) =	ssettag $0x2  }
0x24e: {  	s0 =	rddreg [dreg:$0x0];
	s2 =	stileid.u32  }
0x24f: {  	s1 =	rddreg [dreg:$0x1];
	p0 =	sne.s32 s2, $0x0  }
0x250: {  	s3 =	rddreg [dreg:$0x2];
	[bflag:$0x3] =	sbarrier.arrive $0xFFFF;
	s2 =	simm.s32 @!p0 $0x1C02  }
0x251: {  	[timem:s3], [sflag:s2] =	dma.local @!p0 [hbm:s0], s1  }
0x252: {  	s0 =	simm.s32 @!p0 $0x2  }
0x253: {  	_ =	swait.ge @!p0 [sflag:s0], s1  }
0x254: {  	s1 =	ssub.s32 @!p0 $0x0, s1;
	[sflag:s0] =	ssyncset.done @!p0 $0x0  }
0x255: {  	[sflag:s0] =	ssyncadd.s32 @!p0 s1  }
0x256: {  	[bflag:$0x3] =	sbarrier.arrive $0xFFFF  }
0x257: {  	_ =	shalt  }

</sc_bundles>
